<compile_context>
chip_gen: v7x
topology: tpu7x:2x2x1
jax: 0.10.2.dev20260603
libtpu: 0.0.44.dev20260713+nightly
codegen_flags: <defaults>
</compile_context>

<pallas_src>
import jax
import jax.numpy as jnp
from jax import lax
from jax.experimental import pallas as pl
from jax.experimental.pallas import tpu as pltpu
from jax.experimental.pallas import tpu_sc as plsc

NUM_USERS = 1_000_000
NUM_ITEMS = 100_000
DIM_FEAT = 512
FACTORS = 64
B = 16384

NC = 2
NS = 16
NW = NC * NS
B_PER_W = B // NW
FCHUNK = 64
NFCHUNK = B_PER_W // FCHUNK


def _sc_feat_body(item_i_hbm, item_j_hbm, feat_tab,
                  fi_out, fj_out,
                  idx_i, idx_j, fb0, fb1,
                  sem_g0, sem_g1, sem_s0, sem_s1):
  wid = lax.axis_index("s") * NC + lax.axis_index("c")
  base = wid * B_PER_W

  pltpu.sync_copy(item_i_hbm.at[pl.ds(base, B_PER_W)], idx_i)
  pltpu.sync_copy(item_j_hbm.at[pl.ds(base, B_PER_W)], idx_j)

  bufs = (fb0, fb1)
  gsems = (sem_g0, sem_g1)
  ssems = (sem_s0, sem_s1)

  chunks = []
  for idx, out in ((idx_i, fi_out), (idx_j, fj_out)):
    for k in range(NFCHUNK):
      chunks.append((idx, k * FCHUNK, out))

  n = len(chunks)
  stores = [None] * n
  for k, (idx, off, out) in enumerate(chunks):
    b = k % 2
    if k >= 2:
      stores[k - 2].wait()
    g = pltpu.async_copy(feat_tab.at[idx.at[pl.ds(off, FCHUNK)]],
                         bufs[b], gsems[b])
    g.wait()
    stores[k] = pltpu.async_copy(bufs[b], out.at[pl.ds(base + off, FCHUNK)],
                                 ssems[b])
  for k in range(max(0, n - 2), n):
    stores[k].wait()


def _sc_narrow_body(idx_hbm, tab, out,
                    idx_v, eb0, sem):
  wid = lax.axis_index("s") * NC + lax.axis_index("c")
  base = wid * B_PER_W

  pltpu.sync_copy(idx_hbm.at[pl.ds(base, B_PER_W)], idx_v)

  def body(g, carry):
    v = idx_v[pl.ds(g * 16, 16)]
    for l in range(16):
      pltpu.async_copy(tab.at[pl.ds(v[l], 1)],
                       eb0.at[pl.ds(g * 16 + l, 1)], sem)
    return carry

  lax.fori_loop(0, B_PER_W // 16, body, 0)
  pltpu.make_async_copy(tab.at[pl.ds(0, B_PER_W)], eb0, sem).wait()
  pltpu.sync_copy(eb0, out.at[pl.ds(base, B_PER_W)])


_MESH = plsc.VectorSubcoreMesh(core_axis_name="c", subcore_axis_name="s")


@jax.jit
def _sc_gather(user, item_i, item_j, user_tab, item_tab, feat_tab):
  f32 = jnp.float32
  fi, fj = pl.kernel(
      _sc_feat_body,
      out_type=(
          jax.ShapeDtypeStruct((B, DIM_FEAT), f32),
          jax.ShapeDtypeStruct((B, DIM_FEAT), f32),
      ),
      mesh=_MESH,
      scratch_types=(
          pltpu.VMEM((B_PER_W,), jnp.int32),
          pltpu.VMEM((B_PER_W,), jnp.int32),
          pltpu.VMEM((FCHUNK, DIM_FEAT), f32),
          pltpu.VMEM((FCHUNK, DIM_FEAT), f32),
          pltpu.SemaphoreType.DMA,
          pltpu.SemaphoreType.DMA,
          pltpu.SemaphoreType.DMA,
          pltpu.SemaphoreType.DMA,
      ),
      name="vbpr_sc_feat",
  )(item_i, item_j, feat_tab)

  def narrow(idx, tab, tag):
    return pl.kernel(
        _sc_narrow_body,
        out_type=jax.ShapeDtypeStruct((B, FACTORS), f32),
        mesh=_MESH,
        scratch_types=(
            pltpu.VMEM((B_PER_W,), jnp.int32),
            pltpu.VMEM((B_PER_W, FACTORS), f32),
            pltpu.SemaphoreType.DMA,
        ),
        name="vbpr_sc_narrow_" + tag,
    )(idx, tab)

  user, item_i, item_j = lax.optimization_barrier(
      (user, item_i, item_j, fi))[:3]

  u_emb = narrow(user, user_tab, "u")
  ii_emb = narrow(item_i, item_tab, "i")
  ij_emb = narrow(item_j, item_tab, "j")

  return u_emb, ii_emb, ij_emb, fi, fj


BM = 2048


def _tc_dense_body(u_ref, ii_ref, ij_ref, fi_ref, fj_ref,
                   wv_ref, watt_ref, bvis_ref, wvb_ref, scal_ref, out_ref):
  u = u_ref[...]
  wv = wv_ref[...]
  watt = watt_ref[...]
  bvis = bvis_ref[...]
  wvb = wvb_ref[...]
  b_vbias = scal_ref[0, 0]
  b_att = scal_ref[0, 1]

  def score(item_emb, feat):
    vis = lax.dot_general(feat, wv, (((1,), (1,)), ((), ())),
                          preferred_element_type=jnp.float32) + bvis
    a_item = jnp.tanh(jnp.sum(item_emb * watt, axis=1) + b_att)
    a_vis = jnp.tanh(jnp.sum(vis * watt, axis=1) + b_att)
    e_item = jnp.exp(a_item)
    e_vis = jnp.exp(a_vis)
    denom = e_item + e_vis
    d_item = jnp.sum(u * item_emb, axis=1)
    d_vis = jnp.sum(u * vis, axis=1)
    featb = jnp.sum(feat * wvb, axis=1)
    return (e_item * d_item + e_vis * d_vis) / denom + featb + b_vbias

  out_ref[...] = (score(ii_ref[...], fi_ref[...])
                  - score(ij_ref[...], fj_ref[...]))[:, None]


@jax.jit
def _tc_dense(u_emb, ii_emb, ij_emb, fi, fj, W_vis, w_att,
              b_vis, w_vbias, scalars):
  grid = (B // BM,)
  row = lambda i: (i, 0)
  fixed = lambda i: (0, 0)
  out = pl.pallas_call(
      _tc_dense_body,
      grid=grid,
      in_specs=[
          pl.BlockSpec((BM, FACTORS), row),
          pl.BlockSpec((BM, FACTORS), row),
          pl.BlockSpec((BM, FACTORS), row),
          pl.BlockSpec((BM, DIM_FEAT), row),
          pl.BlockSpec((BM, DIM_FEAT), row),
          pl.BlockSpec((FACTORS, DIM_FEAT), fixed),
          pl.BlockSpec((1, FACTORS), fixed),
          pl.BlockSpec((1, FACTORS), fixed),
          pl.BlockSpec((1, DIM_FEAT), fixed),
          pl.BlockSpec((1, 2), fixed),
      ],
      out_specs=pl.BlockSpec((BM, 1), row),
      out_shape=jax.ShapeDtypeStruct((B, 1), jnp.float32),
      name="vbpr_tc_dense",
  )(u_emb, ii_emb, ij_emb, fi, fj, W_vis, w_att, b_vis, w_vbias, scalars)
  return out.reshape(B)


def kernel(user, item_i, item_j, user_table, item_table, item_features,
           W_vis, b_vis, w_vbias, b_vbias, w_att, b_att):
  user = user.astype(jnp.int32)
  item_i = item_i.astype(jnp.int32)
  item_j = item_j.astype(jnp.int32)
  u_emb, ii_emb, ij_emb, fi, fj = _sc_gather(
      user, item_i, item_j, user_table, item_table, item_features)
  scalars = jnp.stack([b_vbias, b_att]).reshape(1, 2).astype(jnp.float32)
  return _tc_dense(u_emb, ii_emb, ij_emb, fi, fj,
                   W_vis, w_att.reshape(1, FACTORS),
                   b_vis.reshape(1, FACTORS), w_vbias.reshape(1, DIM_FEAT),
                   scalars)

# --- scband reference (transcript-rebuilt; emitter-appended) ---
"""Pipeline reference for scband-vbpr-70360154243173 (READ-ONLY COPY).

The authoritative reference and input builder live on the scoring server;
editing this copy changes nothing except your own understanding.
"""

import jax, jax.numpy as jnp
import numpy as np

NUM_USERS = 1_000_000
NUM_ITEMS = 100_000
DIM_FEAT = 512
FACTORS = 64
B = 16384


def setup_inputs(seed: int = 0) -> dict:
    key = jax.random.key(seed)
    ks = jax.random.split(key, 8)
    return {
        "user": jax.random.randint(ks[0], (B,), 0, NUM_USERS),
        "item_i": jax.random.randint(ks[1], (B,), 0, NUM_ITEMS),
        "item_j": jax.random.randint(ks[2], (B,), 0, NUM_ITEMS),
        "user_table": 0.01 * jax.random.normal(ks[3], (NUM_USERS, FACTORS), dtype=jnp.float32),
        "item_table": 0.01 * jax.random.normal(ks[4], (NUM_ITEMS, FACTORS), dtype=jnp.float32),
        "item_features": jax.random.normal(ks[5], (NUM_ITEMS, DIM_FEAT), dtype=jnp.float32),
        "W_vis": 0.01 * jax.random.normal(ks[6], (FACTORS, DIM_FEAT), dtype=jnp.float32),
        "b_vis": jnp.zeros((FACTORS,), dtype=jnp.float32),
        "w_vbias": jnp.zeros((DIM_FEAT,), dtype=jnp.float32),
        "b_vbias": jnp.zeros((), dtype=jnp.float32),
        "w_att": 0.01 * jax.random.normal(ks[7], (FACTORS,), dtype=jnp.float32),
        "b_att": jnp.zeros((), dtype=jnp.float32),
    }


def _score(user_emb, item_emb, feature, W_vis, b_vis, w_vbias, b_vbias, w_att, b_att):
    # visual embedding: Linear(dim_feature -> factors)
    vis_emb = feature @ W_vis.T + b_vis
    # attention logits via shared attention_layer (Linear(factors -> 1))
    a_item = jnp.tanh(item_emb @ w_att + b_att)  # [B]
    a_vis = jnp.tanh(vis_emb @ w_att + b_att)    # [B]
    w = jax.nn.softmax(jnp.stack([a_item, a_vis], axis=1), axis=1)  # [B, 2]
    item_w = w[:, 0:1] * item_emb
    vis_w = w[:, 1:2] * vis_emb
    pred = (user_emb * item_w).sum(axis=1) + (user_emb * vis_w).sum(axis=1) \
           + feature @ w_vbias + b_vbias
    return pred


def reference(user, item_i, item_j, user_table, item_table, item_features,
              W_vis, b_vis, w_vbias, b_vbias, w_att, b_att):
    user_emb = jnp.take(user_table, user, axis=0)        # [B, F] gather
    item_i_emb = jnp.take(item_table, item_i, axis=0)    # [B, F] gather
    item_j_emb = jnp.take(item_table, item_j, axis=0)    # [B, F] gather
    feature_i = jnp.take(item_features, item_i, axis=0)  # [B, D] gather
    feature_j = jnp.take(item_features, item_j, axis=0)  # [B, D] gather
    pred_i = _score(user_emb, item_i_emb, feature_i, W_vis, b_vis, w_vbias, b_vbias, w_att, b_att)
    pred_j = _score(user_emb, item_j_emb, feature_j, W_vis, b_vis, w_vbias, b_vbias, w_att, b_att)
    return pred_i - pred_j

if __name__ == "__main__":
    import jax
    _d = setup_inputs()
    print(jax.jit(kernel)(*tuple(_d.values())))

</pallas_src>

<mosaic_0001>
#map = affine_map<(d0, d1) -> (0)>
#map1 = affine_map<(d0, d1) -> (0, 0)>
module attributes {stable_mosaic.version = 14 : i64} {
  func.func @vbpr_sc_narrow_u(%arg0: i32, %arg1: i32, %arg2: memref<16384xi32, #tpu.memory_space<hbm>>, %arg3: memref<1000000x64xf32, #tpu.memory_space<hbm>>, %arg4: memref<16384x64xf32, #tpu.memory_space<hbm>>, %arg5: memref<512xi32, #tpu.memory_space<vmem>>, %arg6: memref<512x64xf32, #tpu.memory_space<vmem>>, %arg7: memref<!tpu.dma_semaphore, #tpu.memory_space<semaphore_mem>>) attributes {dimension_semantics = [#tpu.dimension_semantics<core_parallel>, #tpu.dimension_semantics<subcore_parallel>], iteration_bounds = array<i64: 2, 16>, scalar_prefetch = 0 : i64, scratch_operands = 3 : i64, tpu.core_type = #tpu.core_type<sc_vector_subcore>, window_params = [{transform_indices = #map}, {transform_indices = #map1}, {transform_indices = #map1}]} {
    %mul3A = arith.constant 2 : i32
    %mul3A_0 = arith.muli %arg1, %mul3A : i32
    %add3A = arith.addi %mul3A_0, %arg0 : i32
    %mul3A_1 = arith.constant 512 : i32
    %mul3A_2 = arith.muli %add3A, %mul3A_1 : i32
    "tpu.region"() ({
      %run_scoped3A = tpu.sem_alloc : memref<!tpu.dma_semaphore, #tpu.memory_space<semaphore_mem>>
      %dma_start3A = tpu.memref_slice %arg2[%mul3A_2] : memref<16384xi32, #tpu.memory_space<hbm>> -> memref<512xi32, #tpu.memory_space<hbm>>
      %dma_start3A_13 = tpu.memref_slice %arg2[%mul3A_2] : memref<16384xi32, #tpu.memory_space<hbm>> -> memref<512xi32, #tpu.memory_space<hbm>>
      tpu.enqueue_dma source(%dma_start3A_13 : memref<512xi32, #tpu.memory_space<hbm>>) target(%arg5 : memref<512xi32, #tpu.memory_space<vmem>>) target_semaphore(%run_scoped3A : memref<!tpu.dma_semaphore, #tpu.memory_space<semaphore_mem>>)
      %dma_wait3A_14 = tpu.memref_slice %arg2[%mul3A_2] : memref<16384xi32, #tpu.memory_space<hbm>> -> memref<512xi32, #tpu.memory_space<hbm>>
      %dma_wait3A_15 = tpu.memref_slice %arg2[%mul3A_2] : memref<16384xi32, #tpu.memory_space<hbm>> -> memref<512xi32, #tpu.memory_space<hbm>>
      tpu.wait_dma2 semaphore(%run_scoped3A : memref<!tpu.dma_semaphore, #tpu.memory_space<semaphore_mem>>) src(%dma_wait3A_15 : memref<512xi32, #tpu.memory_space<hbm>>) dst(%arg5 : memref<512xi32, #tpu.memory_space<vmem>>)
      tpu.yield
    }) : () -> ()
    %scan3A = arith.constant 0 : i32
    %scan3A_3 = arith.constant 0 : i32
    %scan3A_4 = arith.constant 32 : i32
    %scan3A_5 = arith.addi %scan3A_3, %scan3A_4 : i32
    %scan3A_6 = arith.constant 1 : i32
    scf.for %scan3A_13 = %scan3A_3 to %scan3A_5 step %scan3A_6  : i32 {
      %mul3A_14 = arith.constant 16 : i32
      %mul3A_15 = arith.muli %scan3A_13, %mul3A_14 : i32
      %get3A = arith.index_cast %mul3A_15 : i32 to index
      %get3A_16 = tpu.vector_load %arg5[%get3A] {strides = array<i32>} : memref<512xi32, #tpu.memory_space<vmem>>, vector<16xi32>,
      %get3A_17 = vector.shape_cast %get3A_16 : vector<16xi32> to vector<16xi32>
      %slice3A = vector.extract_strided_slice %get3A_17 {offsets = [0], sizes = [1], strides = [1]} : vector<16xi32> to vector<1xi32>
      %squeeze3A = vector.extract %slice3A[0] : i32 from vector<1xi32>
      %mul3A_18 = arith.constant 16 : i32
      %mul3A_19 = arith.muli %scan3A_13, %mul3A_18 : i32
      %add3A_20 = arith.constant 0 : i32
      %add3A_21 = arith.addi %mul3A_19, %add3A_20 : i32
      %dma_start3A = arith.constant 0 : i32
      %dma_start3A_22 = tpu.memref_slice %arg6[%add3A_21, %dma_start3A] : memref<512x64xf32, #tpu.memory_space<vmem>> -> memref<1x64xf32, #tpu.memory_space<vmem>>
      %dma_start3A_23 = arith.constant 0 : i32
      %dma_start3A_24 = tpu.memref_slice %arg3[%squeeze3A, %dma_start3A_23] : memref<1000000x64xf32, #tpu.memory_space<hbm>> -> memref<1x64xf32, #tpu.memory_space<hbm>>
      %dma_start3A_25 = arith.constant 0 : i32
      %dma_start3A_26 = tpu.memref_slice %arg6[%add3A_21, %dma_start3A_25] : memref<512x64xf32, #tpu.memory_space<vmem>> -> memref<1x64xf32, #tpu.memory_space<vmem>>
      %dma_start3A_27 = arith.constant 0 : i32
      %dma_start3A_28 = tpu.memref_slice %arg3[%squeeze3A, %dma_start3A_27] : memref<1000000x64xf32, #tpu.memory_space<hbm>> -> memref<1x64xf32, #tpu.memory_space<hbm>>
      tpu.enqueue_dma source(%dma_start3A_28 : memref<1x64xf32, #tpu.memory_space<hbm>>) target(%dma_start3A_26 : memref<1x64xf32, #tpu.memory_space<vmem>>) target_semaphore(%arg7 : memref<!tpu.dma_semaphore, #tpu.memory_space<semaphore_mem>>)
      %slice3A_29 = vector.extract_strided_slice %get3A_17 {offsets = [1], sizes = [1], strides = [1]} : vector<16xi32> to vector<1xi32>
      %squeeze3A_30 = vector.extract %slice3A_29[0] : i32 from vector<1xi32>
      %mul3A_31 = arith.constant 16 : i32
      %mul3A_32 = arith.muli %scan3A_13, %mul3A_31 : i32
      %add3A_33 = arith.constant 1 : i32
      %add3A_34 = arith.addi %mul3A_32, %add3A_33 : i32
      %dma_start3A_35 = arith.constant 0 : i32
      %dma_start3A_36 = tpu.memref_slice %arg6[%add3A_34, %dma_start3A_35] : memref<512x64xf32, #tpu.memory_space<vmem>> -> memref<1x64xf32, #tpu.memory_space<vmem>>
      %dma_start3A_37 = arith.constant 0 : i32
      %dma_start3A_38 = tpu.memref_slice %arg3[%squeeze3A_30, %dma_start3A_37] : memref<1000000x64xf32, #tpu.memory_space<hbm>> -> memref<1x64xf32, #tpu.memory_space<hbm>>
      %dma_start3A_39 = arith.constant 0 : i32
      %dma_start3A_40 = tpu.memref_slice %arg6[%add3A_34, %dma_start3A_39] : memref<512x64xf32, #tpu.memory_space<vmem>> -> memref<1x64xf32, #tpu.memory_space<vmem>>
      %dma_start3A_41 = arith.constant 0 : i32
      %dma_start3A_42 = tpu.memref_slice %arg3[%squeeze3A_30, %dma_start3A_41] : memref<1000000x64xf32, #tpu.memory_space<hbm>> -> memref<1x64xf32, #tpu.memory_space<hbm>>
      tpu.enqueue_dma source(%dma_start3A_42 : memref<1x64xf32, #tpu.memory_space<hbm>>) target(%dma_start3A_40 : memref<1x64xf32, #tpu.memory_space<vmem>>) target_semaphore(%arg7 : memref<!tpu.dma_semaphore, #tpu.memory_space<semaphore_mem>>)
      %slice3A_43 = vector.extract_strided_slice %get3A_17 {offsets = [2], sizes = [1], strides = [1]} : vector<16xi32> to vector<1xi32>
      %squeeze3A_44 = vector.extract %slice3A_43[0] : i32 from vector<1xi32>
      %mul3A_45 = arith.constant 16 : i32
      %mul3A_46 = arith.muli %scan3A_13, %mul3A_45 : i32
      %add3A_47 = arith.constant 2 : i32
      %add3A_48 = arith.addi %mul3A_46, %add3A_47 : i32
      %dma_start3A_49 = arith.constant 0 : i32
      %dma_start3A_50 = tpu.memref_slice %arg6[%add3A_48, %dma_start3A_49] : memref<512x64xf32, #tpu.memory_space<vmem>> -> memref<1x64xf32, #tpu.memory_space<vmem>>
      %dma_start3A_51 = arith.constant 0 : i32
      %dma_start3A_52 = tpu.memref_slice %arg3[%squeeze3A_44, %dma_start3A_51] : memref<1000000x64xf32, #tpu.memory_space<hbm>> -> memref<1x64xf32, #tpu.memory_space<hbm>>
      %dma_start3A_53 = arith.constant 0 : i32
      %dma_start3A_54 = tpu.memref_slice %arg6[%add3A_48, %dma_start3A_53] : memref<512x64xf32, #tpu.memory_space<vmem>> -> memref<1x64xf32, #tpu.memory_space<vmem>>
      %dma_start3A_55 = arith.constant 0 : i32
      %dma_start3A_56 = tpu.memref_slice %arg3[%squeeze3A_44, %dma_start3A_55] : memref<1000000x64xf32, #tpu.memory_space<hbm>> -> memref<1x64xf32, #tpu.memory_space<hbm>>
      tpu.enqueue_dma source(%dma_start3A_56 : memref<1x64xf32, #tpu.memory_space<hbm>>) target(%dma_start3A_54 : memref<1x64xf32, #tpu.memory_space<vmem>>) target_semaphore(%arg7 : memref<!tpu.dma_semaphore, #tpu.memory_space<semaphore_mem>>)
      %slice3A_57 = vector.extract_strided_slice %get3A_17 {offsets = [3], sizes = [1], strides = [1]} : vector<16xi32> to vector<1xi32>
      %squeeze3A_58 = vector.extract %slice3A_57[0] : i32 from vector<1xi32>
      %mul3A_59 = arith.constant 16 : i32
      %mul3A_60 = arith.muli %scan3A_13, %mul3A_59 : i32
      %add3A_61 = arith.constant 3 : i32
      %add3A_62 = arith.addi %mul3A_60, %add3A_61 : i32
      %dma_start3A_63 = arith.constant 0 : i32
      %dma_start3A_64 = tpu.memref_slice %arg6[%add3A_62, %dma_start3A_63] : memref<512x64xf32, #tpu.memory_space<vmem>> -> memref<1x64xf32, #tpu.memory_space<vmem>>
      %dma_start3A_65 = arith.constant 0 : i32
      %dma_start3A_66 = tpu.memref_slice %arg3[%squeeze3A_58, %dma_start3A_65] : memref<1000000x64xf32, #tpu.memory_space<hbm>> -> memref<1x64xf32, #tpu.memory_space<hbm>>
      %dma_start3A_67 = arith.constant 0 : i32
      %dma_start3A_68 = tpu.memref_slice %arg6[%add3A_62, %dma_start3A_67] : memref<512x64xf32, #tpu.memory_space<vmem>> -> memref<1x64xf32, #tpu.memory_space<vmem>>
      %dma_start3A_69 = arith.constant 0 : i32
      %dma_start3A_70 = tpu.memref_slice %arg3[%squeeze3A_58, %dma_start3A_69] : memref<1000000x64xf32, #tpu.memory_space<hbm>> -> memref<1x64xf32, #tpu.memory_space<hbm>>
      tpu.enqueue_dma source(%dma_start3A_70 : memref<1x64xf32, #tpu.memory_space<hbm>>) target(%dma_start3A_68 : memref<1x64xf32, #tpu.memory_space<vmem>>) target_semaphore(%arg7 : memref<!tpu.dma_semaphore, #tpu.memory_space<semaphore_mem>>)
      %slice3A_71 = vector.extract_strided_slice %get3A_17 {offsets = [4], sizes = [1], strides = [1]} : vector<16xi32> to vector<1xi32>
      %squeeze3A_72 = vector.extract %slice3A_71[0] : i32 from vector<1xi32>
      %mul3A_73 = arith.constant 16 : i32
      %mul3A_74 = arith.muli %scan3A_13, %mul3A_73 : i32
      %add3A_75 = arith.constant 4 : i32
      %add3A_76 = arith.addi %mul3A_74, %add3A_75 : i32
      %dma_start3A_77 = arith.constant 0 : i32
      %dma_start3A_78 = tpu.memref_slice %arg6[%add3A_76, %dma_start3A_77] : memref<512x64xf32, #tpu.memory_space<vmem>> -> memref<1x64xf32, #tpu.memory_space<vmem>>
      %dma_start3A_79 = arith.constant 0 : i32
      %dma_start3A_80 = tpu.memref_slice %arg3[%squeeze3A_72, %dma_start3A_79] : memref<1000000x64xf32, #tpu.memory_space<hbm>> -> memref<1x64xf32, #tpu.memory_space<hbm>>
      %dma_start3A_81 = arith.constant 0 : i32
      %dma_start3A_82 = tpu.memref_slice %arg6[%add3A_76, %dma_start3A_81] : memref<512x64xf32, #tpu.memory_space<vmem>> -> memref<1x64xf32, #tpu.memory_space<vmem>>
      %dma_start3A_83 = arith.constant 0 : i32
      %dma_start3A_84 = tpu.memref_slice %arg3[%squeeze3A_72, %dma_start3A_83] : memref<1000000x64xf32, #tpu.memory_space<hbm>> -> memref<1x64xf32, #tpu.memory_space<hbm>>
      tpu.enqueue_dma source(%dma_start3A_84 : memref<1x64xf32, #tpu.memory_space<hbm>>) target(%dma_start3A_82 : memref<1x64xf32, #tpu.memory_space<vmem>>) target_semaphore(%arg7 : memref<!tpu.dma_semaphore, #tpu.memory_space<semaphore_mem>>)
      %slice3A_85 = vector.extract_strided_slice %get3A_17 {offsets = [5], sizes = [1], strides = [1]} : vector<16xi32> to vector<1xi32>
      %squeeze3A_86 = vector.extract %slice3A_85[0] : i32 from vector<1xi32>
      %mul3A_87 = arith.constant 16 : i32
      %mul3A_88 = arith.muli %scan3A_13, %mul3A_87 : i32
      %add3A_89 = arith.constant 5 : i32
      %add3A_90 = arith.addi %mul3A_88, %add3A_89 : i32
      %dma_start3A_91 = arith.constant 0 : i32
      %dma_start3A_92 = tpu.memref_slice %arg6[%add3A_90, %dma_start3A_91] : memref<512x64xf32, #tpu.memory_space<vmem>> -> memref<1x64xf32, #tpu.memory_space<vmem>>
      %dma_start3A_93 = arith.constant 0 : i32
      %dma_start3A_94 = tpu.memref_slice %arg3[%squeeze3A_86, %dma_start3A_93] : memref<1000000x64xf32, #tpu.memory_space<hbm>> -> memref<1x64xf32, #tpu.memory_space<hbm>>
      %dma_start3A_95 = arith.constant 0 : i32
      %dma_start3A_96 = tpu.memref_slice %arg6[%add3A_90, %dma_start3A_95] : memref<512x64xf32, #tpu.memory_space<vmem>> -> memref<1x64xf32, #tpu.memory_space<vmem>>
      %dma_start3A_97 = arith.constant 0 : i32
      %dma_start3A_98 = tpu.memref_slice %arg3[%squeeze3A_86, %dma_start3A_97] : memref<1000000x64xf32, #tpu.memory_space<hbm>> -> memref<1x64xf32, #tpu.memory_space<hbm>>
      tpu.enqueue_dma source(%dma_start3A_98 : memref<1x64xf32, #tpu.memory_space<hbm>>) target(%dma_start3A_96 : memref<1x64xf32, #tpu.memory_space<vmem>>) target_semaphore(%arg7 : memref<!tpu.dma_semaphore, #tpu.memory_space<semaphore_mem>>)
      %slice3A_99 = vector.extract_strided_slice %get3A_17 {offsets = [6], sizes = [1], strides = [1]} : vector<16xi32> to vector<1xi32>
      %squeeze3A_100 = vector.extract %slice3A_99[0] : i32 from vector<1xi32>
      %mul3A_101 = arith.constant 16 : i32
      %mul3A_102 = arith.muli %scan3A_13, %mul3A_101 : i32
      %add3A_103 = arith.constant 6 : i32
      %add3A_104 = arith.addi %mul3A_102, %add3A_103 : i32
      %dma_start3A_105 = arith.constant 0 : i32
      %dma_start3A_106 = tpu.memref_slice %arg6[%add3A_104, %dma_start3A_105] : memref<512x64xf32, #tpu.memory_space<vmem>> -> memref<1x64xf32, #tpu.memory_space<vmem>>
      %dma_start3A_107 = arith.constant 0 : i32
      %dma_start3A_108 = tpu.memref_slice %arg3[%squeeze3A_100, %dma_start3A_107] : memref<1000000x64xf32, #tpu.memory_space<hbm>> -> memref<1x64xf32, #tpu.memory_space<hbm>>
      %dma_start3A_109 = arith.constant 0 : i32
      %dma_start3A_110 = tpu.memref_slice %arg6[%add3A_104, %dma_start3A_109] : memref<512x64xf32, #tpu.memory_space<vmem>> -> memref<1x64xf32, #tpu.memory_space<vmem>>
      %dma_start3A_111 = arith.constant 0 : i32
      %dma_start3A_112 = tpu.memref_slice %arg3[%squeeze3A_100, %dma_start3A_111] : memref<1000000x64xf32, #tpu.memory_space<hbm>> -> memref<1x64xf32, #tpu.memory_space<hbm>>
      tpu.enqueue_dma source(%dma_start3A_112 : memref<1x64xf32, #tpu.memory_space<hbm>>) target(%dma_start3A_110 : memref<1x64xf32, #tpu.memory_space<vmem>>) target_semaphore(%arg7 : memref<!tpu.dma_semaphore, #tpu.memory_space<semaphore_mem>>)
      %slice3A_113 = vector.extract_strided_slice %get3A_17 {offsets = [7], sizes = [1], strides = [1]} : vector<16xi32> to vector<1xi32>
      %squeeze3A_114 = vector.extract %slice3A_113[0] : i32 from vector<1xi32>
      %mul3A_115 = arith.constant 16 : i32
      %mul3A_116 = arith.muli %scan3A_13, %mul3A_115 : i32
      %add3A_117 = arith.constant 7 : i32
      %add3A_118 = arith.addi %mul3A_116, %add3A_117 : i32
      %dma_start3A_119 = arith.constant 0 : i32
      %dma_start3A_120 = tpu.memref_slice %arg6[%add3A_118, %dma_start3A_119] : memref<512x64xf32, #tpu.memory_space<vmem>> -> memref<1x64xf32, #tpu.memory_space<vmem>>
      %dma_start3A_121 = arith.constant 0 : i32
      %dma_start3A_122 = tpu.memref_slice %arg3[%squeeze3A_114, %dma_start3A_121] : memref<1000000x64xf32, #tpu.memory_space<hbm>> -> memref<1x64xf32, #tpu.memory_space<hbm>>
      %dma_start3A_123 = arith.constant 0 : i32
      %dma_start3A_124 = tpu.memref_slice %arg6[%add3A_118, %dma_start3A_123] : memref<512x64xf32, #tpu.memory_space<vmem>> -> memref<1x64xf32, #tpu.memory_space<vmem>>
      %dma_start3A_125 = arith.constant 0 : i32
      %dma_start3A_126 = tpu.memref_slice %arg3[%squeeze3A_114, %dma_start3A_125] : memref<1000000x64xf32, #tpu.memory_space<hbm>> -> memref<1x64xf32, #tpu.memory_space<hbm>>
      tpu.enqueue_dma source(%dma_start3A_126 : memref<1x64xf32, #tpu.memory_space<hbm>>) target(%dma_start3A_124 : memref<1x64xf32, #tpu.memory_space<vmem>>) target_semaphore(%arg7 : memref<!tpu.dma_semaphore, #tpu.memory_space<semaphore_mem>>)
      %slice3A_127 = vector.extract_strided_slice %get3A_17 {offsets = [8], sizes = [1], strides = [1]} : vector<16xi32> to vector<1xi32>
      %squeeze3A_128 = vector.extract %slice3A_127[0] : i32 from vector<1xi32>
      %mul3A_129 = arith.constant 16 : i32
      %mul3A_130 = arith.muli %scan3A_13, %mul3A_129 : i32
      %add3A_131 = arith.constant 8 : i32
      %add3A_132 = arith.addi %mul3A_130, %add3A_131 : i32
      %dma_start3A_133 = arith.constant 0 : i32
      %dma_start3A_134 = tpu.memref_slice %arg6[%add3A_132, %dma_start3A_133] : memref<512x64xf32, #tpu.memory_space<vmem>> -> memref<1x64xf32, #tpu.memory_space<vmem>>
      %dma_start3A_135 = arith.constant 0 : i32
      %dma_start3A_136 = tpu.memref_slice %arg3[%squeeze3A_128, %dma_start3A_135] : memref<1000000x64xf32, #tpu.memory_space<hbm>> -> memref<1x64xf32, #tpu.memory_space<hbm>>
      %dma_start3A_137 = arith.constant 0 : i32
      %dma_start3A_138 = tpu.memref_slice %arg6[%add3A_132, %dma_start3A_137] : memref<512x64xf32, #tpu.memory_space<vmem>> -> memref<1x64xf32, #tpu.memory_space<vmem>>
      %dma_start3A_139 = arith.constant 0 : i32
      %dma_start3A_140 = tpu.memref_slice %arg3[%squeeze3A_128, %dma_start3A_139] : memref<1000000x64xf32, #tpu.memory_space<hbm>> -> memref<1x64xf32, #tpu.memory_space<hbm>>
      tpu.enqueue_dma source(%dma_start3A_140 : memref<1x64xf32, #tpu.memory_space<hbm>>) target(%dma_start3A_138 : memref<1x64xf32, #tpu.memory_space<vmem>>) target_semaphore(%arg7 : memref<!tpu.dma_semaphore, #tpu.memory_space<semaphore_mem>>)
      %slice3A_141 = vector.extract_strided_slice %get3A_17 {offsets = [9], sizes = [1], strides = [1]} : vector<16xi32> to vector<1xi32>
      %squeeze3A_142 = vector.extract %slice3A_141[0] : i32 from vector<1xi32>
      %mul3A_143 = arith.constant 16 : i32
      %mul3A_144 = arith.muli %scan3A_13, %mul3A_143 : i32
      %add3A_145 = arith.constant 9 : i32
      %add3A_146 = arith.addi %mul3A_144, %add3A_145 : i32
      %dma_start3A_147 = arith.constant 0 : i32
      %dma_start3A_148 = tpu.memref_slice %arg6[%add3A_146, %dma_start3A_147] : memref<512x64xf32, #tpu.memory_space<vmem>> -> memref<1x64xf32, #tpu.memory_space<vmem>>
      %dma_start3A_149 = arith.constant 0 : i32
      %dma_start3A_150 = tpu.memref_slice %arg3[%squeeze3A_142, %dma_start3A_149] : memref<1000000x64xf32, #tpu.memory_space<hbm>> -> memref<1x64xf32, #tpu.memory_space<hbm>>
      %dma_start3A_151 = arith.constant 0 : i32
      %dma_start3A_152 = tpu.memref_slice %arg6[%add3A_146, %dma_start3A_151] : memref<512x64xf32, #tpu.memory_space<vmem>> -> memref<1x64xf32, #tpu.memory_space<vmem>>
      %dma_start3A_153 = arith.constant 0 : i32
      %dma_start3A_154 = tpu.memref_slice %arg3[%squeeze3A_142, %dma_start3A_153] : memref<1000000x64xf32, #tpu.memory_space<hbm>> -> memref<1x64xf32, #tpu.memory_space<hbm>>
      tpu.enqueue_dma source(%dma_start3A_154 : memref<1x64xf32, #tpu.memory_space<hbm>>) target(%dma_start3A_152 : memref<1x64xf32, #tpu.memory_space<vmem>>) target_semaphore(%arg7 : memref<!tpu.dma_semaphore, #tpu.memory_space<semaphore_mem>>)
      %slice3A_155 = vector.extract_strided_slice %get3A_17 {offsets = [10], sizes = [1], strides = [1]} : vector<16xi32> to vector<1xi32>
      %squeeze3A_156 = vector.extract %slice3A_155[0] : i32 from vector<1xi32>
      %mul3A_157 = arith.constant 16 : i32
      %mul3A_158 = arith.muli %scan3A_13, %mul3A_157 : i32
      %add3A_159 = arith.constant 10 : i32
      %add3A_160 = arith.addi %mul3A_158, %add3A_159 : i32
      %dma_start3A_161 = arith.constant 0 : i32
      %dma_start3A_162 = tpu.memref_slice %arg6[%add3A_160, %dma_start3A_161] : memref<512x64xf32, #tpu.memory_space<vmem>> -> memref<1x64xf32, #tpu.memory_space<vmem>>
      %dma_start3A_163 = arith.constant 0 : i32
      %dma_start3A_164 = tpu.memref_slice %arg3[%squeeze3A_156, %dma_start3A_163] : memref<1000000x64xf32, #tpu.memory_space<hbm>> -> memref<1x64xf32, #tpu.memory_space<hbm>>
      %dma_start3A_165 = arith.constant 0 : i32
      %dma_start3A_166 = tpu.memref_slice %arg6[%add3A_160, %dma_start3A_165] : memref<512x64xf32, #tpu.memory_space<vmem>> -> memref<1x64xf32, #tpu.memory_space<vmem>>
      %dma_start3A_167 = arith.constant 0 : i32
      %dma_start3A_168 = tpu.memref_slice %arg3[%squeeze3A_156, %dma_start3A_167] : memref<1000000x64xf32, #tpu.memory_space<hbm>> -> memref<1x64xf32, #tpu.memory_space<hbm>>
      tpu.enqueue_dma source(%dma_start3A_168 : memref<1x64xf32, #tpu.memory_space<hbm>>) target(%dma_start3A_166 : memref<1x64xf32, #tpu.memory_space<vmem>>) target_semaphore(%arg7 : memref<!tpu.dma_semaphore, #tpu.memory_space<semaphore_mem>>)
      %slice3A_169 = vector.extract_strided_slice %get3A_17 {offsets = [11], sizes = [1], strides = [1]} : vector<16xi32> to vector<1xi32>
      %squeeze3A_170 = vector.extract %slice3A_169[0] : i32 from vector<1xi32>
      %mul3A_171 = arith.constant 16 : i32
      %mul3A_172 = arith.muli %scan3A_13, %mul3A_171 : i32
      %add3A_173 = arith.constant 11 : i32
      %add3A_174 = arith.addi %mul3A_172, %add3A_173 : i32
      %dma_start3A_175 = arith.constant 0 : i32
      %dma_start3A_176 = tpu.memref_slice %arg6[%add3A_174, %dma_start3A_175] : memref<512x64xf32, #tpu.memory_space<vmem>> -> memref<1x64xf32, #tpu.memory_space<vmem>>
      %dma_start3A_177 = arith.constant 0 : i32
      %dma_start3A_178 = tpu.memref_slice %arg3[%squeeze3A_170, %dma_start3A_177] : memref<1000000x64xf32, #tpu.memory_space<hbm>> -> memref<1x64xf32, #tpu.memory_space<hbm>>
      %dma_start3A_179 = arith.constant 0 : i32
      %dma_start3A_180 = tpu.memref_slice %arg6[%add3A_174, %dma_start3A_179] : memref<512x64xf32, #tpu.memory_space<vmem>> -> memref<1x64xf32, #tpu.memory_space<vmem>>
      %dma_start3A_181 = arith.constant 0 : i32
      %dma_start3A_182 = tpu.memref_slice %arg3[%squeeze3A_170, %dma_start3A_181] : memref<1000000x64xf32, #tpu.memory_space<hbm>> -> memref<1x64xf32, #tpu.memory_space<hbm>>
      tpu.enqueue_dma source(%dma_start3A_182 : memref<1x64xf32, #tpu.memory_space<hbm>>) target(%dma_start3A_180 : memref<1x64xf32, #tpu.memory_space<vmem>>) target_semaphore(%arg7 : memref<!tpu.dma_semaphore, #tpu.memory_space<semaphore_mem>>)
      %slice3A_183 = vector.extract_strided_slice %get3A_17 {offsets = [12], sizes = [1], strides = [1]} : vector<16xi32> to vector<1xi32>
      %squeeze3A_184 = vector.extract %slice3A_183[0] : i32 from vector<1xi32>
      %mul3A_185 = arith.constant 16 : i32
      %mul3A_186 = arith.muli %scan3A_13, %mul3A_185 : i32
      %add3A_187 = arith.constant 12 : i32
      %add3A_188 = arith.addi %mul3A_186, %add3A_187 : i32
      %dma_start3A_189 = arith.constant 0 : i32
      %dma_start3A_190 = tpu.memref_slice %arg6[%add3A_188, %dma_start3A_189] : memref<512x64xf32, #tpu.memory_space<vmem>> -> memref<1x64xf32, #tpu.memory_space<vmem>>
      %dma_start3A_191 = arith.constant 0 : i32
      %dma_start3A_192 = tpu.memref_slice %arg3[%squeeze3A_184, %dma_start3A_191] : memref<1000000x64xf32, #tpu.memory_space<hbm>> -> memref<1x64xf32, #tpu.memory_space<hbm>>
      %dma_start3A_193 = arith.constant 0 : i32
      %dma_start3A_194 = tpu.memref_slice %arg6[%add3A_188, %dma_start3A_193] : memref<512x64xf32, #tpu.memory_space<vmem>> -> memref<1x64xf32, #tpu.memory_space<vmem>>
      %dma_start3A_195 = arith.constant 0 : i32
      %dma_start3A_196 = tpu.memref_slice %arg3[%squeeze3A_184, %dma_start3A_195] : memref<1000000x64xf32, #tpu.memory_space<hbm>> -> memref<1x64xf32, #tpu.memory_space<hbm>>
      tpu.enqueue_dma source(%dma_start3A_196 : memref<1x64xf32, #tpu.memory_space<hbm>>) target(%dma_start3A_194 : memref<1x64xf32, #tpu.memory_space<vmem>>) target_semaphore(%arg7 : memref<!tpu.dma_semaphore, #tpu.memory_space<semaphore_mem>>)
      %slice3A_197 = vector.extract_strided_slice %get3A_17 {offsets = [13], sizes = [1], strides = [1]} : vector<16xi32> to vector<1xi32>
      %squeeze3A_198 = vector.extract %slice3A_197[0] : i32 from vector<1xi32>
      %mul3A_199 = arith.constant 16 : i32
      %mul3A_200 = arith.muli %scan3A_13, %mul3A_199 : i32
      %add3A_201 = arith.constant 13 : i32
      %add3A_202 = arith.addi %mul3A_200, %add3A_201 : i32
      %dma_start3A_203 = arith.constant 0 : i32
      %dma_start3A_204 = tpu.memref_slice %arg6[%add3A_202, %dma_start3A_203] : memref<512x64xf32, #tpu.memory_space<vmem>> -> memref<1x64xf32, #tpu.memory_space<vmem>>
      %dma_start3A_205 = arith.constant 0 : i32
      %dma_start3A_206 = tpu.memref_slice %arg3[%squeeze3A_198, %dma_start3A_205] : memref<1000000x64xf32, #tpu.memory_space<hbm>> -> memref<1x64xf32, #tpu.memory_space<hbm>>
      %dma_start3A_207 = arith.constant 0 : i32
      %dma_start3A_208 = tpu.memref_slice %arg6[%add3A_202, %dma_start3A_207] : memref<512x64xf32, #tpu.memory_space<vmem>> -> memref<1x64xf32, #tpu.memory_space<vmem>>
      %dma_start3A_209 = arith.constant 0 : i32
      %dma_start3A_210 = tpu.memref_slice %arg3[%squeeze3A_198, %dma_start3A_209] : memref<1000000x64xf32, #tpu.memory_space<hbm>> -> memref<1x64xf32, #tpu.memory_space<hbm>>
      tpu.enqueue_dma source(%dma_start3A_210 : memref<1x64xf32, #tpu.memory_space<hbm>>) target(%dma_start3A_208 : memref<1x64xf32, #tpu.memory_space<vmem>>) target_semaphore(%arg7 : memref<!tpu.dma_semaphore, #tpu.memory_space<semaphore_mem>>)
      %slice3A_211 = vector.extract_strided_slice %get3A_17 {offsets = [14], sizes = [1], strides = [1]} : vector<16xi32> to vector<1xi32>
      %squeeze3A_212 = vector.extract %slice3A_211[0] : i32 from vector<1xi32>
      %mul3A_213 = arith.constant 16 : i32
      %mul3A_214 = arith.muli %scan3A_13, %mul3A_213 : i32
      %add3A_215 = arith.constant 14 : i32
      %add3A_216 = arith.addi %mul3A_214, %add3A_215 : i32
      %dma_start3A_217 = arith.constant 0 : i32
      %dma_start3A_218 = tpu.memref_slice %arg6[%add3A_216, %dma_start3A_217] : memref<512x64xf32, #tpu.memory_space<vmem>> -> memref<1x64xf32, #tpu.memory_space<vmem>>
      %dma_start3A_219 = arith.constant 0 : i32
      %dma_start3A_220 = tpu.memref_slice %arg3[%squeeze3A_212, %dma_start3A_219] : memref<1000000x64xf32, #tpu.memory_space<hbm>> -> memref<1x64xf32, #tpu.memory_space<hbm>>
      %dma_start3A_221 = arith.constant 0 : i32
      %dma_start3A_222 = tpu.memref_slice %arg6[%add3A_216, %dma_start3A_221] : memref<512x64xf32, #tpu.memory_space<vmem>> -> memref<1x64xf32, #tpu.memory_space<vmem>>
      %dma_start3A_223 = arith.constant 0 : i32
      %dma_start3A_224 = tpu.memref_slice %arg3[%squeeze3A_212, %dma_start3A_223] : memref<1000000x64xf32, #tpu.memory_space<hbm>> -> memref<1x64xf32, #tpu.memory_space<hbm>>
      tpu.enqueue_dma source(%dma_start3A_224 : memref<1x64xf32, #tpu.memory_space<hbm>>) target(%dma_start3A_222 : memref<1x64xf32, #tpu.memory_space<vmem>>) target_semaphore(%arg7 : memref<!tpu.dma_semaphore, #tpu.memory_space<semaphore_mem>>)
      %slice3A_225 = vector.extract_strided_slice %get3A_17 {offsets = [15], sizes = [1], strides = [1]} : vector<16xi32> to vector<1xi32>
      %squeeze3A_226 = vector.extract %slice3A_225[0] : i32 from vector<1xi32>
      %mul3A_227 = arith.constant 16 : i32
      %mul3A_228 = arith.muli %scan3A_13, %mul3A_227 : i32
      %add3A_229 = arith.constant 15 : i32
      %add3A_230 = arith.addi %mul3A_228, %add3A_229 : i32
      %dma_start3A_231 = arith.constant 0 : i32
      %dma_start3A_232 = tpu.memref_slice %arg6[%add3A_230, %dma_start3A_231] : memref<512x64xf32, #tpu.memory_space<vmem>> -> memref<1x64xf32, #tpu.memory_space<vmem>>
      %dma_start3A_233 = arith.constant 0 : i32
      %dma_start3A_234 = tpu.memref_slice %arg3[%squeeze3A_226, %dma_start3A_233] : memref<1000000x64xf32, #tpu.memory_space<hbm>> -> memref<1x64xf32, #tpu.memory_space<hbm>>
      %dma_start3A_235 = arith.constant 0 : i32
      %dma_start3A_236 = tpu.memref_slice %arg6[%add3A_230, %dma_start3A_235] : memref<512x64xf32, #tpu.memory_space<vmem>> -> memref<1x64xf32, #tpu.memory_space<vmem>>
      %dma_start3A_237 = arith.constant 0 : i32
      %dma_start3A_238 = tpu.memref_slice %arg3[%squeeze3A_226, %dma_start3A_237] : memref<1000000x64xf32, #tpu.memory_space<hbm>> -> memref<1x64xf32, #tpu.memory_space<hbm>>
      tpu.enqueue_dma source(%dma_start3A_238 : memref<1x64xf32, #tpu.memory_space<hbm>>) target(%dma_start3A_236 : memref<1x64xf32, #tpu.memory_space<vmem>>) target_semaphore(%arg7 : memref<!tpu.dma_semaphore, #tpu.memory_space<semaphore_mem>>)
    }
    %scan3A_7 = arith.constant 32 : i32
    %dma_wait3A = arith.constant 0 : i32
    %dma_wait3A_8 = arith.constant 0 : i32
    %dma_wait3A_9 = tpu.memref_slice %arg3[%dma_wait3A, %dma_wait3A_8] : memref<1000000x64xf32, #tpu.memory_space<hbm>> -> memref<512x64xf32, #tpu.memory_space<hbm>>
    %dma_wait3A_10 = arith.constant 0 : i32
    %dma_wait3A_11 = arith.constant 0 : i32
    %dma_wait3A_12 = tpu.memref_slice %arg3[%dma_wait3A_10, %dma_wait3A_11] : memref<1000000x64xf32, #tpu.memory_space<hbm>> -> memref<512x64xf32, #tpu.memory_space<hbm>>
    tpu.wait_dma2 semaphore(%arg7 : memref<!tpu.dma_semaphore, #tpu.memory_space<semaphore_mem>>) src(%dma_wait3A_12 : memref<512x64xf32, #tpu.memory_space<hbm>>) dst(%arg6 : memref<512x64xf32, #tpu.memory_space<vmem>>)
    "tpu.region"() ({
      %run_scoped3A = tpu.sem_alloc : memref<!tpu.dma_semaphore, #tpu.memory_space<semaphore_mem>>
      %dma_start3A = arith.constant 0 : i32
      %dma_start3A_13 = tpu.memref_slice %arg4[%mul3A_2, %dma_start3A] : memref<16384x64xf32, #tpu.memory_space<hbm>> -> memref<512x64xf32, #tpu.memory_space<hbm>>
      %dma_start3A_14 = arith.constant 0 : i32
      %dma_start3A_15 = tpu.memref_slice %arg4[%mul3A_2, %dma_start3A_14] : memref<16384x64xf32, #tpu.memory_space<hbm>> -> memref<512x64xf32, #tpu.memory_space<hbm>>
      tpu.enqueue_dma source(%arg6 : memref<512x64xf32, #tpu.memory_space<vmem>>) target(%dma_start3A_15 : memref<512x64xf32, #tpu.memory_space<hbm>>) target_semaphore(%run_scoped3A : memref<!tpu.dma_semaphore, #tpu.memory_space<semaphore_mem>>)
      %dma_wait3A_16 = arith.constant 0 : i32
      %dma_wait3A_17 = tpu.memref_slice %arg4[%mul3A_2, %dma_wait3A_16] : memref<16384x64xf32, #tpu.memory_space<hbm>> -> memref<512x64xf32, #tpu.memory_space<hbm>>
      %dma_wait3A_18 = arith.constant 0 : i32
      %dma_wait3A_19 = tpu.memref_slice %arg4[%mul3A_2, %dma_wait3A_18] : memref<16384x64xf32, #tpu.memory_space<hbm>> -> memref<512x64xf32, #tpu.memory_space<hbm>>
      tpu.wait_dma2 semaphore(%run_scoped3A : memref<!tpu.dma_semaphore, #tpu.memory_space<semaphore_mem>>) src(%arg6 : memref<512x64xf32, #tpu.memory_space<vmem>>) dst(%dma_wait3A_19 : memref<512x64xf32, #tpu.memory_space<hbm>>)
      tpu.yield
    }) : () -> ()
    return
  }
}

#map = affine_map<(d0, d1) -> (0)>
#map1 = affine_map<(d0, d1) -> (0, 0)>
module attributes {stable_mosaic.version = 14 : i64} {
  func.func @vbpr_sc_feat(%arg0: i32, %arg1: i32, %arg2: memref<16384xi32, #tpu.memory_space<hbm>>, %arg3: memref<16384xi32, #tpu.memory_space<hbm>>, %arg4: memref<100000x512xf32, #tpu.memory_space<hbm>>, %arg5: memref<16384x512xf32, #tpu.memory_space<hbm>>, %arg6: memref<16384x512xf32, #tpu.memory_space<hbm>>, %arg7: memref<512xi32, #tpu.memory_space<vmem>>, %arg8: memref<512xi32, #tpu.memory_space<vmem>>, %arg9: memref<64x512xf32, #tpu.memory_space<vmem>>, %arg10: memref<64x512xf32, #tpu.memory_space<vmem>>, %arg11: memref<!tpu.dma_semaphore, #tpu.memory_space<semaphore_mem>>, %arg12: memref<!tpu.dma_semaphore, #tpu.memory_space<semaphore_mem>>, %arg13: memref<!tpu.dma_semaphore, #tpu.memory_space<semaphore_mem>>, %arg14: memref<!tpu.dma_semaphore, #tpu.memory_space<semaphore_mem>>) attributes {dimension_semantics = [#tpu.dimension_semantics<core_parallel>, #tpu.dimension_semantics<subcore_parallel>], iteration_bounds = array<i64: 2, 16>, scalar_prefetch = 0 : i64, scratch_operands = 8 : i64, tpu.core_type = #tpu.core_type<sc_vector_subcore>, window_params = [{transform_indices = #map}, {transform_indices = #map}, {transform_indices = #map1}, {transform_indices = #map1}, {transform_indices = #map1}]} {
    %mul3A = arith.constant 2 : i32
    %mul3A_0 = arith.muli %arg1, %mul3A : i32
    %add3A = arith.addi %mul3A_0, %arg0 : i32
    %mul3A_1 = arith.constant 512 : i32
    %mul3A_2 = arith.muli %add3A, %mul3A_1 : i32
    "tpu.region"() ({
      %run_scoped3A = tpu.sem_alloc : memref<!tpu.dma_semaphore, #tpu.memory_space<semaphore_mem>>
      %dma_start3A_321 = tpu.memref_slice %arg2[%mul3A_2] : memref<16384xi32, #tpu.memory_space<hbm>> -> memref<512xi32, #tpu.memory_space<hbm>>
      %dma_start3A_322 = tpu.memref_slice %arg2[%mul3A_2] : memref<16384xi32, #tpu.memory_space<hbm>> -> memref<512xi32, #tpu.memory_space<hbm>>
      tpu.enqueue_dma source(%dma_start3A_322 : memref<512xi32, #tpu.memory_space<hbm>>) target(%arg7 : memref<512xi32, #tpu.memory_space<vmem>>) target_semaphore(%run_scoped3A : memref<!tpu.dma_semaphore, #tpu.memory_space<semaphore_mem>>)
      %dma_wait3A_323 = tpu.memref_slice %arg2[%mul3A_2] : memref<16384xi32, #tpu.memory_space<hbm>> -> memref<512xi32, #tpu.memory_space<hbm>>
      %dma_wait3A_324 = tpu.memref_slice %arg2[%mul3A_2] : memref<16384xi32, #tpu.memory_space<hbm>> -> memref<512xi32, #tpu.memory_space<hbm>>
      tpu.wait_dma2 semaphore(%run_scoped3A : memref<!tpu.dma_semaphore, #tpu.memory_space<semaphore_mem>>) src(%dma_wait3A_324 : memref<512xi32, #tpu.memory_space<hbm>>) dst(%arg7 : memref<512xi32, #tpu.memory_space<vmem>>)
      tpu.yield
    }) : () -> ()
    "tpu.region"() ({
      %run_scoped3A = tpu.sem_alloc : memref<!tpu.dma_semaphore, #tpu.memory_space<semaphore_mem>>
      %dma_start3A_321 = tpu.memref_slice %arg3[%mul3A_2] : memref<16384xi32, #tpu.memory_space<hbm>> -> memref<512xi32, #tpu.memory_space<hbm>>
      %dma_start3A_322 = tpu.memref_slice %arg3[%mul3A_2] : memref<16384xi32, #tpu.memory_space<hbm>> -> memref<512xi32, #tpu.memory_space<hbm>>
      tpu.enqueue_dma source(%dma_start3A_322 : memref<512xi32, #tpu.memory_space<hbm>>) target(%arg8 : memref<512xi32, #tpu.memory_space<vmem>>) target_semaphore(%run_scoped3A : memref<!tpu.dma_semaphore, #tpu.memory_space<semaphore_mem>>)
      %dma_wait3A_323 = tpu.memref_slice %arg3[%mul3A_2] : memref<16384xi32, #tpu.memory_space<hbm>> -> memref<512xi32, #tpu.memory_space<hbm>>
      %dma_wait3A_324 = tpu.memref_slice %arg3[%mul3A_2] : memref<16384xi32, #tpu.memory_space<hbm>> -> memref<512xi32, #tpu.memory_space<hbm>>
      tpu.wait_dma2 semaphore(%run_scoped3A : memref<!tpu.dma_semaphore, #tpu.memory_space<semaphore_mem>>) src(%dma_wait3A_324 : memref<512xi32, #tpu.memory_space<hbm>>) dst(%arg8 : memref<512xi32, #tpu.memory_space<vmem>>)
      tpu.yield
    }) : () -> ()
    %dma_start3A = arith.constant 0 : i32
    %dma_start3A_3 = tpu.memref_slice %arg7[%dma_start3A] : memref<512xi32, #tpu.memory_space<vmem>> -> memref<64xi32, #tpu.memory_space<vmem>>
    %dma_start3A_4 = arith.constant 0 : i32
    %dma_start3A_5 = arith.constant 0 : i32
    %dma_start3A_6 = tpu.memref_slice %arg4[%dma_start3A_4, %dma_start3A_5] : memref<100000x512xf32, #tpu.memory_space<hbm>> -> memref<100000x512xf32, #tpu.memory_space<hbm>>
    tpu.enqueue_indirect_dma source(%dma_start3A_6 : memref<100000x512xf32, #tpu.memory_space<hbm>>) target(%arg9 : memref<64x512xf32, #tpu.memory_space<vmem>>) offsets(%dma_start3A_3 : memref<64xi32, #tpu.memory_space<vmem>>) semaphore(%arg11 : memref<!tpu.dma_semaphore, #tpu.memory_space<semaphore_mem>>)
    %dma_wait3A = arith.constant 0 : i32
    %dma_wait3A_7 = tpu.memref_slice %arg7[%dma_wait3A] : memref<512xi32, #tpu.memory_space<vmem>> -> memref<64xi32, #tpu.memory_space<vmem>>
    %dma_wait3A_8 = arith.constant 0 : i32
    %dma_wait3A_9 = arith.constant 0 : i32
    %dma_wait3A_10 = tpu.memref_slice %arg4[%dma_wait3A_8, %dma_wait3A_9] : memref<100000x512xf32, #tpu.memory_space<hbm>> -> memref<100000x512xf32, #tpu.memory_space<hbm>>
    tpu.wait_indirect_dma semaphore(%arg11 : memref<!tpu.dma_semaphore, #tpu.memory_space<semaphore_mem>>) src(%dma_wait3A_10 : memref<100000x512xf32, #tpu.memory_space<hbm>>) dst(%arg9 : memref<64x512xf32, #tpu.memory_space<vmem>>)
    %add3A_11 = arith.constant 0 : i32
    %add3A_12 = arith.addi %mul3A_2, %add3A_11 : i32
    %dma_start3A_13 = arith.constant 0 : i32
    %dma_start3A_14 = tpu.memref_slice %arg5[%add3A_12, %dma_start3A_13] : memref<16384x512xf32, #tpu.memory_space<hbm>> -> memref<64x512xf32, #tpu.memory_space<hbm>>
    %dma_start3A_15 = arith.constant 0 : i32
    %dma_start3A_16 = tpu.memref_slice %arg5[%add3A_12, %dma_start3A_15] : memref<16384x512xf32, #tpu.memory_space<hbm>> -> memref<64x512xf32, #tpu.memory_space<hbm>>
    tpu.enqueue_dma source(%arg9 : memref<64x512xf32, #tpu.memory_space<vmem>>) target(%dma_start3A_16 : memref<64x512xf32, #tpu.memory_space<hbm>>) target_semaphore(%arg13 : memref<!tpu.dma_semaphore, #tpu.memory_space<semaphore_mem>>)
    %dma_start3A_17 = arith.constant 64 : i32
    %dma_start3A_18 = tpu.memref_slice %arg7[%dma_start3A_17] : memref<512xi32, #tpu.memory_space<vmem>> -> memref<64xi32, #tpu.memory_space<vmem>>
    %dma_start3A_19 = arith.constant 0 : i32
    %dma_start3A_20 = arith.constant 0 : i32
    %dma_start3A_21 = tpu.memref_slice %arg4[%dma_start3A_19, %dma_start3A_20] : memref<100000x512xf32, #tpu.memory_space<hbm>> -> memref<100000x512xf32, #tpu.memory_space<hbm>>
    tpu.enqueue_indirect_dma source(%dma_start3A_21 : memref<100000x512xf32, #tpu.memory_space<hbm>>) target(%arg10 : memref<64x512xf32, #tpu.memory_space<vmem>>) offsets(%dma_start3A_18 : memref<64xi32, #tpu.memory_space<vmem>>) semaphore(%arg12 : memref<!tpu.dma_semaphore, #tpu.memory_space<semaphore_mem>>)
    %dma_wait3A_22 = arith.constant 64 : i32
    %dma_wait3A_23 = tpu.memref_slice %arg7[%dma_wait3A_22] : memref<512xi32, #tpu.memory_space<vmem>> -> memref<64xi32, #tpu.memory_space<vmem>>
    %dma_wait3A_24 = arith.constant 0 : i32
    %dma_wait3A_25 = arith.constant 0 : i32
    %dma_wait3A_26 = tpu.memref_slice %arg4[%dma_wait3A_24, %dma_wait3A_25] : memref<100000x512xf32, #tpu.memory_space<hbm>> -> memref<100000x512xf32, #tpu.memory_space<hbm>>
    tpu.wait_indirect_dma semaphore(%arg12 : memref<!tpu.dma_semaphore, #tpu.memory_space<semaphore_mem>>) src(%dma_wait3A_26 : memref<100000x512xf32, #tpu.memory_space<hbm>>) dst(%arg10 : memref<64x512xf32, #tpu.memory_space<vmem>>)
    %add3A_27 = arith.constant 64 : i32
    %add3A_28 = arith.addi %mul3A_2, %add3A_27 : i32
    %dma_start3A_29 = arith.constant 0 : i32
    %dma_start3A_30 = tpu.memref_slice %arg5[%add3A_28, %dma_start3A_29] : memref<16384x512xf32, #tpu.memory_space<hbm>> -> memref<64x512xf32, #tpu.memory_space<hbm>>
    %dma_start3A_31 = arith.constant 0 : i32
    %dma_start3A_32 = tpu.memref_slice %arg5[%add3A_28, %dma_start3A_31] : memref<16384x512xf32, #tpu.memory_space<hbm>> -> memref<64x512xf32, #tpu.memory_space<hbm>>
    tpu.enqueue_dma source(%arg10 : memref<64x512xf32, #tpu.memory_space<vmem>>) target(%dma_start3A_32 : memref<64x512xf32, #tpu.memory_space<hbm>>) target_semaphore(%arg14 : memref<!tpu.dma_semaphore, #tpu.memory_space<semaphore_mem>>)
    %dma_wait3A_33 = arith.constant 0 : i32
    %dma_wait3A_34 = tpu.memref_slice %arg5[%add3A_12, %dma_wait3A_33] : memref<16384x512xf32, #tpu.memory_space<hbm>> -> memref<64x512xf32, #tpu.memory_space<hbm>>
    %dma_wait3A_35 = arith.constant 0 : i32
    %dma_wait3A_36 = tpu.memref_slice %arg5[%add3A_12, %dma_wait3A_35] : memref<16384x512xf32, #tpu.memory_space<hbm>> -> memref<64x512xf32, #tpu.memory_space<hbm>>
    tpu.wait_dma2 semaphore(%arg13 : memref<!tpu.dma_semaphore, #tpu.memory_space<semaphore_mem>>) src(%arg9 : memref<64x512xf32, #tpu.memory_space<vmem>>) dst(%dma_wait3A_36 : memref<64x512xf32, #tpu.memory_space<hbm>>)
    %dma_start3A_37 = arith.constant 128 : i32
    %dma_start3A_38 = tpu.memref_slice %arg7[%dma_start3A_37] : memref<512xi32, #tpu.memory_space<vmem>> -> memref<64xi32, #tpu.memory_space<vmem>>
    %dma_start3A_39 = arith.constant 0 : i32
    %dma_start3A_40 = arith.constant 0 : i32
    %dma_start3A_41 = tpu.memref_slice %arg4[%dma_start3A_39, %dma_start3A_40] : memref<100000x512xf32, #tpu.memory_space<hbm>> -> memref<100000x512xf32, #tpu.memory_space<hbm>>
    tpu.enqueue_indirect_dma source(%dma_start3A_41 : memref<100000x512xf32, #tpu.memory_space<hbm>>) target(%arg9 : memref<64x512xf32, #tpu.memory_space<vmem>>) offsets(%dma_start3A_38 : memref<64xi32, #tpu.memory_space<vmem>>) semaphore(%arg11 : memref<!tpu.dma_semaphore, #tpu.memory_space<semaphore_mem>>)
    %dma_wait3A_42 = arith.constant 128 : i32
    %dma_wait3A_43 = tpu.memref_slice %arg7[%dma_wait3A_42] : memref<512xi32, #tpu.memory_space<vmem>> -> memref<64xi32, #tpu.memory_space<vmem>>
    %dma_wait3A_44 = arith.constant 0 : i32
    %dma_wait3A_45 = arith.constant 0 : i32
    %dma_wait3A_46 = tpu.memref_slice %arg4[%dma_wait3A_44, %dma_wait3A_45] : memref<100000x512xf32, #tpu.memory_space<hbm>> -> memref<100000x512xf32, #tpu.memory_space<hbm>>
    tpu.wait_indirect_dma semaphore(%arg11 : memref<!tpu.dma_semaphore, #tpu.memory_space<semaphore_mem>>) src(%dma_wait3A_46 : memref<100000x512xf32, #tpu.memory_space<hbm>>) dst(%arg9 : memref<64x512xf32, #tpu.memory_space<vmem>>)
    %add3A_47 = arith.constant 128 : i32
    %add3A_48 = arith.addi %mul3A_2, %add3A_47 : i32
    %dma_start3A_49 = arith.constant 0 : i32
    %dma_start3A_50 = tpu.memref_slice %arg5[%add3A_48, %dma_start3A_49] : memref<16384x512xf32, #tpu.memory_space<hbm>> -> memref<64x512xf32, #tpu.memory_space<hbm>>
    %dma_start3A_51 = arith.constant 0 : i32
    %dma_start3A_52 = tpu.memref_slice %arg5[%add3A_48, %dma_start3A_51] : memref<16384x512xf32, #tpu.memory_space<hbm>> -> memref<64x512xf32, #tpu.memory_space<hbm>>
    tpu.enqueue_dma source(%arg9 : memref<64x512xf32, #tpu.memory_space<vmem>>) target(%dma_start3A_52 : memref<64x512xf32, #tpu.memory_space<hbm>>) target_semaphore(%arg13 : memref<!tpu.dma_semaphore, #tpu.memory_space<semaphore_mem>>)
    %dma_wait3A_53 = arith.constant 0 : i32
    %dma_wait3A_54 = tpu.memref_slice %arg5[%add3A_28, %dma_wait3A_53] : memref<16384x512xf32, #tpu.memory_space<hbm>> -> memref<64x512xf32, #tpu.memory_space<hbm>>
    %dma_wait3A_55 = arith.constant 0 : i32
    %dma_wait3A_56 = tpu.memref_slice %arg5[%add3A_28, %dma_wait3A_55] : memref<16384x512xf32, #tpu.memory_space<hbm>> -> memref<64x512xf32, #tpu.memory_space<hbm>>
    tpu.wait_dma2 semaphore(%arg14 : memref<!tpu.dma_semaphore, #tpu.memory_space<semaphore_mem>>) src(%arg10 : memref<64x512xf32, #tpu.memory_space<vmem>>) dst(%dma_wait3A_56 : memref<64x512xf32, #tpu.memory_space<hbm>>)
    %dma_start3A_57 = arith.constant 192 : i32
    %dma_start3A_58 = tpu.memref_slice %arg7[%dma_start3A_57] : memref<512xi32, #tpu.memory_space<vmem>> -> memref<64xi32, #tpu.memory_space<vmem>>
    %dma_start3A_59 = arith.constant 0 : i32
    %dma_start3A_60 = arith.constant 0 : i32
    %dma_start3A_61 = tpu.memref_slice %arg4[%dma_start3A_59, %dma_start3A_60] : memref<100000x512xf32, #tpu.memory_space<hbm>> -> memref<100000x512xf32, #tpu.memory_space<hbm>>
    tpu.enqueue_indirect_dma source(%dma_start3A_61 : memref<100000x512xf32, #tpu.memory_space<hbm>>) target(%arg10 : memref<64x512xf32, #tpu.memory_space<vmem>>) offsets(%dma_start3A_58 : memref<64xi32, #tpu.memory_space<vmem>>) semaphore(%arg12 : memref<!tpu.dma_semaphore, #tpu.memory_space<semaphore_mem>>)
    %dma_wait3A_62 = arith.constant 192 : i32
    %dma_wait3A_63 = tpu.memref_slice %arg7[%dma_wait3A_62] : memref<512xi32, #tpu.memory_space<vmem>> -> memref<64xi32, #tpu.memory_space<vmem>>
    %dma_wait3A_64 = arith.constant 0 : i32
    %dma_wait3A_65 = arith.constant 0 : i32
    %dma_wait3A_66 = tpu.memref_slice %arg4[%dma_wait3A_64, %dma_wait3A_65] : memref<100000x512xf32, #tpu.memory_space<hbm>> -> memref<100000x512xf32, #tpu.memory_space<hbm>>
    tpu.wait_indirect_dma semaphore(%arg12 : memref<!tpu.dma_semaphore, #tpu.memory_space<semaphore_mem>>) src(%dma_wait3A_66 : memref<100000x512xf32, #tpu.memory_space<hbm>>) dst(%arg10 : memref<64x512xf32, #tpu.memory_space<vmem>>)
    %add3A_67 = arith.constant 192 : i32
    %add3A_68 = arith.addi %mul3A_2, %add3A_67 : i32
    %dma_start3A_69 = arith.constant 0 : i32
    %dma_start3A_70 = tpu.memref_slice %arg5[%add3A_68, %dma_start3A_69] : memref<16384x512xf32, #tpu.memory_space<hbm>> -> memref<64x512xf32, #tpu.memory_space<hbm>>
    %dma_start3A_71 = arith.constant 0 : i32
    %dma_start3A_72 = tpu.memref_slice %arg5[%add3A_68, %dma_start3A_71] : memref<16384x512xf32, #tpu.memory_space<hbm>> -> memref<64x512xf32, #tpu.memory_space<hbm>>
    tpu.enqueue_dma source(%arg10 : memref<64x512xf32, #tpu.memory_space<vmem>>) target(%dma_start3A_72 : memref<64x512xf32, #tpu.memory_space<hbm>>) target_semaphore(%arg14 : memref<!tpu.dma_semaphore, #tpu.memory_space<semaphore_mem>>)
    %dma_wait3A_73 = arith.constant 0 : i32
    %dma_wait3A_74 = tpu.memref_slice %arg5[%add3A_48, %dma_wait3A_73] : memref<16384x512xf32, #tpu.memory_space<hbm>> -> memref<64x512xf32, #tpu.memory_space<hbm>>
    %dma_wait3A_75 = arith.constant 0 : i32
    %dma_wait3A_76 = tpu.memref_slice %arg5[%add3A_48, %dma_wait3A_75] : memref<16384x512xf32, #tpu.memory_space<hbm>> -> memref<64x512xf32, #tpu.memory_space<hbm>>
    tpu.wait_dma2 semaphore(%arg13 : memref<!tpu.dma_semaphore, #tpu.memory_space<semaphore_mem>>) src(%arg9 : memref<64x512xf32, #tpu.memory_space<vmem>>) dst(%dma_wait3A_76 : memref<64x512xf32, #tpu.memory_space<hbm>>)
    %dma_start3A_77 = arith.constant 256 : i32
    %dma_start3A_78 = tpu.memref_slice %arg7[%dma_start3A_77] : memref<512xi32, #tpu.memory_space<vmem>> -> memref<64xi32, #tpu.memory_space<vmem>>
    %dma_start3A_79 = arith.constant 0 : i32
    %dma_start3A_80 = arith.constant 0 : i32
    %dma_start3A_81 = tpu.memref_slice %arg4[%dma_start3A_79, %dma_start3A_80] : memref<100000x512xf32, #tpu.memory_space<hbm>> -> memref<100000x512xf32, #tpu.memory_space<hbm>>
    tpu.enqueue_indirect_dma source(%dma_start3A_81 : memref<100000x512xf32, #tpu.memory_space<hbm>>) target(%arg9 : memref<64x512xf32, #tpu.memory_space<vmem>>) offsets(%dma_start3A_78 : memref<64xi32, #tpu.memory_space<vmem>>) semaphore(%arg11 : memref<!tpu.dma_semaphore, #tpu.memory_space<semaphore_mem>>)
    %dma_wait3A_82 = arith.constant 256 : i32
    %dma_wait3A_83 = tpu.memref_slice %arg7[%dma_wait3A_82] : memref<512xi32, #tpu.memory_space<vmem>> -> memref<64xi32, #tpu.memory_space<vmem>>
    %dma_wait3A_84 = arith.constant 0 : i32
    %dma_wait3A_85 = arith.constant 0 : i32
    %dma_wait3A_86 = tpu.memref_slice %arg4[%dma_wait3A_84, %dma_wait3A_85] : memref<100000x512xf32, #tpu.memory_space<hbm>> -> memref<100000x512xf32, #tpu.memory_space<hbm>>
    tpu.wait_indirect_dma semaphore(%arg11 : memref<!tpu.dma_semaphore, #tpu.memory_space<semaphore_mem>>) src(%dma_wait3A_86 : memref<100000x512xf32, #tpu.memory_space<hbm>>) dst(%arg9 : memref<64x512xf32, #tpu.memory_space<vmem>>)
    %add3A_87 = arith.constant 256 : i32
    %add3A_88 = arith.addi %mul3A_2, %add3A_87 : i32
    %dma_start3A_89 = arith.constant 0 : i32
    %dma_start3A_90 = tpu.memref_slice %arg5[%add3A_88, %dma_start3A_89] : memref<16384x512xf32, #tpu.memory_space<hbm>> -> memref<64x512xf32, #tpu.memory_space<hbm>>
    %dma_start3A_91 = arith.constant 0 : i32
    %dma_start3A_92 = tpu.memref_slice %arg5[%add3A_88, %dma_start3A_91] : memref<16384x512xf32, #tpu.memory_space<hbm>> -> memref<64x512xf32, #tpu.memory_space<hbm>>
    tpu.enqueue_dma source(%arg9 : memref<64x512xf32, #tpu.memory_space<vmem>>) target(%dma_start3A_92 : memref<64x512xf32, #tpu.memory_space<hbm>>) target_semaphore(%arg13 : memref<!tpu.dma_semaphore, #tpu.memory_space<semaphore_mem>>)
    %dma_wait3A_93 = arith.constant 0 : i32
    %dma_wait3A_94 = tpu.memref_slice %arg5[%add3A_68, %dma_wait3A_93] : memref<16384x512xf32, #tpu.memory_space<hbm>> -> memref<64x512xf32, #tpu.memory_space<hbm>>
    %dma_wait3A_95 = arith.constant 0 : i32
    %dma_wait3A_96 = tpu.memref_slice %arg5[%add3A_68, %dma_wait3A_95] : memref<16384x512xf32, #tpu.memory_space<hbm>> -> memref<64x512xf32, #tpu.memory_space<hbm>>
    tpu.wait_dma2 semaphore(%arg14 : memref<!tpu.dma_semaphore, #tpu.memory_space<semaphore_mem>>) src(%arg10 : memref<64x512xf32, #tpu.memory_space<vmem>>) dst(%dma_wait3A_96 : memref<64x512xf32, #tpu.memory_space<hbm>>)
    %dma_start3A_97 = arith.constant 320 : i32
    %dma_start3A_98 = tpu.memref_slice %arg7[%dma_start3A_97] : memref<512xi32, #tpu.memory_space<vmem>> -> memref<64xi32, #tpu.memory_space<vmem>>
    %dma_start3A_99 = arith.constant 0 : i32
    %dma_start3A_100 = arith.constant 0 : i32
    %dma_start3A_101 = tpu.memref_slice %arg4[%dma_start3A_99, %dma_start3A_100] : memref<100000x512xf32, #tpu.memory_space<hbm>> -> memref<100000x512xf32, #tpu.memory_space<hbm>>
    tpu.enqueue_indirect_dma source(%dma_start3A_101 : memref<100000x512xf32, #tpu.memory_space<hbm>>) target(%arg10 : memref<64x512xf32, #tpu.memory_space<vmem>>) offsets(%dma_start3A_98 : memref<64xi32, #tpu.memory_space<vmem>>) semaphore(%arg12 : memref<!tpu.dma_semaphore, #tpu.memory_space<semaphore_mem>>)
    %dma_wait3A_102 = arith.constant 320 : i32
    %dma_wait3A_103 = tpu.memref_slice %arg7[%dma_wait3A_102] : memref<512xi32, #tpu.memory_space<vmem>> -> memref<64xi32, #tpu.memory_space<vmem>>
    %dma_wait3A_104 = arith.constant 0 : i32
    %dma_wait3A_105 = arith.constant 0 : i32
    %dma_wait3A_106 = tpu.memref_slice %arg4[%dma_wait3A_104, %dma_wait3A_105] : memref<100000x512xf32, #tpu.memory_space<hbm>> -> memref<100000x512xf32, #tpu.memory_space<hbm>>
    tpu.wait_indirect_dma semaphore(%arg12 : memref<!tpu.dma_semaphore, #tpu.memory_space<semaphore_mem>>) src(%dma_wait3A_106 : memref<100000x512xf32, #tpu.memory_space<hbm>>) dst(%arg10 : memref<64x512xf32, #tpu.memory_space<vmem>>)
    %add3A_107 = arith.constant 320 : i32
    %add3A_108 = arith.addi %mul3A_2, %add3A_107 : i32
    %dma_start3A_109 = arith.constant 0 : i32
    %dma_start3A_110 = tpu.memref_slice %arg5[%add3A_108, %dma_start3A_109] : memref<16384x512xf32, #tpu.memory_space<hbm>> -> memref<64x512xf32, #tpu.memory_space<hbm>>
    %dma_start3A_111 = arith.constant 0 : i32
    %dma_start3A_112 = tpu.memref_slice %arg5[%add3A_108, %dma_start3A_111] : memref<16384x512xf32, #tpu.memory_space<hbm>> -> memref<64x512xf32, #tpu.memory_space<hbm>>
    tpu.enqueue_dma source(%arg10 : memref<64x512xf32, #tpu.memory_space<vmem>>) target(%dma_start3A_112 : memref<64x512xf32, #tpu.memory_space<hbm>>) target_semaphore(%arg14 : memref<!tpu.dma_semaphore, #tpu.memory_space<semaphore_mem>>)
    %dma_wait3A_113 = arith.constant 0 : i32
    %dma_wait3A_114 = tpu.memref_slice %arg5[%add3A_88, %dma_wait3A_113] : memref<16384x512xf32, #tpu.memory_space<hbm>> -> memref<64x512xf32, #tpu.memory_space<hbm>>
    %dma_wait3A_115 = arith.constant 0 : i32
    %dma_wait3A_116 = tpu.memref_slice %arg5[%add3A_88, %dma_wait3A_115] : memref<16384x512xf32, #tpu.memory_space<hbm>> -> memref<64x512xf32, #tpu.memory_space<hbm>>
    tpu.wait_dma2 semaphore(%arg13 : memref<!tpu.dma_semaphore, #tpu.memory_space<semaphore_mem>>) src(%arg9 : memref<64x512xf32, #tpu.memory_space<vmem>>) dst(%dma_wait3A_116 : memref<64x512xf32, #tpu.memory_space<hbm>>)
    %dma_start3A_117 = arith.constant 384 : i32
    %dma_start3A_118 = tpu.memref_slice %arg7[%dma_start3A_117] : memref<512xi32, #tpu.memory_space<vmem>> -> memref<64xi32, #tpu.memory_space<vmem>>
    %dma_start3A_119 = arith.constant 0 : i32
    %dma_start3A_120 = arith.constant 0 : i32
    %dma_start3A_121 = tpu.memref_slice %arg4[%dma_start3A_119, %dma_start3A_120] : memref<100000x512xf32, #tpu.memory_space<hbm>> -> memref<100000x512xf32, #tpu.memory_space<hbm>>
    tpu.enqueue_indirect_dma source(%dma_start3A_121 : memref<100000x512xf32, #tpu.memory_space<hbm>>) target(%arg9 : memref<64x512xf32, #tpu.memory_space<vmem>>) offsets(%dma_start3A_118 : memref<64xi32, #tpu.memory_space<vmem>>) semaphore(%arg11 : memref<!tpu.dma_semaphore, #tpu.memory_space<semaphore_mem>>)
    %dma_wait3A_122 = arith.constant 384 : i32
    %dma_wait3A_123 = tpu.memref_slice %arg7[%dma_wait3A_122] : memref<512xi32, #tpu.memory_space<vmem>> -> memref<64xi32, #tpu.memory_space<vmem>>
    %dma_wait3A_124 = arith.constant 0 : i32
    %dma_wait3A_125 = arith.constant 0 : i32
    %dma_wait3A_126 = tpu.memref_slice %arg4[%dma_wait3A_124, %dma_wait3A_125] : memref<100000x512xf32, #tpu.memory_space<hbm>> -> memref<100000x512xf32, #tpu.memory_space<hbm>>
    tpu.wait_indirect_dma semaphore(%arg11 : memref<!tpu.dma_semaphore, #tpu.memory_space<semaphore_mem>>) src(%dma_wait3A_126 : memref<100000x512xf32, #tpu.memory_space<hbm>>) dst(%arg9 : memref<64x512xf32, #tpu.memory_space<vmem>>)
    %add3A_127 = arith.constant 384 : i32
    %add3A_128 = arith.addi %mul3A_2, %add3A_127 : i32
    %dma_start3A_129 = arith.constant 0 : i32
    %dma_start3A_130 = tpu.memref_slice %arg5[%add3A_128, %dma_start3A_129] : memref<16384x512xf32, #tpu.memory_space<hbm>> -> memref<64x512xf32, #tpu.memory_space<hbm>>
    %dma_start3A_131 = arith.constant 0 : i32
    %dma_start3A_132 = tpu.memref_slice %arg5[%add3A_128, %dma_start3A_131] : memref<16384x512xf32, #tpu.memory_space<hbm>> -> memref<64x512xf32, #tpu.memory_space<hbm>>
    tpu.enqueue_dma source(%arg9 : memref<64x512xf32, #tpu.memory_space<vmem>>) target(%dma_start3A_132 : memref<64x512xf32, #tpu.memory_space<hbm>>) target_semaphore(%arg13 : memref<!tpu.dma_semaphore, #tpu.memory_space<semaphore_mem>>)
    %dma_wait3A_133 = arith.constant 0 : i32
    %dma_wait3A_134 = tpu.memref_slice %arg5[%add3A_108, %dma_wait3A_133] : memref<16384x512xf32, #tpu.memory_space<hbm>> -> memref<64x512xf32, #tpu.memory_space<hbm>>
    %dma_wait3A_135 = arith.constant 0 : i32
    %dma_wait3A_136 = tpu.memref_slice %arg5[%add3A_108, %dma_wait3A_135] : memref<16384x512xf32, #tpu.memory_space<hbm>> -> memref<64x512xf32, #tpu.memory_space<hbm>>
    tpu.wait_dma2 semaphore(%arg14 : memref<!tpu.dma_semaphore, #tpu.memory_space<semaphore_mem>>) src(%arg10 : memref<64x512xf32, #tpu.memory_space<vmem>>) dst(%dma_wait3A_136 : memref<64x512xf32, #tpu.memory_space<hbm>>)
    %dma_start3A_137 = arith.constant 448 : i32
    %dma_start3A_138 = tpu.memref_slice %arg7[%dma_start3A_137] : memref<512xi32, #tpu.memory_space<vmem>> -> memref<64xi32, #tpu.memory_space<vmem>>
    %dma_start3A_139 = arith.constant 0 : i32
    %dma_start3A_140 = arith.constant 0 : i32
    %dma_start3A_141 = tpu.memref_slice %arg4[%dma_start3A_139, %dma_start3A_140] : memref<100000x512xf32, #tpu.memory_space<hbm>> -> memref<100000x512xf32, #tpu.memory_space<hbm>>
    tpu.enqueue_indirect_dma source(%dma_start3A_141 : memref<100000x512xf32, #tpu.memory_space<hbm>>) target(%arg10 : memref<64x512xf32, #tpu.memory_space<vmem>>) offsets(%dma_start3A_138 : memref<64xi32, #tpu.memory_space<vmem>>) semaphore(%arg12 : memref<!tpu.dma_semaphore, #tpu.memory_space<semaphore_mem>>)
    %dma_wait3A_142 = arith.constant 448 : i32
    %dma_wait3A_143 = tpu.memref_slice %arg7[%dma_wait3A_142] : memref<512xi32, #tpu.memory_space<vmem>> -> memref<64xi32, #tpu.memory_space<vmem>>
    %dma_wait3A_144 = arith.constant 0 : i32
    %dma_wait3A_145 = arith.constant 0 : i32
    %dma_wait3A_146 = tpu.memref_slice %arg4[%dma_wait3A_144, %dma_wait3A_145] : memref<100000x512xf32, #tpu.memory_space<hbm>> -> memref<100000x512xf32, #tpu.memory_space<hbm>>
    tpu.wait_indirect_dma semaphore(%arg12 : memref<!tpu.dma_semaphore, #tpu.memory_space<semaphore_mem>>) src(%dma_wait3A_146 : memref<100000x512xf32, #tpu.memory_space<hbm>>) dst(%arg10 : memref<64x512xf32, #tpu.memory_space<vmem>>)
    %add3A_147 = arith.constant 448 : i32
    %add3A_148 = arith.addi %mul3A_2, %add3A_147 : i32
    %dma_start3A_149 = arith.constant 0 : i32
    %dma_start3A_150 = tpu.memref_slice %arg5[%add3A_148, %dma_start3A_149] : memref<16384x512xf32, #tpu.memory_space<hbm>> -> memref<64x512xf32, #tpu.memory_space<hbm>>
    %dma_start3A_151 = arith.constant 0 : i32
    %dma_start3A_152 = tpu.memref_slice %arg5[%add3A_148, %dma_start3A_151] : memref<16384x512xf32, #tpu.memory_space<hbm>> -> memref<64x512xf32, #tpu.memory_space<hbm>>
    tpu.enqueue_dma source(%arg10 : memref<64x512xf32, #tpu.memory_space<vmem>>) target(%dma_start3A_152 : memref<64x512xf32, #tpu.memory_space<hbm>>) target_semaphore(%arg14 : memref<!tpu.dma_semaphore, #tpu.memory_space<semaphore_mem>>)
    %dma_wait3A_153 = arith.constant 0 : i32
    %dma_wait3A_154 = tpu.memref_slice %arg5[%add3A_128, %dma_wait3A_153] : memref<16384x512xf32, #tpu.memory_space<hbm>> -> memref<64x512xf32, #tpu.memory_space<hbm>>
    %dma_wait3A_155 = arith.constant 0 : i32
    %dma_wait3A_156 = tpu.memref_slice %arg5[%add3A_128, %dma_wait3A_155] : memref<16384x512xf32, #tpu.memory_space<hbm>> -> memref<64x512xf32, #tpu.memory_space<hbm>>
    tpu.wait_dma2 semaphore(%arg13 : memref<!tpu.dma_semaphore, #tpu.memory_space<semaphore_mem>>) src(%arg9 : memref<64x512xf32, #tpu.memory_space<vmem>>) dst(%dma_wait3A_156 : memref<64x512xf32, #tpu.memory_space<hbm>>)
    %dma_start3A_157 = arith.constant 0 : i32
    %dma_start3A_158 = tpu.memref_slice %arg8[%dma_start3A_157] : memref<512xi32, #tpu.memory_space<vmem>> -> memref<64xi32, #tpu.memory_space<vmem>>
    %dma_start3A_159 = arith.constant 0 : i32
    %dma_start3A_160 = arith.constant 0 : i32
    %dma_start3A_161 = tpu.memref_slice %arg4[%dma_start3A_159, %dma_start3A_160] : memref<100000x512xf32, #tpu.memory_space<hbm>> -> memref<100000x512xf32, #tpu.memory_space<hbm>>
    tpu.enqueue_indirect_dma source(%dma_start3A_161 : memref<100000x512xf32, #tpu.memory_space<hbm>>) target(%arg9 : memref<64x512xf32, #tpu.memory_space<vmem>>) offsets(%dma_start3A_158 : memref<64xi32, #tpu.memory_space<vmem>>) semaphore(%arg11 : memref<!tpu.dma_semaphore, #tpu.memory_space<semaphore_mem>>)
    %dma_wait3A_162 = arith.constant 0 : i32
    %dma_wait3A_163 = tpu.memref_slice %arg8[%dma_wait3A_162] : memref<512xi32, #tpu.memory_space<vmem>> -> memref<64xi32, #tpu.memory_space<vmem>>
    %dma_wait3A_164 = arith.constant 0 : i32
    %dma_wait3A_165 = arith.constant 0 : i32
    %dma_wait3A_166 = tpu.memref_slice %arg4[%dma_wait3A_164, %dma_wait3A_165] : memref<100000x512xf32, #tpu.memory_space<hbm>> -> memref<100000x512xf32, #tpu.memory_space<hbm>>
    tpu.wait_indirect_dma semaphore(%arg11 : memref<!tpu.dma_semaphore, #tpu.memory_space<semaphore_mem>>) src(%dma_wait3A_166 : memref<100000x512xf32, #tpu.memory_space<hbm>>) dst(%arg9 : memref<64x512xf32, #tpu.memory_space<vmem>>)
    %add3A_167 = arith.constant 0 : i32
    %add3A_168 = arith.addi %mul3A_2, %add3A_167 : i32
    %dma_start3A_169 = arith.constant 0 : i32
    %dma_start3A_170 = tpu.memref_slice %arg6[%add3A_168, %dma_start3A_169] : memref<16384x512xf32, #tpu.memory_space<hbm>> -> memref<64x512xf32, #tpu.memory_space<hbm>>
    %dma_start3A_171 = arith.constant 0 : i32
    %dma_start3A_172 = tpu.memref_slice %arg6[%add3A_168, %dma_start3A_171] : memref<16384x512xf32, #tpu.memory_space<hbm>> -> memref<64x512xf32, #tpu.memory_space<hbm>>
    tpu.enqueue_dma source(%arg9 : memref<64x512xf32, #tpu.memory_space<vmem>>) target(%dma_start3A_172 : memref<64x512xf32, #tpu.memory_space<hbm>>) target_semaphore(%arg13 : memref<!tpu.dma_semaphore, #tpu.memory_space<semaphore_mem>>)
    %dma_wait3A_173 = arith.constant 0 : i32
    %dma_wait3A_174 = tpu.memref_slice %arg5[%add3A_148, %dma_wait3A_173] : memref<16384x512xf32, #tpu.memory_space<hbm>> -> memref<64x512xf32, #tpu.memory_space<hbm>>
    %dma_wait3A_175 = arith.constant 0 : i32
    %dma_wait3A_176 = tpu.memref_slice %arg5[%add3A_148, %dma_wait3A_175] : memref<16384x512xf32, #tpu.memory_space<hbm>> -> memref<64x512xf32, #tpu.memory_space<hbm>>
    tpu.wait_dma2 semaphore(%arg14 : memref<!tpu.dma_semaphore, #tpu.memory_space<semaphore_mem>>) src(%arg10 : memref<64x512xf32, #tpu.memory_space<vmem>>) dst(%dma_wait3A_176 : memref<64x512xf32, #tpu.memory_space<hbm>>)
    %dma_start3A_177 = arith.constant 64 : i32
    %dma_start3A_178 = tpu.memref_slice %arg8[%dma_start3A_177] : memref<512xi32, #tpu.memory_space<vmem>> -> memref<64xi32, #tpu.memory_space<vmem>>
    %dma_start3A_179 = arith.constant 0 : i32
    %dma_start3A_180 = arith.constant 0 : i32
    %dma_start3A_181 = tpu.memref_slice %arg4[%dma_start3A_179, %dma_start3A_180] : memref<100000x512xf32, #tpu.memory_space<hbm>> -> memref<100000x512xf32, #tpu.memory_space<hbm>>
    tpu.enqueue_indirect_dma source(%dma_start3A_181 : memref<100000x512xf32, #tpu.memory_space<hbm>>) target(%arg10 : memref<64x512xf32, #tpu.memory_space<vmem>>) offsets(%dma_start3A_178 : memref<64xi32, #tpu.memory_space<vmem>>) semaphore(%arg12 : memref<!tpu.dma_semaphore, #tpu.memory_space<semaphore_mem>>)
    %dma_wait3A_182 = arith.constant 64 : i32
    %dma_wait3A_183 = tpu.memref_slice %arg8[%dma_wait3A_182] : memref<512xi32, #tpu.memory_space<vmem>> -> memref<64xi32, #tpu.memory_space<vmem>>
    %dma_wait3A_184 = arith.constant 0 : i32
    %dma_wait3A_185 = arith.constant 0 : i32
    %dma_wait3A_186 = tpu.memref_slice %arg4[%dma_wait3A_184, %dma_wait3A_185] : memref<100000x512xf32, #tpu.memory_space<hbm>> -> memref<100000x512xf32, #tpu.memory_space<hbm>>
    tpu.wait_indirect_dma semaphore(%arg12 : memref<!tpu.dma_semaphore, #tpu.memory_space<semaphore_mem>>) src(%dma_wait3A_186 : memref<100000x512xf32, #tpu.memory_space<hbm>>) dst(%arg10 : memref<64x512xf32, #tpu.memory_space<vmem>>)
    %add3A_187 = arith.constant 64 : i32
    %add3A_188 = arith.addi %mul3A_2, %add3A_187 : i32
    %dma_start3A_189 = arith.constant 0 : i32
    %dma_start3A_190 = tpu.memref_slice %arg6[%add3A_188, %dma_start3A_189] : memref<16384x512xf32, #tpu.memory_space<hbm>> -> memref<64x512xf32, #tpu.memory_space<hbm>>
    %dma_start3A_191 = arith.constant 0 : i32
    %dma_start3A_192 = tpu.memref_slice %arg6[%add3A_188, %dma_start3A_191] : memref<16384x512xf32, #tpu.memory_space<hbm>> -> memref<64x512xf32, #tpu.memory_space<hbm>>
    tpu.enqueue_dma source(%arg10 : memref<64x512xf32, #tpu.memory_space<vmem>>) target(%dma_start3A_192 : memref<64x512xf32, #tpu.memory_space<hbm>>) target_semaphore(%arg14 : memref<!tpu.dma_semaphore, #tpu.memory_space<semaphore_mem>>)
    %dma_wait3A_193 = arith.constant 0 : i32
    %dma_wait3A_194 = tpu.memref_slice %arg6[%add3A_168, %dma_wait3A_193] : memref<16384x512xf32, #tpu.memory_space<hbm>> -> memref<64x512xf32, #tpu.memory_space<hbm>>
    %dma_wait3A_195 = arith.constant 0 : i32
    %dma_wait3A_196 = tpu.memref_slice %arg6[%add3A_168, %dma_wait3A_195] : memref<16384x512xf32, #tpu.memory_space<hbm>> -> memref<64x512xf32, #tpu.memory_space<hbm>>
    tpu.wait_dma2 semaphore(%arg13 : memref<!tpu.dma_semaphore, #tpu.memory_space<semaphore_mem>>) src(%arg9 : memref<64x512xf32, #tpu.memory_space<vmem>>) dst(%dma_wait3A_196 : memref<64x512xf32, #tpu.memory_space<hbm>>)
    %dma_start3A_197 = arith.constant 128 : i32
    %dma_start3A_198 = tpu.memref_slice %arg8[%dma_start3A_197] : memref<512xi32, #tpu.memory_space<vmem>> -> memref<64xi32, #tpu.memory_space<vmem>>
    %dma_start3A_199 = arith.constant 0 : i32
    %dma_start3A_200 = arith.constant 0 : i32
    %dma_start3A_201 = tpu.memref_slice %arg4[%dma_start3A_199, %dma_start3A_200] : memref<100000x512xf32, #tpu.memory_space<hbm>> -> memref<100000x512xf32, #tpu.memory_space<hbm>>
    tpu.enqueue_indirect_dma source(%dma_start3A_201 : memref<100000x512xf32, #tpu.memory_space<hbm>>) target(%arg9 : memref<64x512xf32, #tpu.memory_space<vmem>>) offsets(%dma_start3A_198 : memref<64xi32, #tpu.memory_space<vmem>>) semaphore(%arg11 : memref<!tpu.dma_semaphore, #tpu.memory_space<semaphore_mem>>)
    %dma_wait3A_202 = arith.constant 128 : i32
    %dma_wait3A_203 = tpu.memref_slice %arg8[%dma_wait3A_202] : memref<512xi32, #tpu.memory_space<vmem>> -> memref<64xi32, #tpu.memory_space<vmem>>
    %dma_wait3A_204 = arith.constant 0 : i32
    %dma_wait3A_205 = arith.constant 0 : i32
    %dma_wait3A_206 = tpu.memref_slice %arg4[%dma_wait3A_204, %dma_wait3A_205] : memref<100000x512xf32, #tpu.memory_space<hbm>> -> memref<100000x512xf32, #tpu.memory_space<hbm>>
    tpu.wait_indirect_dma semaphore(%arg11 : memref<!tpu.dma_semaphore, #tpu.memory_space<semaphore_mem>>) src(%dma_wait3A_206 : memref<100000x512xf32, #tpu.memory_space<hbm>>) dst(%arg9 : memref<64x512xf32, #tpu.memory_space<vmem>>)
    %add3A_207 = arith.constant 128 : i32
    %add3A_208 = arith.addi %mul3A_2, %add3A_207 : i32
    %dma_start3A_209 = arith.constant 0 : i32
    %dma_start3A_210 = tpu.memref_slice %arg6[%add3A_208, %dma_start3A_209] : memref<16384x512xf32, #tpu.memory_space<hbm>> -> memref<64x512xf32, #tpu.memory_space<hbm>>
    %dma_start3A_211 = arith.constant 0 : i32
    %dma_start3A_212 = tpu.memref_slice %arg6[%add3A_208, %dma_start3A_211] : memref<16384x512xf32, #tpu.memory_space<hbm>> -> memref<64x512xf32, #tpu.memory_space<hbm>>
    tpu.enqueue_dma source(%arg9 : memref<64x512xf32, #tpu.memory_space<vmem>>) target(%dma_start3A_212 : memref<64x512xf32, #tpu.memory_space<hbm>>) target_semaphore(%arg13 : memref<!tpu.dma_semaphore, #tpu.memory_space<semaphore_mem>>)
    %dma_wait3A_213 = arith.constant 0 : i32
    %dma_wait3A_214 = tpu.memref_slice %arg6[%add3A_188, %dma_wait3A_213] : memref<16384x512xf32, #tpu.memory_space<hbm>> -> memref<64x512xf32, #tpu.memory_space<hbm>>
    %dma_wait3A_215 = arith.constant 0 : i32
    %dma_wait3A_216 = tpu.memref_slice %arg6[%add3A_188, %dma_wait3A_215] : memref<16384x512xf32, #tpu.memory_space<hbm>> -> memref<64x512xf32, #tpu.memory_space<hbm>>
    tpu.wait_dma2 semaphore(%arg14 : memref<!tpu.dma_semaphore, #tpu.memory_space<semaphore_mem>>) src(%arg10 : memref<64x512xf32, #tpu.memory_space<vmem>>) dst(%dma_wait3A_216 : memref<64x512xf32, #tpu.memory_space<hbm>>)
    %dma_start3A_217 = arith.constant 192 : i32
    %dma_start3A_218 = tpu.memref_slice %arg8[%dma_start3A_217] : memref<512xi32, #tpu.memory_space<vmem>> -> memref<64xi32, #tpu.memory_space<vmem>>
    %dma_start3A_219 = arith.constant 0 : i32
    %dma_start3A_220 = arith.constant 0 : i32
    %dma_start3A_221 = tpu.memref_slice %arg4[%dma_start3A_219, %dma_start3A_220] : memref<100000x512xf32, #tpu.memory_space<hbm>> -> memref<100000x512xf32, #tpu.memory_space<hbm>>
    tpu.enqueue_indirect_dma source(%dma_start3A_221 : memref<100000x512xf32, #tpu.memory_space<hbm>>) target(%arg10 : memref<64x512xf32, #tpu.memory_space<vmem>>) offsets(%dma_start3A_218 : memref<64xi32, #tpu.memory_space<vmem>>) semaphore(%arg12 : memref<!tpu.dma_semaphore, #tpu.memory_space<semaphore_mem>>)
    %dma_wait3A_222 = arith.constant 192 : i32
    %dma_wait3A_223 = tpu.memref_slice %arg8[%dma_wait3A_222] : memref<512xi32, #tpu.memory_space<vmem>> -> memref<64xi32, #tpu.memory_space<vmem>>
    %dma_wait3A_224 = arith.constant 0 : i32
    %dma_wait3A_225 = arith.constant 0 : i32
    %dma_wait3A_226 = tpu.memref_slice %arg4[%dma_wait3A_224, %dma_wait3A_225] : memref<100000x512xf32, #tpu.memory_space<hbm>> -> memref<100000x512xf32, #tpu.memory_space<hbm>>
    tpu.wait_indirect_dma semaphore(%arg12 : memref<!tpu.dma_semaphore, #tpu.memory_space<semaphore_mem>>) src(%dma_wait3A_226 : memref<100000x512xf32, #tpu.memory_space<hbm>>) dst(%arg10 : memref<64x512xf32, #tpu.memory_space<vmem>>)
    %add3A_227 = arith.constant 192 : i32
    %add3A_228 = arith.addi %mul3A_2, %add3A_227 : i32
    %dma_start3A_229 = arith.constant 0 : i32
    %dma_start3A_230 = tpu.memref_slice %arg6[%add3A_228, %dma_start3A_229] : memref<16384x512xf32, #tpu.memory_space<hbm>> -> memref<64x512xf32, #tpu.memory_space<hbm>>
    %dma_start3A_231 = arith.constant 0 : i32
    %dma_start3A_232 = tpu.memref_slice %arg6[%add3A_228, %dma_start3A_231] : memref<16384x512xf32, #tpu.memory_space<hbm>> -> memref<64x512xf32, #tpu.memory_space<hbm>>
    tpu.enqueue_dma source(%arg10 : memref<64x512xf32, #tpu.memory_space<vmem>>) target(%dma_start3A_232 : memref<64x512xf32, #tpu.memory_space<hbm>>) target_semaphore(%arg14 : memref<!tpu.dma_semaphore, #tpu.memory_space<semaphore_mem>>)
    %dma_wait3A_233 = arith.constant 0 : i32
    %dma_wait3A_234 = tpu.memref_slice %arg6[%add3A_208, %dma_wait3A_233] : memref<16384x512xf32, #tpu.memory_space<hbm>> -> memref<64x512xf32, #tpu.memory_space<hbm>>
    %dma_wait3A_235 = arith.constant 0 : i32
    %dma_wait3A_236 = tpu.memref_slice %arg6[%add3A_208, %dma_wait3A_235] : memref<16384x512xf32, #tpu.memory_space<hbm>> -> memref<64x512xf32, #tpu.memory_space<hbm>>
    tpu.wait_dma2 semaphore(%arg13 : memref<!tpu.dma_semaphore, #tpu.memory_space<semaphore_mem>>) src(%arg9 : memref<64x512xf32, #tpu.memory_space<vmem>>) dst(%dma_wait3A_236 : memref<64x512xf32, #tpu.memory_space<hbm>>)
    %dma_start3A_237 = arith.constant 256 : i32
    %dma_start3A_238 = tpu.memref_slice %arg8[%dma_start3A_237] : memref<512xi32, #tpu.memory_space<vmem>> -> memref<64xi32, #tpu.memory_space<vmem>>
    %dma_start3A_239 = arith.constant 0 : i32
    %dma_start3A_240 = arith.constant 0 : i32
    %dma_start3A_241 = tpu.memref_slice %arg4[%dma_start3A_239, %dma_start3A_240] : memref<100000x512xf32, #tpu.memory_space<hbm>> -> memref<100000x512xf32, #tpu.memory_space<hbm>>
    tpu.enqueue_indirect_dma source(%dma_start3A_241 : memref<100000x512xf32, #tpu.memory_space<hbm>>) target(%arg9 : memref<64x512xf32, #tpu.memory_space<vmem>>) offsets(%dma_start3A_238 : memref<64xi32, #tpu.memory_space<vmem>>) semaphore(%arg11 : memref<!tpu.dma_semaphore, #tpu.memory_space<semaphore_mem>>)
    %dma_wait3A_242 = arith.constant 256 : i32
    %dma_wait3A_243 = tpu.memref_slice %arg8[%dma_wait3A_242] : memref<512xi32, #tpu.memory_space<vmem>> -> memref<64xi32, #tpu.memory_space<vmem>>
    %dma_wait3A_244 = arith.constant 0 : i32
    %dma_wait3A_245 = arith.constant 0 : i32
    %dma_wait3A_246 = tpu.memref_slice %arg4[%dma_wait3A_244, %dma_wait3A_245] : memref<100000x512xf32, #tpu.memory_space<hbm>> -> memref<100000x512xf32, #tpu.memory_space<hbm>>
    tpu.wait_indirect_dma semaphore(%arg11 : memref<!tpu.dma_semaphore, #tpu.memory_space<semaphore_mem>>) src(%dma_wait3A_246 : memref<100000x512xf32, #tpu.memory_space<hbm>>) dst(%arg9 : memref<64x512xf32, #tpu.memory_space<vmem>>)
    %add3A_247 = arith.constant 256 : i32
    %add3A_248 = arith.addi %mul3A_2, %add3A_247 : i32
    %dma_start3A_249 = arith.constant 0 : i32
    %dma_start3A_250 = tpu.memref_slice %arg6[%add3A_248, %dma_start3A_249] : memref<16384x512xf32, #tpu.memory_space<hbm>> -> memref<64x512xf32, #tpu.memory_space<hbm>>
    %dma_start3A_251 = arith.constant 0 : i32
    %dma_start3A_252 = tpu.memref_slice %arg6[%add3A_248, %dma_start3A_251] : memref<16384x512xf32, #tpu.memory_space<hbm>> -> memref<64x512xf32, #tpu.memory_space<hbm>>
    tpu.enqueue_dma source(%arg9 : memref<64x512xf32, #tpu.memory_space<vmem>>) target(%dma_start3A_252 : memref<64x512xf32, #tpu.memory_space<hbm>>) target_semaphore(%arg13 : memref<!tpu.dma_semaphore, #tpu.memory_space<semaphore_mem>>)
    %dma_wait3A_253 = arith.constant 0 : i32
    %dma_wait3A_254 = tpu.memref_slice %arg6[%add3A_228, %dma_wait3A_253] : memref<16384x512xf32, #tpu.memory_space<hbm>> -> memref<64x512xf32, #tpu.memory_space<hbm>>
    %dma_wait3A_255 = arith.constant 0 : i32
    %dma_wait3A_256 = tpu.memref_slice %arg6[%add3A_228, %dma_wait3A_255] : memref<16384x512xf32, #tpu.memory_space<hbm>> -> memref<64x512xf32, #tpu.memory_space<hbm>>
    tpu.wait_dma2 semaphore(%arg14 : memref<!tpu.dma_semaphore, #tpu.memory_space<semaphore_mem>>) src(%arg10 : memref<64x512xf32, #tpu.memory_space<vmem>>) dst(%dma_wait3A_256 : memref<64x512xf32, #tpu.memory_space<hbm>>)
    %dma_start3A_257 = arith.constant 320 : i32
    %dma_start3A_258 = tpu.memref_slice %arg8[%dma_start3A_257] : memref<512xi32, #tpu.memory_space<vmem>> -> memref<64xi32, #tpu.memory_space<vmem>>
    %dma_start3A_259 = arith.constant 0 : i32
    %dma_start3A_260 = arith.constant 0 : i32
    %dma_start3A_261 = tpu.memref_slice %arg4[%dma_start3A_259, %dma_start3A_260] : memref<100000x512xf32, #tpu.memory_space<hbm>> -> memref<100000x512xf32, #tpu.memory_space<hbm>>
    tpu.enqueue_indirect_dma source(%dma_start3A_261 : memref<100000x512xf32, #tpu.memory_space<hbm>>) target(%arg10 : memref<64x512xf32, #tpu.memory_space<vmem>>) offsets(%dma_start3A_258 : memref<64xi32, #tpu.memory_space<vmem>>) semaphore(%arg12 : memref<!tpu.dma_semaphore, #tpu.memory_space<semaphore_mem>>)
    %dma_wait3A_262 = arith.constant 320 : i32
    %dma_wait3A_263 = tpu.memref_slice %arg8[%dma_wait3A_262] : memref<512xi32, #tpu.memory_space<vmem>> -> memref<64xi32, #tpu.memory_space<vmem>>
    %dma_wait3A_264 = arith.constant 0 : i32
    %dma_wait3A_265 = arith.constant 0 : i32
    %dma_wait3A_266 = tpu.memref_slice %arg4[%dma_wait3A_264, %dma_wait3A_265] : memref<100000x512xf32, #tpu.memory_space<hbm>> -> memref<100000x512xf32, #tpu.memory_space<hbm>>
    tpu.wait_indirect_dma semaphore(%arg12 : memref<!tpu.dma_semaphore, #tpu.memory_space<semaphore_mem>>) src(%dma_wait3A_266 : memref<100000x512xf32, #tpu.memory_space<hbm>>) dst(%arg10 : memref<64x512xf32, #tpu.memory_space<vmem>>)
    %add3A_267 = arith.constant 320 : i32
    %add3A_268 = arith.addi %mul3A_2, %add3A_267 : i32
    %dma_start3A_269 = arith.constant 0 : i32
    %dma_start3A_270 = tpu.memref_slice %arg6[%add3A_268, %dma_start3A_269] : memref<16384x512xf32, #tpu.memory_space<hbm>> -> memref<64x512xf32, #tpu.memory_space<hbm>>
    %dma_start3A_271 = arith.constant 0 : i32
    %dma_start3A_272 = tpu.memref_slice %arg6[%add3A_268, %dma_start3A_271] : memref<16384x512xf32, #tpu.memory_space<hbm>> -> memref<64x512xf32, #tpu.memory_space<hbm>>
    tpu.enqueue_dma source(%arg10 : memref<64x512xf32, #tpu.memory_space<vmem>>) target(%dma_start3A_272 : memref<64x512xf32, #tpu.memory_space<hbm>>) target_semaphore(%arg14 : memref<!tpu.dma_semaphore, #tpu.memory_space<semaphore_mem>>)
    %dma_wait3A_273 = arith.constant 0 : i32
    %dma_wait3A_274 = tpu.memref_slice %arg6[%add3A_248, %dma_wait3A_273] : memref<16384x512xf32, #tpu.memory_space<hbm>> -> memref<64x512xf32, #tpu.memory_space<hbm>>
    %dma_wait3A_275 = arith.constant 0 : i32
    %dma_wait3A_276 = tpu.memref_slice %arg6[%add3A_248, %dma_wait3A_275] : memref<16384x512xf32, #tpu.memory_space<hbm>> -> memref<64x512xf32, #tpu.memory_space<hbm>>
    tpu.wait_dma2 semaphore(%arg13 : memref<!tpu.dma_semaphore, #tpu.memory_space<semaphore_mem>>) src(%arg9 : memref<64x512xf32, #tpu.memory_space<vmem>>) dst(%dma_wait3A_276 : memref<64x512xf32, #tpu.memory_space<hbm>>)
    %dma_start3A_277 = arith.constant 384 : i32
    %dma_start3A_278 = tpu.memref_slice %arg8[%dma_start3A_277] : memref<512xi32, #tpu.memory_space<vmem>> -> memref<64xi32, #tpu.memory_space<vmem>>
    %dma_start3A_279 = arith.constant 0 : i32
    %dma_start3A_280 = arith.constant 0 : i32
    %dma_start3A_281 = tpu.memref_slice %arg4[%dma_start3A_279, %dma_start3A_280] : memref<100000x512xf32, #tpu.memory_space<hbm>> -> memref<100000x512xf32, #tpu.memory_space<hbm>>
    tpu.enqueue_indirect_dma source(%dma_start3A_281 : memref<100000x512xf32, #tpu.memory_space<hbm>>) target(%arg9 : memref<64x512xf32, #tpu.memory_space<vmem>>) offsets(%dma_start3A_278 : memref<64xi32, #tpu.memory_space<vmem>>) semaphore(%arg11 : memref<!tpu.dma_semaphore, #tpu.memory_space<semaphore_mem>>)
    %dma_wait3A_282 = arith.constant 384 : i32
    %dma_wait3A_283 = tpu.memref_slice %arg8[%dma_wait3A_282] : memref<512xi32, #tpu.memory_space<vmem>> -> memref<64xi32, #tpu.memory_space<vmem>>
    %dma_wait3A_284 = arith.constant 0 : i32
    %dma_wait3A_285 = arith.constant 0 : i32
    %dma_wait3A_286 = tpu.memref_slice %arg4[%dma_wait3A_284, %dma_wait3A_285] : memref<100000x512xf32, #tpu.memory_space<hbm>> -> memref<100000x512xf32, #tpu.memory_space<hbm>>
    tpu.wait_indirect_dma semaphore(%arg11 : memref<!tpu.dma_semaphore, #tpu.memory_space<semaphore_mem>>) src(%dma_wait3A_286 : memref<100000x512xf32, #tpu.memory_space<hbm>>) dst(%arg9 : memref<64x512xf32, #tpu.memory_space<vmem>>)
    %add3A_287 = arith.constant 384 : i32
    %add3A_288 = arith.addi %mul3A_2, %add3A_287 : i32
    %dma_start3A_289 = arith.constant 0 : i32
    %dma_start3A_290 = tpu.memref_slice %arg6[%add3A_288, %dma_start3A_289] : memref<16384x512xf32, #tpu.memory_space<hbm>> -> memref<64x512xf32, #tpu.memory_space<hbm>>
    %dma_start3A_291 = arith.constant 0 : i32
    %dma_start3A_292 = tpu.memref_slice %arg6[%add3A_288, %dma_start3A_291] : memref<16384x512xf32, #tpu.memory_space<hbm>> -> memref<64x512xf32, #tpu.memory_space<hbm>>
    tpu.enqueue_dma source(%arg9 : memref<64x512xf32, #tpu.memory_space<vmem>>) target(%dma_start3A_292 : memref<64x512xf32, #tpu.memory_space<hbm>>) target_semaphore(%arg13 : memref<!tpu.dma_semaphore, #tpu.memory_space<semaphore_mem>>)
    %dma_wait3A_293 = arith.constant 0 : i32
    %dma_wait3A_294 = tpu.memref_slice %arg6[%add3A_268, %dma_wait3A_293] : memref<16384x512xf32, #tpu.memory_space<hbm>> -> memref<64x512xf32, #tpu.memory_space<hbm>>
    %dma_wait3A_295 = arith.constant 0 : i32
    %dma_wait3A_296 = tpu.memref_slice %arg6[%add3A_268, %dma_wait3A_295] : memref<16384x512xf32, #tpu.memory_space<hbm>> -> memref<64x512xf32, #tpu.memory_space<hbm>>
    tpu.wait_dma2 semaphore(%arg14 : memref<!tpu.dma_semaphore, #tpu.memory_space<semaphore_mem>>) src(%arg10 : memref<64x512xf32, #tpu.memory_space<vmem>>) dst(%dma_wait3A_296 : memref<64x512xf32, #tpu.memory_space<hbm>>)
    %dma_start3A_297 = arith.constant 448 : i32
    %dma_start3A_298 = tpu.memref_slice %arg8[%dma_start3A_297] : memref<512xi32, #tpu.memory_space<vmem>> -> memref<64xi32, #tpu.memory_space<vmem>>
    %dma_start3A_299 = arith.constant 0 : i32
    %dma_start3A_300 = arith.constant 0 : i32
    %dma_start3A_301 = tpu.memref_slice %arg4[%dma_start3A_299, %dma_start3A_300] : memref<100000x512xf32, #tpu.memory_space<hbm>> -> memref<100000x512xf32, #tpu.memory_space<hbm>>
    tpu.enqueue_indirect_dma source(%dma_start3A_301 : memref<100000x512xf32, #tpu.memory_space<hbm>>) target(%arg10 : memref<64x512xf32, #tpu.memory_space<vmem>>) offsets(%dma_start3A_298 : memref<64xi32, #tpu.memory_space<vmem>>) semaphore(%arg12 : memref<!tpu.dma_semaphore, #tpu.memory_space<semaphore_mem>>)
    %dma_wait3A_302 = arith.constant 448 : i32
    %dma_wait3A_303 = tpu.memref_slice %arg8[%dma_wait3A_302] : memref<512xi32, #tpu.memory_space<vmem>> -> memref<64xi32, #tpu.memory_space<vmem>>
    %dma_wait3A_304 = arith.constant 0 : i32
    %dma_wait3A_305 = arith.constant 0 : i32
    %dma_wait3A_306 = tpu.memref_slice %arg4[%dma_wait3A_304, %dma_wait3A_305] : memref<100000x512xf32, #tpu.memory_space<hbm>> -> memref<100000x512xf32, #tpu.memory_space<hbm>>
    tpu.wait_indirect_dma semaphore(%arg12 : memref<!tpu.dma_semaphore, #tpu.memory_space<semaphore_mem>>) src(%dma_wait3A_306 : memref<100000x512xf32, #tpu.memory_space<hbm>>) dst(%arg10 : memref<64x512xf32, #tpu.memory_space<vmem>>)
    %add3A_307 = arith.constant 448 : i32
    %add3A_308 = arith.addi %mul3A_2, %add3A_307 : i32
    %dma_start3A_309 = arith.constant 0 : i32
    %dma_start3A_310 = tpu.memref_slice %arg6[%add3A_308, %dma_start3A_309] : memref<16384x512xf32, #tpu.memory_space<hbm>> -> memref<64x512xf32, #tpu.memory_space<hbm>>
    %dma_start3A_311 = arith.constant 0 : i32
    %dma_start3A_312 = tpu.memref_slice %arg6[%add3A_308, %dma_start3A_311] : memref<16384x512xf32, #tpu.memory_space<hbm>> -> memref<64x512xf32, #tpu.memory_space<hbm>>
    tpu.enqueue_dma source(%arg10 : memref<64x512xf32, #tpu.memory_space<vmem>>) target(%dma_start3A_312 : memref<64x512xf32, #tpu.memory_space<hbm>>) target_semaphore(%arg14 : memref<!tpu.dma_semaphore, #tpu.memory_space<semaphore_mem>>)
    %dma_wait3A_313 = arith.constant 0 : i32
    %dma_wait3A_314 = tpu.memref_slice %arg6[%add3A_288, %dma_wait3A_313] : memref<16384x512xf32, #tpu.memory_space<hbm>> -> memref<64x512xf32, #tpu.memory_space<hbm>>
    %dma_wait3A_315 = arith.constant 0 : i32
    %dma_wait3A_316 = tpu.memref_slice %arg6[%add3A_288, %dma_wait3A_315] : memref<16384x512xf32, #tpu.memory_space<hbm>> -> memref<64x512xf32, #tpu.memory_space<hbm>>
    tpu.wait_dma2 semaphore(%arg13 : memref<!tpu.dma_semaphore, #tpu.memory_space<semaphore_mem>>) src(%arg9 : memref<64x512xf32, #tpu.memory_space<vmem>>) dst(%dma_wait3A_316 : memref<64x512xf32, #tpu.memory_space<hbm>>)
    %dma_wait3A_317 = arith.constant 0 : i32
    %dma_wait3A_318 = tpu.memref_slice %arg6[%add3A_308, %dma_wait3A_317] : memref<16384x512xf32, #tpu.memory_space<hbm>> -> memref<64x512xf32, #tpu.memory_space<hbm>>
    %dma_wait3A_319 = arith.constant 0 : i32
    %dma_wait3A_320 = tpu.memref_slice %arg6[%add3A_308, %dma_wait3A_319] : memref<16384x512xf32, #tpu.memory_space<hbm>> -> memref<64x512xf32, #tpu.memory_space<hbm>>
    tpu.wait_dma2 semaphore(%arg14 : memref<!tpu.dma_semaphore, #tpu.memory_space<semaphore_mem>>) src(%arg10 : memref<64x512xf32, #tpu.memory_space<vmem>>) dst(%dma_wait3A_320 : memref<64x512xf32, #tpu.memory_space<hbm>>)
    return
  }
}

#map = affine_map<(d0, d1) -> (0)>
#map1 = affine_map<(d0, d1) -> (0, 0)>
module attributes {stable_mosaic.version = 14 : i64} {
  func.func @vbpr_sc_narrow_i(%arg0: i32, %arg1: i32, %arg2: memref<16384xi32, #tpu.memory_space<hbm>>, %arg3: memref<100000x64xf32, #tpu.memory_space<hbm>>, %arg4: memref<16384x64xf32, #tpu.memory_space<hbm>>, %arg5: memref<512xi32, #tpu.memory_space<vmem>>, %arg6: memref<512x64xf32, #tpu.memory_space<vmem>>, %arg7: memref<!tpu.dma_semaphore, #tpu.memory_space<semaphore_mem>>) attributes {dimension_semantics = [#tpu.dimension_semantics<core_parallel>, #tpu.dimension_semantics<subcore_parallel>], iteration_bounds = array<i64: 2, 16>, scalar_prefetch = 0 : i64, scratch_operands = 3 : i64, tpu.core_type = #tpu.core_type<sc_vector_subcore>, window_params = [{transform_indices = #map}, {transform_indices = #map1}, {transform_indices = #map1}]} {
    %mul3A = arith.constant 2 : i32
    %mul3A_0 = arith.muli %arg1, %mul3A : i32
    %add3A = arith.addi %mul3A_0, %arg0 : i32
    %mul3A_1 = arith.constant 512 : i32
    %mul3A_2 = arith.muli %add3A, %mul3A_1 : i32
    "tpu.region"() ({
      %run_scoped3A = tpu.sem_alloc : memref<!tpu.dma_semaphore, #tpu.memory_space<semaphore_mem>>
      %dma_start3A = tpu.memref_slice %arg2[%mul3A_2] : memref<16384xi32, #tpu.memory_space<hbm>> -> memref<512xi32, #tpu.memory_space<hbm>>
      %dma_start3A_13 = tpu.memref_slice %arg2[%mul3A_2] : memref<16384xi32, #tpu.memory_space<hbm>> -> memref<512xi32, #tpu.memory_space<hbm>>
      tpu.enqueue_dma source(%dma_start3A_13 : memref<512xi32, #tpu.memory_space<hbm>>) target(%arg5 : memref<512xi32, #tpu.memory_space<vmem>>) target_semaphore(%run_scoped3A : memref<!tpu.dma_semaphore, #tpu.memory_space<semaphore_mem>>)
      %dma_wait3A_14 = tpu.memref_slice %arg2[%mul3A_2] : memref<16384xi32, #tpu.memory_space<hbm>> -> memref<512xi32, #tpu.memory_space<hbm>>
      %dma_wait3A_15 = tpu.memref_slice %arg2[%mul3A_2] : memref<16384xi32, #tpu.memory_space<hbm>> -> memref<512xi32, #tpu.memory_space<hbm>>
      tpu.wait_dma2 semaphore(%run_scoped3A : memref<!tpu.dma_semaphore, #tpu.memory_space<semaphore_mem>>) src(%dma_wait3A_15 : memref<512xi32, #tpu.memory_space<hbm>>) dst(%arg5 : memref<512xi32, #tpu.memory_space<vmem>>)
      tpu.yield
    }) : () -> ()
    %scan3A = arith.constant 0 : i32
    %scan3A_3 = arith.constant 0 : i32
    %scan3A_4 = arith.constant 32 : i32
    %scan3A_5 = arith.addi %scan3A_3, %scan3A_4 : i32
    %scan3A_6 = arith.constant 1 : i32
    scf.for %scan3A_13 = %scan3A_3 to %scan3A_5 step %scan3A_6  : i32 {
      %mul3A_14 = arith.constant 16 : i32
      %mul3A_15 = arith.muli %scan3A_13, %mul3A_14 : i32
      %get3A = arith.index_cast %mul3A_15 : i32 to index
      %get3A_16 = tpu.vector_load %arg5[%get3A] {strides = array<i32>} : memref<512xi32, #tpu.memory_space<vmem>>, vector<16xi32>,
      %get3A_17 = vector.shape_cast %get3A_16 : vector<16xi32> to vector<16xi32>
      %slice3A = vector.extract_strided_slice %get3A_17 {offsets = [0], sizes = [1], strides = [1]} : vector<16xi32> to vector<1xi32>
      %squeeze3A = vector.extract %slice3A[0] : i32 from vector<1xi32>
      %mul3A_18 = arith.constant 16 : i32
      %mul3A_19 = arith.muli %scan3A_13, %mul3A_18 : i32
      %add3A_20 = arith.constant 0 : i32
      %add3A_21 = arith.addi %mul3A_19, %add3A_20 : i32
      %dma_start3A = arith.constant 0 : i32
      %dma_start3A_22 = tpu.memref_slice %arg6[%add3A_21, %dma_start3A] : memref<512x64xf32, #tpu.memory_space<vmem>> -> memref<1x64xf32, #tpu.memory_space<vmem>>
      %dma_start3A_23 = arith.constant 0 : i32
      %dma_start3A_24 = tpu.memref_slice %arg3[%squeeze3A, %dma_start3A_23] : memref<100000x64xf32, #tpu.memory_space<hbm>> -> memref<1x64xf32, #tpu.memory_space<hbm>>
      %dma_start3A_25 = arith.constant 0 : i32
      %dma_start3A_26 = tpu.memref_slice %arg6[%add3A_21, %dma_start3A_25] : memref<512x64xf32, #tpu.memory_space<vmem>> -> memref<1x64xf32, #tpu.memory_space<vmem>>
      %dma_start3A_27 = arith.constant 0 : i32
      %dma_start3A_28 = tpu.memref_slice %arg3[%squeeze3A, %dma_start3A_27] : memref<100000x64xf32, #tpu.memory_space<hbm>> -> memref<1x64xf32, #tpu.memory_space<hbm>>
      tpu.enqueue_dma source(%dma_start3A_28 : memref<1x64xf32, #tpu.memory_space<hbm>>) target(%dma_start3A_26 : memref<1x64xf32, #tpu.memory_space<vmem>>) target_semaphore(%arg7 : memref<!tpu.dma_semaphore, #tpu.memory_space<semaphore_mem>>)
      %slice3A_29 = vector.extract_strided_slice %get3A_17 {offsets = [1], sizes = [1], strides = [1]} : vector<16xi32> to vector<1xi32>
      %squeeze3A_30 = vector.extract %slice3A_29[0] : i32 from vector<1xi32>
      %mul3A_31 = arith.constant 16 : i32
      %mul3A_32 = arith.muli %scan3A_13, %mul3A_31 : i32
      %add3A_33 = arith.constant 1 : i32
      %add3A_34 = arith.addi %mul3A_32, %add3A_33 : i32
      %dma_start3A_35 = arith.constant 0 : i32
      %dma_start3A_36 = tpu.memref_slice %arg6[%add3A_34, %dma_start3A_35] : memref<512x64xf32, #tpu.memory_space<vmem>> -> memref<1x64xf32, #tpu.memory_space<vmem>>
      %dma_start3A_37 = arith.constant 0 : i32
      %dma_start3A_38 = tpu.memref_slice %arg3[%squeeze3A_30, %dma_start3A_37] : memref<100000x64xf32, #tpu.memory_space<hbm>> -> memref<1x64xf32, #tpu.memory_space<hbm>>
      %dma_start3A_39 = arith.constant 0 : i32
      %dma_start3A_40 = tpu.memref_slice %arg6[%add3A_34, %dma_start3A_39] : memref<512x64xf32, #tpu.memory_space<vmem>> -> memref<1x64xf32, #tpu.memory_space<vmem>>
      %dma_start3A_41 = arith.constant 0 : i32
      %dma_start3A_42 = tpu.memref_slice %arg3[%squeeze3A_30, %dma_start3A_41] : memref<100000x64xf32, #tpu.memory_space<hbm>> -> memref<1x64xf32, #tpu.memory_space<hbm>>
      tpu.enqueue_dma source(%dma_start3A_42 : memref<1x64xf32, #tpu.memory_space<hbm>>) target(%dma_start3A_40 : memref<1x64xf32, #tpu.memory_space<vmem>>) target_semaphore(%arg7 : memref<!tpu.dma_semaphore, #tpu.memory_space<semaphore_mem>>)
      %slice3A_43 = vector.extract_strided_slice %get3A_17 {offsets = [2], sizes = [1], strides = [1]} : vector<16xi32> to vector<1xi32>
      %squeeze3A_44 = vector.extract %slice3A_43[0] : i32 from vector<1xi32>
      %mul3A_45 = arith.constant 16 : i32
      %mul3A_46 = arith.muli %scan3A_13, %mul3A_45 : i32
      %add3A_47 = arith.constant 2 : i32
      %add3A_48 = arith.addi %mul3A_46, %add3A_47 : i32
      %dma_start3A_49 = arith.constant 0 : i32
      %dma_start3A_50 = tpu.memref_slice %arg6[%add3A_48, %dma_start3A_49] : memref<512x64xf32, #tpu.memory_space<vmem>> -> memref<1x64xf32, #tpu.memory_space<vmem>>
      %dma_start3A_51 = arith.constant 0 : i32
      %dma_start3A_52 = tpu.memref_slice %arg3[%squeeze3A_44, %dma_start3A_51] : memref<100000x64xf32, #tpu.memory_space<hbm>> -> memref<1x64xf32, #tpu.memory_space<hbm>>
      %dma_start3A_53 = arith.constant 0 : i32
      %dma_start3A_54 = tpu.memref_slice %arg6[%add3A_48, %dma_start3A_53] : memref<512x64xf32, #tpu.memory_space<vmem>> -> memref<1x64xf32, #tpu.memory_space<vmem>>
      %dma_start3A_55 = arith.constant 0 : i32
      %dma_start3A_56 = tpu.memref_slice %arg3[%squeeze3A_44, %dma_start3A_55] : memref<100000x64xf32, #tpu.memory_space<hbm>> -> memref<1x64xf32, #tpu.memory_space<hbm>>
      tpu.enqueue_dma source(%dma_start3A_56 : memref<1x64xf32, #tpu.memory_space<hbm>>) target(%dma_start3A_54 : memref<1x64xf32, #tpu.memory_space<vmem>>) target_semaphore(%arg7 : memref<!tpu.dma_semaphore, #tpu.memory_space<semaphore_mem>>)
      %slice3A_57 = vector.extract_strided_slice %get3A_17 {offsets = [3], sizes = [1], strides = [1]} : vector<16xi32> to vector<1xi32>
      %squeeze3A_58 = vector.extract %slice3A_57[0] : i32 from vector<1xi32>
      %mul3A_59 = arith.constant 16 : i32
      %mul3A_60 = arith.muli %scan3A_13, %mul3A_59 : i32
      %add3A_61 = arith.constant 3 : i32
      %add3A_62 = arith.addi %mul3A_60, %add3A_61 : i32
      %dma_start3A_63 = arith.constant 0 : i32
      %dma_start3A_64 = tpu.memref_slice %arg6[%add3A_62, %dma_start3A_63] : memref<512x64xf32, #tpu.memory_space<vmem>> -> memref<1x64xf32, #tpu.memory_space<vmem>>
      %dma_start3A_65 = arith.constant 0 : i32
      %dma_start3A_66 = tpu.memref_slice %arg3[%squeeze3A_58, %dma_start3A_65] : memref<100000x64xf32, #tpu.memory_space<hbm>> -> memref<1x64xf32, #tpu.memory_space<hbm>>
      %dma_start3A_67 = arith.constant 0 : i32
      %dma_start3A_68 = tpu.memref_slice %arg6[%add3A_62, %dma_start3A_67] : memref<512x64xf32, #tpu.memory_space<vmem>> -> memref<1x64xf32, #tpu.memory_space<vmem>>
      %dma_start3A_69 = arith.constant 0 : i32
      %dma_start3A_70 = tpu.memref_slice %arg3[%squeeze3A_58, %dma_start3A_69] : memref<100000x64xf32, #tpu.memory_space<hbm>> -> memref<1x64xf32, #tpu.memory_space<hbm>>
      tpu.enqueue_dma source(%dma_start3A_70 : memref<1x64xf32, #tpu.memory_space<hbm>>) target(%dma_start3A_68 : memref<1x64xf32, #tpu.memory_space<vmem>>) target_semaphore(%arg7 : memref<!tpu.dma_semaphore, #tpu.memory_space<semaphore_mem>>)
      %slice3A_71 = vector.extract_strided_slice %get3A_17 {offsets = [4], sizes = [1], strides = [1]} : vector<16xi32> to vector<1xi32>
      %squeeze3A_72 = vector.extract %slice3A_71[0] : i32 from vector<1xi32>
      %mul3A_73 = arith.constant 16 : i32
      %mul3A_74 = arith.muli %scan3A_13, %mul3A_73 : i32
      %add3A_75 = arith.constant 4 : i32
      %add3A_76 = arith.addi %mul3A_74, %add3A_75 : i32
      %dma_start3A_77 = arith.constant 0 : i32
      %dma_start3A_78 = tpu.memref_slice %arg6[%add3A_76, %dma_start3A_77] : memref<512x64xf32, #tpu.memory_space<vmem>> -> memref<1x64xf32, #tpu.memory_space<vmem>>
      %dma_start3A_79 = arith.constant 0 : i32
      %dma_start3A_80 = tpu.memref_slice %arg3[%squeeze3A_72, %dma_start3A_79] : memref<100000x64xf32, #tpu.memory_space<hbm>> -> memref<1x64xf32, #tpu.memory_space<hbm>>
      %dma_start3A_81 = arith.constant 0 : i32
      %dma_start3A_82 = tpu.memref_slice %arg6[%add3A_76, %dma_start3A_81] : memref<512x64xf32, #tpu.memory_space<vmem>> -> memref<1x64xf32, #tpu.memory_space<vmem>>
      %dma_start3A_83 = arith.constant 0 : i32
      %dma_start3A_84 = tpu.memref_slice %arg3[%squeeze3A_72, %dma_start3A_83] : memref<100000x64xf32, #tpu.memory_space<hbm>> -> memref<1x64xf32, #tpu.memory_space<hbm>>
      tpu.enqueue_dma source(%dma_start3A_84 : memref<1x64xf32, #tpu.memory_space<hbm>>) target(%dma_start3A_82 : memref<1x64xf32, #tpu.memory_space<vmem>>) target_semaphore(%arg7 : memref<!tpu.dma_semaphore, #tpu.memory_space<semaphore_mem>>)
      %slice3A_85 = vector.extract_strided_slice %get3A_17 {offsets = [5], sizes = [1], strides = [1]} : vector<16xi32> to vector<1xi32>
      %squeeze3A_86 = vector.extract %slice3A_85[0] : i32 from vector<1xi32>
      %mul3A_87 = arith.constant 16 : i32
      %mul3A_88 = arith.muli %scan3A_13, %mul3A_87 : i32
      %add3A_89 = arith.constant 5 : i32
      %add3A_90 = arith.addi %mul3A_88, %add3A_89 : i32
      %dma_start3A_91 = arith.constant 0 : i32
      %dma_start3A_92 = tpu.memref_slice %arg6[%add3A_90, %dma_start3A_91] : memref<512x64xf32, #tpu.memory_space<vmem>> -> memref<1x64xf32, #tpu.memory_space<vmem>>
      %dma_start3A_93 = arith.constant 0 : i32
      %dma_start3A_94 = tpu.memref_slice %arg3[%squeeze3A_86, %dma_start3A_93] : memref<100000x64xf32, #tpu.memory_space<hbm>> -> memref<1x64xf32, #tpu.memory_space<hbm>>
      %dma_start3A_95 = arith.constant 0 : i32
      %dma_start3A_96 = tpu.memref_slice %arg6[%add3A_90, %dma_start3A_95] : memref<512x64xf32, #tpu.memory_space<vmem>> -> memref<1x64xf32, #tpu.memory_space<vmem>>
      %dma_start3A_97 = arith.constant 0 : i32
      %dma_start3A_98 = tpu.memref_slice %arg3[%squeeze3A_86, %dma_start3A_97] : memref<100000x64xf32, #tpu.memory_space<hbm>> -> memref<1x64xf32, #tpu.memory_space<hbm>>
      tpu.enqueue_dma source(%dma_start3A_98 : memref<1x64xf32, #tpu.memory_space<hbm>>) target(%dma_start3A_96 : memref<1x64xf32, #tpu.memory_space<vmem>>) target_semaphore(%arg7 : memref<!tpu.dma_semaphore, #tpu.memory_space<semaphore_mem>>)
      %slice3A_99 = vector.extract_strided_slice %get3A_17 {offsets = [6], sizes = [1], strides = [1]} : vector<16xi32> to vector<1xi32>
      %squeeze3A_100 = vector.extract %slice3A_99[0] : i32 from vector<1xi32>
      %mul3A_101 = arith.constant 16 : i32
      %mul3A_102 = arith.muli %scan3A_13, %mul3A_101 : i32
      %add3A_103 = arith.constant 6 : i32
      %add3A_104 = arith.addi %mul3A_102, %add3A_103 : i32
      %dma_start3A_105 = arith.constant 0 : i32
      %dma_start3A_106 = tpu.memref_slice %arg6[%add3A_104, %dma_start3A_105] : memref<512x64xf32, #tpu.memory_space<vmem>> -> memref<1x64xf32, #tpu.memory_space<vmem>>
      %dma_start3A_107 = arith.constant 0 : i32
      %dma_start3A_108 = tpu.memref_slice %arg3[%squeeze3A_100, %dma_start3A_107] : memref<100000x64xf32, #tpu.memory_space<hbm>> -> memref<1x64xf32, #tpu.memory_space<hbm>>
      %dma_start3A_109 = arith.constant 0 : i32
      %dma_start3A_110 = tpu.memref_slice %arg6[%add3A_104, %dma_start3A_109] : memref<512x64xf32, #tpu.memory_space<vmem>> -> memref<1x64xf32, #tpu.memory_space<vmem>>
      %dma_start3A_111 = arith.constant 0 : i32
      %dma_start3A_112 = tpu.memref_slice %arg3[%squeeze3A_100, %dma_start3A_111] : memref<100000x64xf32, #tpu.memory_space<hbm>> -> memref<1x64xf32, #tpu.memory_space<hbm>>
      tpu.enqueue_dma source(%dma_start3A_112 : memref<1x64xf32, #tpu.memory_space<hbm>>) target(%dma_start3A_110 : memref<1x64xf32, #tpu.memory_space<vmem>>) target_semaphore(%arg7 : memref<!tpu.dma_semaphore, #tpu.memory_space<semaphore_mem>>)
      %slice3A_113 = vector.extract_strided_slice %get3A_17 {offsets = [7], sizes = [1], strides = [1]} : vector<16xi32> to vector<1xi32>
      %squeeze3A_114 = vector.extract %slice3A_113[0] : i32 from vector<1xi32>
      %mul3A_115 = arith.constant 16 : i32
      %mul3A_116 = arith.muli %scan3A_13, %mul3A_115 : i32
      %add3A_117 = arith.constant 7 : i32
      %add3A_118 = arith.addi %mul3A_116, %add3A_117 : i32
      %dma_start3A_119 = arith.constant 0 : i32
      %dma_start3A_120 = tpu.memref_slice %arg6[%add3A_118, %dma_start3A_119] : memref<512x64xf32, #tpu.memory_space<vmem>> -> memref<1x64xf32, #tpu.memory_space<vmem>>
      %dma_start3A_121 = arith.constant 0 : i32
      %dma_start3A_122 = tpu.memref_slice %arg3[%squeeze3A_114, %dma_start3A_121] : memref<100000x64xf32, #tpu.memory_space<hbm>> -> memref<1x64xf32, #tpu.memory_space<hbm>>
      %dma_start3A_123 = arith.constant 0 : i32
      %dma_start3A_124 = tpu.memref_slice %arg6[%add3A_118, %dma_start3A_123] : memref<512x64xf32, #tpu.memory_space<vmem>> -> memref<1x64xf32, #tpu.memory_space<vmem>>
      %dma_start3A_125 = arith.constant 0 : i32
      %dma_start3A_126 = tpu.memref_slice %arg3[%squeeze3A_114, %dma_start3A_125] : memref<100000x64xf32, #tpu.memory_space<hbm>> -> memref<1x64xf32, #tpu.memory_space<hbm>>
      tpu.enqueue_dma source(%dma_start3A_126 : memref<1x64xf32, #tpu.memory_space<hbm>>) target(%dma_start3A_124 : memref<1x64xf32, #tpu.memory_space<vmem>>) target_semaphore(%arg7 : memref<!tpu.dma_semaphore, #tpu.memory_space<semaphore_mem>>)
      %slice3A_127 = vector.extract_strided_slice %get3A_17 {offsets = [8], sizes = [1], strides = [1]} : vector<16xi32> to vector<1xi32>
      %squeeze3A_128 = vector.extract %slice3A_127[0] : i32 from vector<1xi32>
      %mul3A_129 = arith.constant 16 : i32
      %mul3A_130 = arith.muli %scan3A_13, %mul3A_129 : i32
      %add3A_131 = arith.constant 8 : i32
      %add3A_132 = arith.addi %mul3A_130, %add3A_131 : i32
      %dma_start3A_133 = arith.constant 0 : i32
      %dma_start3A_134 = tpu.memref_slice %arg6[%add3A_132, %dma_start3A_133] : memref<512x64xf32, #tpu.memory_space<vmem>> -> memref<1x64xf32, #tpu.memory_space<vmem>>
      %dma_start3A_135 = arith.constant 0 : i32
      %dma_start3A_136 = tpu.memref_slice %arg3[%squeeze3A_128, %dma_start3A_135] : memref<100000x64xf32, #tpu.memory_space<hbm>> -> memref<1x64xf32, #tpu.memory_space<hbm>>
      %dma_start3A_137 = arith.constant 0 : i32
      %dma_start3A_138 = tpu.memref_slice %arg6[%add3A_132, %dma_start3A_137] : memref<512x64xf32, #tpu.memory_space<vmem>> -> memref<1x64xf32, #tpu.memory_space<vmem>>
      %dma_start3A_139 = arith.constant 0 : i32
      %dma_start3A_140 = tpu.memref_slice %arg3[%squeeze3A_128, %dma_start3A_139] : memref<100000x64xf32, #tpu.memory_space<hbm>> -> memref<1x64xf32, #tpu.memory_space<hbm>>
      tpu.enqueue_dma source(%dma_start3A_140 : memref<1x64xf32, #tpu.memory_space<hbm>>) target(%dma_start3A_138 : memref<1x64xf32, #tpu.memory_space<vmem>>) target_semaphore(%arg7 : memref<!tpu.dma_semaphore, #tpu.memory_space<semaphore_mem>>)
      %slice3A_141 = vector.extract_strided_slice %get3A_17 {offsets = [9], sizes = [1], strides = [1]} : vector<16xi32> to vector<1xi32>
      %squeeze3A_142 = vector.extract %slice3A_141[0] : i32 from vector<1xi32>
      %mul3A_143 = arith.constant 16 : i32
      %mul3A_144 = arith.muli %scan3A_13, %mul3A_143 : i32
      %add3A_145 = arith.constant 9 : i32
      %add3A_146 = arith.addi %mul3A_144, %add3A_145 : i32
      %dma_start3A_147 = arith.constant 0 : i32
      %dma_start3A_148 = tpu.memref_slice %arg6[%add3A_146, %dma_start3A_147] : memref<512x64xf32, #tpu.memory_space<vmem>> -> memref<1x64xf32, #tpu.memory_space<vmem>>
      %dma_start3A_149 = arith.constant 0 : i32
      %dma_start3A_150 = tpu.memref_slice %arg3[%squeeze3A_142, %dma_start3A_149] : memref<100000x64xf32, #tpu.memory_space<hbm>> -> memref<1x64xf32, #tpu.memory_space<hbm>>
      %dma_start3A_151 = arith.constant 0 : i32
      %dma_start3A_152 = tpu.memref_slice %arg6[%add3A_146, %dma_start3A_151] : memref<512x64xf32, #tpu.memory_space<vmem>> -> memref<1x64xf32, #tpu.memory_space<vmem>>
      %dma_start3A_153 = arith.constant 0 : i32
      %dma_start3A_154 = tpu.memref_slice %arg3[%squeeze3A_142, %dma_start3A_153] : memref<100000x64xf32, #tpu.memory_space<hbm>> -> memref<1x64xf32, #tpu.memory_space<hbm>>
      tpu.enqueue_dma source(%dma_start3A_154 : memref<1x64xf32, #tpu.memory_space<hbm>>) target(%dma_start3A_152 : memref<1x64xf32, #tpu.memory_space<vmem>>) target_semaphore(%arg7 : memref<!tpu.dma_semaphore, #tpu.memory_space<semaphore_mem>>)
      %slice3A_155 = vector.extract_strided_slice %get3A_17 {offsets = [10], sizes = [1], strides = [1]} : vector<16xi32> to vector<1xi32>
      %squeeze3A_156 = vector.extract %slice3A_155[0] : i32 from vector<1xi32>
      %mul3A_157 = arith.constant 16 : i32
      %mul3A_158 = arith.muli %scan3A_13, %mul3A_157 : i32
      %add3A_159 = arith.constant 10 : i32
      %add3A_160 = arith.addi %mul3A_158, %add3A_159 : i32
      %dma_start3A_161 = arith.constant 0 : i32
      %dma_start3A_162 = tpu.memref_slice %arg6[%add3A_160, %dma_start3A_161] : memref<512x64xf32, #tpu.memory_space<vmem>> -> memref<1x64xf32, #tpu.memory_space<vmem>>
      %dma_start3A_163 = arith.constant 0 : i32
      %dma_start3A_164 = tpu.memref_slice %arg3[%squeeze3A_156, %dma_start3A_163] : memref<100000x64xf32, #tpu.memory_space<hbm>> -> memref<1x64xf32, #tpu.memory_space<hbm>>
      %dma_start3A_165 = arith.constant 0 : i32
      %dma_start3A_166 = tpu.memref_slice %arg6[%add3A_160, %dma_start3A_165] : memref<512x64xf32, #tpu.memory_space<vmem>> -> memref<1x64xf32, #tpu.memory_space<vmem>>
      %dma_start3A_167 = arith.constant 0 : i32
      %dma_start3A_168 = tpu.memref_slice %arg3[%squeeze3A_156, %dma_start3A_167] : memref<100000x64xf32, #tpu.memory_space<hbm>> -> memref<1x64xf32, #tpu.memory_space<hbm>>
      tpu.enqueue_dma source(%dma_start3A_168 : memref<1x64xf32, #tpu.memory_space<hbm>>) target(%dma_start3A_166 : memref<1x64xf32, #tpu.memory_space<vmem>>) target_semaphore(%arg7 : memref<!tpu.dma_semaphore, #tpu.memory_space<semaphore_mem>>)
      %slice3A_169 = vector.extract_strided_slice %get3A_17 {offsets = [11], sizes = [1], strides = [1]} : vector<16xi32> to vector<1xi32>
      %squeeze3A_170 = vector.extract %slice3A_169[0] : i32 from vector<1xi32>
      %mul3A_171 = arith.constant 16 : i32
      %mul3A_172 = arith.muli %scan3A_13, %mul3A_171 : i32
      %add3A_173 = arith.constant 11 : i32
      %add3A_174 = arith.addi %mul3A_172, %add3A_173 : i32
      %dma_start3A_175 = arith.constant 0 : i32
      %dma_start3A_176 = tpu.memref_slice %arg6[%add3A_174, %dma_start3A_175] : memref<512x64xf32, #tpu.memory_space<vmem>> -> memref<1x64xf32, #tpu.memory_space<vmem>>
      %dma_start3A_177 = arith.constant 0 : i32
      %dma_start3A_178 = tpu.memref_slice %arg3[%squeeze3A_170, %dma_start3A_177] : memref<100000x64xf32, #tpu.memory_space<hbm>> -> memref<1x64xf32, #tpu.memory_space<hbm>>
      %dma_start3A_179 = arith.constant 0 : i32
      %dma_start3A_180 = tpu.memref_slice %arg6[%add3A_174, %dma_start3A_179] : memref<512x64xf32, #tpu.memory_space<vmem>> -> memref<1x64xf32, #tpu.memory_space<vmem>>
      %dma_start3A_181 = arith.constant 0 : i32
      %dma_start3A_182 = tpu.memref_slice %arg3[%squeeze3A_170, %dma_start3A_181] : memref<100000x64xf32, #tpu.memory_space<hbm>> -> memref<1x64xf32, #tpu.memory_space<hbm>>
      tpu.enqueue_dma source(%dma_start3A_182 : memref<1x64xf32, #tpu.memory_space<hbm>>) target(%dma_start3A_180 : memref<1x64xf32, #tpu.memory_space<vmem>>) target_semaphore(%arg7 : memref<!tpu.dma_semaphore, #tpu.memory_space<semaphore_mem>>)
      %slice3A_183 = vector.extract_strided_slice %get3A_17 {offsets = [12], sizes = [1], strides = [1]} : vector<16xi32> to vector<1xi32>
      %squeeze3A_184 = vector.extract %slice3A_183[0] : i32 from vector<1xi32>
      %mul3A_185 = arith.constant 16 : i32
      %mul3A_186 = arith.muli %scan3A_13, %mul3A_185 : i32
      %add3A_187 = arith.constant 12 : i32
      %add3A_188 = arith.addi %mul3A_186, %add3A_187 : i32
      %dma_start3A_189 = arith.constant 0 : i32
      %dma_start3A_190 = tpu.memref_slice %arg6[%add3A_188, %dma_start3A_189] : memref<512x64xf32, #tpu.memory_space<vmem>> -> memref<1x64xf32, #tpu.memory_space<vmem>>
      %dma_start3A_191 = arith.constant 0 : i32
      %dma_start3A_192 = tpu.memref_slice %arg3[%squeeze3A_184, %dma_start3A_191] : memref<100000x64xf32, #tpu.memory_space<hbm>> -> memref<1x64xf32, #tpu.memory_space<hbm>>
      %dma_start3A_193 = arith.constant 0 : i32
      %dma_start3A_194 = tpu.memref_slice %arg6[%add3A_188, %dma_start3A_193] : memref<512x64xf32, #tpu.memory_space<vmem>> -> memref<1x64xf32, #tpu.memory_space<vmem>>
      %dma_start3A_195 = arith.constant 0 : i32
      %dma_start3A_196 = tpu.memref_slice %arg3[%squeeze3A_184, %dma_start3A_195] : memref<100000x64xf32, #tpu.memory_space<hbm>> -> memref<1x64xf32, #tpu.memory_space<hbm>>
      tpu.enqueue_dma source(%dma_start3A_196 : memref<1x64xf32, #tpu.memory_space<hbm>>) target(%dma_start3A_194 : memref<1x64xf32, #tpu.memory_space<vmem>>) target_semaphore(%arg7 : memref<!tpu.dma_semaphore, #tpu.memory_space<semaphore_mem>>)
      %slice3A_197 = vector.extract_strided_slice %get3A_17 {offsets = [13], sizes = [1], strides = [1]} : vector<16xi32> to vector<1xi32>
      %squeeze3A_198 = vector.extract %slice3A_197[0] : i32 from vector<1xi32>
      %mul3A_199 = arith.constant 16 : i32
      %mul3A_200 = arith.muli %scan3A_13, %mul3A_199 : i32
      %add3A_201 = arith.constant 13 : i32
      %add3A_202 = arith.addi %mul3A_200, %add3A_201 : i32
      %dma_start3A_203 = arith.constant 0 : i32
      %dma_start3A_204 = tpu.memref_slice %arg6[%add3A_202, %dma_start3A_203] : memref<512x64xf32, #tpu.memory_space<vmem>> -> memref<1x64xf32, #tpu.memory_space<vmem>>
      %dma_start3A_205 = arith.constant 0 : i32
      %dma_start3A_206 = tpu.memref_slice %arg3[%squeeze3A_198, %dma_start3A_205] : memref<100000x64xf32, #tpu.memory_space<hbm>> -> memref<1x64xf32, #tpu.memory_space<hbm>>
      %dma_start3A_207 = arith.constant 0 : i32
      %dma_start3A_208 = tpu.memref_slice %arg6[%add3A_202, %dma_start3A_207] : memref<512x64xf32, #tpu.memory_space<vmem>> -> memref<1x64xf32, #tpu.memory_space<vmem>>
      %dma_start3A_209 = arith.constant 0 : i32
      %dma_start3A_210 = tpu.memref_slice %arg3[%squeeze3A_198, %dma_start3A_209] : memref<100000x64xf32, #tpu.memory_space<hbm>> -> memref<1x64xf32, #tpu.memory_space<hbm>>
      tpu.enqueue_dma source(%dma_start3A_210 : memref<1x64xf32, #tpu.memory_space<hbm>>) target(%dma_start3A_208 : memref<1x64xf32, #tpu.memory_space<vmem>>) target_semaphore(%arg7 : memref<!tpu.dma_semaphore, #tpu.memory_space<semaphore_mem>>)
      %slice3A_211 = vector.extract_strided_slice %get3A_17 {offsets = [14], sizes = [1], strides = [1]} : vector<16xi32> to vector<1xi32>
      %squeeze3A_212 = vector.extract %slice3A_211[0] : i32 from vector<1xi32>
      %mul3A_213 = arith.constant 16 : i32
      %mul3A_214 = arith.muli %scan3A_13, %mul3A_213 : i32
      %add3A_215 = arith.constant 14 : i32
      %add3A_216 = arith.addi %mul3A_214, %add3A_215 : i32
      %dma_start3A_217 = arith.constant 0 : i32
      %dma_start3A_218 = tpu.memref_slice %arg6[%add3A_216, %dma_start3A_217] : memref<512x64xf32, #tpu.memory_space<vmem>> -> memref<1x64xf32, #tpu.memory_space<vmem>>
      %dma_start3A_219 = arith.constant 0 : i32
      %dma_start3A_220 = tpu.memref_slice %arg3[%squeeze3A_212, %dma_start3A_219] : memref<100000x64xf32, #tpu.memory_space<hbm>> -> memref<1x64xf32, #tpu.memory_space<hbm>>
      %dma_start3A_221 = arith.constant 0 : i32
      %dma_start3A_222 = tpu.memref_slice %arg6[%add3A_216, %dma_start3A_221] : memref<512x64xf32, #tpu.memory_space<vmem>> -> memref<1x64xf32, #tpu.memory_space<vmem>>
      %dma_start3A_223 = arith.constant 0 : i32
      %dma_start3A_224 = tpu.memref_slice %arg3[%squeeze3A_212, %dma_start3A_223] : memref<100000x64xf32, #tpu.memory_space<hbm>> -> memref<1x64xf32, #tpu.memory_space<hbm>>
      tpu.enqueue_dma source(%dma_start3A_224 : memref<1x64xf32, #tpu.memory_space<hbm>>) target(%dma_start3A_222 : memref<1x64xf32, #tpu.memory_space<vmem>>) target_semaphore(%arg7 : memref<!tpu.dma_semaphore, #tpu.memory_space<semaphore_mem>>)
      %slice3A_225 = vector.extract_strided_slice %get3A_17 {offsets = [15], sizes = [1], strides = [1]} : vector<16xi32> to vector<1xi32>
      %squeeze3A_226 = vector.extract %slice3A_225[0] : i32 from vector<1xi32>
      %mul3A_227 = arith.constant 16 : i32
      %mul3A_228 = arith.muli %scan3A_13, %mul3A_227 : i32
      %add3A_229 = arith.constant 15 : i32
      %add3A_230 = arith.addi %mul3A_228, %add3A_229 : i32
      %dma_start3A_231 = arith.constant 0 : i32
      %dma_start3A_232 = tpu.memref_slice %arg6[%add3A_230, %dma_start3A_231] : memref<512x64xf32, #tpu.memory_space<vmem>> -> memref<1x64xf32, #tpu.memory_space<vmem>>
      %dma_start3A_233 = arith.constant 0 : i32
      %dma_start3A_234 = tpu.memref_slice %arg3[%squeeze3A_226, %dma_start3A_233] : memref<100000x64xf32, #tpu.memory_space<hbm>> -> memref<1x64xf32, #tpu.memory_space<hbm>>
      %dma_start3A_235 = arith.constant 0 : i32
      %dma_start3A_236 = tpu.memref_slice %arg6[%add3A_230, %dma_start3A_235] : memref<512x64xf32, #tpu.memory_space<vmem>> -> memref<1x64xf32, #tpu.memory_space<vmem>>
      %dma_start3A_237 = arith.constant 0 : i32
      %dma_start3A_238 = tpu.memref_slice %arg3[%squeeze3A_226, %dma_start3A_237] : memref<100000x64xf32, #tpu.memory_space<hbm>> -> memref<1x64xf32, #tpu.memory_space<hbm>>
      tpu.enqueue_dma source(%dma_start3A_238 : memref<1x64xf32, #tpu.memory_space<hbm>>) target(%dma_start3A_236 : memref<1x64xf32, #tpu.memory_space<vmem>>) target_semaphore(%arg7 : memref<!tpu.dma_semaphore, #tpu.memory_space<semaphore_mem>>)
    }
    %scan3A_7 = arith.constant 32 : i32
    %dma_wait3A = arith.constant 0 : i32
    %dma_wait3A_8 = arith.constant 0 : i32
    %dma_wait3A_9 = tpu.memref_slice %arg3[%dma_wait3A, %dma_wait3A_8] : memref<100000x64xf32, #tpu.memory_space<hbm>> -> memref<512x64xf32, #tpu.memory_space<hbm>>
    %dma_wait3A_10 = arith.constant 0 : i32
    %dma_wait3A_11 = arith.constant 0 : i32
    %dma_wait3A_12 = tpu.memref_slice %arg3[%dma_wait3A_10, %dma_wait3A_11] : memref<100000x64xf32, #tpu.memory_space<hbm>> -> memref<512x64xf32, #tpu.memory_space<hbm>>
    tpu.wait_dma2 semaphore(%arg7 : memref<!tpu.dma_semaphore, #tpu.memory_space<semaphore_mem>>) src(%dma_wait3A_12 : memref<512x64xf32, #tpu.memory_space<hbm>>) dst(%arg6 : memref<512x64xf32, #tpu.memory_space<vmem>>)
    "tpu.region"() ({
      %run_scoped3A = tpu.sem_alloc : memref<!tpu.dma_semaphore, #tpu.memory_space<semaphore_mem>>
      %dma_start3A = arith.constant 0 : i32
      %dma_start3A_13 = tpu.memref_slice %arg4[%mul3A_2, %dma_start3A] : memref<16384x64xf32, #tpu.memory_space<hbm>> -> memref<512x64xf32, #tpu.memory_space<hbm>>
      %dma_start3A_14 = arith.constant 0 : i32
      %dma_start3A_15 = tpu.memref_slice %arg4[%mul3A_2, %dma_start3A_14] : memref<16384x64xf32, #tpu.memory_space<hbm>> -> memref<512x64xf32, #tpu.memory_space<hbm>>
      tpu.enqueue_dma source(%arg6 : memref<512x64xf32, #tpu.memory_space<vmem>>) target(%dma_start3A_15 : memref<512x64xf32, #tpu.memory_space<hbm>>) target_semaphore(%run_scoped3A : memref<!tpu.dma_semaphore, #tpu.memory_space<semaphore_mem>>)
      %dma_wait3A_16 = arith.constant 0 : i32
      %dma_wait3A_17 = tpu.memref_slice %arg4[%mul3A_2, %dma_wait3A_16] : memref<16384x64xf32, #tpu.memory_space<hbm>> -> memref<512x64xf32, #tpu.memory_space<hbm>>
      %dma_wait3A_18 = arith.constant 0 : i32
      %dma_wait3A_19 = tpu.memref_slice %arg4[%mul3A_2, %dma_wait3A_18] : memref<16384x64xf32, #tpu.memory_space<hbm>> -> memref<512x64xf32, #tpu.memory_space<hbm>>
      tpu.wait_dma2 semaphore(%run_scoped3A : memref<!tpu.dma_semaphore, #tpu.memory_space<semaphore_mem>>) src(%arg6 : memref<512x64xf32, #tpu.memory_space<vmem>>) dst(%dma_wait3A_19 : memref<512x64xf32, #tpu.memory_space<hbm>>)
      tpu.yield
    }) : () -> ()
    return
  }
}

#map = affine_map<(d0, d1) -> (0)>
#map1 = affine_map<(d0, d1) -> (0, 0)>
module attributes {stable_mosaic.version = 14 : i64} {
  func.func @vbpr_sc_narrow_j(%arg0: i32, %arg1: i32, %arg2: memref<16384xi32, #tpu.memory_space<hbm>>, %arg3: memref<100000x64xf32, #tpu.memory_space<hbm>>, %arg4: memref<16384x64xf32, #tpu.memory_space<hbm>>, %arg5: memref<512xi32, #tpu.memory_space<vmem>>, %arg6: memref<512x64xf32, #tpu.memory_space<vmem>>, %arg7: memref<!tpu.dma_semaphore, #tpu.memory_space<semaphore_mem>>) attributes {dimension_semantics = [#tpu.dimension_semantics<core_parallel>, #tpu.dimension_semantics<subcore_parallel>], iteration_bounds = array<i64: 2, 16>, scalar_prefetch = 0 : i64, scratch_operands = 3 : i64, tpu.core_type = #tpu.core_type<sc_vector_subcore>, window_params = [{transform_indices = #map}, {transform_indices = #map1}, {transform_indices = #map1}]} {
    %mul3A = arith.constant 2 : i32
    %mul3A_0 = arith.muli %arg1, %mul3A : i32
    %add3A = arith.addi %mul3A_0, %arg0 : i32
    %mul3A_1 = arith.constant 512 : i32
    %mul3A_2 = arith.muli %add3A, %mul3A_1 : i32
    "tpu.region"() ({
      %run_scoped3A = tpu.sem_alloc : memref<!tpu.dma_semaphore, #tpu.memory_space<semaphore_mem>>
      %dma_start3A = tpu.memref_slice %arg2[%mul3A_2] : memref<16384xi32, #tpu.memory_space<hbm>> -> memref<512xi32, #tpu.memory_space<hbm>>
      %dma_start3A_13 = tpu.memref_slice %arg2[%mul3A_2] : memref<16384xi32, #tpu.memory_space<hbm>> -> memref<512xi32, #tpu.memory_space<hbm>>
      tpu.enqueue_dma source(%dma_start3A_13 : memref<512xi32, #tpu.memory_space<hbm>>) target(%arg5 : memref<512xi32, #tpu.memory_space<vmem>>) target_semaphore(%run_scoped3A : memref<!tpu.dma_semaphore, #tpu.memory_space<semaphore_mem>>)
      %dma_wait3A_14 = tpu.memref_slice %arg2[%mul3A_2] : memref<16384xi32, #tpu.memory_space<hbm>> -> memref<512xi32, #tpu.memory_space<hbm>>
      %dma_wait3A_15 = tpu.memref_slice %arg2[%mul3A_2] : memref<16384xi32, #tpu.memory_space<hbm>> -> memref<512xi32, #tpu.memory_space<hbm>>
      tpu.wait_dma2 semaphore(%run_scoped3A : memref<!tpu.dma_semaphore, #tpu.memory_space<semaphore_mem>>) src(%dma_wait3A_15 : memref<512xi32, #tpu.memory_space<hbm>>) dst(%arg5 : memref<512xi32, #tpu.memory_space<vmem>>)
      tpu.yield
    }) : () -> ()
    %scan3A = arith.constant 0 : i32
    %scan3A_3 = arith.constant 0 : i32
    %scan3A_4 = arith.constant 32 : i32
    %scan3A_5 = arith.addi %scan3A_3, %scan3A_4 : i32
    %scan3A_6 = arith.constant 1 : i32
    scf.for %scan3A_13 = %scan3A_3 to %scan3A_5 step %scan3A_6  : i32 {
      %mul3A_14 = arith.constant 16 : i32
      %mul3A_15 = arith.muli %scan3A_13, %mul3A_14 : i32
      %get3A = arith.index_cast %mul3A_15 : i32 to index
      %get3A_16 = tpu.vector_load %arg5[%get3A] {strides = array<i32>} : memref<512xi32, #tpu.memory_space<vmem>>, vector<16xi32>,
      %get3A_17 = vector.shape_cast %get3A_16 : vector<16xi32> to vector<16xi32>
      %slice3A = vector.extract_strided_slice %get3A_17 {offsets = [0], sizes = [1], strides = [1]} : vector<16xi32> to vector<1xi32>
      %squeeze3A = vector.extract %slice3A[0] : i32 from vector<1xi32>
      %mul3A_18 = arith.constant 16 : i32
      %mul3A_19 = arith.muli %scan3A_13, %mul3A_18 : i32
      %add3A_20 = arith.constant 0 : i32
      %add3A_21 = arith.addi %mul3A_19, %add3A_20 : i32
      %dma_start3A = arith.constant 0 : i32
      %dma_start3A_22 = tpu.memref_slice %arg6[%add3A_21, %dma_start3A] : memref<512x64xf32, #tpu.memory_space<vmem>> -> memref<1x64xf32, #tpu.memory_space<vmem>>
      %dma_start3A_23 = arith.constant 0 : i32
      %dma_start3A_24 = tpu.memref_slice %arg3[%squeeze3A, %dma_start3A_23] : memref<100000x64xf32, #tpu.memory_space<hbm>> -> memref<1x64xf32, #tpu.memory_space<hbm>>
      %dma_start3A_25 = arith.constant 0 : i32
      %dma_start3A_26 = tpu.memref_slice %arg6[%add3A_21, %dma_start3A_25] : memref<512x64xf32, #tpu.memory_space<vmem>> -> memref<1x64xf32, #tpu.memory_space<vmem>>
      %dma_start3A_27 = arith.constant 0 : i32
      %dma_start3A_28 = tpu.memref_slice %arg3[%squeeze3A, %dma_start3A_27] : memref<100000x64xf32, #tpu.memory_space<hbm>> -> memref<1x64xf32, #tpu.memory_space<hbm>>
      tpu.enqueue_dma source(%dma_start3A_28 : memref<1x64xf32, #tpu.memory_space<hbm>>) target(%dma_start3A_26 : memref<1x64xf32, #tpu.memory_space<vmem>>) target_semaphore(%arg7 : memref<!tpu.dma_semaphore, #tpu.memory_space<semaphore_mem>>)
      %slice3A_29 = vector.extract_strided_slice %get3A_17 {offsets = [1], sizes = [1], strides = [1]} : vector<16xi32> to vector<1xi32>
      %squeeze3A_30 = vector.extract %slice3A_29[0] : i32 from vector<1xi32>
      %mul3A_31 = arith.constant 16 : i32
      %mul3A_32 = arith.muli %scan3A_13, %mul3A_31 : i32
      %add3A_33 = arith.constant 1 : i32
      %add3A_34 = arith.addi %mul3A_32, %add3A_33 : i32
      %dma_start3A_35 = arith.constant 0 : i32
      %dma_start3A_36 = tpu.memref_slice %arg6[%add3A_34, %dma_start3A_35] : memref<512x64xf32, #tpu.memory_space<vmem>> -> memref<1x64xf32, #tpu.memory_space<vmem>>
      %dma_start3A_37 = arith.constant 0 : i32
      %dma_start3A_38 = tpu.memref_slice %arg3[%squeeze3A_30, %dma_start3A_37] : memref<100000x64xf32, #tpu.memory_space<hbm>> -> memref<1x64xf32, #tpu.memory_space<hbm>>
      %dma_start3A_39 = arith.constant 0 : i32
      %dma_start3A_40 = tpu.memref_slice %arg6[%add3A_34, %dma_start3A_39] : memref<512x64xf32, #tpu.memory_space<vmem>> -> memref<1x64xf32, #tpu.memory_space<vmem>>
      %dma_start3A_41 = arith.constant 0 : i32
      %dma_start3A_42 = tpu.memref_slice %arg3[%squeeze3A_30, %dma_start3A_41] : memref<100000x64xf32, #tpu.memory_space<hbm>> -> memref<1x64xf32, #tpu.memory_space<hbm>>
      tpu.enqueue_dma source(%dma_start3A_42 : memref<1x64xf32, #tpu.memory_space<hbm>>) target(%dma_start3A_40 : memref<1x64xf32, #tpu.memory_space<vmem>>) target_semaphore(%arg7 : memref<!tpu.dma_semaphore, #tpu.memory_space<semaphore_mem>>)
      %slice3A_43 = vector.extract_strided_slice %get3A_17 {offsets = [2], sizes = [1], strides = [1]} : vector<16xi32> to vector<1xi32>
      %squeeze3A_44 = vector.extract %slice3A_43[0] : i32 from vector<1xi32>
      %mul3A_45 = arith.constant 16 : i32
      %mul3A_46 = arith.muli %scan3A_13, %mul3A_45 : i32
      %add3A_47 = arith.constant 2 : i32
      %add3A_48 = arith.addi %mul3A_46, %add3A_47 : i32
      %dma_start3A_49 = arith.constant 0 : i32
      %dma_start3A_50 = tpu.memref_slice %arg6[%add3A_48, %dma_start3A_49] : memref<512x64xf32, #tpu.memory_space<vmem>> -> memref<1x64xf32, #tpu.memory_space<vmem>>
      %dma_start3A_51 = arith.constant 0 : i32
      %dma_start3A_52 = tpu.memref_slice %arg3[%squeeze3A_44, %dma_start3A_51] : memref<100000x64xf32, #tpu.memory_space<hbm>> -> memref<1x64xf32, #tpu.memory_space<hbm>>
      %dma_start3A_53 = arith.constant 0 : i32
      %dma_start3A_54 = tpu.memref_slice %arg6[%add3A_48, %dma_start3A_53] : memref<512x64xf32, #tpu.memory_space<vmem>> -> memref<1x64xf32, #tpu.memory_space<vmem>>
      %dma_start3A_55 = arith.constant 0 : i32
      %dma_start3A_56 = tpu.memref_slice %arg3[%squeeze3A_44, %dma_start3A_55] : memref<100000x64xf32, #tpu.memory_space<hbm>> -> memref<1x64xf32, #tpu.memory_space<hbm>>
      tpu.enqueue_dma source(%dma_start3A_56 : memref<1x64xf32, #tpu.memory_space<hbm>>) target(%dma_start3A_54 : memref<1x64xf32, #tpu.memory_space<vmem>>) target_semaphore(%arg7 : memref<!tpu.dma_semaphore, #tpu.memory_space<semaphore_mem>>)
      %slice3A_57 = vector.extract_strided_slice %get3A_17 {offsets = [3], sizes = [1], strides = [1]} : vector<16xi32> to vector<1xi32>
      %squeeze3A_58 = vector.extract %slice3A_57[0] : i32 from vector<1xi32>
      %mul3A_59 = arith.constant 16 : i32
      %mul3A_60 = arith.muli %scan3A_13, %mul3A_59 : i32
      %add3A_61 = arith.constant 3 : i32
      %add3A_62 = arith.addi %mul3A_60, %add3A_61 : i32
      %dma_start3A_63 = arith.constant 0 : i32
      %dma_start3A_64 = tpu.memref_slice %arg6[%add3A_62, %dma_start3A_63] : memref<512x64xf32, #tpu.memory_space<vmem>> -> memref<1x64xf32, #tpu.memory_space<vmem>>
      %dma_start3A_65 = arith.constant 0 : i32
      %dma_start3A_66 = tpu.memref_slice %arg3[%squeeze3A_58, %dma_start3A_65] : memref<100000x64xf32, #tpu.memory_space<hbm>> -> memref<1x64xf32, #tpu.memory_space<hbm>>
      %dma_start3A_67 = arith.constant 0 : i32
      %dma_start3A_68 = tpu.memref_slice %arg6[%add3A_62, %dma_start3A_67] : memref<512x64xf32, #tpu.memory_space<vmem>> -> memref<1x64xf32, #tpu.memory_space<vmem>>
      %dma_start3A_69 = arith.constant 0 : i32
      %dma_start3A_70 = tpu.memref_slice %arg3[%squeeze3A_58, %dma_start3A_69] : memref<100000x64xf32, #tpu.memory_space<hbm>> -> memref<1x64xf32, #tpu.memory_space<hbm>>
      tpu.enqueue_dma source(%dma_start3A_70 : memref<1x64xf32, #tpu.memory_space<hbm>>) target(%dma_start3A_68 : memref<1x64xf32, #tpu.memory_space<vmem>>) target_semaphore(%arg7 : memref<!tpu.dma_semaphore, #tpu.memory_space<semaphore_mem>>)
      %slice3A_71 = vector.extract_strided_slice %get3A_17 {offsets = [4], sizes = [1], strides = [1]} : vector<16xi32> to vector<1xi32>
      %squeeze3A_72 = vector.extract %slice3A_71[0] : i32 from vector<1xi32>
      %mul3A_73 = arith.constant 16 : i32
      %mul3A_74 = arith.muli %scan3A_13, %mul3A_73 : i32
      %add3A_75 = arith.constant 4 : i32
      %add3A_76 = arith.addi %mul3A_74, %add3A_75 : i32
      %dma_start3A_77 = arith.constant 0 : i32
      %dma_start3A_78 = tpu.memref_slice %arg6[%add3A_76, %dma_start3A_77] : memref<512x64xf32, #tpu.memory_space<vmem>> -> memref<1x64xf32, #tpu.memory_space<vmem>>
      %dma_start3A_79 = arith.constant 0 : i32
      %dma_start3A_80 = tpu.memref_slice %arg3[%squeeze3A_72, %dma_start3A_79] : memref<100000x64xf32, #tpu.memory_space<hbm>> -> memref<1x64xf32, #tpu.memory_space<hbm>>
      %dma_start3A_81 = arith.constant 0 : i32
      %dma_start3A_82 = tpu.memref_slice %arg6[%add3A_76, %dma_start3A_81] : memref<512x64xf32, #tpu.memory_space<vmem>> -> memref<1x64xf32, #tpu.memory_space<vmem>>
      %dma_start3A_83 = arith.constant 0 : i32
      %dma_start3A_84 = tpu.memref_slice %arg3[%squeeze3A_72, %dma_start3A_83] : memref<100000x64xf32, #tpu.memory_space<hbm>> -> memref<1x64xf32, #tpu.memory_space<hbm>>
      tpu.enqueue_dma source(%dma_start3A_84 : memref<1x64xf32, #tpu.memory_space<hbm>>) target(%dma_start3A_82 : memref<1x64xf32, #tpu.memory_space<vmem>>) target_semaphore(%arg7 : memref<!tpu.dma_semaphore, #tpu.memory_space<semaphore_mem>>)
      %slice3A_85 = vector.extract_strided_slice %get3A_17 {offsets = [5], sizes = [1], strides = [1]} : vector<16xi32> to vector<1xi32>
      %squeeze3A_86 = vector.extract %slice3A_85[0] : i32 from vector<1xi32>
      %mul3A_87 = arith.constant 16 : i32
      %mul3A_88 = arith.muli %scan3A_13, %mul3A_87 : i32
      %add3A_89 = arith.constant 5 : i32
      %add3A_90 = arith.addi %mul3A_88, %add3A_89 : i32
      %dma_start3A_91 = arith.constant 0 : i32
      %dma_start3A_92 = tpu.memref_slice %arg6[%add3A_90, %dma_start3A_91] : memref<512x64xf32, #tpu.memory_space<vmem>> -> memref<1x64xf32, #tpu.memory_space<vmem>>
      %dma_start3A_93 = arith.constant 0 : i32
      %dma_start3A_94 = tpu.memref_slice %arg3[%squeeze3A_86, %dma_start3A_93] : memref<100000x64xf32, #tpu.memory_space<hbm>> -> memref<1x64xf32, #tpu.memory_space<hbm>>
      %dma_start3A_95 = arith.constant 0 : i32
      %dma_start3A_96 = tpu.memref_slice %arg6[%add3A_90, %dma_start3A_95] : memref<512x64xf32, #tpu.memory_space<vmem>> -> memref<1x64xf32, #tpu.memory_space<vmem>>
      %dma_start3A_97 = arith.constant 0 : i32
      %dma_start3A_98 = tpu.memref_slice %arg3[%squeeze3A_86, %dma_start3A_97] : memref<100000x64xf32, #tpu.memory_space<hbm>> -> memref<1x64xf32, #tpu.memory_space<hbm>>
      tpu.enqueue_dma source(%dma_start3A_98 : memref<1x64xf32, #tpu.memory_space<hbm>>) target(%dma_start3A_96 : memref<1x64xf32, #tpu.memory_space<vmem>>) target_semaphore(%arg7 : memref<!tpu.dma_semaphore, #tpu.memory_space<semaphore_mem>>)
      %slice3A_99 = vector.extract_strided_slice %get3A_17 {offsets = [6], sizes = [1], strides = [1]} : vector<16xi32> to vector<1xi32>
      %squeeze3A_100 = vector.extract %slice3A_99[0] : i32 from vector<1xi32>
      %mul3A_101 = arith.constant 16 : i32
      %mul3A_102 = arith.muli %scan3A_13, %mul3A_101 : i32
      %add3A_103 = arith.constant 6 : i32
      %add3A_104 = arith.addi %mul3A_102, %add3A_103 : i32
      %dma_start3A_105 = arith.constant 0 : i32
      %dma_start3A_106 = tpu.memref_slice %arg6[%add3A_104, %dma_start3A_105] : memref<512x64xf32, #tpu.memory_space<vmem>> -> memref<1x64xf32, #tpu.memory_space<vmem>>
      %dma_start3A_107 = arith.constant 0 : i32
      %dma_start3A_108 = tpu.memref_slice %arg3[%squeeze3A_100, %dma_start3A_107] : memref<100000x64xf32, #tpu.memory_space<hbm>> -> memref<1x64xf32, #tpu.memory_space<hbm>>
      %dma_start3A_109 = arith.constant 0 : i32
      %dma_start3A_110 = tpu.memref_slice %arg6[%add3A_104, %dma_start3A_109] : memref<512x64xf32, #tpu.memory_space<vmem>> -> memref<1x64xf32, #tpu.memory_space<vmem>>
      %dma_start3A_111 = arith.constant 0 : i32
      %dma_start3A_112 = tpu.memref_slice %arg3[%squeeze3A_100, %dma_start3A_111] : memref<100000x64xf32, #tpu.memory_space<hbm>> -> memref<1x64xf32, #tpu.memory_space<hbm>>
      tpu.enqueue_dma source(%dma_start3A_112 : memref<1x64xf32, #tpu.memory_space<hbm>>) target(%dma_start3A_110 : memref<1x64xf32, #tpu.memory_space<vmem>>) target_semaphore(%arg7 : memref<!tpu.dma_semaphore, #tpu.memory_space<semaphore_mem>>)
      %slice3A_113 = vector.extract_strided_slice %get3A_17 {offsets = [7], sizes = [1], strides = [1]} : vector<16xi32> to vector<1xi32>
      %squeeze3A_114 = vector.extract %slice3A_113[0] : i32 from vector<1xi32>
      %mul3A_115 = arith.constant 16 : i32
      %mul3A_116 = arith.muli %scan3A_13, %mul3A_115 : i32
      %add3A_117 = arith.constant 7 : i32
      %add3A_118 = arith.addi %mul3A_116, %add3A_117 : i32
      %dma_start3A_119 = arith.constant 0 : i32
      %dma_start3A_120 = tpu.memref_slice %arg6[%add3A_118, %dma_start3A_119] : memref<512x64xf32, #tpu.memory_space<vmem>> -> memref<1x64xf32, #tpu.memory_space<vmem>>
      %dma_start3A_121 = arith.constant 0 : i32
      %dma_start3A_122 = tpu.memref_slice %arg3[%squeeze3A_114, %dma_start3A_121] : memref<100000x64xf32, #tpu.memory_space<hbm>> -> memref<1x64xf32, #tpu.memory_space<hbm>>
      %dma_start3A_123 = arith.constant 0 : i32
      %dma_start3A_124 = tpu.memref_slice %arg6[%add3A_118, %dma_start3A_123] : memref<512x64xf32, #tpu.memory_space<vmem>> -> memref<1x64xf32, #tpu.memory_space<vmem>>
      %dma_start3A_125 = arith.constant 0 : i32
      %dma_start3A_126 = tpu.memref_slice %arg3[%squeeze3A_114, %dma_start3A_125] : memref<100000x64xf32, #tpu.memory_space<hbm>> -> memref<1x64xf32, #tpu.memory_space<hbm>>
      tpu.enqueue_dma source(%dma_start3A_126 : memref<1x64xf32, #tpu.memory_space<hbm>>) target(%dma_start3A_124 : memref<1x64xf32, #tpu.memory_space<vmem>>) target_semaphore(%arg7 : memref<!tpu.dma_semaphore, #tpu.memory_space<semaphore_mem>>)
      %slice3A_127 = vector.extract_strided_slice %get3A_17 {offsets = [8], sizes = [1], strides = [1]} : vector<16xi32> to vector<1xi32>
      %squeeze3A_128 = vector.extract %slice3A_127[0] : i32 from vector<1xi32>
      %mul3A_129 = arith.constant 16 : i32
      %mul3A_130 = arith.muli %scan3A_13, %mul3A_129 : i32
      %add3A_131 = arith.constant 8 : i32
      %add3A_132 = arith.addi %mul3A_130, %add3A_131 : i32
      %dma_start3A_133 = arith.constant 0 : i32
      %dma_start3A_134 = tpu.memref_slice %arg6[%add3A_132, %dma_start3A_133] : memref<512x64xf32, #tpu.memory_space<vmem>> -> memref<1x64xf32, #tpu.memory_space<vmem>>
      %dma_start3A_135 = arith.constant 0 : i32
      %dma_start3A_136 = tpu.memref_slice %arg3[%squeeze3A_128, %dma_start3A_135] : memref<100000x64xf32, #tpu.memory_space<hbm>> -> memref<1x64xf32, #tpu.memory_space<hbm>>
      %dma_start3A_137 = arith.constant 0 : i32
      %dma_start3A_138 = tpu.memref_slice %arg6[%add3A_132, %dma_start3A_137] : memref<512x64xf32, #tpu.memory_space<vmem>> -> memref<1x64xf32, #tpu.memory_space<vmem>>
      %dma_start3A_139 = arith.constant 0 : i32
      %dma_start3A_140 = tpu.memref_slice %arg3[%squeeze3A_128, %dma_start3A_139] : memref<100000x64xf32, #tpu.memory_space<hbm>> -> memref<1x64xf32, #tpu.memory_space<hbm>>
      tpu.enqueue_dma source(%dma_start3A_140 : memref<1x64xf32, #tpu.memory_space<hbm>>) target(%dma_start3A_138 : memref<1x64xf32, #tpu.memory_space<vmem>>) target_semaphore(%arg7 : memref<!tpu.dma_semaphore, #tpu.memory_space<semaphore_mem>>)
      %slice3A_141 = vector.extract_strided_slice %get3A_17 {offsets = [9], sizes = [1], strides = [1]} : vector<16xi32> to vector<1xi32>
      %squeeze3A_142 = vector.extract %slice3A_141[0] : i32 from vector<1xi32>
      %mul3A_143 = arith.constant 16 : i32
      %mul3A_144 = arith.muli %scan3A_13, %mul3A_143 : i32
      %add3A_145 = arith.constant 9 : i32
      %add3A_146 = arith.addi %mul3A_144, %add3A_145 : i32
      %dma_start3A_147 = arith.constant 0 : i32
      %dma_start3A_148 = tpu.memref_slice %arg6[%add3A_146, %dma_start3A_147] : memref<512x64xf32, #tpu.memory_space<vmem>> -> memref<1x64xf32, #tpu.memory_space<vmem>>
      %dma_start3A_149 = arith.constant 0 : i32
      %dma_start3A_150 = tpu.memref_slice %arg3[%squeeze3A_142, %dma_start3A_149] : memref<100000x64xf32, #tpu.memory_space<hbm>> -> memref<1x64xf32, #tpu.memory_space<hbm>>
      %dma_start3A_151 = arith.constant 0 : i32
      %dma_start3A_152 = tpu.memref_slice %arg6[%add3A_146, %dma_start3A_151] : memref<512x64xf32, #tpu.memory_space<vmem>> -> memref<1x64xf32, #tpu.memory_space<vmem>>
      %dma_start3A_153 = arith.constant 0 : i32
      %dma_start3A_154 = tpu.memref_slice %arg3[%squeeze3A_142, %dma_start3A_153] : memref<100000x64xf32, #tpu.memory_space<hbm>> -> memref<1x64xf32, #tpu.memory_space<hbm>>
      tpu.enqueue_dma source(%dma_start3A_154 : memref<1x64xf32, #tpu.memory_space<hbm>>) target(%dma_start3A_152 : memref<1x64xf32, #tpu.memory_space<vmem>>) target_semaphore(%arg7 : memref<!tpu.dma_semaphore, #tpu.memory_space<semaphore_mem>>)
      %slice3A_155 = vector.extract_strided_slice %get3A_17 {offsets = [10], sizes = [1], strides = [1]} : vector<16xi32> to vector<1xi32>
      %squeeze3A_156 = vector.extract %slice3A_155[0] : i32 from vector<1xi32>
      %mul3A_157 = arith.constant 16 : i32
      %mul3A_158 = arith.muli %scan3A_13, %mul3A_157 : i32
      %add3A_159 = arith.constant 10 : i32
      %add3A_160 = arith.addi %mul3A_158, %add3A_159 : i32
      %dma_start3A_161 = arith.constant 0 : i32
      %dma_start3A_162 = tpu.memref_slice %arg6[%add3A_160, %dma_start3A_161] : memref<512x64xf32, #tpu.memory_space<vmem>> -> memref<1x64xf32, #tpu.memory_space<vmem>>
      %dma_start3A_163 = arith.constant 0 : i32
      %dma_start3A_164 = tpu.memref_slice %arg3[%squeeze3A_156, %dma_start3A_163] : memref<100000x64xf32, #tpu.memory_space<hbm>> -> memref<1x64xf32, #tpu.memory_space<hbm>>
      %dma_start3A_165 = arith.constant 0 : i32
      %dma_start3A_166 = tpu.memref_slice %arg6[%add3A_160, %dma_start3A_165] : memref<512x64xf32, #tpu.memory_space<vmem>> -> memref<1x64xf32, #tpu.memory_space<vmem>>
      %dma_start3A_167 = arith.constant 0 : i32
      %dma_start3A_168 = tpu.memref_slice %arg3[%squeeze3A_156, %dma_start3A_167] : memref<100000x64xf32, #tpu.memory_space<hbm>> -> memref<1x64xf32, #tpu.memory_space<hbm>>
      tpu.enqueue_dma source(%dma_start3A_168 : memref<1x64xf32, #tpu.memory_space<hbm>>) target(%dma_start3A_166 : memref<1x64xf32, #tpu.memory_space<vmem>>) target_semaphore(%arg7 : memref<!tpu.dma_semaphore, #tpu.memory_space<semaphore_mem>>)
      %slice3A_169 = vector.extract_strided_slice %get3A_17 {offsets = [11], sizes = [1], strides = [1]} : vector<16xi32> to vector<1xi32>
      %squeeze3A_170 = vector.extract %slice3A_169[0] : i32 from vector<1xi32>
      %mul3A_171 = arith.constant 16 : i32
      %mul3A_172 = arith.muli %scan3A_13, %mul3A_171 : i32
      %add3A_173 = arith.constant 11 : i32
      %add3A_174 = arith.addi %mul3A_172, %add3A_173 : i32
      %dma_start3A_175 = arith.constant 0 : i32
      %dma_start3A_176 = tpu.memref_slice %arg6[%add3A_174, %dma_start3A_175] : memref<512x64xf32, #tpu.memory_space<vmem>> -> memref<1x64xf32, #tpu.memory_space<vmem>>
      %dma_start3A_177 = arith.constant 0 : i32
      %dma_start3A_178 = tpu.memref_slice %arg3[%squeeze3A_170, %dma_start3A_177] : memref<100000x64xf32, #tpu.memory_space<hbm>> -> memref<1x64xf32, #tpu.memory_space<hbm>>
      %dma_start3A_179 = arith.constant 0 : i32
      %dma_start3A_180 = tpu.memref_slice %arg6[%add3A_174, %dma_start3A_179] : memref<512x64xf32, #tpu.memory_space<vmem>> -> memref<1x64xf32, #tpu.memory_space<vmem>>
      %dma_start3A_181 = arith.constant 0 : i32
      %dma_start3A_182 = tpu.memref_slice %arg3[%squeeze3A_170, %dma_start3A_181] : memref<100000x64xf32, #tpu.memory_space<hbm>> -> memref<1x64xf32, #tpu.memory_space<hbm>>
      tpu.enqueue_dma source(%dma_start3A_182 : memref<1x64xf32, #tpu.memory_space<hbm>>) target(%dma_start3A_180 : memref<1x64xf32, #tpu.memory_space<vmem>>) target_semaphore(%arg7 : memref<!tpu.dma_semaphore, #tpu.memory_space<semaphore_mem>>)
      %slice3A_183 = vector.extract_strided_slice %get3A_17 {offsets = [12], sizes = [1], strides = [1]} : vector<16xi32> to vector<1xi32>
      %squeeze3A_184 = vector.extract %slice3A_183[0] : i32 from vector<1xi32>
      %mul3A_185 = arith.constant 16 : i32
      %mul3A_186 = arith.muli %scan3A_13, %mul3A_185 : i32
      %add3A_187 = arith.constant 12 : i32
      %add3A_188 = arith.addi %mul3A_186, %add3A_187 : i32
      %dma_start3A_189 = arith.constant 0 : i32
      %dma_start3A_190 = tpu.memref_slice %arg6[%add3A_188, %dma_start3A_189] : memref<512x64xf32, #tpu.memory_space<vmem>> -> memref<1x64xf32, #tpu.memory_space<vmem>>
      %dma_start3A_191 = arith.constant 0 : i32
      %dma_start3A_192 = tpu.memref_slice %arg3[%squeeze3A_184, %dma_start3A_191] : memref<100000x64xf32, #tpu.memory_space<hbm>> -> memref<1x64xf32, #tpu.memory_space<hbm>>
      %dma_start3A_193 = arith.constant 0 : i32
      %dma_start3A_194 = tpu.memref_slice %arg6[%add3A_188, %dma_start3A_193] : memref<512x64xf32, #tpu.memory_space<vmem>> -> memref<1x64xf32, #tpu.memory_space<vmem>>
      %dma_start3A_195 = arith.constant 0 : i32
      %dma_start3A_196 = tpu.memref_slice %arg3[%squeeze3A_184, %dma_start3A_195] : memref<100000x64xf32, #tpu.memory_space<hbm>> -> memref<1x64xf32, #tpu.memory_space<hbm>>
      tpu.enqueue_dma source(%dma_start3A_196 : memref<1x64xf32, #tpu.memory_space<hbm>>) target(%dma_start3A_194 : memref<1x64xf32, #tpu.memory_space<vmem>>) target_semaphore(%arg7 : memref<!tpu.dma_semaphore, #tpu.memory_space<semaphore_mem>>)
      %slice3A_197 = vector.extract_strided_slice %get3A_17 {offsets = [13], sizes = [1], strides = [1]} : vector<16xi32> to vector<1xi32>
      %squeeze3A_198 = vector.extract %slice3A_197[0] : i32 from vector<1xi32>
      %mul3A_199 = arith.constant 16 : i32
      %mul3A_200 = arith.muli %scan3A_13, %mul3A_199 : i32
      %add3A_201 = arith.constant 13 : i32
      %add3A_202 = arith.addi %mul3A_200, %add3A_201 : i32
      %dma_start3A_203 = arith.constant 0 : i32
      %dma_start3A_204 = tpu.memref_slice %arg6[%add3A_202, %dma_start3A_203] : memref<512x64xf32, #tpu.memory_space<vmem>> -> memref<1x64xf32, #tpu.memory_space<vmem>>
      %dma_start3A_205 = arith.constant 0 : i32
      %dma_start3A_206 = tpu.memref_slice %arg3[%squeeze3A_198, %dma_start3A_205] : memref<100000x64xf32, #tpu.memory_space<hbm>> -> memref<1x64xf32, #tpu.memory_space<hbm>>
      %dma_start3A_207 = arith.constant 0 : i32
      %dma_start3A_208 = tpu.memref_slice %arg6[%add3A_202, %dma_start3A_207] : memref<512x64xf32, #tpu.memory_space<vmem>> -> memref<1x64xf32, #tpu.memory_space<vmem>>
      %dma_start3A_209 = arith.constant 0 : i32
      %dma_start3A_210 = tpu.memref_slice %arg3[%squeeze3A_198, %dma_start3A_209] : memref<100000x64xf32, #tpu.memory_space<hbm>> -> memref<1x64xf32, #tpu.memory_space<hbm>>
      tpu.enqueue_dma source(%dma_start3A_210 : memref<1x64xf32, #tpu.memory_space<hbm>>) target(%dma_start3A_208 : memref<1x64xf32, #tpu.memory_space<vmem>>) target_semaphore(%arg7 : memref<!tpu.dma_semaphore, #tpu.memory_space<semaphore_mem>>)
      %slice3A_211 = vector.extract_strided_slice %get3A_17 {offsets = [14], sizes = [1], strides = [1]} : vector<16xi32> to vector<1xi32>
      %squeeze3A_212 = vector.extract %slice3A_211[0] : i32 from vector<1xi32>
      %mul3A_213 = arith.constant 16 : i32
      %mul3A_214 = arith.muli %scan3A_13, %mul3A_213 : i32
      %add3A_215 = arith.constant 14 : i32
      %add3A_216 = arith.addi %mul3A_214, %add3A_215 : i32
      %dma_start3A_217 = arith.constant 0 : i32
      %dma_start3A_218 = tpu.memref_slice %arg6[%add3A_216, %dma_start3A_217] : memref<512x64xf32, #tpu.memory_space<vmem>> -> memref<1x64xf32, #tpu.memory_space<vmem>>
      %dma_start3A_219 = arith.constant 0 : i32
      %dma_start3A_220 = tpu.memref_slice %arg3[%squeeze3A_212, %dma_start3A_219] : memref<100000x64xf32, #tpu.memory_space<hbm>> -> memref<1x64xf32, #tpu.memory_space<hbm>>
      %dma_start3A_221 = arith.constant 0 : i32
      %dma_start3A_222 = tpu.memref_slice %arg6[%add3A_216, %dma_start3A_221] : memref<512x64xf32, #tpu.memory_space<vmem>> -> memref<1x64xf32, #tpu.memory_space<vmem>>
      %dma_start3A_223 = arith.constant 0 : i32
      %dma_start3A_224 = tpu.memref_slice %arg3[%squeeze3A_212, %dma_start3A_223] : memref<100000x64xf32, #tpu.memory_space<hbm>> -> memref<1x64xf32, #tpu.memory_space<hbm>>
      tpu.enqueue_dma source(%dma_start3A_224 : memref<1x64xf32, #tpu.memory_space<hbm>>) target(%dma_start3A_222 : memref<1x64xf32, #tpu.memory_space<vmem>>) target_semaphore(%arg7 : memref<!tpu.dma_semaphore, #tpu.memory_space<semaphore_mem>>)
      %slice3A_225 = vector.extract_strided_slice %get3A_17 {offsets = [15], sizes = [1], strides = [1]} : vector<16xi32> to vector<1xi32>
      %squeeze3A_226 = vector.extract %slice3A_225[0] : i32 from vector<1xi32>
      %mul3A_227 = arith.constant 16 : i32
      %mul3A_228 = arith.muli %scan3A_13, %mul3A_227 : i32
      %add3A_229 = arith.constant 15 : i32
      %add3A_230 = arith.addi %mul3A_228, %add3A_229 : i32
      %dma_start3A_231 = arith.constant 0 : i32
      %dma_start3A_232 = tpu.memref_slice %arg6[%add3A_230, %dma_start3A_231] : memref<512x64xf32, #tpu.memory_space<vmem>> -> memref<1x64xf32, #tpu.memory_space<vmem>>
      %dma_start3A_233 = arith.constant 0 : i32
      %dma_start3A_234 = tpu.memref_slice %arg3[%squeeze3A_226, %dma_start3A_233] : memref<100000x64xf32, #tpu.memory_space<hbm>> -> memref<1x64xf32, #tpu.memory_space<hbm>>
      %dma_start3A_235 = arith.constant 0 : i32
      %dma_start3A_236 = tpu.memref_slice %arg6[%add3A_230, %dma_start3A_235] : memref<512x64xf32, #tpu.memory_space<vmem>> -> memref<1x64xf32, #tpu.memory_space<vmem>>
      %dma_start3A_237 = arith.constant 0 : i32
      %dma_start3A_238 = tpu.memref_slice %arg3[%squeeze3A_226, %dma_start3A_237] : memref<100000x64xf32, #tpu.memory_space<hbm>> -> memref<1x64xf32, #tpu.memory_space<hbm>>
      tpu.enqueue_dma source(%dma_start3A_238 : memref<1x64xf32, #tpu.memory_space<hbm>>) target(%dma_start3A_236 : memref<1x64xf32, #tpu.memory_space<vmem>>) target_semaphore(%arg7 : memref<!tpu.dma_semaphore, #tpu.memory_space<semaphore_mem>>)
    }
    %scan3A_7 = arith.constant 32 : i32
    %dma_wait3A = arith.constant 0 : i32
    %dma_wait3A_8 = arith.constant 0 : i32
    %dma_wait3A_9 = tpu.memref_slice %arg3[%dma_wait3A, %dma_wait3A_8] : memref<100000x64xf32, #tpu.memory_space<hbm>> -> memref<512x64xf32, #tpu.memory_space<hbm>>
    %dma_wait3A_10 = arith.constant 0 : i32
    %dma_wait3A_11 = arith.constant 0 : i32
    %dma_wait3A_12 = tpu.memref_slice %arg3[%dma_wait3A_10, %dma_wait3A_11] : memref<100000x64xf32, #tpu.memory_space<hbm>> -> memref<512x64xf32, #tpu.memory_space<hbm>>
    tpu.wait_dma2 semaphore(%arg7 : memref<!tpu.dma_semaphore, #tpu.memory_space<semaphore_mem>>) src(%dma_wait3A_12 : memref<512x64xf32, #tpu.memory_space<hbm>>) dst(%arg6 : memref<512x64xf32, #tpu.memory_space<vmem>>)
    "tpu.region"() ({
      %run_scoped3A = tpu.sem_alloc : memref<!tpu.dma_semaphore, #tpu.memory_space<semaphore_mem>>
      %dma_start3A = arith.constant 0 : i32
      %dma_start3A_13 = tpu.memref_slice %arg4[%mul3A_2, %dma_start3A] : memref<16384x64xf32, #tpu.memory_space<hbm>> -> memref<512x64xf32, #tpu.memory_space<hbm>>
      %dma_start3A_14 = arith.constant 0 : i32
      %dma_start3A_15 = tpu.memref_slice %arg4[%mul3A_2, %dma_start3A_14] : memref<16384x64xf32, #tpu.memory_space<hbm>> -> memref<512x64xf32, #tpu.memory_space<hbm>>
      tpu.enqueue_dma source(%arg6 : memref<512x64xf32, #tpu.memory_space<vmem>>) target(%dma_start3A_15 : memref<512x64xf32, #tpu.memory_space<hbm>>) target_semaphore(%run_scoped3A : memref<!tpu.dma_semaphore, #tpu.memory_space<semaphore_mem>>)
      %dma_wait3A_16 = arith.constant 0 : i32
      %dma_wait3A_17 = tpu.memref_slice %arg4[%mul3A_2, %dma_wait3A_16] : memref<16384x64xf32, #tpu.memory_space<hbm>> -> memref<512x64xf32, #tpu.memory_space<hbm>>
      %dma_wait3A_18 = arith.constant 0 : i32
      %dma_wait3A_19 = tpu.memref_slice %arg4[%mul3A_2, %dma_wait3A_18] : memref<16384x64xf32, #tpu.memory_space<hbm>> -> memref<512x64xf32, #tpu.memory_space<hbm>>
      tpu.wait_dma2 semaphore(%run_scoped3A : memref<!tpu.dma_semaphore, #tpu.memory_space<semaphore_mem>>) src(%arg6 : memref<512x64xf32, #tpu.memory_space<vmem>>) dst(%dma_wait3A_19 : memref<512x64xf32, #tpu.memory_space<hbm>>)
      tpu.yield
    }) : () -> ()
    return
  }
}

</mosaic_0001>

<sc_bundles>
// kernel: vbpr_sc_feat.3.cloned.1.call-start
scs
__scs_entry_jumppad:
0x0: {  	(pc) =	sbr.rel $0x88, $3  }
0x1: {  	(tag) =	ssettag $0x0;
	lr =	simm.s32 $0x1  }
0x2: {  	[smem:$0x3F9B] =	sst lr;
	_ =	strace $0xD0000000  }
0x3: {  	_ = 	snop  }
0x4: {  	_ = 	snop  }
0x5: {  	_ = 	snop  }
0x6: {  	_ = 	snop  }
0x7: {  	_ = 	snop  }
__scs_overlays_trampoline_lowered:
0x8: {  	[smem:$0x3FAA] =	sst s0  }
0x9: {  	[smem:$0x3FAB] =	sst s1  }
0xa: {  	[smem:$0x3FAC] =	sst s2  }
0xb: {  	[smem:$0x3FAD] =	sst s3  }
0xc: {  	[smem:$0x3FAE] =	sst s4  }
0xd: {  	[smem:$0x3FAF] =	sst s5  }
0xe: {  	[smem:$0x3FB0] =	sst s6  }
0xf: {  	[smem:$0x3FB1] =	sst s7  }
0x10: {  	[smem:$0x3FB2] =	sst s8  }
0x11: {  	[smem:$0x3FB3] =	sst s9;
	s0 =	simm.s32 @!p0 $0x0  }
0x12: {  	s1 =	sld [smem:$0x3F99];
	s0 =	simm.s32 @p0 $0x1  }
0x13: {  	[smem:$0x3FB4] =	sst s0;
	s0 =	simm.s32 @!p1 $0x0  }
0x14: {  	s2 =	sld [smem:$0x3F98];
	s0 =	simm.s32 @p1 $0x1  }
0x15: {  	[smem:$0x3FB5] =	sst s0;
	s0 =	simm.s32 @!p2 $0x0  }
0x16: {  	s3 =	sld [smem:$0x3FDB];
	s0 =	simm.s32 @p2 $0x1  }
0x17: {  	s4 =	simm.s32 $0x1BF5;
	[smem:$0x3FB7] =	sst s0  }
0x18: {  	s0 =	sld [smem:$0x3F9A];
	_ =	swait.ge [sflag:s4], $0x0  }
0x19: {  	s7 =	sld [smem:$0x3F9B]  }
0x1a: {  	s8 =	sadd.s32 $0xFFFFE003, lr  }
0x1b: {  	s9 =	sadd.s32 $0xFFFFFEF7, lr;
	s5 =	simm.s32 $0xFFFFFFFF;
	p2 =	slt.u32 s8, $0xFFFFF086  }
0x1c: {  	p1 =	slt.u32 s9, $0xF7A;
	s5 =	simm.s32 @!p2 $0x0  }
0x1d: {  	s5 =	simm.s32 @p1 $0x1;
	p0 =	seq.s32 s7, s2  }
0x1e: {  	s7 =	smul.u32 @!p0 $0xF7A, s2;
	p2 =	seq.s32 @!p0 s5, $0x0  }
0x1f: {  	s9 =	smul.u32 $0xF7A, s1;
	s8 =	simm.s32 @!p0 $0x1BF5;
	p2 =	por !p2, p0  }
0x20: {  	[sflag:s8] =	ssyncset.s32 @!p0 $0xFFFFF086;
	s6 =	sadd.s32 @!p0 s3, s7;
	s7 =	simm.s32 @!p0 $0x108  }
0x21: {  	s3 =	sadd.s32 s3, s9;
	s6 =	sadd.s32 @!p0 $0x88, s6;
	s7 =	simm.s32 @p2 $0x1082  }
0x22: {  	[simem:s7], [sflag:s8] =	dma.local @!p0 [hbm:s6], $0xF7A  }
0x23: {  	s9 =	sor.u32 $0xD0000000, s2;
	s6 =	simm.s32 $0x108;
	_ =	swait.ge @!p0 [sflag:s8], $0x0  }
0x24: {  	s3 =	sadd.s32 $0x88, s3;
	s6 =	simm.s32 @!p1 $0x1082;
	[sflag:s4] =	ssyncset.s32 $0xFFFFF086  }
0x25: {  	[simem:s6], [sflag:s4] =	dma.local [hbm:s3], $0xF7A  }
0x26: {  	[smem:$0x3F9B] =	sst s1;
	(tag) =	ssettag s2;
	_ =	strace s9  }
0x27: {  	s1 =	sld [smem:$0x3FAB]  }
0x28: {  	s2 =	sld [smem:$0x3FAC]  }
0x29: {  	s4 =	sld [smem:$0x3FAE]  }
0x2a: {  	p0 =	seq.s32 s5, $0x0;
	s5 =	sld [smem:$0x3FAF]  }
0x2b: {  	s6 =	sld [smem:$0x3FB0]  }
0x2c: {  	s7 =	sld [smem:$0x3FB1]  }
0x2d: {  	s3 =	simm.s32 $0x108;
	s8 =	sld [smem:$0x3FB2]  }
0x2e: {  	s3 =	simm.s32 @!p0 $0x1082;
	s9 =	sld [smem:$0x3FB3]  }
0x2f: {  	lr =	sadd.s32 s0, s3;
	s0 =	sld [smem:$0x3FAA]  }
0x30: {  	s3 =	sld [smem:$0x3FAD]  }
0x31: {  	[smem:$0x3FB6] =	sst s10  }
0x32: {  	s10 =	sld [smem:$0x3FB4];
	_ =	sdelay $0x3  }
0x33: {  	p0 =	seq.s32 s10, $0x1;
	s10 =	sld [smem:$0x3FB6];
	_ =	sdelay $0x3  }
0x34: {  	[smem:$0x3FB6] =	sst s10  }
0x35: {  	s10 =	sld [smem:$0x3FB5];
	_ =	sdelay $0x3  }
0x36: {  	p1 =	seq.s32 s10, $0x1;
	s10 =	sld [smem:$0x3FB6];
	_ =	sdelay $0x3  }
0x37: {  	[smem:$0x3FB6] =	sst s10  }
0x38: {  	s10 =	sld [smem:$0x3FB7]  }
0x39: {  	_ = 	snop;
	(pc) =	sbr.ind lr, $3  }
0x3a: {  	_ = 	snop  }
0x3b: {  	_ = 	snop  }
0x3c: {  	p2 =	seq.s32 s10, $0x1;
	s10 =	sld [smem:$0x3FB6]  }
0x3d: {  	_ =	shalt  }
0x3e: {  	_ =	shalt  }
0x3f: {  	_ =	shalt  }
0x40: {  	_ =	shalt  }
0x41: {  	_ =	shalt  }
0x42: {  	_ =	shalt  }
0x43: {  	_ =	shalt  }
0x44: {  	_ =	shalt  }
0x45: {  	_ =	shalt  }
0x46: {  	_ =	shalt  }
0x47: {  	_ =	shalt  }
0x48: {  	_ =	shalt  }
0x49: {  	_ =	shalt  }
0x4a: {  	_ =	shalt  }
0x4b: {  	_ =	shalt  }
0x4c: {  	_ =	shalt  }
0x4d: {  	_ =	shalt  }
0x4e: {  	_ =	shalt  }
0x4f: {  	_ =	shalt  }
0x50: {  	_ =	shalt  }
0x51: {  	_ =	shalt  }
0x52: {  	_ =	shalt  }
0x53: {  	_ =	shalt  }
0x54: {  	_ =	shalt  }
0x55: {  	_ =	shalt  }
0x56: {  	_ =	shalt  }
0x57: {  	_ =	shalt  }
0x58: {  	_ =	shalt  }
0x59: {  	_ =	shalt  }
0x5a: {  	_ =	shalt  }
0x5b: {  	_ =	shalt  }
0x5c: {  	_ =	shalt  }
0x5d: {  	_ =	shalt  }
0x5e: {  	_ =	shalt  }
0x5f: {  	_ =	shalt  }
0x60: {  	_ =	shalt  }
0x61: {  	_ =	shalt  }
0x62: {  	_ =	shalt  }
0x63: {  	_ =	shalt  }
0x64: {  	_ =	shalt  }
0x65: {  	_ =	shalt  }
0x66: {  	_ =	shalt  }
0x67: {  	_ =	shalt  }
0x68: {  	_ =	shalt  }
0x69: {  	_ =	shalt  }
0x6a: {  	_ =	shalt  }
0x6b: {  	_ =	shalt  }
0x6c: {  	_ =	shalt  }
0x6d: {  	_ =	shalt  }
0x6e: {  	_ =	shalt  }
0x6f: {  	_ =	shalt  }
0x70: {  	_ =	shalt  }
0x71: {  	_ =	shalt  }
0x72: {  	_ =	shalt  }
0x73: {  	_ =	shalt  }
0x74: {  	_ =	shalt  }
0x75: {  	_ =	shalt  }
0x76: {  	_ =	shalt  }
0x77: {  	_ =	shalt  }
0x78: {  	_ =	shalt  }
0x79: {  	_ =	shalt  }
0x7a: {  	_ =	shalt  }
0x7b: {  	_ =	shalt  }
0x7c: {  	_ =	shalt  }
0x7d: {  	_ =	shalt  }
0x7e: {  	_ =	shalt  }
0x7f: {  	_ =	shalt  }
0x80: {  	_ =	shalt  }
0x81: {  	_ =	shalt  }
0x82: {  	_ =	shalt  }
0x83: {  	_ =	shalt  }
0x84: {  	_ =	shalt  }
0x85: {  	_ =	shalt  }
0x86: {  	_ =	shalt  }
0x87: {  	_ =	shalt  }
.Lfunc_end0:
.L_simem_size_0:
called_computation_lowered:
.L_overlay_start_0:
0x88: {  	s2 =	sld [smem:$0x3FD9]  }
0x89: {  	s3 =	sld [smem:$0x3FFE];
	_ =	sdelay $0x1  }
0x8a: {  	s1 =	srdreg.scid  }
0x8b: {  	s0 =	sand.u32 $0x1, s1  }
0x8c: {  	s15 =	sshll.u32 s0, $0xA;
	s2 =	sadd.s32 s3, s2  }
0x8d: {  	s2 =	sadd.s32 s2, s15  }
0x8e: {  	[smem:$0x3FC2] =	sst s2  }
0x8f: {  	_ = 	snop  }
0x90: {  	s2 =	sld [smem:$0x3FD0]  }
0x91: {  	s16 =	sld [smem:$0x3FC8]  }
0x92: {  	s4 =	sld [smem:$0x3FC7]  }
0x93: {  	s6 =	simm.s32 $0xC;
	s7 =	simm.s32 $0x10;
	s5 =	sld [smem:$0x3FC4]  }
0x94: {  	[smem:s7], [sflag:s6] =	dma.local [hbm:s2], $0x1  }
0x95: {  	_ =	swait.eq [sflag:s6], $0x1  }
0x96: {  	[sflag:s6] =	ssyncset.done $0x0  }
0x97: {  	s17 =	sld [smem:$0x13];
	[sflag:s6] =	ssyncadd.s32 $0xFFFFFFFF  }
0x98: {  	s18 =	sld [smem:$0x14];
	(tm) =	ssettm $0x1  }
0x99: {  	s19 =	sld [smem:$0x3FFB];
	_ =	sdelay $0x3  }
0x9a: {  	_ =	strace s19  }
0x9b: {  	s7 =	sld [smem:$0x3FFC];
	_ =	sdelay $0x3  }
0x9c: {  	_ =	strace s7  }
0x9d: {  	s7 =	sld [smem:$0x3FFD];
	_ =	sdelay $0x3  }
0x9e: {  	_ =	strace s7  }
0x9f: {  	_ =	strace $0x8FFFFFFF  }
0xa0: {  	s20 =	sld [smem:$0x3FDB];
	_ =	sdelay $0x1  }
0xa1: {  	s8 =	simm.s32 $_scs_section_size  }
0xa2: {  	s9 =	simm.s32 $_size__tile_overlayer_lowered;
	s10 =	simm.s32 $_tile_overlayer_lowered  }
0xa3: {  	s23 =	simm.s32 $0x1BFF;
	s22 =	sshll.u32 s10, $0x1;
	s7 =	sadd.s32 s8, s20  }
0xa4: {  	s11 =	simm.s32 $0x0;
	s21 =	sshll.u32 s9, $0x1;
	s9 =	sadd.s32 s22, s7  }
0xa5: {  	[timem:s11], [sflag:s23] =	dma.local [hbm:s9], s21  }
0xa6: {  	_ =	swait.ge [sflag:s23], s21  }
0xa7: {  	s8 =	ssub.s32 $0x0, s21;
	[sflag:s23] =	ssyncset.done $0x0  }
0xa8: {  	[sflag:s23] =	ssyncadd.s32 s8;
	_ =	sdelay $0x1  }
0xa9: {  	s24 =	simm.s32 $0x1B8B  }
0xaa: {  	_ =	swait.ge [sflag:s24], $0x1  }
0xab: {  	[sflag:s24] =	ssyncset.done $0x0  }
0xac: {  	s25 =	simm.s32 $0x1B8E;
	[sflag:s24] =	ssyncadd.s32 $0xFFFFFFFF  }
0xad: {  	s26 =	simm.s32 $execute0_lowered;
	[smem:$0x3FD2] =	sst s25  }
0xae: {  	s8 =	sshll.u32 s26, $0x1;
	_ =	strace $0x80000046;
	[dreg:$0x1] =	wrdreg $0xFFFFFFFF  }
0xaf: {  	s28 =	simm.s32 $_size_execute0_lowered;
	s7 =	sadd.s32 s7, s8;
	[dreg:$0x0] =	wrdreg $0x0  }
0xb0: {  	s8 =	sshll.u32 s28, $0x1;
	[dreg:$0x2] =	wrdreg s7  }
0xb1: {  	[dreg:$0x3] =	wrdreg s8  }
0xb2: {  	[dreg:$0x4] =	wrdreg $0xC0  }
0xb3: {  	_ =	task [dreg:s11], $0x5FFFF  }
0xb4: {  	[dreg:$0x1] =	wrdreg $0xFFFFFFFF  }
0xb5: {  	[dreg:$0x0] =	wrdreg $0x60  }
0xb6: {  	[dreg:$0x2] =	wrdreg s16  }
0xb7: {  	[dreg:$0x3] =	wrdreg s4  }
0xb8: {  	[dreg:$0x4] =	wrdreg s5  }
0xb9: {  	[dreg:$0x5] =	wrdreg s17  }
0xba: {  	[dreg:$0x6] =	wrdreg s18  }
0xbb: {  	[dreg:$0x7] =	wrdreg $0x9  }
0xbc: {  	_ =	task.clear_ibuf [dreg:s11], $0x8FFFF;
	_ =	strace $0x90000046  }
0xbd: {  	s29 =	simm.s32 $0x9;
	_ =	strace $0x80000048  }
0xbe: {  	_ =	swait.ge [sflag:s29], $0x1  }
0xbf: {  	[sflag:s29] =	ssyncadd.s32 $0xFFFFFFFF  }
0xc0: {  	_ =	strace $0x90000048  }
0xc1: {  	_ =	sfence  }
0xc2: {  	s30 =	sld [smem:$0x0];
	_ =	sdelay $0x2  }
0xc3: {  	s31 =	sshll.u32 s1, $0xD;
	s1 =	sshrl.u32 s1, $0x2  }
0xc4: {  	s3 =	sand.u32 $0x4000, s31;
	s1 =	sadd.s32 s1, s30  }
0xc5: {  	s0 =	sor.u32 s3, s0;
	s1 =	sshll.u32 s1, $0x11  }
0xc6: {  	s0 =	sor.u32 s1, s0  }
0xc7: {  	s0 =	sadd.s32 $0x8F2B, s0  }
0xc8: {  	[sflag:s0] =	ssyncadd.remote.s32 $0x1  }
0xc9: {  	_ =	sfence.sel $0xFFFF  }
0xca: {  	[dreg:$0x0] =	wrdreg $0xFFFFFFFF;
	(pc) =	sbr.abs _section_cstart, $3  }
0xcb: {  	[dreg:$0x1] =	wrdreg $0xFFFFFFFF  }
0xcc: {  	_ =	task.clear_ibuf [dreg:s11], $0x2FFFF;
	_ =	strace $0x9FFFFFFF  }
0xcd: {  	(tm) =	ssettm $0x7FFFFFFF  }
tec
execute0_lowered:
.L_overlay_start_1:
0x0: {  	(tag) =	ssettag $0x1  }
0x1: {  	s0 =	rddreg [dreg:$0x0];
	s3 =	srdreg.scid  }
0x2: {  	s2 =	rddreg [dreg:$0x1];
	s7 =	stileid.u32;
	s5 =	sand.u32 $0x1, s3  }
0x3: {  	s1 =	rddreg [dreg:$0x2];
	s7 =	sshll.u32 s7, $0xA;
	s8 =	sshll.u32 s5, $0x9  }
0x4: {  	s4 =	rddreg [dreg:$0x3];
	s3 =	simm.s32 $0x0;
	s7 =	sor.u32 s8, s7  }
0x5: {  	[smem:$0x7FF] =	sst s3;
	s8 =	sshrl.u32 s7, $0x3  }
0x6: {  	s6 =	rddreg [dreg:$0x4];
	_ =	strace $0x80000047;
	s0 =	sadd.s32 s0, s8  }
0x7: {  	s28 =	sshll.u32 s7, $0x6;
	s26 =	sadd.s32 s2, s8;
	[dreg:$0x6] =	wrdreg s0  }
0x8: {  	s29 =	sadd.s32 s4, s28;
	[dreg:$0x7] =	wrdreg s26  }
0x9: {  	s7 =	sor.u32 $0x1000, s28;
	s20 =	sadd.s32 s6, s28;
	[dreg:$0x8] =	wrdreg s29  }
0xa: {  	s31 =	sor.u32 $0x2000, s28;
	s30 =	sadd.s32 s4, s7;
	[dreg:$0x10] =	wrdreg s20  }
0xb: {  	s9 =	sor.u32 $0x3000, s28;
	s14 =	sadd.s32 s4, s31;
	[dreg:$0x9] =	wrdreg s30  }
0xc: {  	s10 =	sor.u32 $0x4000, s28;
	s15 =	sadd.s32 s4, s9;
	[dreg:$0xa] =	wrdreg s14  }
0xd: {  	s11 =	sor.u32 $0x5000, s28;
	s16 =	sadd.s32 s4, s10;
	[dreg:$0xb] =	wrdreg s15  }
0xe: {  	s12 =	sor.u32 $0x6000, s28;
	s17 =	sadd.s32 s4, s11;
	[dreg:$0xc] =	wrdreg s16  }
0xf: {  	s13 =	sor.u32 $0x7000, s28;
	s18 =	sadd.s32 s4, s12;
	[dreg:$0xd] =	wrdreg s17  }
0x10: {  	s19 =	sadd.s32 s4, s13;
	[dreg:$0xe] =	wrdreg s18  }
0x11: {  	s21 =	sadd.s32 s6, s7;
	[dreg:$0xf] =	wrdreg s19  }
0x12: {  	s22 =	sadd.s32 s6, s31;
	[dreg:$0x11] =	wrdreg s21  }
0x13: {  	s25 =	ssub.s32 $0x2, s5;
	s23 =	sadd.s32 s6, s9;
	[dreg:$0x12] =	wrdreg s22  }
0x14: {  	s28 =	sshrl.u32 s25, $0x1;
	s24 =	sadd.s32 s6, s10;
	[dreg:$0x13] =	wrdreg s23  }
0x15: {  	s26 =	sadd.s32 s6, s11;
	s29 =	sadd.s32 s6, s12;
	[dreg:$0x14] =	wrdreg s24  }
0x16: {  	s2 =	ssub.s32 s25, s28;
	s4 =	sadd.s32 $0x100, s1;
	[dreg:$0x15] =	wrdreg s26  }
0x17: {  	s31 =	simm.s32 $0x200;
	s7 =	simm.s32 $0x400;
	[dreg:$0x16] =	wrdreg s29  }
0x18: {  	v2 =	vlaneseq.u32;
	s30 =	sadd.s32 s6, s13;
	s2 =	smax.u32 s2, $0x1;
	[dreg:$0x18] =	wrdreg s31  }
0x19: {  	vm0 =	vmmov $0xffff;
	v1 =	vshrl.u32 v2, $0x3;
	s23 =	simm.s32 $0x1;
	s24 =	simm.s32 $0x8400;
	s14 =	simm.s32 $0x2  }
0x1a: {  	v0 =	vand.u32 $0x7, v2;
	v2 =	vor.u32 $0x8, v2;
	v1 =	vmul.u32 $0x8, v1;
	s15 =	simm.s32 $0x3;
	s16 =	simm.s32 $0x4;
	[dreg:$0x17] =	wrdreg s30  }
.LBB2_1:
0x1b: {  	[dreg:$0x19] =	wrdreg s2  }
0x1c: {  	s17 =	rddreg [dreg:$0x6];
	s19 =	simm.s32 $0x5  }
0x1d: {  	[tilespmem:s3], [sflag:$0x5] =	stream.linear.gather [hbm4b:s17+s3], $0x200, $0x38;
	[tilespmem:$0x10400] =	vst v63  }
0x1e: {  	_ =	swait.ge [sflag:s19], $0x200  }
0x1f: {  	s26 =	rddreg [dreg:$0x7];
	[sflag:s19] =	ssyncset.done $0x0  }
0x20: {  	s18 =	rddreg [dreg:$0x18];
	[sflag:s19] =	ssyncadd.s32 $0xFFFFFE00  }
0x21: {  	[tilespmem:s18], [sflag:$0x5] =	stream.linear.gather [hbm4b:s26+s3], $0x200, $0x38;
	[tilespmem:$0x10400] =	vst v63  }
0x22: {  	_ =	swait.ge [sflag:s19], $0x200  }
0x23: {  	[sflag:s19] =	ssyncset.done $0x0  }
0x24: {  	[sflag:s19] =	ssyncadd.s32 $0xFFFFFE00  }
0x25: {  	v3 =	vld [tilespmem:$0x0];
	_ =	sdelay $0x4  }
0x26: {  	v4 =	vshll.u32 v3, $0x2  }
0x27: {  	v3 =	vand.u32 $0x7, v3;
	v4 =	vand.u32 $0xFFFFFFE0, v4  }
0x28: {  	v3 =	vor.u32 v3, v4  }
0x29: {  	v4 =	vperm.xlane v3, v0;
	_ =	sdelay $0x1  }
0x2a: {  	v4 =	vadd.s32 v1, v4;
	_ =	sdelay $0x1  }
0x2b: {  	v3 =	vperm.xlane v3, v2;
	_ =	sdelay $0x1  }
0x2c: {  	v3 =	vadd.s32 v1, v3  }
0x2d: {  	[tilespmem:s7], [sflag:$0x1] =	stream.indirect_vreg.gather [hbm4b:s1+s3], $0x80, v4, vm0, $0xb8;
	[tilespmem:$0x10400] =	vst v63  }
0x2e: {  	s0 =	simm.s32 $0xC00  }
0x2f: {  	[tilespmem:s0], [sflag:$0x1] =	stream.indirect_vreg.gather [hbm4b:s4+s3], $0x80, v4, vm0, $0xb8;
	[tilespmem:$0x10400] =	vst v63  }
0x30: {  	s28 =	simm.s32 $0x1400  }
0x31: {  	[tilespmem:s28], [sflag:$0x1] =	stream.indirect_vreg.gather [hbm4b:s1+s3], $0x80, v3, vm0, $0xb8;
	[tilespmem:$0x10400] =	vst v63  }
0x32: {  	s29 =	simm.s32 $0x1C00  }
0x33: {  	[tilespmem:s29], [sflag:$0x1] =	stream.indirect_vreg.gather [hbm4b:s4+s3], $0x80, v3, vm0, $0xb8;
	[tilespmem:$0x10400] =	vst v63  }
0x34: {  	v3 =	vld [tilespmem:$0x10];
	_ =	sdelay $0x4  }
0x35: {  	v57 =	vshll.u32 v3, $0x2  }
0x36: {  	v3 =	vand.u32 $0x7, v3;
	v4 =	vand.u32 $0xFFFFFFE0, v57  }
0x37: {  	v3 =	vor.u32 v3, v4  }
0x38: {  	v4 =	vperm.xlane v3, v0;
	_ =	sdelay $0x1  }
0x39: {  	v4 =	vadd.s32 v1, v4;
	_ =	sdelay $0x1  }
0x3a: {  	v3 =	vperm.xlane v3, v2;
	_ =	sdelay $0x1  }
0x3b: {  	s30 =	simm.s32 $0x2400;
	v3 =	vadd.s32 v1, v3  }
0x3c: {  	[tilespmem:s30], [sflag:$0x1] =	stream.indirect_vreg.gather [hbm4b:s1+s3], $0x80, v4, vm0, $0xb8;
	[tilespmem:$0x10400] =	vst v63  }
0x3d: {  	s31 =	simm.s32 $0x2C00  }
0x3e: {  	[tilespmem:s31], [sflag:$0x1] =	stream.indirect_vreg.gather [hbm4b:s4+s3], $0x80, v4, vm0, $0xb8;
	[tilespmem:$0x10400] =	vst v63  }
0x3f: {  	s2 =	simm.s32 $0x3400  }
0x40: {  	[tilespmem:s2], [sflag:$0x1] =	stream.indirect_vreg.gather [hbm4b:s1+s3], $0x80, v3, vm0, $0xb8;
	[tilespmem:$0x10400] =	vst v63  }
0x41: {  	s5 =	simm.s32 $0x3C00  }
0x42: {  	[tilespmem:s5], [sflag:$0x1] =	stream.indirect_vreg.gather [hbm4b:s4+s3], $0x80, v3, vm0, $0xb8;
	[tilespmem:$0x10400] =	vst v63  }
0x43: {  	v3 =	vld [tilespmem:$0x20];
	_ =	sdelay $0x4  }
0x44: {  	v58 =	vshll.u32 v3, $0x2  }
0x45: {  	v3 =	vand.u32 $0x7, v3;
	v4 =	vand.u32 $0xFFFFFFE0, v58  }
0x46: {  	v3 =	vor.u32 v3, v4  }
0x47: {  	v4 =	vperm.xlane v3, v0;
	_ =	sdelay $0x1  }
0x48: {  	v4 =	vadd.s32 v1, v4;
	_ =	sdelay $0x1  }
0x49: {  	v3 =	vperm.xlane v3, v2;
	_ =	sdelay $0x1  }
0x4a: {  	s6 =	simm.s32 $0x4400;
	v3 =	vadd.s32 v1, v3  }
0x4b: {  	[tilespmem:s6], [sflag:$0x1] =	stream.indirect_vreg.gather [hbm4b:s1+s3], $0x80, v4, vm0, $0xb8;
	[tilespmem:$0x10400] =	vst v63  }
0x4c: {  	s8 =	simm.s32 $0x4C00  }
0x4d: {  	[tilespmem:s8], [sflag:$0x1] =	stream.indirect_vreg.gather [hbm4b:s4+s3], $0x80, v4, vm0, $0xb8;
	[tilespmem:$0x10400] =	vst v63  }
0x4e: {  	s9 =	simm.s32 $0x5400  }
0x4f: {  	[tilespmem:s9], [sflag:$0x1] =	stream.indirect_vreg.gather [hbm4b:s1+s3], $0x80, v3, vm0, $0xb8;
	[tilespmem:$0x10400] =	vst v63  }
0x50: {  	s10 =	simm.s32 $0x5C00  }
0x51: {  	[tilespmem:s10], [sflag:$0x1] =	stream.indirect_vreg.gather [hbm4b:s4+s3], $0x80, v3, vm0, $0xb8;
	[tilespmem:$0x10400] =	vst v63  }
0x52: {  	v3 =	vld [tilespmem:$0x30];
	_ =	sdelay $0x4  }
0x53: {  	v59 =	vshll.u32 v3, $0x2  }
0x54: {  	v3 =	vand.u32 $0x7, v3;
	v4 =	vand.u32 $0xFFFFFFE0, v59  }
0x55: {  	v3 =	vor.u32 v3, v4  }
0x56: {  	v4 =	vperm.xlane v3, v0;
	_ =	sdelay $0x1  }
0x57: {  	v4 =	vadd.s32 v1, v4;
	_ =	sdelay $0x1  }
0x58: {  	v3 =	vperm.xlane v3, v2;
	_ =	sdelay $0x1  }
0x59: {  	s13 =	simm.s32 $0x6400;
	v3 =	vadd.s32 v1, v3  }
0x5a: {  	[tilespmem:s13], [sflag:$0x1] =	stream.indirect_vreg.gather [hbm4b:s1+s3], $0x80, v4, vm0, $0xb8;
	[tilespmem:$0x10400] =	vst v63  }
0x5b: {  	s17 =	simm.s32 $0x6C00  }
0x5c: {  	[tilespmem:s17], [sflag:$0x1] =	stream.indirect_vreg.gather [hbm4b:s4+s3], $0x80, v4, vm0, $0xb8;
	[tilespmem:$0x10400] =	vst v63  }
0x5d: {  	s18 =	simm.s32 $0x7400  }
0x5e: {  	[tilespmem:s18], [sflag:$0x1] =	stream.indirect_vreg.gather [hbm4b:s1+s3], $0x80, v3, vm0, $0xb8;
	[tilespmem:$0x10400] =	vst v63  }
0x5f: {  	s19 =	simm.s32 $0x7C00  }
0x60: {  	[tilespmem:s19], [sflag:$0x1] =	stream.indirect_vreg.gather [hbm4b:s4+s3], $0x80, v3, vm0, $0xb8;
	[tilespmem:$0x10400] =	vst v63  }
0x61: {  	_ =	swait.ge [sflag:s23], $0x8000  }
0x62: {  	[sflag:s23] =	ssyncset.done $0x0  }
0x63: {  	s20 =	rddreg [dreg:$0x8];
	[sflag:s23] =	ssyncadd.s32 $0xFFFF8000  }
0x64: {  	[hbm4b:s20+s3] =	stream.linear.scatter [tilespmem:s7], [sflag:$0x3], $0x8000, $0x38;
	[tilespmem:$0x10400] =	vst v63  }
0x65: {  	v3 =	vld [tilespmem:$0x40];
	_ =	sdelay $0x4  }
0x66: {  	v60 =	vshll.u32 v3, $0x2  }
0x67: {  	v3 =	vand.u32 $0x7, v3;
	v4 =	vand.u32 $0xFFFFFFE0, v60  }
0x68: {  	v3 =	vor.u32 v3, v4  }
0x69: {  	v4 =	vperm.xlane v3, v0;
	_ =	sdelay $0x1  }
0x6a: {  	v4 =	vadd.s32 v1, v4;
	_ =	sdelay $0x1  }
0x6b: {  	v3 =	vperm.xlane v3, v2;
	_ =	sdelay $0x1  }
0x6c: {  	v3 =	vadd.s32 v1, v3  }
0x6d: {  	[tilespmem:s24], [sflag:$0x2] =	stream.indirect_vreg.gather [hbm4b:s1+s3], $0x80, v4, vm0, $0xb8;
	[tilespmem:$0x10400] =	vst v63  }
0x6e: {  	s21 =	simm.s32 $0x8C00  }
0x6f: {  	[tilespmem:s21], [sflag:$0x2] =	stream.indirect_vreg.gather [hbm4b:s4+s3], $0x80, v4, vm0, $0xb8;
	[tilespmem:$0x10400] =	vst v63  }
0x70: {  	s22 =	simm.s32 $0x9400  }
0x71: {  	[tilespmem:s22], [sflag:$0x2] =	stream.indirect_vreg.gather [hbm4b:s1+s3], $0x80, v3, vm0, $0xb8;
	[tilespmem:$0x10400] =	vst v63  }
0x72: {  	s2 =	simm.s32 $0x9C00  }
0x73: {  	[tilespmem:s2], [sflag:$0x2] =	stream.indirect_vreg.gather [hbm4b:s4+s3], $0x80, v3, vm0, $0xb8;
	[tilespmem:$0x10400] =	vst v63  }
0x74: {  	v3 =	vld [tilespmem:$0x50];
	_ =	sdelay $0x4  }
0x75: {  	v61 =	vshll.u32 v3, $0x2  }
0x76: {  	v3 =	vand.u32 $0x7, v3;
	v4 =	vand.u32 $0xFFFFFFE0, v61  }
0x77: {  	v3 =	vor.u32 v3, v4  }
0x78: {  	v4 =	vperm.xlane v3, v0;
	_ =	sdelay $0x1  }
0x79: {  	v4 =	vadd.s32 v1, v4;
	_ =	sdelay $0x1  }
0x7a: {  	v3 =	vperm.xlane v3, v2;
	_ =	sdelay $0x1  }
0x7b: {  	s5 =	simm.s32 $0xA400;
	v3 =	vadd.s32 v1, v3  }
0x7c: {  	[tilespmem:s5], [sflag:$0x2] =	stream.indirect_vreg.gather [hbm4b:s1+s3], $0x80, v4, vm0, $0xb8;
	[tilespmem:$0x10400] =	vst v63  }
0x7d: {  	s6 =	simm.s32 $0xAC00  }
0x7e: {  	[tilespmem:s6], [sflag:$0x2] =	stream.indirect_vreg.gather [hbm4b:s4+s3], $0x80, v4, vm0, $0xb8;
	[tilespmem:$0x10400] =	vst v63  }
0x7f: {  	s8 =	simm.s32 $0xB400  }
0x80: {  	[tilespmem:s8], [sflag:$0x2] =	stream.indirect_vreg.gather [hbm4b:s1+s3], $0x80, v3, vm0, $0xb8;
	[tilespmem:$0x10400] =	vst v63  }
0x81: {  	s9 =	simm.s32 $0xBC00  }
0x82: {  	[tilespmem:s9], [sflag:$0x2] =	stream.indirect_vreg.gather [hbm4b:s4+s3], $0x80, v3, vm0, $0xb8;
	[tilespmem:$0x10400] =	vst v63  }
0x83: {  	v3 =	vld [tilespmem:$0x60];
	_ =	sdelay $0x4  }
0x84: {  	v62 =	vshll.u32 v3, $0x2  }
0x85: {  	v3 =	vand.u32 $0x7, v3;
	v4 =	vand.u32 $0xFFFFFFE0, v62  }
0x86: {  	v3 =	vor.u32 v3, v4  }
0x87: {  	v4 =	vperm.xlane v3, v0;
	_ =	sdelay $0x1  }
0x88: {  	v4 =	vadd.s32 v1, v4;
	_ =	sdelay $0x1  }
0x89: {  	v3 =	vperm.xlane v3, v2;
	_ =	sdelay $0x1  }
0x8a: {  	s10 =	simm.s32 $0xC400;
	v3 =	vadd.s32 v1, v3  }
0x8b: {  	[tilespmem:s10], [sflag:$0x2] =	stream.indirect_vreg.gather [hbm4b:s1+s3], $0x80, v4, vm0, $0xb8;
	[tilespmem:$0x10400] =	vst v63  }
0x8c: {  	s21 =	simm.s32 $0xCC00  }
0x8d: {  	[tilespmem:s21], [sflag:$0x2] =	stream.indirect_vreg.gather [hbm4b:s4+s3], $0x80, v4, vm0, $0xb8;
	[tilespmem:$0x10400] =	vst v63  }
0x8e: {  	s22 =	simm.s32 $0xD400  }
0x8f: {  	[tilespmem:s22], [sflag:$0x2] =	stream.indirect_vreg.gather [hbm4b:s1+s3], $0x80, v3, vm0, $0xb8;
	[tilespmem:$0x10400] =	vst v63  }
0x90: {  	s0 =	simm.s32 $0xDC00  }
0x91: {  	[tilespmem:s0], [sflag:$0x2] =	stream.indirect_vreg.gather [hbm4b:s4+s3], $0x80, v3, vm0, $0xb8;
	[tilespmem:$0x10400] =	vst v63  }
0x92: {  	v3 =	vld [tilespmem:$0x70];
	_ =	sdelay $0x4  }
0x93: {  	v63 =	vshll.u32 v3, $0x2  }
0x94: {  	v3 =	vand.u32 $0x7, v3;
	v4 =	vand.u32 $0xFFFFFFE0, v63  }
0x95: {  	v3 =	vor.u32 v3, v4  }
0x96: {  	v4 =	vperm.xlane v3, v0;
	_ =	sdelay $0x1  }
0x97: {  	v4 =	vadd.s32 v1, v4;
	_ =	sdelay $0x1  }
0x98: {  	v3 =	vperm.xlane v3, v2;
	_ =	sdelay $0x1  }
0x99: {  	s8 =	simm.s32 $0xE400;
	v3 =	vadd.s32 v1, v3  }
0x9a: {  	[tilespmem:s8], [sflag:$0x2] =	stream.indirect_vreg.gather [hbm4b:s1+s3], $0x80, v4, vm0, $0xb8;
	[tilespmem:$0x10400] =	vst v63  }
0x9b: {  	s9 =	simm.s32 $0xEC00  }
0x9c: {  	[tilespmem:s9], [sflag:$0x2] =	stream.indirect_vreg.gather [hbm4b:s4+s3], $0x80, v4, vm0, $0xb8;
	[tilespmem:$0x10400] =	vst v63  }
0x9d: {  	s10 =	simm.s32 $0xF400  }
0x9e: {  	[tilespmem:s10], [sflag:$0x2] =	stream.indirect_vreg.gather [hbm4b:s1+s3], $0x80, v3, vm0, $0xb8;
	[tilespmem:$0x10400] =	vst v63  }
0x9f: {  	s22 =	simm.s32 $0xFC00  }
0xa0: {  	[tilespmem:s22], [sflag:$0x2] =	stream.indirect_vreg.gather [hbm4b:s4+s3], $0x80, v3, vm0, $0xb8;
	[tilespmem:$0x10400] =	vst v63  }
0xa1: {  	_ =	swait.ge [sflag:s14], $0x8000  }
0xa2: {  	[sflag:s14] =	ssyncset.done $0x0  }
0xa3: {  	s0 =	rddreg [dreg:$0x9];
	[sflag:s14] =	ssyncadd.s32 $0xFFFF8000  }
0xa4: {  	[hbm4b:s0+s3] =	stream.linear.scatter [tilespmem:s24], [sflag:$0x4], $0x8000, $0x38;
	[tilespmem:$0x10400] =	vst v63  }
0xa5: {  	_ =	swait.ge [sflag:s15], $0x8000  }
0xa6: {  	[sflag:s15] =	ssyncset.done $0x0  }
0xa7: {  	[sflag:s15] =	ssyncadd.s32 $0xFFFF8000  }
0xa8: {  	v3 =	vld [tilespmem:$0x80];
	_ =	sdelay $0x4  }
0xa9: {  	v8 =	vshll.u32 v3, $0x2  }
0xaa: {  	v3 =	vand.u32 $0x7, v3;
	v4 =	vand.u32 $0xFFFFFFE0, v8  }
0xab: {  	v3 =	vor.u32 v3, v4  }
0xac: {  	v4 =	vperm.xlane v3, v0;
	_ =	sdelay $0x1  }
0xad: {  	v4 =	vadd.s32 v1, v4;
	_ =	sdelay $0x1  }
0xae: {  	v3 =	vperm.xlane v3, v2;
	_ =	sdelay $0x1  }
0xaf: {  	v3 =	vadd.s32 v1, v3  }
0xb0: {  	[tilespmem:s7], [sflag:$0x1] =	stream.indirect_vreg.gather [hbm4b:s1+s3], $0x80, v4, vm0, $0xb8;
	[tilespmem:$0x10400] =	vst v63  }
0xb1: {  	s11 =	simm.s32 $0xC00  }
0xb2: {  	[tilespmem:s11], [sflag:$0x1] =	stream.indirect_vreg.gather [hbm4b:s4+s3], $0x80, v4, vm0, $0xb8;
	[tilespmem:$0x10400] =	vst v63  }
0xb3: {  	s26 =	simm.s32 $0x1400  }
0xb4: {  	[tilespmem:s26], [sflag:$0x1] =	stream.indirect_vreg.gather [hbm4b:s1+s3], $0x80, v3, vm0, $0xb8;
	[tilespmem:$0x10400] =	vst v63  }
0xb5: {  	s25 =	simm.s32 $0x1C00  }
0xb6: {  	[tilespmem:s25], [sflag:$0x1] =	stream.indirect_vreg.gather [hbm4b:s4+s3], $0x80, v3, vm0, $0xb8;
	[tilespmem:$0x10400] =	vst v63  }
0xb7: {  	v3 =	vld [tilespmem:$0x90];
	_ =	sdelay $0x4  }
0xb8: {  	v9 =	vshll.u32 v3, $0x2  }
0xb9: {  	v3 =	vand.u32 $0x7, v3;
	v4 =	vand.u32 $0xFFFFFFE0, v9  }
0xba: {  	v3 =	vor.u32 v3, v4  }
0xbb: {  	v4 =	vperm.xlane v3, v0;
	_ =	sdelay $0x1  }
0xbc: {  	v4 =	vadd.s32 v1, v4;
	_ =	sdelay $0x1  }
0xbd: {  	v3 =	vperm.xlane v3, v2;
	_ =	sdelay $0x1  }
0xbe: {  	s12 =	simm.s32 $0x2400;
	v3 =	vadd.s32 v1, v3  }
0xbf: {  	[tilespmem:s12], [sflag:$0x1] =	stream.indirect_vreg.gather [hbm4b:s1+s3], $0x80, v4, vm0, $0xb8;
	[tilespmem:$0x10400] =	vst v63  }
0xc0: {  	s25 =	simm.s32 $0x2C00  }
0xc1: {  	[tilespmem:s25], [sflag:$0x1] =	stream.indirect_vreg.gather [hbm4b:s4+s3], $0x80, v4, vm0, $0xb8;
	[tilespmem:$0x10400] =	vst v63  }
0xc2: {  	s26 =	simm.s32 $0x3400  }
0xc3: {  	[tilespmem:s26], [sflag:$0x1] =	stream.indirect_vreg.gather [hbm4b:s1+s3], $0x80, v3, vm0, $0xb8;
	[tilespmem:$0x10400] =	vst v63  }
0xc4: {  	s31 =	simm.s32 $0x3C00  }
0xc5: {  	[tilespmem:s31], [sflag:$0x1] =	stream.indirect_vreg.gather [hbm4b:s4+s3], $0x80, v3, vm0, $0xb8;
	[tilespmem:$0x10400] =	vst v63  }
0xc6: {  	v3 =	vld [tilespmem:$0xA0];
	_ =	sdelay $0x4  }
0xc7: {  	v10 =	vshll.u32 v3, $0x2  }
0xc8: {  	v3 =	vand.u32 $0x7, v3;
	v4 =	vand.u32 $0xFFFFFFE0, v10  }
0xc9: {  	v3 =	vor.u32 v3, v4  }
0xca: {  	v4 =	vperm.xlane v3, v0;
	_ =	sdelay $0x1  }
0xcb: {  	v4 =	vadd.s32 v1, v4;
	_ =	sdelay $0x1  }
0xcc: {  	v3 =	vperm.xlane v3, v2;
	_ =	sdelay $0x1  }
0xcd: {  	s28 =	simm.s32 $0x4400;
	v3 =	vadd.s32 v1, v3  }
0xce: {  	[tilespmem:s28], [sflag:$0x1] =	stream.indirect_vreg.gather [hbm4b:s1+s3], $0x80, v4, vm0, $0xb8;
	[tilespmem:$0x10400] =	vst v63  }
0xcf: {  	s29 =	simm.s32 $0x4C00  }
0xd0: {  	[tilespmem:s29], [sflag:$0x1] =	stream.indirect_vreg.gather [hbm4b:s4+s3], $0x80, v4, vm0, $0xb8;
	[tilespmem:$0x10400] =	vst v63  }
0xd1: {  	s30 =	simm.s32 $0x5400  }
0xd2: {  	[tilespmem:s30], [sflag:$0x1] =	stream.indirect_vreg.gather [hbm4b:s1+s3], $0x80, v3, vm0, $0xb8;
	[tilespmem:$0x10400] =	vst v63  }
0xd3: {  	s0 =	simm.s32 $0x5C00  }
0xd4: {  	[tilespmem:s0], [sflag:$0x1] =	stream.indirect_vreg.gather [hbm4b:s4+s3], $0x80, v3, vm0, $0xb8;
	[tilespmem:$0x10400] =	vst v63  }
0xd5: {  	v3 =	vld [tilespmem:$0xB0];
	_ =	sdelay $0x4  }
0xd6: {  	v11 =	vshll.u32 v3, $0x2  }
0xd7: {  	v3 =	vand.u32 $0x7, v3;
	v4 =	vand.u32 $0xFFFFFFE0, v11  }
0xd8: {  	v3 =	vor.u32 v3, v4  }
0xd9: {  	v4 =	vperm.xlane v3, v0;
	_ =	sdelay $0x1  }
0xda: {  	v4 =	vadd.s32 v1, v4;
	_ =	sdelay $0x1  }
0xdb: {  	v3 =	vperm.xlane v3, v2;
	_ =	sdelay $0x1  }
0xdc: {  	s28 =	simm.s32 $0x6400;
	v3 =	vadd.s32 v1, v3  }
0xdd: {  	[tilespmem:s28], [sflag:$0x1] =	stream.indirect_vreg.gather [hbm4b:s1+s3], $0x80, v4, vm0, $0xb8;
	[tilespmem:$0x10400] =	vst v63  }
0xde: {  	s29 =	simm.s32 $0x6C00  }
0xdf: {  	[tilespmem:s29], [sflag:$0x1] =	stream.indirect_vreg.gather [hbm4b:s4+s3], $0x80, v4, vm0, $0xb8;
	[tilespmem:$0x10400] =	vst v63  }
0xe0: {  	s30 =	simm.s32 $0x7400  }
0xe1: {  	[tilespmem:s30], [sflag:$0x1] =	stream.indirect_vreg.gather [hbm4b:s1+s3], $0x80, v3, vm0, $0xb8;
	[tilespmem:$0x10400] =	vst v63  }
0xe2: {  	s31 =	simm.s32 $0x7C00  }
0xe3: {  	[tilespmem:s31], [sflag:$0x1] =	stream.indirect_vreg.gather [hbm4b:s4+s3], $0x80, v3, vm0, $0xb8;
	[tilespmem:$0x10400] =	vst v63  }
0xe4: {  	_ =	swait.ge [sflag:s23], $0x8000  }
0xe5: {  	[sflag:s23] =	ssyncset.done $0x0  }
0xe6: {  	s12 =	rddreg [dreg:$0xa];
	[sflag:s23] =	ssyncadd.s32 $0xFFFF8000  }
0xe7: {  	[hbm4b:s12+s3] =	stream.linear.scatter [tilespmem:s7], [sflag:$0x3], $0x8000, $0x38;
	[tilespmem:$0x10400] =	vst v63  }
0xe8: {  	_ =	swait.ge [sflag:s16], $0x8000  }
0xe9: {  	[sflag:s16] =	ssyncset.done $0x0  }
0xea: {  	[sflag:s16] =	ssyncadd.s32 $0xFFFF8000  }
0xeb: {  	v3 =	vld [tilespmem:$0xC0];
	_ =	sdelay $0x4  }
0xec: {  	v12 =	vshll.u32 v3, $0x2  }
0xed: {  	v3 =	vand.u32 $0x7, v3;
	v4 =	vand.u32 $0xFFFFFFE0, v12  }
0xee: {  	v3 =	vor.u32 v3, v4  }
0xef: {  	v4 =	vperm.xlane v3, v0;
	_ =	sdelay $0x1  }
0xf0: {  	v4 =	vadd.s32 v1, v4;
	_ =	sdelay $0x1  }
0xf1: {  	v3 =	vperm.xlane v3, v2;
	_ =	sdelay $0x1  }
0xf2: {  	v3 =	vadd.s32 v1, v3  }
0xf3: {  	[tilespmem:s24], [sflag:$0x2] =	stream.indirect_vreg.gather [hbm4b:s1+s3], $0x80, v4, vm0, $0xb8;
	[tilespmem:$0x10400] =	vst v63  }
0xf4: {  	s11 =	simm.s32 $0x8C00  }
0xf5: {  	[tilespmem:s11], [sflag:$0x2] =	stream.indirect_vreg.gather [hbm4b:s4+s3], $0x80, v4, vm0, $0xb8;
	[tilespmem:$0x10400] =	vst v63  }
0xf6: {  	s12 =	simm.s32 $0x9400  }
0xf7: {  	[tilespmem:s12], [sflag:$0x2] =	stream.indirect_vreg.gather [hbm4b:s1+s3], $0x80, v3, vm0, $0xb8;
	[tilespmem:$0x10400] =	vst v63  }
0xf8: {  	s13 =	simm.s32 $0x9C00  }
0xf9: {  	[tilespmem:s13], [sflag:$0x2] =	stream.indirect_vreg.gather [hbm4b:s4+s3], $0x80, v3, vm0, $0xb8;
	[tilespmem:$0x10400] =	vst v63  }
0xfa: {  	v3 =	vld [tilespmem:$0xD0];
	_ =	sdelay $0x4  }
0xfb: {  	v13 =	vshll.u32 v3, $0x2  }
0xfc: {  	v3 =	vand.u32 $0x7, v3;
	v4 =	vand.u32 $0xFFFFFFE0, v13  }
0xfd: {  	v3 =	vor.u32 v3, v4  }
0xfe: {  	v4 =	vperm.xlane v3, v0;
	_ =	sdelay $0x1  }
0xff: {  	v4 =	vadd.s32 v1, v4;
	_ =	sdelay $0x1  }
0x100: {  	v3 =	vperm.xlane v3, v2;
	_ =	sdelay $0x1  }
0x101: {  	s13 =	simm.s32 $0xA400;
	v3 =	vadd.s32 v1, v3  }
0x102: {  	[tilespmem:s13], [sflag:$0x2] =	stream.indirect_vreg.gather [hbm4b:s1+s3], $0x80, v4, vm0, $0xb8;
	[tilespmem:$0x10400] =	vst v63  }
0x103: {  	s18 =	simm.s32 $0xAC00  }
0x104: {  	[tilespmem:s18], [sflag:$0x2] =	stream.indirect_vreg.gather [hbm4b:s4+s3], $0x80, v4, vm0, $0xb8;
	[tilespmem:$0x10400] =	vst v63  }
0x105: {  	s19 =	simm.s32 $0xB400  }
0x106: {  	[tilespmem:s19], [sflag:$0x2] =	stream.indirect_vreg.gather [hbm4b:s1+s3], $0x80, v3, vm0, $0xb8;
	[tilespmem:$0x10400] =	vst v63  }
0x107: {  	s20 =	simm.s32 $0xBC00  }
0x108: {  	[tilespmem:s20], [sflag:$0x2] =	stream.indirect_vreg.gather [hbm4b:s4+s3], $0x80, v3, vm0, $0xb8;
	[tilespmem:$0x10400] =	vst v63  }
0x109: {  	v3 =	vld [tilespmem:$0xE0];
	_ =	sdelay $0x4  }
0x10a: {  	v14 =	vshll.u32 v3, $0x2  }
0x10b: {  	v3 =	vand.u32 $0x7, v3;
	v4 =	vand.u32 $0xFFFFFFE0, v14  }
0x10c: {  	v3 =	vor.u32 v3, v4  }
0x10d: {  	v4 =	vperm.xlane v3, v0;
	_ =	sdelay $0x1  }
0x10e: {  	v4 =	vadd.s32 v1, v4;
	_ =	sdelay $0x1  }
0x10f: {  	v3 =	vperm.xlane v3, v2;
	_ =	sdelay $0x1  }
0x110: {  	s2 =	simm.s32 $0xC400;
	v3 =	vadd.s32 v1, v3  }
0x111: {  	[tilespmem:s2], [sflag:$0x2] =	stream.indirect_vreg.gather [hbm4b:s1+s3], $0x80, v4, vm0, $0xb8;
	[tilespmem:$0x10400] =	vst v63  }
0x112: {  	s5 =	simm.s32 $0xCC00  }
0x113: {  	[tilespmem:s5], [sflag:$0x2] =	stream.indirect_vreg.gather [hbm4b:s4+s3], $0x80, v4, vm0, $0xb8;
	[tilespmem:$0x10400] =	vst v63  }
0x114: {  	s6 =	simm.s32 $0xD400  }
0x115: {  	[tilespmem:s6], [sflag:$0x2] =	stream.indirect_vreg.gather [hbm4b:s1+s3], $0x80, v3, vm0, $0xb8;
	[tilespmem:$0x10400] =	vst v63  }
0x116: {  	s21 =	simm.s32 $0xDC00  }
0x117: {  	[tilespmem:s21], [sflag:$0x2] =	stream.indirect_vreg.gather [hbm4b:s4+s3], $0x80, v3, vm0, $0xb8;
	[tilespmem:$0x10400] =	vst v63  }
0x118: {  	v3 =	vld [tilespmem:$0xF0];
	_ =	sdelay $0x4  }
0x119: {  	v15 =	vshll.u32 v3, $0x2  }
0x11a: {  	v3 =	vand.u32 $0x7, v3;
	v4 =	vand.u32 $0xFFFFFFE0, v15  }
0x11b: {  	v3 =	vor.u32 v3, v4  }
0x11c: {  	v4 =	vperm.xlane v3, v0;
	_ =	sdelay $0x1  }
0x11d: {  	v4 =	vadd.s32 v1, v4;
	_ =	sdelay $0x1  }
0x11e: {  	v3 =	vperm.xlane v3, v2;
	_ =	sdelay $0x1  }
0x11f: {  	s8 =	simm.s32 $0xE400;
	v3 =	vadd.s32 v1, v3  }
0x120: {  	[tilespmem:s8], [sflag:$0x2] =	stream.indirect_vreg.gather [hbm4b:s1+s3], $0x80, v4, vm0, $0xb8;
	[tilespmem:$0x10400] =	vst v63  }
0x121: {  	s9 =	simm.s32 $0xEC00  }
0x122: {  	[tilespmem:s9], [sflag:$0x2] =	stream.indirect_vreg.gather [hbm4b:s4+s3], $0x80, v4, vm0, $0xb8;
	[tilespmem:$0x10400] =	vst v63  }
0x123: {  	s10 =	simm.s32 $0xF400  }
0x124: {  	[tilespmem:s10], [sflag:$0x2] =	stream.indirect_vreg.gather [hbm4b:s1+s3], $0x80, v3, vm0, $0xb8;
	[tilespmem:$0x10400] =	vst v63  }
0x125: {  	s22 =	simm.s32 $0xFC00  }
0x126: {  	[tilespmem:s22], [sflag:$0x2] =	stream.indirect_vreg.gather [hbm4b:s4+s3], $0x80, v3, vm0, $0xb8;
	[tilespmem:$0x10400] =	vst v63  }
0x127: {  	_ =	swait.ge [sflag:s14], $0x8000  }
0x128: {  	[sflag:s14] =	ssyncset.done $0x0  }
0x129: {  	s22 =	rddreg [dreg:$0xb];
	[sflag:s14] =	ssyncadd.s32 $0xFFFF8000  }
0x12a: {  	[hbm4b:s22+s3] =	stream.linear.scatter [tilespmem:s24], [sflag:$0x4], $0x8000, $0x38;
	[tilespmem:$0x10400] =	vst v63  }
0x12b: {  	_ =	swait.ge [sflag:s15], $0x8000  }
0x12c: {  	[sflag:s15] =	ssyncset.done $0x0  }
0x12d: {  	[sflag:s15] =	ssyncadd.s32 $0xFFFF8000  }
0x12e: {  	v3 =	vld [tilespmem:$0x100];
	_ =	sdelay $0x4  }
0x12f: {  	v16 =	vshll.u32 v3, $0x2  }
0x130: {  	v3 =	vand.u32 $0x7, v3;
	v4 =	vand.u32 $0xFFFFFFE0, v16  }
0x131: {  	v3 =	vor.u32 v3, v4  }
0x132: {  	v4 =	vperm.xlane v3, v0;
	_ =	sdelay $0x1  }
0x133: {  	v4 =	vadd.s32 v1, v4;
	_ =	sdelay $0x1  }
0x134: {  	v3 =	vperm.xlane v3, v2;
	_ =	sdelay $0x1  }
0x135: {  	v3 =	vadd.s32 v1, v3  }
0x136: {  	[tilespmem:s7], [sflag:$0x1] =	stream.indirect_vreg.gather [hbm4b:s1+s3], $0x80, v4, vm0, $0xb8;
	[tilespmem:$0x10400] =	vst v63  }
0x137: {  	s22 =	simm.s32 $0xC00  }
0x138: {  	[tilespmem:s22], [sflag:$0x1] =	stream.indirect_vreg.gather [hbm4b:s4+s3], $0x80, v4, vm0, $0xb8;
	[tilespmem:$0x10400] =	vst v63  }
0x139: {  	s22 =	simm.s32 $0x1400  }
0x13a: {  	[tilespmem:s22], [sflag:$0x1] =	stream.indirect_vreg.gather [hbm4b:s1+s3], $0x80, v3, vm0, $0xb8;
	[tilespmem:$0x10400] =	vst v63  }
0x13b: {  	s22 =	simm.s32 $0x1C00  }
0x13c: {  	[tilespmem:s22], [sflag:$0x1] =	stream.indirect_vreg.gather [hbm4b:s4+s3], $0x80, v3, vm0, $0xb8;
	[tilespmem:$0x10400] =	vst v63  }
0x13d: {  	v3 =	vld [tilespmem:$0x110];
	_ =	sdelay $0x4  }
0x13e: {  	v17 =	vshll.u32 v3, $0x2  }
0x13f: {  	v3 =	vand.u32 $0x7, v3;
	v4 =	vand.u32 $0xFFFFFFE0, v17  }
0x140: {  	v3 =	vor.u32 v3, v4  }
0x141: {  	v4 =	vperm.xlane v3, v0;
	_ =	sdelay $0x1  }
0x142: {  	v4 =	vadd.s32 v1, v4;
	_ =	sdelay $0x1  }
0x143: {  	v3 =	vperm.xlane v3, v2;
	_ =	sdelay $0x1  }
0x144: {  	s22 =	simm.s32 $0x2400;
	v3 =	vadd.s32 v1, v3  }
0x145: {  	[tilespmem:s22], [sflag:$0x1] =	stream.indirect_vreg.gather [hbm4b:s1+s3], $0x80, v4, vm0, $0xb8;
	[tilespmem:$0x10400] =	vst v63  }
0x146: {  	_ = 	snop  }
0x147: {  	[tilespmem:s25], [sflag:$0x1] =	stream.indirect_vreg.gather [hbm4b:s4+s3], $0x80, v4, vm0, $0xb8;
	[tilespmem:$0x10400] =	vst v63  }
0x148: {  	_ = 	snop  }
0x149: {  	[tilespmem:s26], [sflag:$0x1] =	stream.indirect_vreg.gather [hbm4b:s1+s3], $0x80, v3, vm0, $0xb8;
	[tilespmem:$0x10400] =	vst v63  }
0x14a: {  	s22 =	simm.s32 $0x3C00  }
0x14b: {  	[tilespmem:s22], [sflag:$0x1] =	stream.indirect_vreg.gather [hbm4b:s4+s3], $0x80, v3, vm0, $0xb8;
	[tilespmem:$0x10400] =	vst v63  }
0x14c: {  	v3 =	vld [tilespmem:$0x120];
	_ =	sdelay $0x4  }
0x14d: {  	v18 =	vshll.u32 v3, $0x2  }
0x14e: {  	v3 =	vand.u32 $0x7, v3;
	v4 =	vand.u32 $0xFFFFFFE0, v18  }
0x14f: {  	v3 =	vor.u32 v3, v4  }
0x150: {  	v4 =	vperm.xlane v3, v0;
	_ =	sdelay $0x1  }
0x151: {  	v4 =	vadd.s32 v1, v4;
	_ =	sdelay $0x1  }
0x152: {  	v3 =	vperm.xlane v3, v2;
	_ =	sdelay $0x1  }
0x153: {  	s22 =	simm.s32 $0x4400;
	v3 =	vadd.s32 v1, v3  }
0x154: {  	[tilespmem:s22], [sflag:$0x1] =	stream.indirect_vreg.gather [hbm4b:s1+s3], $0x80, v4, vm0, $0xb8;
	[tilespmem:$0x10400] =	vst v63  }
0x155: {  	s22 =	simm.s32 $0x4C00  }
0x156: {  	[tilespmem:s22], [sflag:$0x1] =	stream.indirect_vreg.gather [hbm4b:s4+s3], $0x80, v4, vm0, $0xb8;
	[tilespmem:$0x10400] =	vst v63  }
0x157: {  	s22 =	simm.s32 $0x5400  }
0x158: {  	[tilespmem:s22], [sflag:$0x1] =	stream.indirect_vreg.gather [hbm4b:s1+s3], $0x80, v3, vm0, $0xb8;
	[tilespmem:$0x10400] =	vst v63  }
0x159: {  	_ = 	snop  }
0x15a: {  	[tilespmem:s0], [sflag:$0x1] =	stream.indirect_vreg.gather [hbm4b:s4+s3], $0x80, v3, vm0, $0xb8;
	[tilespmem:$0x10400] =	vst v63  }
0x15b: {  	v3 =	vld [tilespmem:$0x130];
	_ =	sdelay $0x4  }
0x15c: {  	v19 =	vshll.u32 v3, $0x2  }
0x15d: {  	v3 =	vand.u32 $0x7, v3;
	v4 =	vand.u32 $0xFFFFFFE0, v19  }
0x15e: {  	v3 =	vor.u32 v3, v4  }
0x15f: {  	v4 =	vperm.xlane v3, v0;
	_ =	sdelay $0x1  }
0x160: {  	v4 =	vadd.s32 v1, v4;
	_ =	sdelay $0x1  }
0x161: {  	v3 =	vperm.xlane v3, v2;
	_ =	sdelay $0x1  }
0x162: {  	v3 =	vadd.s32 v1, v3  }
0x163: {  	[tilespmem:s28], [sflag:$0x1] =	stream.indirect_vreg.gather [hbm4b:s1+s3], $0x80, v4, vm0, $0xb8;
	[tilespmem:$0x10400] =	vst v63  }
0x164: {  	_ = 	snop  }
0x165: {  	[tilespmem:s29], [sflag:$0x1] =	stream.indirect_vreg.gather [hbm4b:s4+s3], $0x80, v4, vm0, $0xb8;
	[tilespmem:$0x10400] =	vst v63  }
0x166: {  	_ = 	snop  }
0x167: {  	[tilespmem:s30], [sflag:$0x1] =	stream.indirect_vreg.gather [hbm4b:s1+s3], $0x80, v3, vm0, $0xb8;
	[tilespmem:$0x10400] =	vst v63  }
0x168: {  	_ = 	snop  }
0x169: {  	[tilespmem:s31], [sflag:$0x1] =	stream.indirect_vreg.gather [hbm4b:s4+s3], $0x80, v3, vm0, $0xb8;
	[tilespmem:$0x10400] =	vst v63  }
0x16a: {  	_ =	swait.ge [sflag:s23], $0x8000  }
0x16b: {  	[sflag:s23] =	ssyncset.done $0x0  }
0x16c: {  	s0 =	rddreg [dreg:$0xc];
	[sflag:s23] =	ssyncadd.s32 $0xFFFF8000  }
0x16d: {  	[hbm4b:s0+s3] =	stream.linear.scatter [tilespmem:s7], [sflag:$0x3], $0x8000, $0x38;
	[tilespmem:$0x10400] =	vst v63  }
0x16e: {  	_ =	swait.ge [sflag:s16], $0x8000  }
0x16f: {  	[sflag:s16] =	ssyncset.done $0x0  }
0x170: {  	[sflag:s16] =	ssyncadd.s32 $0xFFFF8000  }
0x171: {  	v3 =	vld [tilespmem:$0x140];
	_ =	sdelay $0x4  }
0x172: {  	v20 =	vshll.u32 v3, $0x2  }
0x173: {  	v3 =	vand.u32 $0x7, v3;
	v4 =	vand.u32 $0xFFFFFFE0, v20  }
0x174: {  	v3 =	vor.u32 v3, v4  }
0x175: {  	v4 =	vperm.xlane v3, v0;
	_ =	sdelay $0x1  }
0x176: {  	v4 =	vadd.s32 v1, v4;
	_ =	sdelay $0x1  }
0x177: {  	v3 =	vperm.xlane v3, v2;
	_ =	sdelay $0x1  }
0x178: {  	v3 =	vadd.s32 v1, v3  }
0x179: {  	[tilespmem:s24], [sflag:$0x2] =	stream.indirect_vreg.gather [hbm4b:s1+s3], $0x80, v4, vm0, $0xb8;
	[tilespmem:$0x10400] =	vst v63  }
0x17a: {  	_ = 	snop  }
0x17b: {  	[tilespmem:s11], [sflag:$0x2] =	stream.indirect_vreg.gather [hbm4b:s4+s3], $0x80, v4, vm0, $0xb8;
	[tilespmem:$0x10400] =	vst v63  }
0x17c: {  	_ = 	snop  }
0x17d: {  	[tilespmem:s12], [sflag:$0x2] =	stream.indirect_vreg.gather [hbm4b:s1+s3], $0x80, v3, vm0, $0xb8;
	[tilespmem:$0x10400] =	vst v63  }
0x17e: {  	s17 =	simm.s32 $0x9C00  }
0x17f: {  	[tilespmem:s17], [sflag:$0x2] =	stream.indirect_vreg.gather [hbm4b:s4+s3], $0x80, v3, vm0, $0xb8;
	[tilespmem:$0x10400] =	vst v63  }
0x180: {  	v3 =	vld [tilespmem:$0x150];
	_ =	sdelay $0x4  }
0x181: {  	v21 =	vshll.u32 v3, $0x2  }
0x182: {  	v3 =	vand.u32 $0x7, v3;
	v4 =	vand.u32 $0xFFFFFFE0, v21  }
0x183: {  	v3 =	vor.u32 v3, v4  }
0x184: {  	v4 =	vperm.xlane v3, v0;
	_ =	sdelay $0x1  }
0x185: {  	v4 =	vadd.s32 v1, v4;
	_ =	sdelay $0x1  }
0x186: {  	v3 =	vperm.xlane v3, v2;
	_ =	sdelay $0x1  }
0x187: {  	v3 =	vadd.s32 v1, v3  }
0x188: {  	[tilespmem:s13], [sflag:$0x2] =	stream.indirect_vreg.gather [hbm4b:s1+s3], $0x80, v4, vm0, $0xb8;
	[tilespmem:$0x10400] =	vst v63  }
0x189: {  	s18 =	simm.s32 $0xAC00  }
0x18a: {  	[tilespmem:s18], [sflag:$0x2] =	stream.indirect_vreg.gather [hbm4b:s4+s3], $0x80, v4, vm0, $0xb8;
	[tilespmem:$0x10400] =	vst v63  }
0x18b: {  	s17 =	simm.s32 $0xB400  }
0x18c: {  	[tilespmem:s17], [sflag:$0x2] =	stream.indirect_vreg.gather [hbm4b:s1+s3], $0x80, v3, vm0, $0xb8;
	[tilespmem:$0x10400] =	vst v63  }
0x18d: {  	s19 =	simm.s32 $0xBC00  }
0x18e: {  	[tilespmem:s19], [sflag:$0x2] =	stream.indirect_vreg.gather [hbm4b:s4+s3], $0x80, v3, vm0, $0xb8;
	[tilespmem:$0x10400] =	vst v63  }
0x18f: {  	v3 =	vld [tilespmem:$0x160];
	_ =	sdelay $0x4  }
0x190: {  	v22 =	vshll.u32 v3, $0x2  }
0x191: {  	v3 =	vand.u32 $0x7, v3;
	v4 =	vand.u32 $0xFFFFFFE0, v22  }
0x192: {  	v3 =	vor.u32 v3, v4  }
0x193: {  	v4 =	vperm.xlane v3, v0;
	_ =	sdelay $0x1  }
0x194: {  	v4 =	vadd.s32 v1, v4;
	_ =	sdelay $0x1  }
0x195: {  	v3 =	vperm.xlane v3, v2;
	_ =	sdelay $0x1  }
0x196: {  	s2 =	simm.s32 $0xC400;
	v3 =	vadd.s32 v1, v3  }
0x197: {  	[tilespmem:s2], [sflag:$0x2] =	stream.indirect_vreg.gather [hbm4b:s1+s3], $0x80, v4, vm0, $0xb8;
	[tilespmem:$0x10400] =	vst v63  }
0x198: {  	s5 =	simm.s32 $0xCC00  }
0x199: {  	[tilespmem:s5], [sflag:$0x2] =	stream.indirect_vreg.gather [hbm4b:s4+s3], $0x80, v4, vm0, $0xb8;
	[tilespmem:$0x10400] =	vst v63  }
0x19a: {  	s6 =	simm.s32 $0xD400  }
0x19b: {  	[tilespmem:s6], [sflag:$0x2] =	stream.indirect_vreg.gather [hbm4b:s1+s3], $0x80, v3, vm0, $0xb8;
	[tilespmem:$0x10400] =	vst v63  }
0x19c: {  	s21 =	simm.s32 $0xDC00  }
0x19d: {  	[tilespmem:s21], [sflag:$0x2] =	stream.indirect_vreg.gather [hbm4b:s4+s3], $0x80, v3, vm0, $0xb8;
	[tilespmem:$0x10400] =	vst v63  }
0x19e: {  	v3 =	vld [tilespmem:$0x170];
	_ =	sdelay $0x4  }
0x19f: {  	v23 =	vshll.u32 v3, $0x2  }
0x1a0: {  	v3 =	vand.u32 $0x7, v3;
	v4 =	vand.u32 $0xFFFFFFE0, v23  }
0x1a1: {  	v3 =	vor.u32 v3, v4  }
0x1a2: {  	v4 =	vperm.xlane v3, v0;
	_ =	sdelay $0x1  }
0x1a3: {  	v4 =	vadd.s32 v1, v4;
	_ =	sdelay $0x1  }
0x1a4: {  	v3 =	vperm.xlane v3, v2;
	_ =	sdelay $0x1  }
0x1a5: {  	s8 =	simm.s32 $0xE400;
	v3 =	vadd.s32 v1, v3  }
0x1a6: {  	[tilespmem:s8], [sflag:$0x2] =	stream.indirect_vreg.gather [hbm4b:s1+s3], $0x80, v4, vm0, $0xb8;
	[tilespmem:$0x10400] =	vst v63  }
0x1a7: {  	s9 =	simm.s32 $0xEC00  }
0x1a8: {  	[tilespmem:s9], [sflag:$0x2] =	stream.indirect_vreg.gather [hbm4b:s4+s3], $0x80, v4, vm0, $0xb8;
	[tilespmem:$0x10400] =	vst v63  }
0x1a9: {  	s10 =	simm.s32 $0xF400  }
0x1aa: {  	[tilespmem:s10], [sflag:$0x2] =	stream.indirect_vreg.gather [hbm4b:s1+s3], $0x80, v3, vm0, $0xb8;
	[tilespmem:$0x10400] =	vst v63  }
0x1ab: {  	s20 =	simm.s32 $0xFC00  }
0x1ac: {  	[tilespmem:s20], [sflag:$0x2] =	stream.indirect_vreg.gather [hbm4b:s4+s3], $0x80, v3, vm0, $0xb8;
	[tilespmem:$0x10400] =	vst v63  }
0x1ad: {  	_ =	swait.ge [sflag:s14], $0x8000  }
0x1ae: {  	[sflag:s14] =	ssyncset.done $0x0  }
0x1af: {  	s17 =	rddreg [dreg:$0xd];
	[sflag:s14] =	ssyncadd.s32 $0xFFFF8000  }
0x1b0: {  	[hbm4b:s17+s3] =	stream.linear.scatter [tilespmem:s24], [sflag:$0x4], $0x8000, $0x38;
	[tilespmem:$0x10400] =	vst v63  }
0x1b1: {  	_ =	swait.ge [sflag:s15], $0x8000  }
0x1b2: {  	[sflag:s15] =	ssyncset.done $0x0  }
0x1b3: {  	[sflag:s15] =	ssyncadd.s32 $0xFFFF8000  }
0x1b4: {  	v3 =	vld [tilespmem:$0x180];
	_ =	sdelay $0x4  }
0x1b5: {  	v24 =	vshll.u32 v3, $0x2  }
0x1b6: {  	v3 =	vand.u32 $0x7, v3;
	v4 =	vand.u32 $0xFFFFFFE0, v24  }
0x1b7: {  	v3 =	vor.u32 v3, v4  }
0x1b8: {  	v4 =	vperm.xlane v3, v0;
	_ =	sdelay $0x1  }
0x1b9: {  	v4 =	vadd.s32 v1, v4;
	_ =	sdelay $0x1  }
0x1ba: {  	v3 =	vperm.xlane v3, v2;
	_ =	sdelay $0x1  }
0x1bb: {  	v3 =	vadd.s32 v1, v3  }
0x1bc: {  	[tilespmem:s7], [sflag:$0x1] =	stream.indirect_vreg.gather [hbm4b:s1+s3], $0x80, v4, vm0, $0xb8;
	[tilespmem:$0x10400] =	vst v63  }
0x1bd: {  	s17 =	simm.s32 $0xC00  }
0x1be: {  	[tilespmem:s17], [sflag:$0x1] =	stream.indirect_vreg.gather [hbm4b:s4+s3], $0x80, v4, vm0, $0xb8;
	[tilespmem:$0x10400] =	vst v63  }
0x1bf: {  	s17 =	simm.s32 $0x1400  }
0x1c0: {  	[tilespmem:s17], [sflag:$0x1] =	stream.indirect_vreg.gather [hbm4b:s1+s3], $0x80, v3, vm0, $0xb8;
	[tilespmem:$0x10400] =	vst v63  }
0x1c1: {  	s17 =	simm.s32 $0x1C00  }
0x1c2: {  	[tilespmem:s17], [sflag:$0x1] =	stream.indirect_vreg.gather [hbm4b:s4+s3], $0x80, v3, vm0, $0xb8;
	[tilespmem:$0x10400] =	vst v63  }
0x1c3: {  	v3 =	vld [tilespmem:$0x190];
	_ =	sdelay $0x4  }
0x1c4: {  	v25 =	vshll.u32 v3, $0x2  }
0x1c5: {  	v3 =	vand.u32 $0x7, v3;
	v4 =	vand.u32 $0xFFFFFFE0, v25  }
0x1c6: {  	v3 =	vor.u32 v3, v4  }
0x1c7: {  	v4 =	vperm.xlane v3, v0;
	_ =	sdelay $0x1  }
0x1c8: {  	v4 =	vadd.s32 v1, v4;
	_ =	sdelay $0x1  }
0x1c9: {  	v3 =	vperm.xlane v3, v2;
	_ =	sdelay $0x1  }
0x1ca: {  	s17 =	simm.s32 $0x2400;
	v3 =	vadd.s32 v1, v3  }
0x1cb: {  	[tilespmem:s17], [sflag:$0x1] =	stream.indirect_vreg.gather [hbm4b:s1+s3], $0x80, v4, vm0, $0xb8;
	[tilespmem:$0x10400] =	vst v63  }
0x1cc: {  	s25 =	simm.s32 $0x2C00  }
0x1cd: {  	[tilespmem:s25], [sflag:$0x1] =	stream.indirect_vreg.gather [hbm4b:s4+s3], $0x80, v4, vm0, $0xb8;
	[tilespmem:$0x10400] =	vst v63  }
0x1ce: {  	s26 =	simm.s32 $0x3400  }
0x1cf: {  	[tilespmem:s26], [sflag:$0x1] =	stream.indirect_vreg.gather [hbm4b:s1+s3], $0x80, v3, vm0, $0xb8;
	[tilespmem:$0x10400] =	vst v63  }
0x1d0: {  	s17 =	simm.s32 $0x3C00  }
0x1d1: {  	[tilespmem:s17], [sflag:$0x1] =	stream.indirect_vreg.gather [hbm4b:s4+s3], $0x80, v3, vm0, $0xb8;
	[tilespmem:$0x10400] =	vst v63  }
0x1d2: {  	v3 =	vld [tilespmem:$0x1A0];
	_ =	sdelay $0x4  }
0x1d3: {  	v26 =	vshll.u32 v3, $0x2  }
0x1d4: {  	v3 =	vand.u32 $0x7, v3;
	v4 =	vand.u32 $0xFFFFFFE0, v26  }
0x1d5: {  	v3 =	vor.u32 v3, v4  }
0x1d6: {  	v4 =	vperm.xlane v3, v0;
	_ =	sdelay $0x1  }
0x1d7: {  	v4 =	vadd.s32 v1, v4;
	_ =	sdelay $0x1  }
0x1d8: {  	v3 =	vperm.xlane v3, v2;
	_ =	sdelay $0x1  }
0x1d9: {  	s17 =	simm.s32 $0x4400;
	v3 =	vadd.s32 v1, v3  }
0x1da: {  	[tilespmem:s17], [sflag:$0x1] =	stream.indirect_vreg.gather [hbm4b:s1+s3], $0x80, v4, vm0, $0xb8;
	[tilespmem:$0x10400] =	vst v63  }
0x1db: {  	s17 =	simm.s32 $0x4C00  }
0x1dc: {  	[tilespmem:s17], [sflag:$0x1] =	stream.indirect_vreg.gather [hbm4b:s4+s3], $0x80, v4, vm0, $0xb8;
	[tilespmem:$0x10400] =	vst v63  }
0x1dd: {  	s17 =	simm.s32 $0x5400  }
0x1de: {  	[tilespmem:s17], [sflag:$0x1] =	stream.indirect_vreg.gather [hbm4b:s1+s3], $0x80, v3, vm0, $0xb8;
	[tilespmem:$0x10400] =	vst v63  }
0x1df: {  	s22 =	simm.s32 $0x5C00  }
0x1e0: {  	[tilespmem:s22], [sflag:$0x1] =	stream.indirect_vreg.gather [hbm4b:s4+s3], $0x80, v3, vm0, $0xb8;
	[tilespmem:$0x10400] =	vst v63  }
0x1e1: {  	v3 =	vld [tilespmem:$0x1B0];
	_ =	sdelay $0x4  }
0x1e2: {  	v27 =	vshll.u32 v3, $0x2  }
0x1e3: {  	v3 =	vand.u32 $0x7, v3;
	v4 =	vand.u32 $0xFFFFFFE0, v27  }
0x1e4: {  	v3 =	vor.u32 v3, v4  }
0x1e5: {  	v4 =	vperm.xlane v3, v0;
	_ =	sdelay $0x1  }
0x1e6: {  	v4 =	vadd.s32 v1, v4;
	_ =	sdelay $0x1  }
0x1e7: {  	v3 =	vperm.xlane v3, v2;
	_ =	sdelay $0x1  }
0x1e8: {  	s28 =	simm.s32 $0x6400;
	v3 =	vadd.s32 v1, v3  }
0x1e9: {  	[tilespmem:s28], [sflag:$0x1] =	stream.indirect_vreg.gather [hbm4b:s1+s3], $0x80, v4, vm0, $0xb8;
	[tilespmem:$0x10400] =	vst v63  }
0x1ea: {  	s29 =	simm.s32 $0x6C00  }
0x1eb: {  	[tilespmem:s29], [sflag:$0x1] =	stream.indirect_vreg.gather [hbm4b:s4+s3], $0x80, v4, vm0, $0xb8;
	[tilespmem:$0x10400] =	vst v63  }
0x1ec: {  	s30 =	simm.s32 $0x7400  }
0x1ed: {  	[tilespmem:s30], [sflag:$0x1] =	stream.indirect_vreg.gather [hbm4b:s1+s3], $0x80, v3, vm0, $0xb8;
	[tilespmem:$0x10400] =	vst v63  }
0x1ee: {  	s31 =	simm.s32 $0x7C00  }
0x1ef: {  	[tilespmem:s31], [sflag:$0x1] =	stream.indirect_vreg.gather [hbm4b:s4+s3], $0x80, v3, vm0, $0xb8;
	[tilespmem:$0x10400] =	vst v63  }
0x1f0: {  	_ =	swait.ge [sflag:s23], $0x8000  }
0x1f1: {  	[sflag:s23] =	ssyncset.done $0x0  }
0x1f2: {  	s17 =	rddreg [dreg:$0xe];
	[sflag:s23] =	ssyncadd.s32 $0xFFFF8000  }
0x1f3: {  	[hbm4b:s17+s3] =	stream.linear.scatter [tilespmem:s7], [sflag:$0x3], $0x8000, $0x38;
	[tilespmem:$0x10400] =	vst v63  }
0x1f4: {  	_ =	swait.ge [sflag:s16], $0x8000  }
0x1f5: {  	[sflag:s16] =	ssyncset.done $0x0  }
0x1f6: {  	[sflag:s16] =	ssyncadd.s32 $0xFFFF8000  }
0x1f7: {  	v3 =	vld [tilespmem:$0x1C0];
	_ =	sdelay $0x4  }
0x1f8: {  	v28 =	vshll.u32 v3, $0x2  }
0x1f9: {  	v3 =	vand.u32 $0x7, v3;
	v4 =	vand.u32 $0xFFFFFFE0, v28  }
0x1fa: {  	v3 =	vor.u32 v3, v4  }
0x1fb: {  	v4 =	vperm.xlane v3, v0;
	_ =	sdelay $0x1  }
0x1fc: {  	v4 =	vadd.s32 v1, v4;
	_ =	sdelay $0x1  }
0x1fd: {  	v3 =	vperm.xlane v3, v2;
	_ =	sdelay $0x1  }
0x1fe: {  	v3 =	vadd.s32 v1, v3  }
0x1ff: {  	[tilespmem:s24], [sflag:$0x2] =	stream.indirect_vreg.gather [hbm4b:s1+s3], $0x80, v4, vm0, $0xb8;
	[tilespmem:$0x10400] =	vst v63  }
0x200: {  	s11 =	simm.s32 $0x8C00  }
0x201: {  	[tilespmem:s11], [sflag:$0x2] =	stream.indirect_vreg.gather [hbm4b:s4+s3], $0x80, v4, vm0, $0xb8;
	[tilespmem:$0x10400] =	vst v63  }
0x202: {  	s12 =	simm.s32 $0x9400  }
0x203: {  	[tilespmem:s12], [sflag:$0x2] =	stream.indirect_vreg.gather [hbm4b:s1+s3], $0x80, v3, vm0, $0xb8;
	[tilespmem:$0x10400] =	vst v63  }
0x204: {  	s17 =	simm.s32 $0x9C00  }
0x205: {  	[tilespmem:s17], [sflag:$0x2] =	stream.indirect_vreg.gather [hbm4b:s4+s3], $0x80, v3, vm0, $0xb8;
	[tilespmem:$0x10400] =	vst v63  }
0x206: {  	v3 =	vld [tilespmem:$0x1D0];
	_ =	sdelay $0x4  }
0x207: {  	v29 =	vshll.u32 v3, $0x2  }
0x208: {  	v3 =	vand.u32 $0x7, v3;
	v4 =	vand.u32 $0xFFFFFFE0, v29  }
0x209: {  	v3 =	vor.u32 v3, v4  }
0x20a: {  	v4 =	vperm.xlane v3, v0;
	_ =	sdelay $0x1  }
0x20b: {  	v4 =	vadd.s32 v1, v4;
	_ =	sdelay $0x1  }
0x20c: {  	v3 =	vperm.xlane v3, v2;
	_ =	sdelay $0x1  }
0x20d: {  	s13 =	simm.s32 $0xA400;
	v3 =	vadd.s32 v1, v3  }
0x20e: {  	[tilespmem:s13], [sflag:$0x2] =	stream.indirect_vreg.gather [hbm4b:s1+s3], $0x80, v4, vm0, $0xb8;
	[tilespmem:$0x10400] =	vst v63  }
0x20f: {  	s18 =	simm.s32 $0xAC00  }
0x210: {  	[tilespmem:s18], [sflag:$0x2] =	stream.indirect_vreg.gather [hbm4b:s4+s3], $0x80, v4, vm0, $0xb8;
	[tilespmem:$0x10400] =	vst v63  }
0x211: {  	s0 =	simm.s32 $0xB400  }
0x212: {  	[tilespmem:s0], [sflag:$0x2] =	stream.indirect_vreg.gather [hbm4b:s1+s3], $0x80, v3, vm0, $0xb8;
	[tilespmem:$0x10400] =	vst v63  }
0x213: {  	s19 =	simm.s32 $0xBC00  }
0x214: {  	[tilespmem:s19], [sflag:$0x2] =	stream.indirect_vreg.gather [hbm4b:s4+s3], $0x80, v3, vm0, $0xb8;
	[tilespmem:$0x10400] =	vst v63  }
0x215: {  	v3 =	vld [tilespmem:$0x1E0];
	_ =	sdelay $0x4  }
0x216: {  	v30 =	vshll.u32 v3, $0x2  }
0x217: {  	v3 =	vand.u32 $0x7, v3;
	v4 =	vand.u32 $0xFFFFFFE0, v30  }
0x218: {  	v3 =	vor.u32 v3, v4  }
0x219: {  	v4 =	vperm.xlane v3, v0;
	_ =	sdelay $0x1  }
0x21a: {  	v4 =	vadd.s32 v1, v4;
	_ =	sdelay $0x1  }
0x21b: {  	v3 =	vperm.xlane v3, v2;
	_ =	sdelay $0x1  }
0x21c: {  	s2 =	simm.s32 $0xC400;
	v3 =	vadd.s32 v1, v3  }
0x21d: {  	[tilespmem:s2], [sflag:$0x2] =	stream.indirect_vreg.gather [hbm4b:s1+s3], $0x80, v4, vm0, $0xb8;
	[tilespmem:$0x10400] =	vst v63  }
0x21e: {  	s5 =	simm.s32 $0xCC00  }
0x21f: {  	[tilespmem:s5], [sflag:$0x2] =	stream.indirect_vreg.gather [hbm4b:s4+s3], $0x80, v4, vm0, $0xb8;
	[tilespmem:$0x10400] =	vst v63  }
0x220: {  	s6 =	simm.s32 $0xD400  }
0x221: {  	[tilespmem:s6], [sflag:$0x2] =	stream.indirect_vreg.gather [hbm4b:s1+s3], $0x80, v3, vm0, $0xb8;
	[tilespmem:$0x10400] =	vst v63  }
0x222: {  	s21 =	simm.s32 $0xDC00  }
0x223: {  	[tilespmem:s21], [sflag:$0x2] =	stream.indirect_vreg.gather [hbm4b:s4+s3], $0x80, v3, vm0, $0xb8;
	[tilespmem:$0x10400] =	vst v63  }
0x224: {  	v3 =	vld [tilespmem:$0x1F0];
	_ =	sdelay $0x4  }
0x225: {  	v31 =	vshll.u32 v3, $0x2  }
0x226: {  	v3 =	vand.u32 $0x7, v3;
	v4 =	vand.u32 $0xFFFFFFE0, v31  }
0x227: {  	v3 =	vor.u32 v3, v4  }
0x228: {  	v4 =	vperm.xlane v3, v0;
	_ =	sdelay $0x1  }
0x229: {  	v4 =	vadd.s32 v1, v4;
	_ =	sdelay $0x1  }
0x22a: {  	v3 =	vperm.xlane v3, v2;
	_ =	sdelay $0x1  }
0x22b: {  	s8 =	simm.s32 $0xE400;
	v3 =	vadd.s32 v1, v3  }
0x22c: {  	[tilespmem:s8], [sflag:$0x2] =	stream.indirect_vreg.gather [hbm4b:s1+s3], $0x80, v4, vm0, $0xb8;
	[tilespmem:$0x10400] =	vst v63  }
0x22d: {  	s9 =	simm.s32 $0xEC00  }
0x22e: {  	[tilespmem:s9], [sflag:$0x2] =	stream.indirect_vreg.gather [hbm4b:s4+s3], $0x80, v4, vm0, $0xb8;
	[tilespmem:$0x10400] =	vst v63  }
0x22f: {  	s10 =	simm.s32 $0xF400  }
0x230: {  	[tilespmem:s10], [sflag:$0x2] =	stream.indirect_vreg.gather [hbm4b:s1+s3], $0x80, v3, vm0, $0xb8;
	[tilespmem:$0x10400] =	vst v63  }
0x231: {  	s20 =	simm.s32 $0xFC00  }
0x232: {  	[tilespmem:s20], [sflag:$0x2] =	stream.indirect_vreg.gather [hbm4b:s4+s3], $0x80, v3, vm0, $0xb8;
	[tilespmem:$0x10400] =	vst v63  }
0x233: {  	_ =	swait.ge [sflag:s14], $0x8000  }
0x234: {  	[sflag:s14] =	ssyncset.done $0x0  }
0x235: {  	s17 =	rddreg [dreg:$0xf];
	[sflag:s14] =	ssyncadd.s32 $0xFFFF8000  }
0x236: {  	[hbm4b:s17+s3] =	stream.linear.scatter [tilespmem:s24], [sflag:$0x4], $0x8000, $0x38;
	[tilespmem:$0x10400] =	vst v63  }
0x237: {  	_ =	swait.ge [sflag:s15], $0x8000  }
0x238: {  	[sflag:s15] =	ssyncset.done $0x0  }
0x239: {  	[sflag:s15] =	ssyncadd.s32 $0xFFFF8000  }
0x23a: {  	v3 =	vld [tilespmem:$0x200];
	_ =	sdelay $0x4  }
0x23b: {  	v32 =	vshll.u32 v3, $0x2  }
0x23c: {  	v3 =	vand.u32 $0x7, v3;
	v4 =	vand.u32 $0xFFFFFFE0, v32  }
0x23d: {  	v3 =	vor.u32 v3, v4  }
0x23e: {  	v4 =	vperm.xlane v3, v0;
	_ =	sdelay $0x1  }
0x23f: {  	v4 =	vadd.s32 v1, v4;
	_ =	sdelay $0x1  }
0x240: {  	v3 =	vperm.xlane v3, v2;
	_ =	sdelay $0x1  }
0x241: {  	v3 =	vadd.s32 v1, v3  }
0x242: {  	[tilespmem:s7], [sflag:$0x1] =	stream.indirect_vreg.gather [hbm4b:s1+s3], $0x80, v4, vm0, $0xb8;
	[tilespmem:$0x10400] =	vst v63  }
0x243: {  	s17 =	simm.s32 $0xC00  }
0x244: {  	[tilespmem:s17], [sflag:$0x1] =	stream.indirect_vreg.gather [hbm4b:s4+s3], $0x80, v4, vm0, $0xb8;
	[tilespmem:$0x10400] =	vst v63  }
0x245: {  	s17 =	simm.s32 $0x1400  }
0x246: {  	[tilespmem:s17], [sflag:$0x1] =	stream.indirect_vreg.gather [hbm4b:s1+s3], $0x80, v3, vm0, $0xb8;
	[tilespmem:$0x10400] =	vst v63  }
0x247: {  	s17 =	simm.s32 $0x1C00  }
0x248: {  	[tilespmem:s17], [sflag:$0x1] =	stream.indirect_vreg.gather [hbm4b:s4+s3], $0x80, v3, vm0, $0xb8;
	[tilespmem:$0x10400] =	vst v63  }
0x249: {  	v3 =	vld [tilespmem:$0x210];
	_ =	sdelay $0x4  }
0x24a: {  	v33 =	vshll.u32 v3, $0x2  }
0x24b: {  	v3 =	vand.u32 $0x7, v3;
	v4 =	vand.u32 $0xFFFFFFE0, v33  }
0x24c: {  	v3 =	vor.u32 v3, v4  }
0x24d: {  	v4 =	vperm.xlane v3, v0;
	_ =	sdelay $0x1  }
0x24e: {  	v4 =	vadd.s32 v1, v4;
	_ =	sdelay $0x1  }
0x24f: {  	v3 =	vperm.xlane v3, v2;
	_ =	sdelay $0x1  }
0x250: {  	s17 =	simm.s32 $0x2400;
	v3 =	vadd.s32 v1, v3  }
0x251: {  	[tilespmem:s17], [sflag:$0x1] =	stream.indirect_vreg.gather [hbm4b:s1+s3], $0x80, v4, vm0, $0xb8;
	[tilespmem:$0x10400] =	vst v63  }
0x252: {  	s25 =	simm.s32 $0x2C00  }
0x253: {  	[tilespmem:s25], [sflag:$0x1] =	stream.indirect_vreg.gather [hbm4b:s4+s3], $0x80, v4, vm0, $0xb8;
	[tilespmem:$0x10400] =	vst v63  }
0x254: {  	s26 =	simm.s32 $0x3400  }
0x255: {  	[tilespmem:s26], [sflag:$0x1] =	stream.indirect_vreg.gather [hbm4b:s1+s3], $0x80, v3, vm0, $0xb8;
	[tilespmem:$0x10400] =	vst v63  }
0x256: {  	s17 =	simm.s32 $0x3C00  }
0x257: {  	[tilespmem:s17], [sflag:$0x1] =	stream.indirect_vreg.gather [hbm4b:s4+s3], $0x80, v3, vm0, $0xb8;
	[tilespmem:$0x10400] =	vst v63  }
0x258: {  	v3 =	vld [tilespmem:$0x220];
	_ =	sdelay $0x4  }
0x259: {  	v34 =	vshll.u32 v3, $0x2  }
0x25a: {  	v3 =	vand.u32 $0x7, v3;
	v4 =	vand.u32 $0xFFFFFFE0, v34  }
0x25b: {  	v3 =	vor.u32 v3, v4  }
0x25c: {  	v4 =	vperm.xlane v3, v0;
	_ =	sdelay $0x1  }
0x25d: {  	v4 =	vadd.s32 v1, v4;
	_ =	sdelay $0x1  }
0x25e: {  	v3 =	vperm.xlane v3, v2;
	_ =	sdelay $0x1  }
0x25f: {  	s17 =	simm.s32 $0x4400;
	v3 =	vadd.s32 v1, v3  }
0x260: {  	[tilespmem:s17], [sflag:$0x1] =	stream.indirect_vreg.gather [hbm4b:s1+s3], $0x80, v4, vm0, $0xb8;
	[tilespmem:$0x10400] =	vst v63  }
0x261: {  	s17 =	simm.s32 $0x4C00  }
0x262: {  	[tilespmem:s17], [sflag:$0x1] =	stream.indirect_vreg.gather [hbm4b:s4+s3], $0x80, v4, vm0, $0xb8;
	[tilespmem:$0x10400] =	vst v63  }
0x263: {  	s17 =	simm.s32 $0x5400  }
0x264: {  	[tilespmem:s17], [sflag:$0x1] =	stream.indirect_vreg.gather [hbm4b:s1+s3], $0x80, v3, vm0, $0xb8;
	[tilespmem:$0x10400] =	vst v63  }
0x265: {  	s22 =	simm.s32 $0x5C00  }
0x266: {  	[tilespmem:s22], [sflag:$0x1] =	stream.indirect_vreg.gather [hbm4b:s4+s3], $0x80, v3, vm0, $0xb8;
	[tilespmem:$0x10400] =	vst v63  }
0x267: {  	v3 =	vld [tilespmem:$0x230];
	_ =	sdelay $0x4  }
0x268: {  	v35 =	vshll.u32 v3, $0x2  }
0x269: {  	v3 =	vand.u32 $0x7, v3;
	v4 =	vand.u32 $0xFFFFFFE0, v35  }
0x26a: {  	v3 =	vor.u32 v3, v4  }
0x26b: {  	v4 =	vperm.xlane v3, v0;
	_ =	sdelay $0x1  }
0x26c: {  	v4 =	vadd.s32 v1, v4;
	_ =	sdelay $0x1  }
0x26d: {  	v3 =	vperm.xlane v3, v2;
	_ =	sdelay $0x1  }
0x26e: {  	s28 =	simm.s32 $0x6400;
	v3 =	vadd.s32 v1, v3  }
0x26f: {  	[tilespmem:s28], [sflag:$0x1] =	stream.indirect_vreg.gather [hbm4b:s1+s3], $0x80, v4, vm0, $0xb8;
	[tilespmem:$0x10400] =	vst v63  }
0x270: {  	s29 =	simm.s32 $0x6C00  }
0x271: {  	[tilespmem:s29], [sflag:$0x1] =	stream.indirect_vreg.gather [hbm4b:s4+s3], $0x80, v4, vm0, $0xb8;
	[tilespmem:$0x10400] =	vst v63  }
0x272: {  	s30 =	simm.s32 $0x7400  }
0x273: {  	[tilespmem:s30], [sflag:$0x1] =	stream.indirect_vreg.gather [hbm4b:s1+s3], $0x80, v3, vm0, $0xb8;
	[tilespmem:$0x10400] =	vst v63  }
0x274: {  	s31 =	simm.s32 $0x7C00  }
0x275: {  	[tilespmem:s31], [sflag:$0x1] =	stream.indirect_vreg.gather [hbm4b:s4+s3], $0x80, v3, vm0, $0xb8;
	[tilespmem:$0x10400] =	vst v63  }
0x276: {  	_ =	swait.ge [sflag:s23], $0x8000  }
0x277: {  	[sflag:s23] =	ssyncset.done $0x0  }
0x278: {  	s17 =	rddreg [dreg:$0x10];
	[sflag:s23] =	ssyncadd.s32 $0xFFFF8000  }
0x279: {  	[hbm4b:s17+s3] =	stream.linear.scatter [tilespmem:s7], [sflag:$0x3], $0x8000, $0x38;
	[tilespmem:$0x10400] =	vst v63  }
0x27a: {  	_ =	swait.ge [sflag:s16], $0x8000  }
0x27b: {  	[sflag:s16] =	ssyncset.done $0x0  }
0x27c: {  	[sflag:s16] =	ssyncadd.s32 $0xFFFF8000  }
0x27d: {  	v3 =	vld [tilespmem:$0x240];
	_ =	sdelay $0x4  }
0x27e: {  	v36 =	vshll.u32 v3, $0x2  }
0x27f: {  	v3 =	vand.u32 $0x7, v3;
	v4 =	vand.u32 $0xFFFFFFE0, v36  }
0x280: {  	v3 =	vor.u32 v3, v4  }
0x281: {  	v4 =	vperm.xlane v3, v0;
	_ =	sdelay $0x1  }
0x282: {  	v4 =	vadd.s32 v1, v4;
	_ =	sdelay $0x1  }
0x283: {  	v3 =	vperm.xlane v3, v2;
	_ =	sdelay $0x1  }
0x284: {  	v3 =	vadd.s32 v1, v3  }
0x285: {  	[tilespmem:s24], [sflag:$0x2] =	stream.indirect_vreg.gather [hbm4b:s1+s3], $0x80, v4, vm0, $0xb8;
	[tilespmem:$0x10400] =	vst v63  }
0x286: {  	s11 =	simm.s32 $0x8C00  }
0x287: {  	[tilespmem:s11], [sflag:$0x2] =	stream.indirect_vreg.gather [hbm4b:s4+s3], $0x80, v4, vm0, $0xb8;
	[tilespmem:$0x10400] =	vst v63  }
0x288: {  	s12 =	simm.s32 $0x9400  }
0x289: {  	[tilespmem:s12], [sflag:$0x2] =	stream.indirect_vreg.gather [hbm4b:s1+s3], $0x80, v3, vm0, $0xb8;
	[tilespmem:$0x10400] =	vst v63  }
0x28a: {  	s17 =	simm.s32 $0x9C00  }
0x28b: {  	[tilespmem:s17], [sflag:$0x2] =	stream.indirect_vreg.gather [hbm4b:s4+s3], $0x80, v3, vm0, $0xb8;
	[tilespmem:$0x10400] =	vst v63  }
0x28c: {  	v3 =	vld [tilespmem:$0x250];
	_ =	sdelay $0x4  }
0x28d: {  	v37 =	vshll.u32 v3, $0x2  }
0x28e: {  	v3 =	vand.u32 $0x7, v3;
	v4 =	vand.u32 $0xFFFFFFE0, v37  }
0x28f: {  	v3 =	vor.u32 v3, v4  }
0x290: {  	v4 =	vperm.xlane v3, v0;
	_ =	sdelay $0x1  }
0x291: {  	v4 =	vadd.s32 v1, v4;
	_ =	sdelay $0x1  }
0x292: {  	v3 =	vperm.xlane v3, v2;
	_ =	sdelay $0x1  }
0x293: {  	s13 =	simm.s32 $0xA400;
	v3 =	vadd.s32 v1, v3  }
0x294: {  	[tilespmem:s13], [sflag:$0x2] =	stream.indirect_vreg.gather [hbm4b:s1+s3], $0x80, v4, vm0, $0xb8;
	[tilespmem:$0x10400] =	vst v63  }
0x295: {  	s18 =	simm.s32 $0xAC00  }
0x296: {  	[tilespmem:s18], [sflag:$0x2] =	stream.indirect_vreg.gather [hbm4b:s4+s3], $0x80, v4, vm0, $0xb8;
	[tilespmem:$0x10400] =	vst v63  }
0x297: {  	s0 =	simm.s32 $0xB400  }
0x298: {  	[tilespmem:s0], [sflag:$0x2] =	stream.indirect_vreg.gather [hbm4b:s1+s3], $0x80, v3, vm0, $0xb8;
	[tilespmem:$0x10400] =	vst v63  }
0x299: {  	s19 =	simm.s32 $0xBC00  }
0x29a: {  	[tilespmem:s19], [sflag:$0x2] =	stream.indirect_vreg.gather [hbm4b:s4+s3], $0x80, v3, vm0, $0xb8;
	[tilespmem:$0x10400] =	vst v63  }
0x29b: {  	v3 =	vld [tilespmem:$0x260];
	_ =	sdelay $0x4  }
0x29c: {  	v38 =	vshll.u32 v3, $0x2  }
0x29d: {  	v3 =	vand.u32 $0x7, v3;
	v4 =	vand.u32 $0xFFFFFFE0, v38  }
0x29e: {  	v3 =	vor.u32 v3, v4  }
0x29f: {  	v4 =	vperm.xlane v3, v0;
	_ =	sdelay $0x1  }
0x2a0: {  	v4 =	vadd.s32 v1, v4;
	_ =	sdelay $0x1  }
0x2a1: {  	v3 =	vperm.xlane v3, v2;
	_ =	sdelay $0x1  }
0x2a2: {  	s2 =	simm.s32 $0xC400;
	v3 =	vadd.s32 v1, v3  }
0x2a3: {  	[tilespmem:s2], [sflag:$0x2] =	stream.indirect_vreg.gather [hbm4b:s1+s3], $0x80, v4, vm0, $0xb8;
	[tilespmem:$0x10400] =	vst v63  }
0x2a4: {  	s5 =	simm.s32 $0xCC00  }
0x2a5: {  	[tilespmem:s5], [sflag:$0x2] =	stream.indirect_vreg.gather [hbm4b:s4+s3], $0x80, v4, vm0, $0xb8;
	[tilespmem:$0x10400] =	vst v63  }
0x2a6: {  	s6 =	simm.s32 $0xD400  }
0x2a7: {  	[tilespmem:s6], [sflag:$0x2] =	stream.indirect_vreg.gather [hbm4b:s1+s3], $0x80, v3, vm0, $0xb8;
	[tilespmem:$0x10400] =	vst v63  }
0x2a8: {  	s21 =	simm.s32 $0xDC00  }
0x2a9: {  	[tilespmem:s21], [sflag:$0x2] =	stream.indirect_vreg.gather [hbm4b:s4+s3], $0x80, v3, vm0, $0xb8;
	[tilespmem:$0x10400] =	vst v63  }
0x2aa: {  	v3 =	vld [tilespmem:$0x270];
	_ =	sdelay $0x4  }
0x2ab: {  	v39 =	vshll.u32 v3, $0x2  }
0x2ac: {  	v3 =	vand.u32 $0x7, v3;
	v4 =	vand.u32 $0xFFFFFFE0, v39  }
0x2ad: {  	v3 =	vor.u32 v3, v4  }
0x2ae: {  	v4 =	vperm.xlane v3, v0;
	_ =	sdelay $0x1  }
0x2af: {  	v4 =	vadd.s32 v1, v4;
	_ =	sdelay $0x1  }
0x2b0: {  	v3 =	vperm.xlane v3, v2;
	_ =	sdelay $0x1  }
0x2b1: {  	s8 =	simm.s32 $0xE400;
	v3 =	vadd.s32 v1, v3  }
0x2b2: {  	[tilespmem:s8], [sflag:$0x2] =	stream.indirect_vreg.gather [hbm4b:s1+s3], $0x80, v4, vm0, $0xb8;
	[tilespmem:$0x10400] =	vst v63  }
0x2b3: {  	s9 =	simm.s32 $0xEC00  }
0x2b4: {  	[tilespmem:s9], [sflag:$0x2] =	stream.indirect_vreg.gather [hbm4b:s4+s3], $0x80, v4, vm0, $0xb8;
	[tilespmem:$0x10400] =	vst v63  }
0x2b5: {  	s10 =	simm.s32 $0xF400  }
0x2b6: {  	[tilespmem:s10], [sflag:$0x2] =	stream.indirect_vreg.gather [hbm4b:s1+s3], $0x80, v3, vm0, $0xb8;
	[tilespmem:$0x10400] =	vst v63  }
0x2b7: {  	s20 =	simm.s32 $0xFC00  }
0x2b8: {  	[tilespmem:s20], [sflag:$0x2] =	stream.indirect_vreg.gather [hbm4b:s4+s3], $0x80, v3, vm0, $0xb8;
	[tilespmem:$0x10400] =	vst v63  }
0x2b9: {  	_ =	swait.ge [sflag:s14], $0x8000  }
0x2ba: {  	[sflag:s14] =	ssyncset.done $0x0  }
0x2bb: {  	s17 =	rddreg [dreg:$0x11];
	[sflag:s14] =	ssyncadd.s32 $0xFFFF8000  }
0x2bc: {  	[hbm4b:s17+s3] =	stream.linear.scatter [tilespmem:s24], [sflag:$0x4], $0x8000, $0x38;
	[tilespmem:$0x10400] =	vst v63  }
0x2bd: {  	_ =	swait.ge [sflag:s15], $0x8000  }
0x2be: {  	[sflag:s15] =	ssyncset.done $0x0  }
0x2bf: {  	[sflag:s15] =	ssyncadd.s32 $0xFFFF8000  }
0x2c0: {  	v3 =	vld [tilespmem:$0x280];
	_ =	sdelay $0x4  }
0x2c1: {  	v40 =	vshll.u32 v3, $0x2  }
0x2c2: {  	v3 =	vand.u32 $0x7, v3;
	v4 =	vand.u32 $0xFFFFFFE0, v40  }
0x2c3: {  	v3 =	vor.u32 v3, v4  }
0x2c4: {  	v4 =	vperm.xlane v3, v0;
	_ =	sdelay $0x1  }
0x2c5: {  	v4 =	vadd.s32 v1, v4;
	_ =	sdelay $0x1  }
0x2c6: {  	v3 =	vperm.xlane v3, v2;
	_ =	sdelay $0x1  }
0x2c7: {  	v3 =	vadd.s32 v1, v3  }
0x2c8: {  	[tilespmem:s7], [sflag:$0x1] =	stream.indirect_vreg.gather [hbm4b:s1+s3], $0x80, v4, vm0, $0xb8;
	[tilespmem:$0x10400] =	vst v63  }
0x2c9: {  	s17 =	simm.s32 $0xC00  }
0x2ca: {  	[tilespmem:s17], [sflag:$0x1] =	stream.indirect_vreg.gather [hbm4b:s4+s3], $0x80, v4, vm0, $0xb8;
	[tilespmem:$0x10400] =	vst v63  }
0x2cb: {  	s17 =	simm.s32 $0x1400  }
0x2cc: {  	[tilespmem:s17], [sflag:$0x1] =	stream.indirect_vreg.gather [hbm4b:s1+s3], $0x80, v3, vm0, $0xb8;
	[tilespmem:$0x10400] =	vst v63  }
0x2cd: {  	s17 =	simm.s32 $0x1C00  }
0x2ce: {  	[tilespmem:s17], [sflag:$0x1] =	stream.indirect_vreg.gather [hbm4b:s4+s3], $0x80, v3, vm0, $0xb8;
	[tilespmem:$0x10400] =	vst v63  }
0x2cf: {  	v3 =	vld [tilespmem:$0x290];
	_ =	sdelay $0x4  }
0x2d0: {  	v41 =	vshll.u32 v3, $0x2  }
0x2d1: {  	v3 =	vand.u32 $0x7, v3;
	v4 =	vand.u32 $0xFFFFFFE0, v41  }
0x2d2: {  	v3 =	vor.u32 v3, v4  }
0x2d3: {  	v4 =	vperm.xlane v3, v0;
	_ =	sdelay $0x1  }
0x2d4: {  	v4 =	vadd.s32 v1, v4;
	_ =	sdelay $0x1  }
0x2d5: {  	v3 =	vperm.xlane v3, v2;
	_ =	sdelay $0x1  }
0x2d6: {  	s17 =	simm.s32 $0x2400;
	v3 =	vadd.s32 v1, v3  }
0x2d7: {  	[tilespmem:s17], [sflag:$0x1] =	stream.indirect_vreg.gather [hbm4b:s1+s3], $0x80, v4, vm0, $0xb8;
	[tilespmem:$0x10400] =	vst v63  }
0x2d8: {  	s25 =	simm.s32 $0x2C00  }
0x2d9: {  	[tilespmem:s25], [sflag:$0x1] =	stream.indirect_vreg.gather [hbm4b:s4+s3], $0x80, v4, vm0, $0xb8;
	[tilespmem:$0x10400] =	vst v63  }
0x2da: {  	s26 =	simm.s32 $0x3400  }
0x2db: {  	[tilespmem:s26], [sflag:$0x1] =	stream.indirect_vreg.gather [hbm4b:s1+s3], $0x80, v3, vm0, $0xb8;
	[tilespmem:$0x10400] =	vst v63  }
0x2dc: {  	s17 =	simm.s32 $0x3C00  }
0x2dd: {  	[tilespmem:s17], [sflag:$0x1] =	stream.indirect_vreg.gather [hbm4b:s4+s3], $0x80, v3, vm0, $0xb8;
	[tilespmem:$0x10400] =	vst v63  }
0x2de: {  	v3 =	vld [tilespmem:$0x2A0];
	_ =	sdelay $0x4  }
0x2df: {  	v42 =	vshll.u32 v3, $0x2  }
0x2e0: {  	v3 =	vand.u32 $0x7, v3;
	v4 =	vand.u32 $0xFFFFFFE0, v42  }
0x2e1: {  	v3 =	vor.u32 v3, v4  }
0x2e2: {  	v4 =	vperm.xlane v3, v0;
	_ =	sdelay $0x1  }
0x2e3: {  	v4 =	vadd.s32 v1, v4;
	_ =	sdelay $0x1  }
0x2e4: {  	v3 =	vperm.xlane v3, v2;
	_ =	sdelay $0x1  }
0x2e5: {  	s17 =	simm.s32 $0x4400;
	v3 =	vadd.s32 v1, v3  }
0x2e6: {  	[tilespmem:s17], [sflag:$0x1] =	stream.indirect_vreg.gather [hbm4b:s1+s3], $0x80, v4, vm0, $0xb8;
	[tilespmem:$0x10400] =	vst v63  }
0x2e7: {  	s17 =	simm.s32 $0x4C00  }
0x2e8: {  	[tilespmem:s17], [sflag:$0x1] =	stream.indirect_vreg.gather [hbm4b:s4+s3], $0x80, v4, vm0, $0xb8;
	[tilespmem:$0x10400] =	vst v63  }
0x2e9: {  	s17 =	simm.s32 $0x5400  }
0x2ea: {  	[tilespmem:s17], [sflag:$0x1] =	stream.indirect_vreg.gather [hbm4b:s1+s3], $0x80, v3, vm0, $0xb8;
	[tilespmem:$0x10400] =	vst v63  }
0x2eb: {  	s22 =	simm.s32 $0x5C00  }
0x2ec: {  	[tilespmem:s22], [sflag:$0x1] =	stream.indirect_vreg.gather [hbm4b:s4+s3], $0x80, v3, vm0, $0xb8;
	[tilespmem:$0x10400] =	vst v63  }
0x2ed: {  	v3 =	vld [tilespmem:$0x2B0];
	_ =	sdelay $0x4  }
0x2ee: {  	v43 =	vshll.u32 v3, $0x2  }
0x2ef: {  	v3 =	vand.u32 $0x7, v3;
	v4 =	vand.u32 $0xFFFFFFE0, v43  }
0x2f0: {  	v3 =	vor.u32 v3, v4  }
0x2f1: {  	v4 =	vperm.xlane v3, v0;
	_ =	sdelay $0x1  }
0x2f2: {  	v4 =	vadd.s32 v1, v4;
	_ =	sdelay $0x1  }
0x2f3: {  	v3 =	vperm.xlane v3, v2;
	_ =	sdelay $0x1  }
0x2f4: {  	s28 =	simm.s32 $0x6400;
	v3 =	vadd.s32 v1, v3  }
0x2f5: {  	[tilespmem:s28], [sflag:$0x1] =	stream.indirect_vreg.gather [hbm4b:s1+s3], $0x80, v4, vm0, $0xb8;
	[tilespmem:$0x10400] =	vst v63  }
0x2f6: {  	s29 =	simm.s32 $0x6C00  }
0x2f7: {  	[tilespmem:s29], [sflag:$0x1] =	stream.indirect_vreg.gather [hbm4b:s4+s3], $0x80, v4, vm0, $0xb8;
	[tilespmem:$0x10400] =	vst v63  }
0x2f8: {  	s30 =	simm.s32 $0x7400  }
0x2f9: {  	[tilespmem:s30], [sflag:$0x1] =	stream.indirect_vreg.gather [hbm4b:s1+s3], $0x80, v3, vm0, $0xb8;
	[tilespmem:$0x10400] =	vst v63  }
0x2fa: {  	s31 =	simm.s32 $0x7C00  }
0x2fb: {  	[tilespmem:s31], [sflag:$0x1] =	stream.indirect_vreg.gather [hbm4b:s4+s3], $0x80, v3, vm0, $0xb8;
	[tilespmem:$0x10400] =	vst v63  }
0x2fc: {  	_ =	swait.ge [sflag:s23], $0x8000  }
0x2fd: {  	[sflag:s23] =	ssyncset.done $0x0  }
0x2fe: {  	s17 =	rddreg [dreg:$0x12];
	[sflag:s23] =	ssyncadd.s32 $0xFFFF8000  }
0x2ff: {  	[hbm4b:s17+s3] =	stream.linear.scatter [tilespmem:s7], [sflag:$0x3], $0x8000, $0x38;
	[tilespmem:$0x10400] =	vst v63  }
0x300: {  	_ =	swait.ge [sflag:s16], $0x8000  }
0x301: {  	[sflag:s16] =	ssyncset.done $0x0  }
0x302: {  	[sflag:s16] =	ssyncadd.s32 $0xFFFF8000  }
0x303: {  	v3 =	vld [tilespmem:$0x2C0];
	_ =	sdelay $0x4  }
0x304: {  	v44 =	vshll.u32 v3, $0x2  }
0x305: {  	v3 =	vand.u32 $0x7, v3;
	v4 =	vand.u32 $0xFFFFFFE0, v44  }
0x306: {  	v3 =	vor.u32 v3, v4  }
0x307: {  	v4 =	vperm.xlane v3, v0;
	_ =	sdelay $0x1  }
0x308: {  	v4 =	vadd.s32 v1, v4;
	_ =	sdelay $0x1  }
0x309: {  	v3 =	vperm.xlane v3, v2;
	_ =	sdelay $0x1  }
0x30a: {  	v3 =	vadd.s32 v1, v3  }
0x30b: {  	[tilespmem:s24], [sflag:$0x2] =	stream.indirect_vreg.gather [hbm4b:s1+s3], $0x80, v4, vm0, $0xb8;
	[tilespmem:$0x10400] =	vst v63  }
0x30c: {  	s11 =	simm.s32 $0x8C00  }
0x30d: {  	[tilespmem:s11], [sflag:$0x2] =	stream.indirect_vreg.gather [hbm4b:s4+s3], $0x80, v4, vm0, $0xb8;
	[tilespmem:$0x10400] =	vst v63  }
0x30e: {  	s12 =	simm.s32 $0x9400  }
0x30f: {  	[tilespmem:s12], [sflag:$0x2] =	stream.indirect_vreg.gather [hbm4b:s1+s3], $0x80, v3, vm0, $0xb8;
	[tilespmem:$0x10400] =	vst v63  }
0x310: {  	s17 =	simm.s32 $0x9C00  }
0x311: {  	[tilespmem:s17], [sflag:$0x2] =	stream.indirect_vreg.gather [hbm4b:s4+s3], $0x80, v3, vm0, $0xb8;
	[tilespmem:$0x10400] =	vst v63  }
0x312: {  	v3 =	vld [tilespmem:$0x2D0];
	_ =	sdelay $0x4  }
0x313: {  	v45 =	vshll.u32 v3, $0x2  }
0x314: {  	v3 =	vand.u32 $0x7, v3;
	v4 =	vand.u32 $0xFFFFFFE0, v45  }
0x315: {  	v3 =	vor.u32 v3, v4  }
0x316: {  	v4 =	vperm.xlane v3, v0;
	_ =	sdelay $0x1  }
0x317: {  	v4 =	vadd.s32 v1, v4;
	_ =	sdelay $0x1  }
0x318: {  	v3 =	vperm.xlane v3, v2;
	_ =	sdelay $0x1  }
0x319: {  	s13 =	simm.s32 $0xA400;
	v3 =	vadd.s32 v1, v3  }
0x31a: {  	[tilespmem:s13], [sflag:$0x2] =	stream.indirect_vreg.gather [hbm4b:s1+s3], $0x80, v4, vm0, $0xb8;
	[tilespmem:$0x10400] =	vst v63  }
0x31b: {  	s18 =	simm.s32 $0xAC00  }
0x31c: {  	[tilespmem:s18], [sflag:$0x2] =	stream.indirect_vreg.gather [hbm4b:s4+s3], $0x80, v4, vm0, $0xb8;
	[tilespmem:$0x10400] =	vst v63  }
0x31d: {  	s0 =	simm.s32 $0xB400  }
0x31e: {  	[tilespmem:s0], [sflag:$0x2] =	stream.indirect_vreg.gather [hbm4b:s1+s3], $0x80, v3, vm0, $0xb8;
	[tilespmem:$0x10400] =	vst v63  }
0x31f: {  	s19 =	simm.s32 $0xBC00  }
0x320: {  	[tilespmem:s19], [sflag:$0x2] =	stream.indirect_vreg.gather [hbm4b:s4+s3], $0x80, v3, vm0, $0xb8;
	[tilespmem:$0x10400] =	vst v63  }
0x321: {  	v3 =	vld [tilespmem:$0x2E0];
	_ =	sdelay $0x4  }
0x322: {  	v46 =	vshll.u32 v3, $0x2  }
0x323: {  	v3 =	vand.u32 $0x7, v3;
	v4 =	vand.u32 $0xFFFFFFE0, v46  }
0x324: {  	v3 =	vor.u32 v3, v4  }
0x325: {  	v4 =	vperm.xlane v3, v0;
	_ =	sdelay $0x1  }
0x326: {  	v4 =	vadd.s32 v1, v4;
	_ =	sdelay $0x1  }
0x327: {  	v3 =	vperm.xlane v3, v2;
	_ =	sdelay $0x1  }
0x328: {  	s2 =	simm.s32 $0xC400;
	v3 =	vadd.s32 v1, v3  }
0x329: {  	[tilespmem:s2], [sflag:$0x2] =	stream.indirect_vreg.gather [hbm4b:s1+s3], $0x80, v4, vm0, $0xb8;
	[tilespmem:$0x10400] =	vst v63  }
0x32a: {  	s5 =	simm.s32 $0xCC00  }
0x32b: {  	[tilespmem:s5], [sflag:$0x2] =	stream.indirect_vreg.gather [hbm4b:s4+s3], $0x80, v4, vm0, $0xb8;
	[tilespmem:$0x10400] =	vst v63  }
0x32c: {  	s6 =	simm.s32 $0xD400  }
0x32d: {  	[tilespmem:s6], [sflag:$0x2] =	stream.indirect_vreg.gather [hbm4b:s1+s3], $0x80, v3, vm0, $0xb8;
	[tilespmem:$0x10400] =	vst v63  }
0x32e: {  	s21 =	simm.s32 $0xDC00  }
0x32f: {  	[tilespmem:s21], [sflag:$0x2] =	stream.indirect_vreg.gather [hbm4b:s4+s3], $0x80, v3, vm0, $0xb8;
	[tilespmem:$0x10400] =	vst v63  }
0x330: {  	v3 =	vld [tilespmem:$0x2F0];
	_ =	sdelay $0x4  }
0x331: {  	v47 =	vshll.u32 v3, $0x2  }
0x332: {  	v3 =	vand.u32 $0x7, v3;
	v4 =	vand.u32 $0xFFFFFFE0, v47  }
0x333: {  	v3 =	vor.u32 v3, v4  }
0x334: {  	v4 =	vperm.xlane v3, v0;
	_ =	sdelay $0x1  }
0x335: {  	v4 =	vadd.s32 v1, v4;
	_ =	sdelay $0x1  }
0x336: {  	v3 =	vperm.xlane v3, v2;
	_ =	sdelay $0x1  }
0x337: {  	s8 =	simm.s32 $0xE400;
	v3 =	vadd.s32 v1, v3  }
0x338: {  	[tilespmem:s8], [sflag:$0x2] =	stream.indirect_vreg.gather [hbm4b:s1+s3], $0x80, v4, vm0, $0xb8;
	[tilespmem:$0x10400] =	vst v63  }
0x339: {  	s9 =	simm.s32 $0xEC00  }
0x33a: {  	[tilespmem:s9], [sflag:$0x2] =	stream.indirect_vreg.gather [hbm4b:s4+s3], $0x80, v4, vm0, $0xb8;
	[tilespmem:$0x10400] =	vst v63  }
0x33b: {  	s10 =	simm.s32 $0xF400  }
0x33c: {  	[tilespmem:s10], [sflag:$0x2] =	stream.indirect_vreg.gather [hbm4b:s1+s3], $0x80, v3, vm0, $0xb8;
	[tilespmem:$0x10400] =	vst v63  }
0x33d: {  	s20 =	simm.s32 $0xFC00  }
0x33e: {  	[tilespmem:s20], [sflag:$0x2] =	stream.indirect_vreg.gather [hbm4b:s4+s3], $0x80, v3, vm0, $0xb8;
	[tilespmem:$0x10400] =	vst v63  }
0x33f: {  	_ =	swait.ge [sflag:s14], $0x8000  }
0x340: {  	[sflag:s14] =	ssyncset.done $0x0  }
0x341: {  	s21 =	rddreg [dreg:$0x13];
	[sflag:s14] =	ssyncadd.s32 $0xFFFF8000  }
0x342: {  	[hbm4b:s21+s3] =	stream.linear.scatter [tilespmem:s24], [sflag:$0x4], $0x8000, $0x38;
	[tilespmem:$0x10400] =	vst v63  }
0x343: {  	_ =	swait.ge [sflag:s15], $0x8000  }
0x344: {  	[sflag:s15] =	ssyncset.done $0x0  }
0x345: {  	[sflag:s15] =	ssyncadd.s32 $0xFFFF8000  }
0x346: {  	v3 =	vld [tilespmem:$0x300];
	_ =	sdelay $0x4  }
0x347: {  	v48 =	vshll.u32 v3, $0x2  }
0x348: {  	v3 =	vand.u32 $0x7, v3;
	v4 =	vand.u32 $0xFFFFFFE0, v48  }
0x349: {  	v3 =	vor.u32 v3, v4  }
0x34a: {  	v4 =	vperm.xlane v3, v0;
	_ =	sdelay $0x1  }
0x34b: {  	v4 =	vadd.s32 v1, v4;
	_ =	sdelay $0x1  }
0x34c: {  	v3 =	vperm.xlane v3, v2;
	_ =	sdelay $0x1  }
0x34d: {  	v3 =	vadd.s32 v1, v3  }
0x34e: {  	[tilespmem:s7], [sflag:$0x1] =	stream.indirect_vreg.gather [hbm4b:s1+s3], $0x80, v4, vm0, $0xb8;
	[tilespmem:$0x10400] =	vst v63  }
0x34f: {  	s20 =	simm.s32 $0xC00  }
0x350: {  	[tilespmem:s20], [sflag:$0x1] =	stream.indirect_vreg.gather [hbm4b:s4+s3], $0x80, v4, vm0, $0xb8;
	[tilespmem:$0x10400] =	vst v63  }
0x351: {  	s21 =	simm.s32 $0x1400  }
0x352: {  	[tilespmem:s21], [sflag:$0x1] =	stream.indirect_vreg.gather [hbm4b:s1+s3], $0x80, v3, vm0, $0xb8;
	[tilespmem:$0x10400] =	vst v63  }
0x353: {  	s20 =	simm.s32 $0x1C00  }
0x354: {  	[tilespmem:s20], [sflag:$0x1] =	stream.indirect_vreg.gather [hbm4b:s4+s3], $0x80, v3, vm0, $0xb8;
	[tilespmem:$0x10400] =	vst v63  }
0x355: {  	v3 =	vld [tilespmem:$0x310];
	_ =	sdelay $0x4  }
0x356: {  	v49 =	vshll.u32 v3, $0x2  }
0x357: {  	v3 =	vand.u32 $0x7, v3;
	v4 =	vand.u32 $0xFFFFFFE0, v49  }
0x358: {  	v3 =	vor.u32 v3, v4  }
0x359: {  	v4 =	vperm.xlane v3, v0;
	_ =	sdelay $0x1  }
0x35a: {  	v4 =	vadd.s32 v1, v4;
	_ =	sdelay $0x1  }
0x35b: {  	v3 =	vperm.xlane v3, v2;
	_ =	sdelay $0x1  }
0x35c: {  	s21 =	simm.s32 $0x2400;
	v3 =	vadd.s32 v1, v3  }
0x35d: {  	[tilespmem:s21], [sflag:$0x1] =	stream.indirect_vreg.gather [hbm4b:s1+s3], $0x80, v4, vm0, $0xb8;
	[tilespmem:$0x10400] =	vst v63  }
0x35e: {  	s25 =	simm.s32 $0x2C00  }
0x35f: {  	[tilespmem:s25], [sflag:$0x1] =	stream.indirect_vreg.gather [hbm4b:s4+s3], $0x80, v4, vm0, $0xb8;
	[tilespmem:$0x10400] =	vst v63  }
0x360: {  	s26 =	simm.s32 $0x3400  }
0x361: {  	[tilespmem:s26], [sflag:$0x1] =	stream.indirect_vreg.gather [hbm4b:s1+s3], $0x80, v3, vm0, $0xb8;
	[tilespmem:$0x10400] =	vst v63  }
0x362: {  	s20 =	simm.s32 $0x3C00  }
0x363: {  	[tilespmem:s20], [sflag:$0x1] =	stream.indirect_vreg.gather [hbm4b:s4+s3], $0x80, v3, vm0, $0xb8;
	[tilespmem:$0x10400] =	vst v63  }
0x364: {  	v3 =	vld [tilespmem:$0x320];
	_ =	sdelay $0x4  }
0x365: {  	v50 =	vshll.u32 v3, $0x2  }
0x366: {  	v3 =	vand.u32 $0x7, v3;
	v4 =	vand.u32 $0xFFFFFFE0, v50  }
0x367: {  	v3 =	vor.u32 v3, v4  }
0x368: {  	v4 =	vperm.xlane v3, v0;
	_ =	sdelay $0x1  }
0x369: {  	v4 =	vadd.s32 v1, v4;
	_ =	sdelay $0x1  }
0x36a: {  	v3 =	vperm.xlane v3, v2;
	_ =	sdelay $0x1  }
0x36b: {  	s26 =	simm.s32 $0x4400;
	v3 =	vadd.s32 v1, v3  }
0x36c: {  	[tilespmem:s26], [sflag:$0x1] =	stream.indirect_vreg.gather [hbm4b:s1+s3], $0x80, v4, vm0, $0xb8;
	[tilespmem:$0x10400] =	vst v63  }
0x36d: {  	s20 =	simm.s32 $0x4C00  }
0x36e: {  	[tilespmem:s20], [sflag:$0x1] =	stream.indirect_vreg.gather [hbm4b:s4+s3], $0x80, v4, vm0, $0xb8;
	[tilespmem:$0x10400] =	vst v63  }
0x36f: {  	s26 =	simm.s32 $0x5400  }
0x370: {  	[tilespmem:s26], [sflag:$0x1] =	stream.indirect_vreg.gather [hbm4b:s1+s3], $0x80, v3, vm0, $0xb8;
	[tilespmem:$0x10400] =	vst v63  }
0x371: {  	s22 =	simm.s32 $0x5C00  }
0x372: {  	[tilespmem:s22], [sflag:$0x1] =	stream.indirect_vreg.gather [hbm4b:s4+s3], $0x80, v3, vm0, $0xb8;
	[tilespmem:$0x10400] =	vst v63  }
0x373: {  	v3 =	vld [tilespmem:$0x330];
	_ =	sdelay $0x4  }
0x374: {  	v51 =	vshll.u32 v3, $0x2  }
0x375: {  	v3 =	vand.u32 $0x7, v3;
	v4 =	vand.u32 $0xFFFFFFE0, v51  }
0x376: {  	v3 =	vor.u32 v3, v4  }
0x377: {  	v4 =	vperm.xlane v3, v0;
	_ =	sdelay $0x1  }
0x378: {  	v4 =	vadd.s32 v1, v4;
	_ =	sdelay $0x1  }
0x379: {  	v3 =	vperm.xlane v3, v2;
	_ =	sdelay $0x1  }
0x37a: {  	s28 =	simm.s32 $0x6400;
	v3 =	vadd.s32 v1, v3  }
0x37b: {  	[tilespmem:s28], [sflag:$0x1] =	stream.indirect_vreg.gather [hbm4b:s1+s3], $0x80, v4, vm0, $0xb8;
	[tilespmem:$0x10400] =	vst v63  }
0x37c: {  	s29 =	simm.s32 $0x6C00  }
0x37d: {  	[tilespmem:s29], [sflag:$0x1] =	stream.indirect_vreg.gather [hbm4b:s4+s3], $0x80, v4, vm0, $0xb8;
	[tilespmem:$0x10400] =	vst v63  }
0x37e: {  	s30 =	simm.s32 $0x7400  }
0x37f: {  	[tilespmem:s30], [sflag:$0x1] =	stream.indirect_vreg.gather [hbm4b:s1+s3], $0x80, v3, vm0, $0xb8;
	[tilespmem:$0x10400] =	vst v63  }
0x380: {  	s31 =	simm.s32 $0x7C00  }
0x381: {  	[tilespmem:s31], [sflag:$0x1] =	stream.indirect_vreg.gather [hbm4b:s4+s3], $0x80, v3, vm0, $0xb8;
	[tilespmem:$0x10400] =	vst v63  }
0x382: {  	_ =	swait.ge [sflag:s23], $0x8000  }
0x383: {  	[sflag:s23] =	ssyncset.done $0x0  }
0x384: {  	s31 =	rddreg [dreg:$0x14];
	[sflag:s23] =	ssyncadd.s32 $0xFFFF8000  }
0x385: {  	[hbm4b:s31+s3] =	stream.linear.scatter [tilespmem:s7], [sflag:$0x3], $0x8000, $0x38;
	[tilespmem:$0x10400] =	vst v63  }
0x386: {  	_ =	swait.ge [sflag:s16], $0x8000  }
0x387: {  	[sflag:s16] =	ssyncset.done $0x0  }
0x388: {  	[sflag:s16] =	ssyncadd.s32 $0xFFFF8000  }
0x389: {  	v3 =	vld [tilespmem:$0x340];
	_ =	sdelay $0x4  }
0x38a: {  	v52 =	vshll.u32 v3, $0x2  }
0x38b: {  	v3 =	vand.u32 $0x7, v3;
	v4 =	vand.u32 $0xFFFFFFE0, v52  }
0x38c: {  	v3 =	vor.u32 v3, v4  }
0x38d: {  	v4 =	vperm.xlane v3, v0;
	_ =	sdelay $0x1  }
0x38e: {  	v4 =	vadd.s32 v1, v4;
	_ =	sdelay $0x1  }
0x38f: {  	v3 =	vperm.xlane v3, v2;
	_ =	sdelay $0x1  }
0x390: {  	v3 =	vadd.s32 v1, v3  }
0x391: {  	[tilespmem:s24], [sflag:$0x2] =	stream.indirect_vreg.gather [hbm4b:s1+s3], $0x80, v4, vm0, $0xb8;
	[tilespmem:$0x10400] =	vst v63  }
0x392: {  	s11 =	simm.s32 $0x8C00  }
0x393: {  	[tilespmem:s11], [sflag:$0x2] =	stream.indirect_vreg.gather [hbm4b:s4+s3], $0x80, v4, vm0, $0xb8;
	[tilespmem:$0x10400] =	vst v63  }
0x394: {  	s12 =	simm.s32 $0x9400  }
0x395: {  	[tilespmem:s12], [sflag:$0x2] =	stream.indirect_vreg.gather [hbm4b:s1+s3], $0x80, v3, vm0, $0xb8;
	[tilespmem:$0x10400] =	vst v63  }
0x396: {  	s17 =	simm.s32 $0x9C00  }
0x397: {  	[tilespmem:s17], [sflag:$0x2] =	stream.indirect_vreg.gather [hbm4b:s4+s3], $0x80, v3, vm0, $0xb8;
	[tilespmem:$0x10400] =	vst v63  }
0x398: {  	v3 =	vld [tilespmem:$0x350];
	_ =	sdelay $0x4  }
0x399: {  	v53 =	vshll.u32 v3, $0x2  }
0x39a: {  	v3 =	vand.u32 $0x7, v3;
	v4 =	vand.u32 $0xFFFFFFE0, v53  }
0x39b: {  	v3 =	vor.u32 v3, v4  }
0x39c: {  	v4 =	vperm.xlane v3, v0;
	_ =	sdelay $0x1  }
0x39d: {  	v4 =	vadd.s32 v1, v4;
	_ =	sdelay $0x1  }
0x39e: {  	v3 =	vperm.xlane v3, v2;
	_ =	sdelay $0x1  }
0x39f: {  	s13 =	simm.s32 $0xA400;
	v3 =	vadd.s32 v1, v3  }
0x3a0: {  	[tilespmem:s13], [sflag:$0x2] =	stream.indirect_vreg.gather [hbm4b:s1+s3], $0x80, v4, vm0, $0xb8;
	[tilespmem:$0x10400] =	vst v63  }
0x3a1: {  	s18 =	simm.s32 $0xAC00  }
0x3a2: {  	[tilespmem:s18], [sflag:$0x2] =	stream.indirect_vreg.gather [hbm4b:s4+s3], $0x80, v4, vm0, $0xb8;
	[tilespmem:$0x10400] =	vst v63  }
0x3a3: {  	s0 =	simm.s32 $0xB400  }
0x3a4: {  	[tilespmem:s0], [sflag:$0x2] =	stream.indirect_vreg.gather [hbm4b:s1+s3], $0x80, v3, vm0, $0xb8;
	[tilespmem:$0x10400] =	vst v63  }
0x3a5: {  	s19 =	simm.s32 $0xBC00  }
0x3a6: {  	[tilespmem:s19], [sflag:$0x2] =	stream.indirect_vreg.gather [hbm4b:s4+s3], $0x80, v3, vm0, $0xb8;
	[tilespmem:$0x10400] =	vst v63  }
0x3a7: {  	v3 =	vld [tilespmem:$0x360];
	_ =	sdelay $0x4  }
0x3a8: {  	v54 =	vshll.u32 v3, $0x2  }
0x3a9: {  	v3 =	vand.u32 $0x7, v3;
	v4 =	vand.u32 $0xFFFFFFE0, v54  }
0x3aa: {  	v3 =	vor.u32 v3, v4  }
0x3ab: {  	v4 =	vperm.xlane v3, v0;
	_ =	sdelay $0x1  }
0x3ac: {  	v4 =	vadd.s32 v1, v4;
	_ =	sdelay $0x1  }
0x3ad: {  	v3 =	vperm.xlane v3, v2;
	_ =	sdelay $0x1  }
0x3ae: {  	s2 =	simm.s32 $0xC400;
	v3 =	vadd.s32 v1, v3  }
0x3af: {  	[tilespmem:s2], [sflag:$0x2] =	stream.indirect_vreg.gather [hbm4b:s1+s3], $0x80, v4, vm0, $0xb8;
	[tilespmem:$0x10400] =	vst v63  }
0x3b0: {  	s5 =	simm.s32 $0xCC00  }
0x3b1: {  	[tilespmem:s5], [sflag:$0x2] =	stream.indirect_vreg.gather [hbm4b:s4+s3], $0x80, v4, vm0, $0xb8;
	[tilespmem:$0x10400] =	vst v63  }
0x3b2: {  	s6 =	simm.s32 $0xD400  }
0x3b3: {  	[tilespmem:s6], [sflag:$0x2] =	stream.indirect_vreg.gather [hbm4b:s1+s3], $0x80, v3, vm0, $0xb8;
	[tilespmem:$0x10400] =	vst v63  }
0x3b4: {  	s19 =	simm.s32 $0xDC00  }
0x3b5: {  	[tilespmem:s19], [sflag:$0x2] =	stream.indirect_vreg.gather [hbm4b:s4+s3], $0x80, v3, vm0, $0xb8;
	[tilespmem:$0x10400] =	vst v63  }
0x3b6: {  	v3 =	vld [tilespmem:$0x370];
	_ =	sdelay $0x4  }
0x3b7: {  	v55 =	vshll.u32 v3, $0x2  }
0x3b8: {  	v3 =	vand.u32 $0x7, v3;
	v4 =	vand.u32 $0xFFFFFFE0, v55  }
0x3b9: {  	v3 =	vor.u32 v3, v4  }
0x3ba: {  	v4 =	vperm.xlane v3, v0;
	_ =	sdelay $0x1  }
0x3bb: {  	v4 =	vadd.s32 v1, v4;
	_ =	sdelay $0x1  }
0x3bc: {  	v3 =	vperm.xlane v3, v2;
	_ =	sdelay $0x1  }
0x3bd: {  	s8 =	simm.s32 $0xE400;
	v3 =	vadd.s32 v1, v3  }
0x3be: {  	[tilespmem:s8], [sflag:$0x2] =	stream.indirect_vreg.gather [hbm4b:s1+s3], $0x80, v4, vm0, $0xb8;
	[tilespmem:$0x10400] =	vst v63  }
0x3bf: {  	s9 =	simm.s32 $0xEC00  }
0x3c0: {  	[tilespmem:s9], [sflag:$0x2] =	stream.indirect_vreg.gather [hbm4b:s4+s3], $0x80, v4, vm0, $0xb8;
	[tilespmem:$0x10400] =	vst v63  }
0x3c1: {  	s10 =	simm.s32 $0xF400  }
0x3c2: {  	[tilespmem:s10], [sflag:$0x2] =	stream.indirect_vreg.gather [hbm4b:s1+s3], $0x80, v3, vm0, $0xb8;
	[tilespmem:$0x10400] =	vst v63  }
0x3c3: {  	s17 =	simm.s32 $0xFC00  }
0x3c4: {  	[tilespmem:s17], [sflag:$0x2] =	stream.indirect_vreg.gather [hbm4b:s4+s3], $0x80, v3, vm0, $0xb8;
	[tilespmem:$0x10400] =	vst v63  }
0x3c5: {  	_ =	swait.ge [sflag:s14], $0x8000  }
0x3c6: {  	[sflag:s14] =	ssyncset.done $0x0  }
0x3c7: {  	s17 =	rddreg [dreg:$0x15];
	[sflag:s14] =	ssyncadd.s32 $0xFFFF8000  }
0x3c8: {  	[hbm4b:s17+s3] =	stream.linear.scatter [tilespmem:s24], [sflag:$0x4], $0x8000, $0x38;
	[tilespmem:$0x10400] =	vst v63  }
0x3c9: {  	_ =	swait.ge [sflag:s15], $0x8000  }
0x3ca: {  	[sflag:s15] =	ssyncset.done $0x0  }
0x3cb: {  	[sflag:s15] =	ssyncadd.s32 $0xFFFF8000  }
0x3cc: {  	v3 =	vld [tilespmem:$0x380];
	_ =	sdelay $0x4  }
0x3cd: {  	v56 =	vshll.u32 v3, $0x2  }
0x3ce: {  	v3 =	vand.u32 $0x7, v3;
	v4 =	vand.u32 $0xFFFFFFE0, v56  }
0x3cf: {  	v3 =	vor.u32 v3, v4  }
0x3d0: {  	v4 =	vperm.xlane v3, v0;
	_ =	sdelay $0x1  }
0x3d1: {  	v4 =	vadd.s32 v1, v4;
	_ =	sdelay $0x1  }
0x3d2: {  	v3 =	vperm.xlane v3, v2;
	_ =	sdelay $0x1  }
0x3d3: {  	v3 =	vadd.s32 v1, v3  }
0x3d4: {  	[tilespmem:s7], [sflag:$0x1] =	stream.indirect_vreg.gather [hbm4b:s1+s3], $0x80, v4, vm0, $0xb8;
	[tilespmem:$0x10400] =	vst v63  }
0x3d5: {  	s17 =	simm.s32 $0xC00  }
0x3d6: {  	[tilespmem:s17], [sflag:$0x1] =	stream.indirect_vreg.gather [hbm4b:s4+s3], $0x80, v4, vm0, $0xb8;
	[tilespmem:$0x10400] =	vst v63  }
0x3d7: {  	s17 =	simm.s32 $0x1400  }
0x3d8: {  	[tilespmem:s17], [sflag:$0x1] =	stream.indirect_vreg.gather [hbm4b:s1+s3], $0x80, v3, vm0, $0xb8;
	[tilespmem:$0x10400] =	vst v63  }
0x3d9: {  	s17 =	simm.s32 $0x1C00  }
0x3da: {  	[tilespmem:s17], [sflag:$0x1] =	stream.indirect_vreg.gather [hbm4b:s4+s3], $0x80, v3, vm0, $0xb8;
	[tilespmem:$0x10400] =	vst v63  }
0x3db: {  	v3 =	vld [tilespmem:$0x390];
	_ =	sdelay $0x4  }
0x3dc: {  	v57 =	vshll.u32 v3, $0x2  }
0x3dd: {  	v3 =	vand.u32 $0x7, v3;
	v4 =	vand.u32 $0xFFFFFFE0, v57  }
0x3de: {  	v3 =	vor.u32 v3, v4  }
0x3df: {  	v4 =	vperm.xlane v3, v0;
	_ =	sdelay $0x1  }
0x3e0: {  	v4 =	vadd.s32 v1, v4;
	_ =	sdelay $0x1  }
0x3e1: {  	v3 =	vperm.xlane v3, v2;
	_ =	sdelay $0x1  }
0x3e2: {  	s17 =	simm.s32 $0x2400;
	v3 =	vadd.s32 v1, v3  }
0x3e3: {  	[tilespmem:s17], [sflag:$0x1] =	stream.indirect_vreg.gather [hbm4b:s1+s3], $0x80, v4, vm0, $0xb8;
	[tilespmem:$0x10400] =	vst v63  }
0x3e4: {  	s21 =	simm.s32 $0x2C00  }
0x3e5: {  	[tilespmem:s21], [sflag:$0x1] =	stream.indirect_vreg.gather [hbm4b:s4+s3], $0x80, v4, vm0, $0xb8;
	[tilespmem:$0x10400] =	vst v63  }
0x3e6: {  	s25 =	simm.s32 $0x3400  }
0x3e7: {  	[tilespmem:s25], [sflag:$0x1] =	stream.indirect_vreg.gather [hbm4b:s1+s3], $0x80, v3, vm0, $0xb8;
	[tilespmem:$0x10400] =	vst v63  }
0x3e8: {  	s21 =	simm.s32 $0x3C00  }
0x3e9: {  	[tilespmem:s21], [sflag:$0x1] =	stream.indirect_vreg.gather [hbm4b:s4+s3], $0x80, v3, vm0, $0xb8;
	[tilespmem:$0x10400] =	vst v63  }
0x3ea: {  	v3 =	vld [tilespmem:$0x3A0];
	_ =	sdelay $0x4  }
0x3eb: {  	v58 =	vshll.u32 v3, $0x2  }
0x3ec: {  	v3 =	vand.u32 $0x7, v3;
	v4 =	vand.u32 $0xFFFFFFE0, v58  }
0x3ed: {  	v3 =	vor.u32 v3, v4  }
0x3ee: {  	v4 =	vperm.xlane v3, v0;
	_ =	sdelay $0x1  }
0x3ef: {  	v4 =	vadd.s32 v1, v4;
	_ =	sdelay $0x1  }
0x3f0: {  	v3 =	vperm.xlane v3, v2;
	_ =	sdelay $0x1  }
0x3f1: {  	s25 =	simm.s32 $0x4400;
	v3 =	vadd.s32 v1, v3  }
0x3f2: {  	[tilespmem:s25], [sflag:$0x1] =	stream.indirect_vreg.gather [hbm4b:s1+s3], $0x80, v4, vm0, $0xb8;
	[tilespmem:$0x10400] =	vst v63  }
0x3f3: {  	s21 =	simm.s32 $0x4C00  }
0x3f4: {  	[tilespmem:s21], [sflag:$0x1] =	stream.indirect_vreg.gather [hbm4b:s4+s3], $0x80, v4, vm0, $0xb8;
	[tilespmem:$0x10400] =	vst v63  }
0x3f5: {  	s25 =	simm.s32 $0x5400  }
0x3f6: {  	[tilespmem:s25], [sflag:$0x1] =	stream.indirect_vreg.gather [hbm4b:s1+s3], $0x80, v3, vm0, $0xb8;
	[tilespmem:$0x10400] =	vst v63  }
0x3f7: {  	s20 =	simm.s32 $0x5C00  }
0x3f8: {  	[tilespmem:s20], [sflag:$0x1] =	stream.indirect_vreg.gather [hbm4b:s4+s3], $0x80, v3, vm0, $0xb8;
	[tilespmem:$0x10400] =	vst v63  }
0x3f9: {  	v3 =	vld [tilespmem:$0x3B0];
	_ =	sdelay $0x4  }
0x3fa: {  	v59 =	vshll.u32 v3, $0x2  }
0x3fb: {  	v3 =	vand.u32 $0x7, v3;
	v4 =	vand.u32 $0xFFFFFFE0, v59  }
0x3fc: {  	v3 =	vor.u32 v3, v4  }
0x3fd: {  	v4 =	vperm.xlane v3, v0;
	_ =	sdelay $0x1  }
0x3fe: {  	v4 =	vadd.s32 v1, v4;
	_ =	sdelay $0x1  }
0x3ff: {  	v3 =	vperm.xlane v3, v2;
	_ =	sdelay $0x1  }
0x400: {  	s22 =	simm.s32 $0x6400;
	v3 =	vadd.s32 v1, v3  }
0x401: {  	[tilespmem:s22], [sflag:$0x1] =	stream.indirect_vreg.gather [hbm4b:s1+s3], $0x80, v4, vm0, $0xb8;
	[tilespmem:$0x10400] =	vst v63  }
0x402: {  	s26 =	simm.s32 $0x6C00  }
0x403: {  	[tilespmem:s26], [sflag:$0x1] =	stream.indirect_vreg.gather [hbm4b:s4+s3], $0x80, v4, vm0, $0xb8;
	[tilespmem:$0x10400] =	vst v63  }
0x404: {  	s28 =	simm.s32 $0x7400  }
0x405: {  	[tilespmem:s28], [sflag:$0x1] =	stream.indirect_vreg.gather [hbm4b:s1+s3], $0x80, v3, vm0, $0xb8;
	[tilespmem:$0x10400] =	vst v63  }
0x406: {  	s29 =	simm.s32 $0x7C00  }
0x407: {  	[tilespmem:s29], [sflag:$0x1] =	stream.indirect_vreg.gather [hbm4b:s4+s3], $0x80, v3, vm0, $0xb8;
	[tilespmem:$0x10400] =	vst v63  }
0x408: {  	_ =	swait.ge [sflag:s23], $0x8000  }
0x409: {  	[sflag:s23] =	ssyncset.done $0x0  }
0x40a: {  	s28 =	rddreg [dreg:$0x16];
	[sflag:s23] =	ssyncadd.s32 $0xFFFF8000  }
0x40b: {  	[hbm4b:s28+s3] =	stream.linear.scatter [tilespmem:s7], [sflag:$0x3], $0x8000, $0x38;
	[tilespmem:$0x10400] =	vst v63  }
0x40c: {  	_ =	swait.ge [sflag:s16], $0x8000  }
0x40d: {  	[sflag:s16] =	ssyncset.done $0x0  }
0x40e: {  	[sflag:s16] =	ssyncadd.s32 $0xFFFF8000  }
0x40f: {  	v3 =	vld [tilespmem:$0x3C0];
	_ =	sdelay $0x4  }
0x410: {  	v60 =	vshll.u32 v3, $0x2  }
0x411: {  	v3 =	vand.u32 $0x7, v3;
	v4 =	vand.u32 $0xFFFFFFE0, v60  }
0x412: {  	v3 =	vor.u32 v3, v4  }
0x413: {  	v4 =	vperm.xlane v3, v0;
	_ =	sdelay $0x1  }
0x414: {  	v4 =	vadd.s32 v1, v4;
	_ =	sdelay $0x1  }
0x415: {  	v3 =	vperm.xlane v3, v2;
	_ =	sdelay $0x1  }
0x416: {  	v3 =	vadd.s32 v1, v3  }
0x417: {  	[tilespmem:s24], [sflag:$0x2] =	stream.indirect_vreg.gather [hbm4b:s1+s3], $0x80, v4, vm0, $0xb8;
	[tilespmem:$0x10400] =	vst v63  }
0x418: {  	s31 =	simm.s32 $0x8C00  }
0x419: {  	[tilespmem:s31], [sflag:$0x2] =	stream.indirect_vreg.gather [hbm4b:s4+s3], $0x80, v4, vm0, $0xb8;
	[tilespmem:$0x10400] =	vst v63  }
0x41a: {  	s11 =	simm.s32 $0x9400  }
0x41b: {  	[tilespmem:s11], [sflag:$0x2] =	stream.indirect_vreg.gather [hbm4b:s1+s3], $0x80, v3, vm0, $0xb8;
	[tilespmem:$0x10400] =	vst v63  }
0x41c: {  	s29 =	simm.s32 $0x9C00  }
0x41d: {  	[tilespmem:s29], [sflag:$0x2] =	stream.indirect_vreg.gather [hbm4b:s4+s3], $0x80, v3, vm0, $0xb8;
	[tilespmem:$0x10400] =	vst v63  }
0x41e: {  	v3 =	vld [tilespmem:$0x3D0];
	_ =	sdelay $0x4  }
0x41f: {  	v61 =	vshll.u32 v3, $0x2  }
0x420: {  	v3 =	vand.u32 $0x7, v3;
	v4 =	vand.u32 $0xFFFFFFE0, v61  }
0x421: {  	v3 =	vor.u32 v3, v4  }
0x422: {  	v4 =	vperm.xlane v3, v0;
	_ =	sdelay $0x1  }
0x423: {  	v4 =	vadd.s32 v1, v4;
	_ =	sdelay $0x1  }
0x424: {  	v3 =	vperm.xlane v3, v2;
	_ =	sdelay $0x1  }
0x425: {  	s12 =	simm.s32 $0xA400;
	v3 =	vadd.s32 v1, v3  }
0x426: {  	[tilespmem:s12], [sflag:$0x2] =	stream.indirect_vreg.gather [hbm4b:s1+s3], $0x80, v4, vm0, $0xb8;
	[tilespmem:$0x10400] =	vst v63  }
0x427: {  	s13 =	simm.s32 $0xAC00  }
0x428: {  	[tilespmem:s13], [sflag:$0x2] =	stream.indirect_vreg.gather [hbm4b:s4+s3], $0x80, v4, vm0, $0xb8;
	[tilespmem:$0x10400] =	vst v63  }
0x429: {  	s30 =	simm.s32 $0xB400  }
0x42a: {  	[tilespmem:s30], [sflag:$0x2] =	stream.indirect_vreg.gather [hbm4b:s1+s3], $0x80, v3, vm0, $0xb8;
	[tilespmem:$0x10400] =	vst v63  }
0x42b: {  	s18 =	simm.s32 $0xBC00  }
0x42c: {  	[tilespmem:s18], [sflag:$0x2] =	stream.indirect_vreg.gather [hbm4b:s4+s3], $0x80, v3, vm0, $0xb8;
	[tilespmem:$0x10400] =	vst v63  }
0x42d: {  	v3 =	vld [tilespmem:$0x3E0];
	_ =	sdelay $0x4  }
0x42e: {  	v62 =	vshll.u32 v3, $0x2  }
0x42f: {  	v3 =	vand.u32 $0x7, v3;
	v4 =	vand.u32 $0xFFFFFFE0, v62  }
0x430: {  	v3 =	vor.u32 v3, v4  }
0x431: {  	v4 =	vperm.xlane v3, v0;
	_ =	sdelay $0x1  }
0x432: {  	v4 =	vadd.s32 v1, v4;
	_ =	sdelay $0x1  }
0x433: {  	v3 =	vperm.xlane v3, v2;
	_ =	sdelay $0x1  }
0x434: {  	s0 =	simm.s32 $0xC400;
	v3 =	vadd.s32 v1, v3  }
0x435: {  	[tilespmem:s0], [sflag:$0x2] =	stream.indirect_vreg.gather [hbm4b:s1+s3], $0x80, v4, vm0, $0xb8;
	[tilespmem:$0x10400] =	vst v63  }
0x436: {  	s2 =	simm.s32 $0xCC00  }
0x437: {  	[tilespmem:s2], [sflag:$0x2] =	stream.indirect_vreg.gather [hbm4b:s4+s3], $0x80, v4, vm0, $0xb8;
	[tilespmem:$0x10400] =	vst v63  }
0x438: {  	s5 =	simm.s32 $0xD400  }
0x439: {  	[tilespmem:s5], [sflag:$0x2] =	stream.indirect_vreg.gather [hbm4b:s1+s3], $0x80, v3, vm0, $0xb8;
	[tilespmem:$0x10400] =	vst v63  }
0x43a: {  	s19 =	simm.s32 $0xDC00  }
0x43b: {  	[tilespmem:s19], [sflag:$0x2] =	stream.indirect_vreg.gather [hbm4b:s4+s3], $0x80, v3, vm0, $0xb8;
	[tilespmem:$0x10400] =	vst v63  }
0x43c: {  	v3 =	vld [tilespmem:$0x3F0];
	_ =	sdelay $0x4  }
0x43d: {  	v63 =	vshll.u32 v3, $0x2  }
0x43e: {  	v3 =	vand.u32 $0x7, v3;
	v4 =	vand.u32 $0xFFFFFFE0, v63  }
0x43f: {  	v3 =	vor.u32 v3, v4  }
0x440: {  	v4 =	vperm.xlane v3, v0;
	_ =	sdelay $0x1  }
0x441: {  	v4 =	vadd.s32 v1, v4;
	_ =	sdelay $0x1  }
0x442: {  	v3 =	vperm.xlane v3, v2;
	_ =	sdelay $0x1  }
0x443: {  	s6 =	simm.s32 $0xE400;
	v3 =	vadd.s32 v1, v3  }
0x444: {  	[tilespmem:s6], [sflag:$0x2] =	stream.indirect_vreg.gather [hbm4b:s1+s3], $0x80, v4, vm0, $0xb8;
	[tilespmem:$0x10400] =	vst v63  }
0x445: {  	s8 =	simm.s32 $0xEC00  }
0x446: {  	[tilespmem:s8], [sflag:$0x2] =	stream.indirect_vreg.gather [hbm4b:s4+s3], $0x80, v4, vm0, $0xb8;
	[tilespmem:$0x10400] =	vst v63  }
0x447: {  	s9 =	simm.s32 $0xF400  }
0x448: {  	[tilespmem:s9], [sflag:$0x2] =	stream.indirect_vreg.gather [hbm4b:s1+s3], $0x80, v3, vm0, $0xb8;
	[tilespmem:$0x10400] =	vst v63  }
0x449: {  	s10 =	simm.s32 $0xFC00  }
0x44a: {  	[tilespmem:s10], [sflag:$0x2] =	stream.indirect_vreg.gather [hbm4b:s4+s3], $0x80, v3, vm0, $0xb8;
	[tilespmem:$0x10400] =	vst v63  }
0x44b: {  	s30 =	rddreg [dreg:$0x19];
	_ =	swait.ge [sflag:s14], $0x8000  }
0x44c: {  	[sflag:s14] =	ssyncset.done $0x0  }
0x44d: {  	s31 =	rddreg [dreg:$0x17];
	[sflag:s14] =	ssyncadd.s32 $0xFFFF8000  }
0x44e: {  	[hbm4b:s31+s3] =	stream.linear.scatter [tilespmem:s24], [sflag:$0x4], $0x8000, $0x38;
	[tilespmem:$0x10400] =	vst v63  }
0x44f: {  	p0 =	sne.s32 s30, $0x1;
	_ =	swait.ge [sflag:s15], $0x8000  }
.Ltmp0:
0x450: {  	[sflag:s15] =	ssyncset.done $0x0;
	(pc) =	sbr.rel @p0 .LBB2_1-.Ltmp0, $4  }
0x451: {  	[sflag:s15] =	ssyncadd.s32 $0xFFFF8000  }
0x452: {  	_ =	swait.ge [sflag:s16], $0x8000  }
0x453: {  	[sflag:s16] =	ssyncset.done $0x0  }
0x454: {  	s2 =	sadd.s32 $0xFFFFFFFF, s30;
	[sflag:s16] =	ssyncadd.s32 $0xFFFF8000  }
0x455: {  	_ =	sfence.sel $0x180000  }
0x456: {  	[bflag:$0x0] =	sbarrier.arrive $0xFFFF  }
0x457: {  	_ =	strace $0x90000047  }
0x458: {  	s0 =	stileid.u32;
	[bflag:$0x2] =	sbarrier.arrive $0xFFFF  }
0x459: {  	p0 =	sne.s32 s0, $0x0;
	s0 =	rddreg [dreg:$0x5]  }
0x45a: {  	s0 =	sadd.s32 @!p0 $0x100000, s0  }
0x45b: {  	[sflag:s0] =	ssyncadd.tile.s32 @!p0 $0x1;
	_ =	shalt  }
.Lfunc_end2:
_tile_overlayer_lowered:
.L_overlay_start_2:
0x45c: {  	(tag) =	ssettag $0x2  }
0x45d: {  	s0 =	rddreg [dreg:$0x0];
	s2 =	stileid.u32  }
0x45e: {  	s1 =	rddreg [dreg:$0x1];
	p0 =	sne.s32 s2, $0x0  }
0x45f: {  	s3 =	rddreg [dreg:$0x2];
	[bflag:$0x3] =	sbarrier.arrive $0xFFFF;
	s2 =	simm.s32 @!p0 $0x1C05  }
0x460: {  	[timem:s3], [sflag:s2] =	dma.local @!p0 [hbm:s0], s1  }
0x461: {  	s0 =	simm.s32 @!p0 $0x5  }
0x462: {  	_ =	swait.ge @!p0 [sflag:s0], s1  }
0x463: {  	s1 =	ssub.s32 @!p0 $0x0, s1;
	[sflag:s0] =	ssyncset.done @!p0 $0x0  }
0x464: {  	[sflag:s0] =	ssyncadd.s32 @!p0 s1  }
0x465: {  	[bflag:$0x3] =	sbarrier.arrive $0xFFFF  }
0x466: {  	_ =	shalt  }

// kernel: vbpr_sc_narrow_i.3.cloned.1.call-start
scs
__scs_entry_jumppad:
0x0: {  	(pc) =	sbr.rel $0x88, $3  }
0x1: {  	(tag) =	ssettag $0x0;
	lr =	simm.s32 $0x1  }
0x2: {  	[smem:$0x3F9B] =	sst lr;
	_ =	strace $0xD0000000  }
0x3: {  	_ = 	snop  }
0x4: {  	_ = 	snop  }
0x5: {  	_ = 	snop  }
0x6: {  	_ = 	snop  }
0x7: {  	_ = 	snop  }
__scs_overlays_trampoline_lowered:
0x8: {  	[smem:$0x3FAA] =	sst s0  }
0x9: {  	[smem:$0x3FAB] =	sst s1  }
0xa: {  	[smem:$0x3FAC] =	sst s2  }
0xb: {  	[smem:$0x3FAD] =	sst s3  }
0xc: {  	[smem:$0x3FAE] =	sst s4  }
0xd: {  	[smem:$0x3FAF] =	sst s5  }
0xe: {  	[smem:$0x3FB0] =	sst s6  }
0xf: {  	[smem:$0x3FB1] =	sst s7  }
0x10: {  	[smem:$0x3FB2] =	sst s8  }
0x11: {  	[smem:$0x3FB3] =	sst s9;
	s0 =	simm.s32 @!p0 $0x0  }
0x12: {  	s1 =	sld [smem:$0x3F99];
	s0 =	simm.s32 @p0 $0x1  }
0x13: {  	[smem:$0x3FB4] =	sst s0;
	s0 =	simm.s32 @!p1 $0x0  }
0x14: {  	s2 =	sld [smem:$0x3F98];
	s0 =	simm.s32 @p1 $0x1  }
0x15: {  	[smem:$0x3FB5] =	sst s0;
	s0 =	simm.s32 @!p2 $0x0  }
0x16: {  	s3 =	sld [smem:$0x3FDB];
	s0 =	simm.s32 @p2 $0x1  }
0x17: {  	s4 =	simm.s32 $0x1BF5;
	[smem:$0x3FB7] =	sst s0  }
0x18: {  	s0 =	sld [smem:$0x3F9A];
	_ =	swait.ge [sflag:s4], $0x0  }
0x19: {  	s7 =	sld [smem:$0x3F9B]  }
0x1a: {  	s8 =	sadd.s32 $0xFFFFE003, lr  }
0x1b: {  	s9 =	sadd.s32 $0xFFFFFEF7, lr;
	s5 =	simm.s32 $0xFFFFFFFF;
	p2 =	slt.u32 s8, $0xFFFFF086  }
0x1c: {  	p1 =	slt.u32 s9, $0xF7A;
	s5 =	simm.s32 @!p2 $0x0  }
0x1d: {  	s5 =	simm.s32 @p1 $0x1;
	p0 =	seq.s32 s7, s2  }
0x1e: {  	s7 =	smul.u32 @!p0 $0xF7A, s2;
	p2 =	seq.s32 @!p0 s5, $0x0  }
0x1f: {  	s9 =	smul.u32 $0xF7A, s1;
	s8 =	simm.s32 @!p0 $0x1BF5;
	p2 =	por !p2, p0  }
0x20: {  	[sflag:s8] =	ssyncset.s32 @!p0 $0xFFFFF086;
	s6 =	sadd.s32 @!p0 s3, s7;
	s7 =	simm.s32 @!p0 $0x108  }
0x21: {  	s3 =	sadd.s32 s3, s9;
	s6 =	sadd.s32 @!p0 $0x88, s6;
	s7 =	simm.s32 @p2 $0x1082  }
0x22: {  	[simem:s7], [sflag:s8] =	dma.local @!p0 [hbm:s6], $0xF7A  }
0x23: {  	s9 =	sor.u32 $0xD0000000, s2;
	s6 =	simm.s32 $0x108;
	_ =	swait.ge @!p0 [sflag:s8], $0x0  }
0x24: {  	s3 =	sadd.s32 $0x88, s3;
	s6 =	simm.s32 @!p1 $0x1082;
	[sflag:s4] =	ssyncset.s32 $0xFFFFF086  }
0x25: {  	[simem:s6], [sflag:s4] =	dma.local [hbm:s3], $0xF7A  }
0x26: {  	[smem:$0x3F9B] =	sst s1;
	(tag) =	ssettag s2;
	_ =	strace s9  }
0x27: {  	s1 =	sld [smem:$0x3FAB]  }
0x28: {  	s2 =	sld [smem:$0x3FAC]  }
0x29: {  	s4 =	sld [smem:$0x3FAE]  }
0x2a: {  	p0 =	seq.s32 s5, $0x0;
	s5 =	sld [smem:$0x3FAF]  }
0x2b: {  	s6 =	sld [smem:$0x3FB0]  }
0x2c: {  	s7 =	sld [smem:$0x3FB1]  }
0x2d: {  	s3 =	simm.s32 $0x108;
	s8 =	sld [smem:$0x3FB2]  }
0x2e: {  	s3 =	simm.s32 @!p0 $0x1082;
	s9 =	sld [smem:$0x3FB3]  }
0x2f: {  	lr =	sadd.s32 s0, s3;
	s0 =	sld [smem:$0x3FAA]  }
0x30: {  	s3 =	sld [smem:$0x3FAD]  }
0x31: {  	[smem:$0x3FB6] =	sst s10  }
0x32: {  	s10 =	sld [smem:$0x3FB4];
	_ =	sdelay $0x3  }
0x33: {  	p0 =	seq.s32 s10, $0x1;
	s10 =	sld [smem:$0x3FB6];
	_ =	sdelay $0x3  }
0x34: {  	[smem:$0x3FB6] =	sst s10  }
0x35: {  	s10 =	sld [smem:$0x3FB5];
	_ =	sdelay $0x3  }
0x36: {  	p1 =	seq.s32 s10, $0x1;
	s10 =	sld [smem:$0x3FB6];
	_ =	sdelay $0x3  }
0x37: {  	[smem:$0x3FB6] =	sst s10  }
0x38: {  	s10 =	sld [smem:$0x3FB7]  }
0x39: {  	_ = 	snop;
	(pc) =	sbr.ind lr, $3  }
0x3a: {  	_ = 	snop  }
0x3b: {  	_ = 	snop  }
0x3c: {  	p2 =	seq.s32 s10, $0x1;
	s10 =	sld [smem:$0x3FB6]  }
0x3d: {  	_ =	shalt  }
0x3e: {  	_ =	shalt  }
0x3f: {  	_ =	shalt  }
0x40: {  	_ =	shalt  }
0x41: {  	_ =	shalt  }
0x42: {  	_ =	shalt  }
0x43: {  	_ =	shalt  }
0x44: {  	_ =	shalt  }
0x45: {  	_ =	shalt  }
0x46: {  	_ =	shalt  }
0x47: {  	_ =	shalt  }
0x48: {  	_ =	shalt  }
0x49: {  	_ =	shalt  }
0x4a: {  	_ =	shalt  }
0x4b: {  	_ =	shalt  }
0x4c: {  	_ =	shalt  }
0x4d: {  	_ =	shalt  }
0x4e: {  	_ =	shalt  }
0x4f: {  	_ =	shalt  }
0x50: {  	_ =	shalt  }
0x51: {  	_ =	shalt  }
0x52: {  	_ =	shalt  }
0x53: {  	_ =	shalt  }
0x54: {  	_ =	shalt  }
0x55: {  	_ =	shalt  }
0x56: {  	_ =	shalt  }
0x57: {  	_ =	shalt  }
0x58: {  	_ =	shalt  }
0x59: {  	_ =	shalt  }
0x5a: {  	_ =	shalt  }
0x5b: {  	_ =	shalt  }
0x5c: {  	_ =	shalt  }
0x5d: {  	_ =	shalt  }
0x5e: {  	_ =	shalt  }
0x5f: {  	_ =	shalt  }
0x60: {  	_ =	shalt  }
0x61: {  	_ =	shalt  }
0x62: {  	_ =	shalt  }
0x63: {  	_ =	shalt  }
0x64: {  	_ =	shalt  }
0x65: {  	_ =	shalt  }
0x66: {  	_ =	shalt  }
0x67: {  	_ =	shalt  }
0x68: {  	_ =	shalt  }
0x69: {  	_ =	shalt  }
0x6a: {  	_ =	shalt  }
0x6b: {  	_ =	shalt  }
0x6c: {  	_ =	shalt  }
0x6d: {  	_ =	shalt  }
0x6e: {  	_ =	shalt  }
0x6f: {  	_ =	shalt  }
0x70: {  	_ =	shalt  }
0x71: {  	_ =	shalt  }
0x72: {  	_ =	shalt  }
0x73: {  	_ =	shalt  }
0x74: {  	_ =	shalt  }
0x75: {  	_ =	shalt  }
0x76: {  	_ =	shalt  }
0x77: {  	_ =	shalt  }
0x78: {  	_ =	shalt  }
0x79: {  	_ =	shalt  }
0x7a: {  	_ =	shalt  }
0x7b: {  	_ =	shalt  }
0x7c: {  	_ =	shalt  }
0x7d: {  	_ =	shalt  }
0x7e: {  	_ =	shalt  }
0x7f: {  	_ =	shalt  }
0x80: {  	_ =	shalt  }
0x81: {  	_ =	shalt  }
0x82: {  	_ =	shalt  }
0x83: {  	_ =	shalt  }
0x84: {  	_ =	shalt  }
0x85: {  	_ =	shalt  }
0x86: {  	_ =	shalt  }
0x87: {  	_ =	shalt  }
.Lfunc_end0:
.L_simem_size_0:
called_computation.2_lowered:
.L_overlay_start_0:
0x88: {  	s2 =	sld [smem:$0x3FD9]  }
0x89: {  	s3 =	sld [smem:$0x3FFE];
	_ =	sdelay $0x1  }
0x8a: {  	s1 =	srdreg.scid  }
0x8b: {  	s0 =	sand.u32 $0x1, s1  }
0x8c: {  	s17 =	sshll.u32 s0, $0xA;
	s2 =	sadd.s32 s3, s2  }
0x8d: {  	s2 =	sadd.s32 s2, s17  }
0x8e: {  	[smem:$0x3FC2] =	sst s2  }
0x8f: {  	_ = 	snop  }
0x90: {  	s18 =	sld [smem:$0x3FC8];
	(tm) =	ssettm $0x1  }
0x91: {  	s19 =	sld [smem:$0x3FFB];
	_ =	sdelay $0x3  }
0x92: {  	_ =	strace s19  }
0x93: {  	s2 =	sld [smem:$0x3FFC];
	_ =	sdelay $0x3  }
0x94: {  	_ =	strace s2  }
0x95: {  	s2 =	sld [smem:$0x3FFD];
	_ =	sdelay $0x3  }
0x96: {  	_ =	strace s2  }
0x97: {  	_ =	strace $0x8FFFFFFF  }
0x98: {  	s20 =	sld [smem:$0x3FDB];
	_ =	sdelay $0x1  }
0x99: {  	s4 =	simm.s32 $_scs_section_size  }
0x9a: {  	s5 =	simm.s32 $_size__tile_overlayer_lowered;
	s6 =	simm.s32 $_tile_overlayer_lowered  }
0x9b: {  	s7 =	simm.s32 $0x1BFF;
	s21 =	sshll.u32 s6, $0x1;
	s4 =	sadd.s32 s4, s20  }
0x9c: {  	s22 =	simm.s32 $0x0;
	s5 =	sshll.u32 s5, $0x1;
	s6 =	sadd.s32 s21, s4  }
0x9d: {  	[timem:s22], [sflag:s7] =	dma.local [hbm:s6], s5  }
0x9e: {  	_ =	swait.ge [sflag:s7], s5  }
0x9f: {  	s5 =	ssub.s32 $0x0, s5;
	[sflag:s7] =	ssyncset.done $0x0  }
0xa0: {  	[sflag:s7] =	ssyncadd.s32 s5;
	_ =	sdelay $0x1  }
0xa1: {  	s23 =	simm.s32 $0x1B8B  }
0xa2: {  	_ =	swait.ge [sflag:s23], $0x1  }
0xa3: {  	[sflag:s23] =	ssyncset.done $0x0  }
0xa4: {  	[sflag:s23] =	ssyncadd.s32 $0xFFFFFFFF  }
0xa5: {  	s5 =	sld [smem:$0x0]  }
0xa6: {  	s6 =	sand.u32 $0xFFFFFFFE, s1  }
0xa7: {  	p0 =	sne.s32 s1, s6  }
0xa8: {  	s6 =	sshll.u32 @p0 s6, $0xE  }
0xa9: {  	s6 =	sadd.s32 @p0 $0x11B8D, s6;
	s7 =	sshll.u32 @p0 s5, $0x11  }
0xaa: {  	s6 =	sor.u32 @p0 s7, s6  }
0xab: {  	[sflag:s6] =	ssyncadd.remote.s32 @p0 $0x1;
	_ =	sdelay $0x1  }
0xac: {  	s6 =	simm.s32 @p0 $0x1B8D  }
0xad: {  	_ =	swait.eq @p0 [sflag:s6], $0x1  }
0xae: {  	[sflag:s6] =	ssyncadd.s32 @p0 $0xFFFFFFFF  }
0xaf: {  	s7 =	sshll.u32 @!p0 s1, $0xE  }
0xb0: {  	s7 =	sor.u32 @!p0 $0x4000, s7;
	s6 =	simm.s32 @!p0 $0x1B8D  }
0xb1: {  	s5 =	sshll.u32 @!p0 s5, $0x11;
	s7 =	sadd.s32 @!p0 $0x11B8D, s7;
	_ =	swait.eq @!p0 [sflag:s6], $0x1  }
0xb2: {  	s5 =	sor.u32 @!p0 s5, s7;
	[sflag:s6] =	ssyncadd.s32 @!p0 $0xFFFFFFFF  }
0xb3: {  	s25 =	simm.s32 $0x1B8E;
	s24 =	sld [smem:$0x3FFE];
	[sflag:s5] =	ssyncadd.remote.s32 @!p0 $0x1  }
0xb4: {  	s26 =	simm.s32 $execute0_lowered;
	[smem:$0x3FD2] =	sst s25  }
0xb5: {  	s6 =	sshll.u32 s26, $0x1;
	_ =	strace $0x8000004C;
	[dreg:$0x1] =	wrdreg $0xFFFFFFFF  }
0xb6: {  	s28 =	simm.s32 $_size_execute0_lowered;
	s4 =	sadd.s32 s4, s6;
	[dreg:$0x0] =	wrdreg $0x0  }
0xb7: {  	s6 =	sshll.u32 s28, $0x1;
	[dreg:$0x2] =	wrdreg s4  }
0xb8: {  	[dreg:$0x3] =	wrdreg s6  }
0xb9: {  	[dreg:$0x4] =	wrdreg $0xC0  }
0xba: {  	_ =	task [dreg:s22], $0x5FFFF  }
0xbb: {  	[dreg:$0x1] =	wrdreg $0xFFFFFFFF  }
0xbc: {  	[dreg:$0x0] =	wrdreg $0x60  }
0xbd: {  	[dreg:$0x2] =	wrdreg s18  }
0xbe: {  	[dreg:$0x3] =	wrdreg s24  }
0xbf: {  	[dreg:$0x4] =	wrdreg $0xA  }
0xc0: {  	_ =	task.clear_ibuf [dreg:s22], $0x5FFFF;
	_ =	strace $0x9000004C  }
0xc1: {  	s29 =	simm.s32 $0xA;
	_ =	strace $0x8000004E  }
0xc2: {  	_ =	swait.ge [sflag:s29], $0x1  }
0xc3: {  	[sflag:s29] =	ssyncadd.s32 $0xFFFFFFFF  }
0xc4: {  	_ =	strace $0x9000004E  }
0xc5: {  	_ =	sfence  }
0xc6: {  	s30 =	sld [smem:$0x0];
	_ =	sdelay $0x2  }
0xc7: {  	s31 =	sshll.u32 s1, $0xD;
	s1 =	sshrl.u32 s1, $0x2  }
0xc8: {  	s4 =	sand.u32 $0x4000, s31;
	s1 =	sadd.s32 s1, s30  }
0xc9: {  	s0 =	sor.u32 s4, s0;
	s1 =	sshll.u32 s1, $0x11  }
0xca: {  	s0 =	sor.u32 s1, s0  }
0xcb: {  	s0 =	sadd.s32 $0x8F2B, s0  }
0xcc: {  	[sflag:s0] =	ssyncadd.remote.s32 $0x1  }
0xcd: {  	_ =	sfence.sel $0xFFFF  }
0xce: {  	[dreg:$0x0] =	wrdreg $0xFFFFFFFF;
	(pc) =	sbr.abs _section_cstart, $3  }
0xcf: {  	[dreg:$0x1] =	wrdreg $0xFFFFFFFF  }
0xd0: {  	_ =	task.clear_ibuf [dreg:s22], $0x2FFFF;
	_ =	strace $0x9FFFFFFF  }
0xd1: {  	(tm) =	ssettm $0x7FFFFFFF  }
tec
execute0_lowered:
.L_overlay_start_1:
0x0: {  	(tag) =	ssettag $0x1  }
0x1: {  	s4 =	rddreg [dreg:$0x0]  }
0x2: {  	s5 =	rddreg [dreg:$0x1]  }
0x3: {  	s0 =	rddreg [dreg:$0x2];
	s2 =	simm.s32 $0x0;
	s3 =	srdreg.scid  }
0x4: {  	s1 =	stileid.u32;
	s10 =	simm.s32 $0x0;
	s6 =	sand.u32 $0x1, s3  }
0x5: {  	[smem:$0x7FF] =	sst s2;
	s7 =	sshll.u32 s1, $0xA;
	s8 =	sshll.u32 s6, $0x9  }
0x6: {  	s3 =	sadd.s32 $0xF83A00, s5;
	s6 =	ssub.s32 $0x2, s6;
	s7 =	sor.u32 s8, s7  }
0x7: {  	_ =	strace $0x8000004D;
	s9 =	sshrl.u32 s6, $0x1;
	s8 =	sshll.u32 s7, $0x4  }
0x8: {  	s7 =	sshrl.u32 s7, $0x3;
	s6 =	ssub.s32 s6, s9;
	s9 =	simm.s32 $0x200  }
0x9: {  	s5 =	sadd.s32 s8, s5;
	s4 =	sadd.s32 s4, s7;
	s6 =	smax.u32 s6, $0x1  }
0xa: {  	s7 =	simm.s32 $0x2;
	s8 =	simm.s32 $0x1;
	s5 =	sadd.s32 $0x110A400, s5  }
.LBB2_1:
0xb: {  	[tilespmem:s2], [sflag:$0x2] =	stream.linear.gather [hbm4b:s4+s2], $0x200, $0x38;
	[tilespmem:$0x10200] =	vst v63  }
0xc: {  	_ =	swait.ge [sflag:s7], $0x200  }
0xd: {  	[sflag:s7] =	ssyncset.done $0x0  }
0xe: {  	[sflag:s7] =	ssyncadd.s32 $0xFFFFFE00  }
0xf: {  	v0 =	vld [tilespmem:s2+$0x0];
	_ =	sdelay $0x4  }
0x10: {  	v0 =	vshll.u32 v0, $0x4  }
0x11: {  	(v2sf) =	vpush v0, $0x0  }
0x12: {  	(v2sf) =	vpush v0, $0x1  }
0x13: {  	(v2sf) =	vpush v0, $0x2;
	_ =	sdelay $0x1  }
0x14: {  	(v2sf) =	vpush v0, $0x4;
	_ =	sdelay $0x1  }
0x15: {  	(v2sf) =	vpush v0, $0x3  }
0x16: {  	(v2sf) =	vpush v0, $0x5  }
0x17: {  	s12 =	simm.s32 $0x2000;
	s11 =	simm.s32 $0x0;
	s13 =	simm.s32 $0x0;
	(v2sf) =	vpush v0, $0x6  }
.LBB2_2:
0x18: {  	p0 =	sne.s32 s12, $0x3E000  }
0x19: {  	s23 =	sadd.s32 $0x280, s11;
	s17 =	sadd.s32 $0x780, s11;
	s14 =	smov.u32 s12  }
0x1a: {  	s12 =	sadd.s32 $0x2000, s12;
	s20 =	sadd.s32 $0x580, s11;
	s15 =	sadd.s32 $0x800, s11;
	(v2sf) =	vpush v0, $0x7  }
0x1b: {  	s22 =	sadd.s32 $0x480, s11;
	s19 =	sadd.s32 $0x600, s11;
	s16 =	sadd.s32 $0x880, s11  }
0x1c: {  	s24 =	sadd.s32 $0x200, s11;
	s25 =	sadd.s32 $0x400, s11;
	(v2sf) =	vpush v0, $0x8  }
0x1d: {  	s26 =	sadd.s32 $0x500, s11;
	s13 =	sadd.s32 $0x10, s13  }
0x1e: {  	s28 =	sadd.s32 $0x300, s11;
	s18 =	sadd.s32 $0x700, s11;
	s21 =	spop (v2sf);
	(v2sf) =	vpush v0, $0x9  }
0x1f: {  	s29 =	sand.u32 $0x1FFFFFF0, s21;
	s21 =	sadd.s32 $0x680, s11;
	s30 =	spop (v2sf)  }
0x20: {  	s29 =	sadd.s32 s3, s29;
	s30 =	sand.u32 $0x1FFFFFF0, s30;
	s31 =	spop (v2sf);
	(v2sf) =	vpush v0, $0xA  }
0x21: {  	[tilespmem:s24], [sflag:$0x1] =	stream.linear.gather [hbm4b:s29+s2], $0x80, $0x38;
	[tilespmem:$0x10200] =	vst v63  }
0x22: {  	s24 =	sadd.s32 s3, s30;
	s29 =	sadd.s32 $0x380, s11;
	s30 =	spop (v2sf);
	(v2sf) =	vpush v0, $0xB  }
0x23: {  	[tilespmem:s23], [sflag:$0x1] =	stream.linear.gather [hbm4b:s24+s2], $0x80, $0x38;
	[tilespmem:$0x10200] =	vst v63  }
0x24: {  	s23 =	sand.u32 $0x1FFFFFF0, s31;
	s24 =	sand.u32 $0x1FFFFFF0, s30;
	s30 =	spop (v2sf);
	(v2sf) =	vpush v0, $0xC  }
0x25: {  	s23 =	sadd.s32 s3, s23;
	s30 =	sand.u32 $0x1FFFFFF0, s30;
	s31 =	spop (v2sf)  }
0x26: {  	[tilespmem:s28], [sflag:$0x1] =	stream.linear.gather [hbm4b:s23+s2], $0x80, $0x38;
	(v2sf) =	vpush v0, $0xD;
	[tilespmem:$0x10200] =	vst v63  }
0x27: {  	s23 =	sadd.s32 s3, s30;
	s28 =	sand.u32 $0x1FFFFFF0, s31;
	s30 =	spop (v2sf)  }
0x28: {  	[tilespmem:s29], [sflag:$0x1] =	stream.linear.gather [hbm4b:s23+s2], $0x80, $0x38;
	(v2sf) =	vpush v0, $0xE;
	[tilespmem:$0x10200] =	vst v63  }
0x29: {  	s23 =	sadd.s32 s3, s24;
	s24 =	sand.u32 $0x1FFFFFF0, s30;
	s29 =	spop (v2sf)  }
0x2a: {  	[tilespmem:s25], [sflag:$0x1] =	stream.linear.gather [hbm4b:s23+s2], $0x80, $0x38;
	(v2sf) =	vpush v0, $0xF;
	[tilespmem:$0x10200] =	vst v63  }
0x2b: {  	s23 =	sadd.s32 s3, s28;
	s25 =	sand.u32 $0x1FFFFFF0, s29;
	s28 =	spop (v2sf)  }
0x2c: {  	[tilespmem:s22], [sflag:$0x1] =	stream.linear.gather [hbm4b:s23+s2], $0x80, $0x38;
	[tilespmem:$0x10200] =	vst v63  }
0x2d: {  	s22 =	sadd.s32 s3, s24;
	s23 =	sand.u32 $0x1FFFFFF0, s28;
	s24 =	spop (v2sf)  }
0x2e: {  	[tilespmem:s26], [sflag:$0x1] =	stream.linear.gather [hbm4b:s22+s2], $0x80, $0x38;
	[tilespmem:$0x10200] =	vst v63  }
0x2f: {  	s22 =	sadd.s32 s3, s25;
	s24 =	sand.u32 $0x1FFFFFF0, s24;
	s25 =	spop (v2sf)  }
0x30: {  	[tilespmem:s20], [sflag:$0x1] =	stream.linear.gather [hbm4b:s22+s2], $0x80, $0x38;
	[tilespmem:$0x10200] =	vst v63  }
0x31: {  	s20 =	sadd.s32 s3, s23;
	s22 =	sand.u32 $0x1FFFFFF0, s25;
	s23 =	spop (v2sf)  }
0x32: {  	[tilespmem:s19], [sflag:$0x1] =	stream.linear.gather [hbm4b:s20+s2], $0x80, $0x38;
	[tilespmem:$0x10200] =	vst v63  }
0x33: {  	s19 =	sadd.s32 s3, s24;
	s20 =	sand.u32 $0x1FFFFFF0, s23;
	s23 =	spop (v2sf)  }
0x34: {  	[tilespmem:s21], [sflag:$0x1] =	stream.linear.gather [hbm4b:s19+s2], $0x80, $0x38;
	[tilespmem:$0x10200] =	vst v63  }
0x35: {  	s19 =	sadd.s32 s3, s22;
	s21 =	sand.u32 $0x1FFFFFF0, s23;
	s22 =	spop (v2sf)  }
0x36: {  	[tilespmem:s18], [sflag:$0x1] =	stream.linear.gather [hbm4b:s19+s2], $0x80, $0x38;
	[tilespmem:$0x10200] =	vst v63  }
0x37: {  	s18 =	sadd.s32 s3, s20;
	s19 =	sand.u32 $0x1FFFFFF0, s22;
	s20 =	spop (v2sf)  }
0x38: {  	[tilespmem:s17], [sflag:$0x1] =	stream.linear.gather [hbm4b:s18+s2], $0x80, $0x38;
	[tilespmem:$0x10200] =	vst v63  }
0x39: {  	s17 =	sadd.s32 s3, s21;
	s18 =	sand.u32 $0x1FFFFFF0, s20;
	s20 =	spop (v2sf)  }
0x3a: {  	[tilespmem:s15], [sflag:$0x1] =	stream.linear.gather [hbm4b:s17+s2], $0x80, $0x38;
	[tilespmem:$0x10200] =	vst v63  }
0x3b: {  	s15 =	sadd.s32 s3, s19;
	s17 =	sand.u32 $0x1FFFFFF0, s20  }
0x3c: {  	[tilespmem:s16], [sflag:$0x1] =	stream.linear.gather [hbm4b:s15+s2], $0x80, $0x38;
	[tilespmem:$0x10200] =	vst v63  }
0x3d: {  	s15 =	sadd.s32 $0x900, s11;
	s16 =	sadd.s32 s3, s18  }
0x3e: {  	[tilespmem:s15], [sflag:$0x1] =	stream.linear.gather [hbm4b:s16+s2], $0x80, $0x38;
	[tilespmem:$0x10200] =	vst v63  }
0x3f: {  	s11 =	sadd.s32 $0x980, s11;
	s15 =	sadd.s32 s3, s17  }
0x40: {  	[tilespmem:s11], [sflag:$0x1] =	stream.linear.gather [hbm4b:s15+s2], $0x80, $0x38;
	[tilespmem:$0x10200] =	vst v63  }
0x41: {  	v0 =	vld [tilespmem:s13+$0x0];
	_ =	sdelay $0x4  }
0x42: {  	v0 =	vshll.u32 v0, $0x4  }
0x43: {  	(v2sf) =	vpush v0, $0x0  }
0x44: {  	(v2sf) =	vpush v0, $0x1  }
0x45: {  	(v2sf) =	vpush v0, $0x2;
	_ =	sdelay $0x1  }
0x46: {  	(v2sf) =	vpush v0, $0x4  }
.Ltmp0:
0x47: {  	(pc) =	sbr.rel @p0 .LBB2_2-.Ltmp0, $3  }
0x48: {  	(v2sf) =	vpush v0, $0x3  }
0x49: {  	(v2sf) =	vpush v0, $0x5;
	_ =	sdelay $0x1  }
0x4a: {  	s11 =	sshra.s32 s14, $0x2;
	(v2sf) =	vpush v0, $0x6  }
0x4b: {  	_ =	sdelay $0x1  }
0x4c: {  	s15 =	sadd.s32 $0x280, s11;
	s14 =	sadd.s32 $0x780, s11  }
0x4d: {  	s16 =	sadd.s32 $0x580, s11;
	s12 =	sadd.s32 $0x800, s11;
	(v2sf) =	vpush v0, $0x7;
	s17 =	sadd.s32 $0x480, s11  }
0x4e: {  	s18 =	sadd.s32 $0x600, s11;
	s13 =	sadd.s32 $0x880, s11;
	s19 =	sadd.s32 $0x200, s11  }
0x4f: {  	s20 =	sadd.s32 $0x400, s11;
	s21 =	sadd.s32 $0x500, s11;
	(v2sf) =	vpush v0, $0x8;
	s22 =	spop (v2sf)  }
0x50: {  	s23 =	sadd.s32 $0x300, s11;
	s22 =	sand.u32 $0x1FFFFFF0, s22;
	s24 =	spop (v2sf)  }
0x51: {  	(v2sf) =	vpush v0, $0x9;
	s22 =	sadd.s32 s3, s22;
	s24 =	sand.u32 $0x1FFFFFF0, s24;
	s25 =	spop (v2sf)  }
0x52: {  	[tilespmem:s19], [sflag:$0x1] =	stream.linear.gather [hbm4b:s22+s2], $0x80, $0x38;
	[tilespmem:$0x10200] =	vst v63  }
0x53: {  	s26 =	sadd.s32 $0x380, s11;
	(v2sf) =	vpush v0, $0xA;
	s30 =	sadd.s32 s3, s24;
	s31 =	spop (v2sf)  }
0x54: {  	[tilespmem:s15], [sflag:$0x1] =	stream.linear.gather [hbm4b:s30+s2], $0x80, $0x38;
	[tilespmem:$0x10200] =	vst v63  }
0x55: {  	s19 =	sadd.s32 $0x700, s11;
	s28 =	sand.u32 $0x1FFFFFF0, s25;
	(v2sf) =	vpush v0, $0xB;
	s29 =	spop (v2sf)  }
0x56: {  	s22 =	sadd.s32 s3, s28;
	s15 =	sadd.s32 $0x680, s11;
	s25 =	sand.u32 $0x1FFFFFF0, s29  }
0x57: {  	(v2sf) =	vpush v0, $0xC;
	[tilespmem:s23], [sflag:$0x1] =	stream.linear.gather [hbm4b:s22+s2], $0x80, $0x38;
	[tilespmem:$0x10200] =	vst v63  }
0x58: {  	s30 =	sand.u32 $0x1FFFFFF0, s31;
	s31 =	spop (v2sf);
	s28 =	sadd.s32 s3, s25  }
0x59: {  	(v2sf) =	vpush v0, $0xD;
	[tilespmem:s26], [sflag:$0x1] =	stream.linear.gather [hbm4b:s28+s2], $0x80, $0x38;
	[tilespmem:$0x10200] =	vst v63  }
0x5a: {  	s22 =	sadd.s32 s3, s30;
	s23 =	sand.u32 $0x1FFFFFF0, s31;
	s29 =	spop (v2sf)  }
0x5b: {  	(v2sf) =	vpush v0, $0xE;
	[tilespmem:s20], [sflag:$0x1] =	stream.linear.gather [hbm4b:s22+s2], $0x80, $0x38;
	[tilespmem:$0x10200] =	vst v63  }
0x5c: {  	s23 =	sadd.s32 s3, s23;
	s30 =	sand.u32 $0x1FFFFFF0, s29;
	s31 =	spop (v2sf)  }
0x5d: {  	(v2sf) =	vpush v0, $0xF;
	[tilespmem:s17], [sflag:$0x1] =	stream.linear.gather [hbm4b:s23+s2], $0x80, $0x38;
	[tilespmem:$0x10200] =	vst v63  }
0x5e: {  	s24 =	sand.u32 $0x1FFFFFF0, s31;
	s25 =	spop (v2sf);
	s20 =	sadd.s32 s3, s30  }
0x5f: {  	[tilespmem:s21], [sflag:$0x1] =	stream.linear.gather [hbm4b:s20+s2], $0x80, $0x38;
	[tilespmem:$0x10200] =	vst v63  }
0x60: {  	s26 =	sand.u32 $0x1FFFFFF0, s25;
	s17 =	sadd.s32 s3, s24;
	s28 =	spop (v2sf)  }
0x61: {  	[tilespmem:s16], [sflag:$0x1] =	stream.linear.gather [hbm4b:s17+s2], $0x80, $0x38;
	[tilespmem:$0x10200] =	vst v63  }
0x62: {  	s20 =	sadd.s32 s3, s26;
	s29 =	sand.u32 $0x1FFFFFF0, s28;
	s30 =	spop (v2sf)  }
0x63: {  	[tilespmem:s18], [sflag:$0x1] =	stream.linear.gather [hbm4b:s20+s2], $0x80, $0x38;
	[tilespmem:$0x10200] =	vst v63  }
0x64: {  	s17 =	sand.u32 $0x1FFFFFF0, s30;
	s16 =	sadd.s32 s3, s29;
	s31 =	spop (v2sf)  }
0x65: {  	[tilespmem:s15], [sflag:$0x1] =	stream.linear.gather [hbm4b:s16+s2], $0x80, $0x38;
	[tilespmem:$0x10200] =	vst v63  }
0x66: {  	s17 =	sadd.s32 s3, s17;
	s20 =	sand.u32 $0x1FFFFFF0, s31;
	s21 =	spop (v2sf)  }
0x67: {  	[tilespmem:s19], [sflag:$0x1] =	stream.linear.gather [hbm4b:s17+s2], $0x80, $0x38;
	[tilespmem:$0x10200] =	vst v63  }
0x68: {  	s15 =	sadd.s32 s3, s20;
	s16 =	sand.u32 $0x1FFFFFF0, s21;
	s22 =	spop (v2sf)  }
0x69: {  	[tilespmem:s14], [sflag:$0x1] =	stream.linear.gather [hbm4b:s15+s2], $0x80, $0x38;
	[tilespmem:$0x10200] =	vst v63  }
0x6a: {  	s23 =	sand.u32 $0x1FFFFFF0, s22;
	s16 =	sadd.s32 s3, s16;
	s24 =	spop (v2sf)  }
0x6b: {  	[tilespmem:s12], [sflag:$0x1] =	stream.linear.gather [hbm4b:s16+s2], $0x80, $0x38;
	[tilespmem:$0x10200] =	vst v63  }
0x6c: {  	s25 =	sand.u32 $0x1FFFFFF0, s24;
	s26 =	spop (v2sf);
	s14 =	sadd.s32 s3, s23  }
0x6d: {  	[tilespmem:s13], [sflag:$0x1] =	stream.linear.gather [hbm4b:s14+s2], $0x80, $0x38;
	[tilespmem:$0x10200] =	vst v63  }
0x6e: {  	s29 =	sadd.s32 $0x900, s11;
	s28 =	sand.u32 $0x1FFFFFF0, s26;
	s12 =	sadd.s32 s3, s25  }
0x6f: {  	[tilespmem:s29], [sflag:$0x1] =	stream.linear.gather [hbm4b:s12+s2], $0x80, $0x38;
	[tilespmem:$0x10200] =	vst v63  }
0x70: {  	s30 =	sadd.s32 $0x980, s11;
	s31 =	sadd.s32 s3, s28  }
0x71: {  	[tilespmem:s30], [sflag:$0x1] =	stream.linear.gather [hbm4b:s31+s2], $0x80, $0x38;
	[tilespmem:$0x10200] =	vst v63  }
0x72: {  	s10 =	sadd.s32 $0x1, s10;
	_ =	swait.ge [sflag:s8], $0x10000  }
0x73: {  	p0 =	sne.s32 s10, s6;
	[sflag:s8] =	ssyncset.done $0x0  }
.Ltmp1:
0x74: {  	[sflag:s8] =	ssyncadd.s32 $0xFFFF0000;
	(pc) =	sbr.rel @p0 .LBB2_1-.Ltmp1, $4  }
0x75: {  	[hbm4b:s5+s2] =	stream.linear.scatter [tilespmem:s9], [sflag:$0x2], $0x10000, $0x38;
	[tilespmem:$0x10200] =	vst v63  }
0x76: {  	_ =	swait.ge [sflag:s7], $0x10000  }
0x77: {  	[sflag:s7] =	ssyncset.done $0x0  }
0x78: {  	[sflag:s7] =	ssyncadd.s32 $0xFFFF0000  }
0x79: {  	_ =	sfence.sel $0x180000  }
0x7a: {  	[bflag:$0x0] =	sbarrier.arrive $0xFFFF  }
0x7b: {  	p0 =	sne.s32 s1, $0x0;
	_ =	strace $0x9000004D  }
0x7c: {  	s0 =	sadd.s32 @!p0 $0x100000, s0;
	[bflag:$0x2] =	sbarrier.arrive $0xFFFF  }
0x7d: {  	[sflag:s0] =	ssyncadd.tile.s32 @!p0 $0x1;
	_ =	shalt  }
.Lfunc_end2:
_tile_overlayer_lowered:
.L_overlay_start_2:
0x7e: {  	(tag) =	ssettag $0x2  }
0x7f: {  	s0 =	rddreg [dreg:$0x0];
	s2 =	stileid.u32  }
0x80: {  	s1 =	rddreg [dreg:$0x1];
	p0 =	sne.s32 s2, $0x0  }
0x81: {  	s3 =	rddreg [dreg:$0x2];
	[bflag:$0x3] =	sbarrier.arrive $0xFFFF;
	s2 =	simm.s32 @!p0 $0x1C02  }
0x82: {  	[timem:s3], [sflag:s2] =	dma.local @!p0 [hbm:s0], s1  }
0x83: {  	s0 =	simm.s32 @!p0 $0x2  }
0x84: {  	_ =	swait.ge @!p0 [sflag:s0], s1  }
0x85: {  	s1 =	ssub.s32 @!p0 $0x0, s1;
	[sflag:s0] =	ssyncset.done @!p0 $0x0  }
0x86: {  	[sflag:s0] =	ssyncadd.s32 @!p0 s1  }
0x87: {  	[bflag:$0x3] =	sbarrier.arrive $0xFFFF  }
0x88: {  	_ =	shalt  }

// kernel: vbpr_sc_narrow_j.3.cloned.1.call-start
scs
__scs_entry_jumppad:
0x0: {  	(pc) =	sbr.rel $0x88, $3  }
0x1: {  	(tag) =	ssettag $0x0;
	lr =	simm.s32 $0x1  }
0x2: {  	[smem:$0x3F9B] =	sst lr;
	_ =	strace $0xD0000000  }
0x3: {  	_ = 	snop  }
0x4: {  	_ = 	snop  }
0x5: {  	_ = 	snop  }
0x6: {  	_ = 	snop  }
0x7: {  	_ = 	snop  }
__scs_overlays_trampoline_lowered:
0x8: {  	[smem:$0x3FAA] =	sst s0  }
0x9: {  	[smem:$0x3FAB] =	sst s1  }
0xa: {  	[smem:$0x3FAC] =	sst s2  }
0xb: {  	[smem:$0x3FAD] =	sst s3  }
0xc: {  	[smem:$0x3FAE] =	sst s4  }
0xd: {  	[smem:$0x3FAF] =	sst s5  }
0xe: {  	[smem:$0x3FB0] =	sst s6  }
0xf: {  	[smem:$0x3FB1] =	sst s7  }
0x10: {  	[smem:$0x3FB2] =	sst s8  }
0x11: {  	[smem:$0x3FB3] =	sst s9;
	s0 =	simm.s32 @!p0 $0x0  }
0x12: {  	s1 =	sld [smem:$0x3F99];
	s0 =	simm.s32 @p0 $0x1  }
0x13: {  	[smem:$0x3FB4] =	sst s0;
	s0 =	simm.s32 @!p1 $0x0  }
0x14: {  	s2 =	sld [smem:$0x3F98];
	s0 =	simm.s32 @p1 $0x1  }
0x15: {  	[smem:$0x3FB5] =	sst s0;
	s0 =	simm.s32 @!p2 $0x0  }
0x16: {  	s3 =	sld [smem:$0x3FDB];
	s0 =	simm.s32 @p2 $0x1  }
0x17: {  	s4 =	simm.s32 $0x1BF5;
	[smem:$0x3FB7] =	sst s0  }
0x18: {  	s0 =	sld [smem:$0x3F9A];
	_ =	swait.ge [sflag:s4], $0x0  }
0x19: {  	s7 =	sld [smem:$0x3F9B]  }
0x1a: {  	s8 =	sadd.s32 $0xFFFFE003, lr  }
0x1b: {  	s9 =	sadd.s32 $0xFFFFFEF7, lr;
	s5 =	simm.s32 $0xFFFFFFFF;
	p2 =	slt.u32 s8, $0xFFFFF086  }
0x1c: {  	p1 =	slt.u32 s9, $0xF7A;
	s5 =	simm.s32 @!p2 $0x0  }
0x1d: {  	s5 =	simm.s32 @p1 $0x1;
	p0 =	seq.s32 s7, s2  }
0x1e: {  	s7 =	smul.u32 @!p0 $0xF7A, s2;
	p2 =	seq.s32 @!p0 s5, $0x0  }
0x1f: {  	s9 =	smul.u32 $0xF7A, s1;
	s8 =	simm.s32 @!p0 $0x1BF5;
	p2 =	por !p2, p0  }
0x20: {  	[sflag:s8] =	ssyncset.s32 @!p0 $0xFFFFF086;
	s6 =	sadd.s32 @!p0 s3, s7;
	s7 =	simm.s32 @!p0 $0x108  }
0x21: {  	s3 =	sadd.s32 s3, s9;
	s6 =	sadd.s32 @!p0 $0x88, s6;
	s7 =	simm.s32 @p2 $0x1082  }
0x22: {  	[simem:s7], [sflag:s8] =	dma.local @!p0 [hbm:s6], $0xF7A  }
0x23: {  	s9 =	sor.u32 $0xD0000000, s2;
	s6 =	simm.s32 $0x108;
	_ =	swait.ge @!p0 [sflag:s8], $0x0  }
0x24: {  	s3 =	sadd.s32 $0x88, s3;
	s6 =	simm.s32 @!p1 $0x1082;
	[sflag:s4] =	ssyncset.s32 $0xFFFFF086  }
0x25: {  	[simem:s6], [sflag:s4] =	dma.local [hbm:s3], $0xF7A  }
0x26: {  	[smem:$0x3F9B] =	sst s1;
	(tag) =	ssettag s2;
	_ =	strace s9  }
0x27: {  	s1 =	sld [smem:$0x3FAB]  }
0x28: {  	s2 =	sld [smem:$0x3FAC]  }
0x29: {  	s4 =	sld [smem:$0x3FAE]  }
0x2a: {  	p0 =	seq.s32 s5, $0x0;
	s5 =	sld [smem:$0x3FAF]  }
0x2b: {  	s6 =	sld [smem:$0x3FB0]  }
0x2c: {  	s7 =	sld [smem:$0x3FB1]  }
0x2d: {  	s3 =	simm.s32 $0x108;
	s8 =	sld [smem:$0x3FB2]  }
0x2e: {  	s3 =	simm.s32 @!p0 $0x1082;
	s9 =	sld [smem:$0x3FB3]  }
0x2f: {  	lr =	sadd.s32 s0, s3;
	s0 =	sld [smem:$0x3FAA]  }
0x30: {  	s3 =	sld [smem:$0x3FAD]  }
0x31: {  	[smem:$0x3FB6] =	sst s10  }
0x32: {  	s10 =	sld [smem:$0x3FB4];
	_ =	sdelay $0x3  }
0x33: {  	p0 =	seq.s32 s10, $0x1;
	s10 =	sld [smem:$0x3FB6];
	_ =	sdelay $0x3  }
0x34: {  	[smem:$0x3FB6] =	sst s10  }
0x35: {  	s10 =	sld [smem:$0x3FB5];
	_ =	sdelay $0x3  }
0x36: {  	p1 =	seq.s32 s10, $0x1;
	s10 =	sld [smem:$0x3FB6];
	_ =	sdelay $0x3  }
0x37: {  	[smem:$0x3FB6] =	sst s10  }
0x38: {  	s10 =	sld [smem:$0x3FB7]  }
0x39: {  	_ = 	snop;
	(pc) =	sbr.ind lr, $3  }
0x3a: {  	_ = 	snop  }
0x3b: {  	_ = 	snop  }
0x3c: {  	p2 =	seq.s32 s10, $0x1;
	s10 =	sld [smem:$0x3FB6]  }
0x3d: {  	_ =	shalt  }
0x3e: {  	_ =	shalt  }
0x3f: {  	_ =	shalt  }
0x40: {  	_ =	shalt  }
0x41: {  	_ =	shalt  }
0x42: {  	_ =	shalt  }
0x43: {  	_ =	shalt  }
0x44: {  	_ =	shalt  }
0x45: {  	_ =	shalt  }
0x46: {  	_ =	shalt  }
0x47: {  	_ =	shalt  }
0x48: {  	_ =	shalt  }
0x49: {  	_ =	shalt  }
0x4a: {  	_ =	shalt  }
0x4b: {  	_ =	shalt  }
0x4c: {  	_ =	shalt  }
0x4d: {  	_ =	shalt  }
0x4e: {  	_ =	shalt  }
0x4f: {  	_ =	shalt  }
0x50: {  	_ =	shalt  }
0x51: {  	_ =	shalt  }
0x52: {  	_ =	shalt  }
0x53: {  	_ =	shalt  }
0x54: {  	_ =	shalt  }
0x55: {  	_ =	shalt  }
0x56: {  	_ =	shalt  }
0x57: {  	_ =	shalt  }
0x58: {  	_ =	shalt  }
0x59: {  	_ =	shalt  }
0x5a: {  	_ =	shalt  }
0x5b: {  	_ =	shalt  }
0x5c: {  	_ =	shalt  }
0x5d: {  	_ =	shalt  }
0x5e: {  	_ =	shalt  }
0x5f: {  	_ =	shalt  }
0x60: {  	_ =	shalt  }
0x61: {  	_ =	shalt  }
0x62: {  	_ =	shalt  }
0x63: {  	_ =	shalt  }
0x64: {  	_ =	shalt  }
0x65: {  	_ =	shalt  }
0x66: {  	_ =	shalt  }
0x67: {  	_ =	shalt  }
0x68: {  	_ =	shalt  }
0x69: {  	_ =	shalt  }
0x6a: {  	_ =	shalt  }
0x6b: {  	_ =	shalt  }
0x6c: {  	_ =	shalt  }
0x6d: {  	_ =	shalt  }
0x6e: {  	_ =	shalt  }
0x6f: {  	_ =	shalt  }
0x70: {  	_ =	shalt  }
0x71: {  	_ =	shalt  }
0x72: {  	_ =	shalt  }
0x73: {  	_ =	shalt  }
0x74: {  	_ =	shalt  }
0x75: {  	_ =	shalt  }
0x76: {  	_ =	shalt  }
0x77: {  	_ =	shalt  }
0x78: {  	_ =	shalt  }
0x79: {  	_ =	shalt  }
0x7a: {  	_ =	shalt  }
0x7b: {  	_ =	shalt  }
0x7c: {  	_ =	shalt  }
0x7d: {  	_ =	shalt  }
0x7e: {  	_ =	shalt  }
0x7f: {  	_ =	shalt  }
0x80: {  	_ =	shalt  }
0x81: {  	_ =	shalt  }
0x82: {  	_ =	shalt  }
0x83: {  	_ =	shalt  }
0x84: {  	_ =	shalt  }
0x85: {  	_ =	shalt  }
0x86: {  	_ =	shalt  }
0x87: {  	_ =	shalt  }
.Lfunc_end0:
.L_simem_size_0:
called_computation.3_lowered:
.L_overlay_start_0:
0x88: {  	s2 =	sld [smem:$0x3FD9]  }
0x89: {  	s3 =	sld [smem:$0x3FFE];
	_ =	sdelay $0x1  }
0x8a: {  	s1 =	srdreg.scid  }
0x8b: {  	s0 =	sand.u32 $0x1, s1  }
0x8c: {  	s17 =	sshll.u32 s0, $0xA;
	s2 =	sadd.s32 s3, s2  }
0x8d: {  	s2 =	sadd.s32 s2, s17  }
0x8e: {  	[smem:$0x3FC2] =	sst s2  }
0x8f: {  	_ = 	snop  }
0x90: {  	s18 =	sld [smem:$0x3FC7];
	(tm) =	ssettm $0x1  }
0x91: {  	s19 =	sld [smem:$0x3FFB];
	_ =	sdelay $0x3  }
0x92: {  	_ =	strace s19  }
0x93: {  	s2 =	sld [smem:$0x3FFC];
	_ =	sdelay $0x3  }
0x94: {  	_ =	strace s2  }
0x95: {  	s2 =	sld [smem:$0x3FFD];
	_ =	sdelay $0x3  }
0x96: {  	_ =	strace s2  }
0x97: {  	_ =	strace $0x8FFFFFFF  }
0x98: {  	s20 =	sld [smem:$0x3FDB];
	_ =	sdelay $0x1  }
0x99: {  	s4 =	simm.s32 $_scs_section_size  }
0x9a: {  	s5 =	simm.s32 $_size__tile_overlayer_lowered;
	s6 =	simm.s32 $_tile_overlayer_lowered  }
0x9b: {  	s7 =	simm.s32 $0x1BFF;
	s21 =	sshll.u32 s6, $0x1;
	s4 =	sadd.s32 s4, s20  }
0x9c: {  	s22 =	simm.s32 $0x0;
	s5 =	sshll.u32 s5, $0x1;
	s6 =	sadd.s32 s21, s4  }
0x9d: {  	[timem:s22], [sflag:s7] =	dma.local [hbm:s6], s5  }
0x9e: {  	_ =	swait.ge [sflag:s7], s5  }
0x9f: {  	s5 =	ssub.s32 $0x0, s5;
	[sflag:s7] =	ssyncset.done $0x0  }
0xa0: {  	[sflag:s7] =	ssyncadd.s32 s5;
	_ =	sdelay $0x1  }
0xa1: {  	s23 =	simm.s32 $0x1B8B  }
0xa2: {  	_ =	swait.ge [sflag:s23], $0x1  }
0xa3: {  	[sflag:s23] =	ssyncset.done $0x0  }
0xa4: {  	[sflag:s23] =	ssyncadd.s32 $0xFFFFFFFF  }
0xa5: {  	s5 =	sld [smem:$0x0]  }
0xa6: {  	s6 =	sand.u32 $0xFFFFFFFE, s1  }
0xa7: {  	p0 =	sne.s32 s1, s6  }
0xa8: {  	s6 =	sshll.u32 @p0 s6, $0xE  }
0xa9: {  	s6 =	sadd.s32 @p0 $0x11B8D, s6;
	s7 =	sshll.u32 @p0 s5, $0x11  }
0xaa: {  	s6 =	sor.u32 @p0 s7, s6  }
0xab: {  	[sflag:s6] =	ssyncadd.remote.s32 @p0 $0x1;
	_ =	sdelay $0x1  }
0xac: {  	s6 =	simm.s32 @p0 $0x1B8D  }
0xad: {  	_ =	swait.eq @p0 [sflag:s6], $0x1  }
0xae: {  	[sflag:s6] =	ssyncadd.s32 @p0 $0xFFFFFFFF  }
0xaf: {  	s7 =	sshll.u32 @!p0 s1, $0xE  }
0xb0: {  	s7 =	sor.u32 @!p0 $0x4000, s7;
	s6 =	simm.s32 @!p0 $0x1B8D  }
0xb1: {  	s5 =	sshll.u32 @!p0 s5, $0x11;
	s7 =	sadd.s32 @!p0 $0x11B8D, s7;
	_ =	swait.eq @!p0 [sflag:s6], $0x1  }
0xb2: {  	s5 =	sor.u32 @!p0 s5, s7;
	[sflag:s6] =	ssyncadd.s32 @!p0 $0xFFFFFFFF  }
0xb3: {  	s25 =	simm.s32 $0x1B8E;
	s24 =	sld [smem:$0x3FFE];
	[sflag:s5] =	ssyncadd.remote.s32 @!p0 $0x1  }
0xb4: {  	s26 =	simm.s32 $execute0_lowered;
	[smem:$0x3FD2] =	sst s25  }
0xb5: {  	s6 =	sshll.u32 s26, $0x1;
	_ =	strace $0x8000004F;
	[dreg:$0x1] =	wrdreg $0xFFFFFFFF  }
0xb6: {  	s28 =	simm.s32 $_size_execute0_lowered;
	s4 =	sadd.s32 s4, s6;
	[dreg:$0x0] =	wrdreg $0x0  }
0xb7: {  	s6 =	sshll.u32 s28, $0x1;
	[dreg:$0x2] =	wrdreg s4  }
0xb8: {  	[dreg:$0x3] =	wrdreg s6  }
0xb9: {  	[dreg:$0x4] =	wrdreg $0xC0  }
0xba: {  	_ =	task [dreg:s22], $0x5FFFF  }
0xbb: {  	[dreg:$0x1] =	wrdreg $0xFFFFFFFF  }
0xbc: {  	[dreg:$0x0] =	wrdreg $0x60  }
0xbd: {  	[dreg:$0x2] =	wrdreg s18  }
0xbe: {  	[dreg:$0x3] =	wrdreg s24  }
0xbf: {  	[dreg:$0x4] =	wrdreg $0xB  }
0xc0: {  	_ =	task.clear_ibuf [dreg:s22], $0x5FFFF;
	_ =	strace $0x9000004F  }
0xc1: {  	s29 =	simm.s32 $0xB;
	_ =	strace $0x80000051  }
0xc2: {  	_ =	swait.ge [sflag:s29], $0x1  }
0xc3: {  	[sflag:s29] =	ssyncadd.s32 $0xFFFFFFFF  }
0xc4: {  	_ =	strace $0x90000051  }
0xc5: {  	_ =	sfence  }
0xc6: {  	s30 =	sld [smem:$0x0];
	_ =	sdelay $0x2  }
0xc7: {  	s31 =	sshll.u32 s1, $0xD;
	s1 =	sshrl.u32 s1, $0x2  }
0xc8: {  	s4 =	sand.u32 $0x4000, s31;
	s1 =	sadd.s32 s1, s30  }
0xc9: {  	s0 =	sor.u32 s4, s0;
	s1 =	sshll.u32 s1, $0x11  }
0xca: {  	s0 =	sor.u32 s1, s0  }
0xcb: {  	s0 =	sadd.s32 $0x8F2B, s0  }
0xcc: {  	[sflag:s0] =	ssyncadd.remote.s32 $0x1  }
0xcd: {  	_ =	sfence.sel $0xFFFF  }
0xce: {  	[dreg:$0x0] =	wrdreg $0xFFFFFFFF;
	(pc) =	sbr.abs _section_cstart, $3  }
0xcf: {  	[dreg:$0x1] =	wrdreg $0xFFFFFFFF  }
0xd0: {  	_ =	task.clear_ibuf [dreg:s22], $0x2FFFF;
	_ =	strace $0x9FFFFFFF  }
0xd1: {  	(tm) =	ssettm $0x7FFFFFFF  }
tec
execute0_lowered:
.L_overlay_start_1:
0x0: {  	(tag) =	ssettag $0x1  }
0x1: {  	s4 =	rddreg [dreg:$0x0]  }
0x2: {  	s5 =	rddreg [dreg:$0x1]  }
0x3: {  	s0 =	rddreg [dreg:$0x2];
	s2 =	simm.s32 $0x0;
	s3 =	srdreg.scid  }
0x4: {  	s1 =	stileid.u32;
	s10 =	simm.s32 $0x0;
	s6 =	sand.u32 $0x1, s3  }
0x5: {  	[smem:$0x7FF] =	sst s2;
	s7 =	sshll.u32 s1, $0xA;
	s8 =	sshll.u32 s6, $0x9  }
0x6: {  	s3 =	sadd.s32 $0xF83A00, s5;
	s6 =	ssub.s32 $0x2, s6;
	s7 =	sor.u32 s8, s7  }
0x7: {  	_ =	strace $0x80000050;
	s9 =	sshrl.u32 s6, $0x1;
	s8 =	sshll.u32 s7, $0x4  }
0x8: {  	s7 =	sshrl.u32 s7, $0x3;
	s6 =	ssub.s32 s6, s9;
	s9 =	simm.s32 $0x200  }
0x9: {  	s5 =	sadd.s32 s8, s5;
	s4 =	sadd.s32 s4, s7;
	s6 =	smax.u32 s6, $0x1  }
0xa: {  	s7 =	simm.s32 $0x2;
	s8 =	simm.s32 $0x1;
	s5 =	sadd.s32 $0x114A400, s5  }
.LBB2_1:
0xb: {  	[tilespmem:s2], [sflag:$0x2] =	stream.linear.gather [hbm4b:s4+s2], $0x200, $0x38;
	[tilespmem:$0x10200] =	vst v63  }
0xc: {  	_ =	swait.ge [sflag:s7], $0x200  }
0xd: {  	[sflag:s7] =	ssyncset.done $0x0  }
0xe: {  	[sflag:s7] =	ssyncadd.s32 $0xFFFFFE00  }
0xf: {  	v0 =	vld [tilespmem:s2+$0x0];
	_ =	sdelay $0x4  }
0x10: {  	v0 =	vshll.u32 v0, $0x4  }
0x11: {  	(v2sf) =	vpush v0, $0x0  }
0x12: {  	(v2sf) =	vpush v0, $0x1  }
0x13: {  	(v2sf) =	vpush v0, $0x2;
	_ =	sdelay $0x1  }
0x14: {  	(v2sf) =	vpush v0, $0x4;
	_ =	sdelay $0x1  }
0x15: {  	(v2sf) =	vpush v0, $0x3  }
0x16: {  	(v2sf) =	vpush v0, $0x5  }
0x17: {  	s12 =	simm.s32 $0x2000;
	s11 =	simm.s32 $0x0;
	s13 =	simm.s32 $0x0;
	(v2sf) =	vpush v0, $0x6  }
.LBB2_2:
0x18: {  	p0 =	sne.s32 s12, $0x3E000  }
0x19: {  	s23 =	sadd.s32 $0x280, s11;
	s17 =	sadd.s32 $0x780, s11;
	s14 =	smov.u32 s12  }
0x1a: {  	s12 =	sadd.s32 $0x2000, s12;
	s20 =	sadd.s32 $0x580, s11;
	s15 =	sadd.s32 $0x800, s11;
	(v2sf) =	vpush v0, $0x7  }
0x1b: {  	s22 =	sadd.s32 $0x480, s11;
	s19 =	sadd.s32 $0x600, s11;
	s16 =	sadd.s32 $0x880, s11  }
0x1c: {  	s24 =	sadd.s32 $0x200, s11;
	s25 =	sadd.s32 $0x400, s11;
	(v2sf) =	vpush v0, $0x8  }
0x1d: {  	s26 =	sadd.s32 $0x500, s11;
	s13 =	sadd.s32 $0x10, s13  }
0x1e: {  	s28 =	sadd.s32 $0x300, s11;
	s18 =	sadd.s32 $0x700, s11;
	s21 =	spop (v2sf);
	(v2sf) =	vpush v0, $0x9  }
0x1f: {  	s29 =	sand.u32 $0x1FFFFFF0, s21;
	s21 =	sadd.s32 $0x680, s11;
	s30 =	spop (v2sf)  }
0x20: {  	s29 =	sadd.s32 s3, s29;
	s30 =	sand.u32 $0x1FFFFFF0, s30;
	s31 =	spop (v2sf);
	(v2sf) =	vpush v0, $0xA  }
0x21: {  	[tilespmem:s24], [sflag:$0x1] =	stream.linear.gather [hbm4b:s29+s2], $0x80, $0x38;
	[tilespmem:$0x10200] =	vst v63  }
0x22: {  	s24 =	sadd.s32 s3, s30;
	s29 =	sadd.s32 $0x380, s11;
	s30 =	spop (v2sf);
	(v2sf) =	vpush v0, $0xB  }
0x23: {  	[tilespmem:s23], [sflag:$0x1] =	stream.linear.gather [hbm4b:s24+s2], $0x80, $0x38;
	[tilespmem:$0x10200] =	vst v63  }
0x24: {  	s23 =	sand.u32 $0x1FFFFFF0, s31;
	s24 =	sand.u32 $0x1FFFFFF0, s30;
	s30 =	spop (v2sf);
	(v2sf) =	vpush v0, $0xC  }
0x25: {  	s23 =	sadd.s32 s3, s23;
	s30 =	sand.u32 $0x1FFFFFF0, s30;
	s31 =	spop (v2sf)  }
0x26: {  	[tilespmem:s28], [sflag:$0x1] =	stream.linear.gather [hbm4b:s23+s2], $0x80, $0x38;
	(v2sf) =	vpush v0, $0xD;
	[tilespmem:$0x10200] =	vst v63  }
0x27: {  	s23 =	sadd.s32 s3, s30;
	s28 =	sand.u32 $0x1FFFFFF0, s31;
	s30 =	spop (v2sf)  }
0x28: {  	[tilespmem:s29], [sflag:$0x1] =	stream.linear.gather [hbm4b:s23+s2], $0x80, $0x38;
	(v2sf) =	vpush v0, $0xE;
	[tilespmem:$0x10200] =	vst v63  }
0x29: {  	s23 =	sadd.s32 s3, s24;
	s24 =	sand.u32 $0x1FFFFFF0, s30;
	s29 =	spop (v2sf)  }
0x2a: {  	[tilespmem:s25], [sflag:$0x1] =	stream.linear.gather [hbm4b:s23+s2], $0x80, $0x38;
	(v2sf) =	vpush v0, $0xF;
	[tilespmem:$0x10200] =	vst v63  }
0x2b: {  	s23 =	sadd.s32 s3, s28;
	s25 =	sand.u32 $0x1FFFFFF0, s29;
	s28 =	spop (v2sf)  }
0x2c: {  	[tilespmem:s22], [sflag:$0x1] =	stream.linear.gather [hbm4b:s23+s2], $0x80, $0x38;
	[tilespmem:$0x10200] =	vst v63  }
0x2d: {  	s22 =	sadd.s32 s3, s24;
	s23 =	sand.u32 $0x1FFFFFF0, s28;
	s24 =	spop (v2sf)  }
0x2e: {  	[tilespmem:s26], [sflag:$0x1] =	stream.linear.gather [hbm4b:s22+s2], $0x80, $0x38;
	[tilespmem:$0x10200] =	vst v63  }
0x2f: {  	s22 =	sadd.s32 s3, s25;
	s24 =	sand.u32 $0x1FFFFFF0, s24;
	s25 =	spop (v2sf)  }
0x30: {  	[tilespmem:s20], [sflag:$0x1] =	stream.linear.gather [hbm4b:s22+s2], $0x80, $0x38;
	[tilespmem:$0x10200] =	vst v63  }
0x31: {  	s20 =	sadd.s32 s3, s23;
	s22 =	sand.u32 $0x1FFFFFF0, s25;
	s23 =	spop (v2sf)  }
0x32: {  	[tilespmem:s19], [sflag:$0x1] =	stream.linear.gather [hbm4b:s20+s2], $0x80, $0x38;
	[tilespmem:$0x10200] =	vst v63  }
0x33: {  	s19 =	sadd.s32 s3, s24;
	s20 =	sand.u32 $0x1FFFFFF0, s23;
	s23 =	spop (v2sf)  }
0x34: {  	[tilespmem:s21], [sflag:$0x1] =	stream.linear.gather [hbm4b:s19+s2], $0x80, $0x38;
	[tilespmem:$0x10200] =	vst v63  }
0x35: {  	s19 =	sadd.s32 s3, s22;
	s21 =	sand.u32 $0x1FFFFFF0, s23;
	s22 =	spop (v2sf)  }
0x36: {  	[tilespmem:s18], [sflag:$0x1] =	stream.linear.gather [hbm4b:s19+s2], $0x80, $0x38;
	[tilespmem:$0x10200] =	vst v63  }
0x37: {  	s18 =	sadd.s32 s3, s20;
	s19 =	sand.u32 $0x1FFFFFF0, s22;
	s20 =	spop (v2sf)  }
0x38: {  	[tilespmem:s17], [sflag:$0x1] =	stream.linear.gather [hbm4b:s18+s2], $0x80, $0x38;
	[tilespmem:$0x10200] =	vst v63  }
0x39: {  	s17 =	sadd.s32 s3, s21;
	s18 =	sand.u32 $0x1FFFFFF0, s20;
	s20 =	spop (v2sf)  }
0x3a: {  	[tilespmem:s15], [sflag:$0x1] =	stream.linear.gather [hbm4b:s17+s2], $0x80, $0x38;
	[tilespmem:$0x10200] =	vst v63  }
0x3b: {  	s15 =	sadd.s32 s3, s19;
	s17 =	sand.u32 $0x1FFFFFF0, s20  }
0x3c: {  	[tilespmem:s16], [sflag:$0x1] =	stream.linear.gather [hbm4b:s15+s2], $0x80, $0x38;
	[tilespmem:$0x10200] =	vst v63  }
0x3d: {  	s15 =	sadd.s32 $0x900, s11;
	s16 =	sadd.s32 s3, s18  }
0x3e: {  	[tilespmem:s15], [sflag:$0x1] =	stream.linear.gather [hbm4b:s16+s2], $0x80, $0x38;
	[tilespmem:$0x10200] =	vst v63  }
0x3f: {  	s11 =	sadd.s32 $0x980, s11;
	s15 =	sadd.s32 s3, s17  }
0x40: {  	[tilespmem:s11], [sflag:$0x1] =	stream.linear.gather [hbm4b:s15+s2], $0x80, $0x38;
	[tilespmem:$0x10200] =	vst v63  }
0x41: {  	v0 =	vld [tilespmem:s13+$0x0];
	_ =	sdelay $0x4  }
0x42: {  	v0 =	vshll.u32 v0, $0x4  }
0x43: {  	(v2sf) =	vpush v0, $0x0  }
0x44: {  	(v2sf) =	vpush v0, $0x1  }
0x45: {  	(v2sf) =	vpush v0, $0x2;
	_ =	sdelay $0x1  }
0x46: {  	(v2sf) =	vpush v0, $0x4  }
.Ltmp0:
0x47: {  	(pc) =	sbr.rel @p0 .LBB2_2-.Ltmp0, $3  }
0x48: {  	(v2sf) =	vpush v0, $0x3  }
0x49: {  	(v2sf) =	vpush v0, $0x5;
	_ =	sdelay $0x1  }
0x4a: {  	s11 =	sshra.s32 s14, $0x2;
	(v2sf) =	vpush v0, $0x6  }
0x4b: {  	_ =	sdelay $0x1  }
0x4c: {  	s15 =	sadd.s32 $0x280, s11;
	s14 =	sadd.s32 $0x780, s11  }
0x4d: {  	s16 =	sadd.s32 $0x580, s11;
	s12 =	sadd.s32 $0x800, s11;
	(v2sf) =	vpush v0, $0x7;
	s17 =	sadd.s32 $0x480, s11  }
0x4e: {  	s18 =	sadd.s32 $0x600, s11;
	s13 =	sadd.s32 $0x880, s11;
	s19 =	sadd.s32 $0x200, s11  }
0x4f: {  	s20 =	sadd.s32 $0x400, s11;
	s21 =	sadd.s32 $0x500, s11;
	(v2sf) =	vpush v0, $0x8;
	s22 =	spop (v2sf)  }
0x50: {  	s23 =	sadd.s32 $0x300, s11;
	s22 =	sand.u32 $0x1FFFFFF0, s22;
	s24 =	spop (v2sf)  }
0x51: {  	(v2sf) =	vpush v0, $0x9;
	s22 =	sadd.s32 s3, s22;
	s24 =	sand.u32 $0x1FFFFFF0, s24;
	s25 =	spop (v2sf)  }
0x52: {  	[tilespmem:s19], [sflag:$0x1] =	stream.linear.gather [hbm4b:s22+s2], $0x80, $0x38;
	[tilespmem:$0x10200] =	vst v63  }
0x53: {  	s26 =	sadd.s32 $0x380, s11;
	(v2sf) =	vpush v0, $0xA;
	s30 =	sadd.s32 s3, s24;
	s31 =	spop (v2sf)  }
0x54: {  	[tilespmem:s15], [sflag:$0x1] =	stream.linear.gather [hbm4b:s30+s2], $0x80, $0x38;
	[tilespmem:$0x10200] =	vst v63  }
0x55: {  	s19 =	sadd.s32 $0x700, s11;
	s28 =	sand.u32 $0x1FFFFFF0, s25;
	(v2sf) =	vpush v0, $0xB;
	s29 =	spop (v2sf)  }
0x56: {  	s22 =	sadd.s32 s3, s28;
	s15 =	sadd.s32 $0x680, s11;
	s25 =	sand.u32 $0x1FFFFFF0, s29  }
0x57: {  	(v2sf) =	vpush v0, $0xC;
	[tilespmem:s23], [sflag:$0x1] =	stream.linear.gather [hbm4b:s22+s2], $0x80, $0x38;
	[tilespmem:$0x10200] =	vst v63  }
0x58: {  	s30 =	sand.u32 $0x1FFFFFF0, s31;
	s31 =	spop (v2sf);
	s28 =	sadd.s32 s3, s25  }
0x59: {  	(v2sf) =	vpush v0, $0xD;
	[tilespmem:s26], [sflag:$0x1] =	stream.linear.gather [hbm4b:s28+s2], $0x80, $0x38;
	[tilespmem:$0x10200] =	vst v63  }
0x5a: {  	s22 =	sadd.s32 s3, s30;
	s23 =	sand.u32 $0x1FFFFFF0, s31;
	s29 =	spop (v2sf)  }
0x5b: {  	(v2sf) =	vpush v0, $0xE;
	[tilespmem:s20], [sflag:$0x1] =	stream.linear.gather [hbm4b:s22+s2], $0x80, $0x38;
	[tilespmem:$0x10200] =	vst v63  }
0x5c: {  	s23 =	sadd.s32 s3, s23;
	s30 =	sand.u32 $0x1FFFFFF0, s29;
	s31 =	spop (v2sf)  }
0x5d: {  	(v2sf) =	vpush v0, $0xF;
	[tilespmem:s17], [sflag:$0x1] =	stream.linear.gather [hbm4b:s23+s2], $0x80, $0x38;
	[tilespmem:$0x10200] =	vst v63  }
0x5e: {  	s24 =	sand.u32 $0x1FFFFFF0, s31;
	s25 =	spop (v2sf);
	s20 =	sadd.s32 s3, s30  }
0x5f: {  	[tilespmem:s21], [sflag:$0x1] =	stream.linear.gather [hbm4b:s20+s2], $0x80, $0x38;
	[tilespmem:$0x10200] =	vst v63  }
0x60: {  	s26 =	sand.u32 $0x1FFFFFF0, s25;
	s17 =	sadd.s32 s3, s24;
	s28 =	spop (v2sf)  }
0x61: {  	[tilespmem:s16], [sflag:$0x1] =	stream.linear.gather [hbm4b:s17+s2], $0x80, $0x38;
	[tilespmem:$0x10200] =	vst v63  }
0x62: {  	s20 =	sadd.s32 s3, s26;
	s29 =	sand.u32 $0x1FFFFFF0, s28;
	s30 =	spop (v2sf)  }
0x63: {  	[tilespmem:s18], [sflag:$0x1] =	stream.linear.gather [hbm4b:s20+s2], $0x80, $0x38;
	[tilespmem:$0x10200] =	vst v63  }
0x64: {  	s17 =	sand.u32 $0x1FFFFFF0, s30;
	s16 =	sadd.s32 s3, s29;
	s31 =	spop (v2sf)  }
0x65: {  	[tilespmem:s15], [sflag:$0x1] =	stream.linear.gather [hbm4b:s16+s2], $0x80, $0x38;
	[tilespmem:$0x10200] =	vst v63  }
0x66: {  	s17 =	sadd.s32 s3, s17;
	s20 =	sand.u32 $0x1FFFFFF0, s31;
	s21 =	spop (v2sf)  }
0x67: {  	[tilespmem:s19], [sflag:$0x1] =	stream.linear.gather [hbm4b:s17+s2], $0x80, $0x38;
	[tilespmem:$0x10200] =	vst v63  }
0x68: {  	s15 =	sadd.s32 s3, s20;
	s16 =	sand.u32 $0x1FFFFFF0, s21;
	s22 =	spop (v2sf)  }
0x69: {  	[tilespmem:s14], [sflag:$0x1] =	stream.linear.gather [hbm4b:s15+s2], $0x80, $0x38;
	[tilespmem:$0x10200] =	vst v63  }
0x6a: {  	s23 =	sand.u32 $0x1FFFFFF0, s22;
	s16 =	sadd.s32 s3, s16;
	s24 =	spop (v2sf)  }
0x6b: {  	[tilespmem:s12], [sflag:$0x1] =	stream.linear.gather [hbm4b:s16+s2], $0x80, $0x38;
	[tilespmem:$0x10200] =	vst v63  }
0x6c: {  	s25 =	sand.u32 $0x1FFFFFF0, s24;
	s26 =	spop (v2sf);
	s14 =	sadd.s32 s3, s23  }
0x6d: {  	[tilespmem:s13], [sflag:$0x1] =	stream.linear.gather [hbm4b:s14+s2], $0x80, $0x38;
	[tilespmem:$0x10200] =	vst v63  }
0x6e: {  	s29 =	sadd.s32 $0x900, s11;
	s28 =	sand.u32 $0x1FFFFFF0, s26;
	s12 =	sadd.s32 s3, s25  }
0x6f: {  	[tilespmem:s29], [sflag:$0x1] =	stream.linear.gather [hbm4b:s12+s2], $0x80, $0x38;
	[tilespmem:$0x10200] =	vst v63  }
0x70: {  	s30 =	sadd.s32 $0x980, s11;
	s31 =	sadd.s32 s3, s28  }
0x71: {  	[tilespmem:s30], [sflag:$0x1] =	stream.linear.gather [hbm4b:s31+s2], $0x80, $0x38;
	[tilespmem:$0x10200] =	vst v63  }
0x72: {  	s10 =	sadd.s32 $0x1, s10;
	_ =	swait.ge [sflag:s8], $0x10000  }
0x73: {  	p0 =	sne.s32 s10, s6;
	[sflag:s8] =	ssyncset.done $0x0  }
.Ltmp1:
0x74: {  	[sflag:s8] =	ssyncadd.s32 $0xFFFF0000;
	(pc) =	sbr.rel @p0 .LBB2_1-.Ltmp1, $4  }
0x75: {  	[hbm4b:s5+s2] =	stream.linear.scatter [tilespmem:s9], [sflag:$0x2], $0x10000, $0x38;
	[tilespmem:$0x10200] =	vst v63  }
0x76: {  	_ =	swait.ge [sflag:s7], $0x10000  }
0x77: {  	[sflag:s7] =	ssyncset.done $0x0  }
0x78: {  	[sflag:s7] =	ssyncadd.s32 $0xFFFF0000  }
0x79: {  	_ =	sfence.sel $0x180000  }
0x7a: {  	[bflag:$0x0] =	sbarrier.arrive $0xFFFF  }
0x7b: {  	p0 =	sne.s32 s1, $0x0;
	_ =	strace $0x90000050  }
0x7c: {  	s0 =	sadd.s32 @!p0 $0x100000, s0;
	[bflag:$0x2] =	sbarrier.arrive $0xFFFF  }
0x7d: {  	[sflag:s0] =	ssyncadd.tile.s32 @!p0 $0x1;
	_ =	shalt  }
.Lfunc_end2:
_tile_overlayer_lowered:
.L_overlay_start_2:
0x7e: {  	(tag) =	ssettag $0x2  }
0x7f: {  	s0 =	rddreg [dreg:$0x0];
	s2 =	stileid.u32  }
0x80: {  	s1 =	rddreg [dreg:$0x1];
	p0 =	sne.s32 s2, $0x0  }
0x81: {  	s3 =	rddreg [dreg:$0x2];
	[bflag:$0x3] =	sbarrier.arrive $0xFFFF;
	s2 =	simm.s32 @!p0 $0x1C02  }
0x82: {  	[timem:s3], [sflag:s2] =	dma.local @!p0 [hbm:s0], s1  }
0x83: {  	s0 =	simm.s32 @!p0 $0x2  }
0x84: {  	_ =	swait.ge @!p0 [sflag:s0], s1  }
0x85: {  	s1 =	ssub.s32 @!p0 $0x0, s1;
	[sflag:s0] =	ssyncset.done @!p0 $0x0  }
0x86: {  	[sflag:s0] =	ssyncadd.s32 @!p0 s1  }
0x87: {  	[bflag:$0x3] =	sbarrier.arrive $0xFFFF  }
0x88: {  	_ =	shalt  }

// kernel: vbpr_sc_narrow_u.3.cloned.1.call-start
scs
__scs_entry_jumppad:
0x0: {  	(pc) =	sbr.rel $0x88, $3  }
0x1: {  	(tag) =	ssettag $0x0;
	lr =	simm.s32 $0x1  }
0x2: {  	[smem:$0x3F9B] =	sst lr;
	_ =	strace $0xD0000000  }
0x3: {  	_ = 	snop  }
0x4: {  	_ = 	snop  }
0x5: {  	_ = 	snop  }
0x6: {  	_ = 	snop  }
0x7: {  	_ = 	snop  }
__scs_overlays_trampoline_lowered:
0x8: {  	[smem:$0x3FAA] =	sst s0  }
0x9: {  	[smem:$0x3FAB] =	sst s1  }
0xa: {  	[smem:$0x3FAC] =	sst s2  }
0xb: {  	[smem:$0x3FAD] =	sst s3  }
0xc: {  	[smem:$0x3FAE] =	sst s4  }
0xd: {  	[smem:$0x3FAF] =	sst s5  }
0xe: {  	[smem:$0x3FB0] =	sst s6  }
0xf: {  	[smem:$0x3FB1] =	sst s7  }
0x10: {  	[smem:$0x3FB2] =	sst s8  }
0x11: {  	[smem:$0x3FB3] =	sst s9;
	s0 =	simm.s32 @!p0 $0x0  }
0x12: {  	s1 =	sld [smem:$0x3F99];
	s0 =	simm.s32 @p0 $0x1  }
0x13: {  	[smem:$0x3FB4] =	sst s0;
	s0 =	simm.s32 @!p1 $0x0  }
0x14: {  	s2 =	sld [smem:$0x3F98];
	s0 =	simm.s32 @p1 $0x1  }
0x15: {  	[smem:$0x3FB5] =	sst s0;
	s0 =	simm.s32 @!p2 $0x0  }
0x16: {  	s3 =	sld [smem:$0x3FDB];
	s0 =	simm.s32 @p2 $0x1  }
0x17: {  	s4 =	simm.s32 $0x1BF5;
	[smem:$0x3FB7] =	sst s0  }
0x18: {  	s0 =	sld [smem:$0x3F9A];
	_ =	swait.ge [sflag:s4], $0x0  }
0x19: {  	s7 =	sld [smem:$0x3F9B]  }
0x1a: {  	s8 =	sadd.s32 $0xFFFFE003, lr  }
0x1b: {  	s9 =	sadd.s32 $0xFFFFFEF7, lr;
	s5 =	simm.s32 $0xFFFFFFFF;
	p2 =	slt.u32 s8, $0xFFFFF086  }
0x1c: {  	p1 =	slt.u32 s9, $0xF7A;
	s5 =	simm.s32 @!p2 $0x0  }
0x1d: {  	s5 =	simm.s32 @p1 $0x1;
	p0 =	seq.s32 s7, s2  }
0x1e: {  	s7 =	smul.u32 @!p0 $0xF7A, s2;
	p2 =	seq.s32 @!p0 s5, $0x0  }
0x1f: {  	s9 =	smul.u32 $0xF7A, s1;
	s8 =	simm.s32 @!p0 $0x1BF5;
	p2 =	por !p2, p0  }
0x20: {  	[sflag:s8] =	ssyncset.s32 @!p0 $0xFFFFF086;
	s6 =	sadd.s32 @!p0 s3, s7;
	s7 =	simm.s32 @!p0 $0x108  }
0x21: {  	s3 =	sadd.s32 s3, s9;
	s6 =	sadd.s32 @!p0 $0x88, s6;
	s7 =	simm.s32 @p2 $0x1082  }
0x22: {  	[simem:s7], [sflag:s8] =	dma.local @!p0 [hbm:s6], $0xF7A  }
0x23: {  	s9 =	sor.u32 $0xD0000000, s2;
	s6 =	simm.s32 $0x108;
	_ =	swait.ge @!p0 [sflag:s8], $0x0  }
0x24: {  	s3 =	sadd.s32 $0x88, s3;
	s6 =	simm.s32 @!p1 $0x1082;
	[sflag:s4] =	ssyncset.s32 $0xFFFFF086  }
0x25: {  	[simem:s6], [sflag:s4] =	dma.local [hbm:s3], $0xF7A  }
0x26: {  	[smem:$0x3F9B] =	sst s1;
	(tag) =	ssettag s2;
	_ =	strace s9  }
0x27: {  	s1 =	sld [smem:$0x3FAB]  }
0x28: {  	s2 =	sld [smem:$0x3FAC]  }
0x29: {  	s4 =	sld [smem:$0x3FAE]  }
0x2a: {  	p0 =	seq.s32 s5, $0x0;
	s5 =	sld [smem:$0x3FAF]  }
0x2b: {  	s6 =	sld [smem:$0x3FB0]  }
0x2c: {  	s7 =	sld [smem:$0x3FB1]  }
0x2d: {  	s3 =	simm.s32 $0x108;
	s8 =	sld [smem:$0x3FB2]  }
0x2e: {  	s3 =	simm.s32 @!p0 $0x1082;
	s9 =	sld [smem:$0x3FB3]  }
0x2f: {  	lr =	sadd.s32 s0, s3;
	s0 =	sld [smem:$0x3FAA]  }
0x30: {  	s3 =	sld [smem:$0x3FAD]  }
0x31: {  	[smem:$0x3FB6] =	sst s10  }
0x32: {  	s10 =	sld [smem:$0x3FB4];
	_ =	sdelay $0x3  }
0x33: {  	p0 =	seq.s32 s10, $0x1;
	s10 =	sld [smem:$0x3FB6];
	_ =	sdelay $0x3  }
0x34: {  	[smem:$0x3FB6] =	sst s10  }
0x35: {  	s10 =	sld [smem:$0x3FB5];
	_ =	sdelay $0x3  }
0x36: {  	p1 =	seq.s32 s10, $0x1;
	s10 =	sld [smem:$0x3FB6];
	_ =	sdelay $0x3  }
0x37: {  	[smem:$0x3FB6] =	sst s10  }
0x38: {  	s10 =	sld [smem:$0x3FB7]  }
0x39: {  	_ = 	snop;
	(pc) =	sbr.ind lr, $3  }
0x3a: {  	_ = 	snop  }
0x3b: {  	_ = 	snop  }
0x3c: {  	p2 =	seq.s32 s10, $0x1;
	s10 =	sld [smem:$0x3FB6]  }
0x3d: {  	_ =	shalt  }
0x3e: {  	_ =	shalt  }
0x3f: {  	_ =	shalt  }
0x40: {  	_ =	shalt  }
0x41: {  	_ =	shalt  }
0x42: {  	_ =	shalt  }
0x43: {  	_ =	shalt  }
0x44: {  	_ =	shalt  }
0x45: {  	_ =	shalt  }
0x46: {  	_ =	shalt  }
0x47: {  	_ =	shalt  }
0x48: {  	_ =	shalt  }
0x49: {  	_ =	shalt  }
0x4a: {  	_ =	shalt  }
0x4b: {  	_ =	shalt  }
0x4c: {  	_ =	shalt  }
0x4d: {  	_ =	shalt  }
0x4e: {  	_ =	shalt  }
0x4f: {  	_ =	shalt  }
0x50: {  	_ =	shalt  }
0x51: {  	_ =	shalt  }
0x52: {  	_ =	shalt  }
0x53: {  	_ =	shalt  }
0x54: {  	_ =	shalt  }
0x55: {  	_ =	shalt  }
0x56: {  	_ =	shalt  }
0x57: {  	_ =	shalt  }
0x58: {  	_ =	shalt  }
0x59: {  	_ =	shalt  }
0x5a: {  	_ =	shalt  }
0x5b: {  	_ =	shalt  }
0x5c: {  	_ =	shalt  }
0x5d: {  	_ =	shalt  }
0x5e: {  	_ =	shalt  }
0x5f: {  	_ =	shalt  }
0x60: {  	_ =	shalt  }
0x61: {  	_ =	shalt  }
0x62: {  	_ =	shalt  }
0x63: {  	_ =	shalt  }
0x64: {  	_ =	shalt  }
0x65: {  	_ =	shalt  }
0x66: {  	_ =	shalt  }
0x67: {  	_ =	shalt  }
0x68: {  	_ =	shalt  }
0x69: {  	_ =	shalt  }
0x6a: {  	_ =	shalt  }
0x6b: {  	_ =	shalt  }
0x6c: {  	_ =	shalt  }
0x6d: {  	_ =	shalt  }
0x6e: {  	_ =	shalt  }
0x6f: {  	_ =	shalt  }
0x70: {  	_ =	shalt  }
0x71: {  	_ =	shalt  }
0x72: {  	_ =	shalt  }
0x73: {  	_ =	shalt  }
0x74: {  	_ =	shalt  }
0x75: {  	_ =	shalt  }
0x76: {  	_ =	shalt  }
0x77: {  	_ =	shalt  }
0x78: {  	_ =	shalt  }
0x79: {  	_ =	shalt  }
0x7a: {  	_ =	shalt  }
0x7b: {  	_ =	shalt  }
0x7c: {  	_ =	shalt  }
0x7d: {  	_ =	shalt  }
0x7e: {  	_ =	shalt  }
0x7f: {  	_ =	shalt  }
0x80: {  	_ =	shalt  }
0x81: {  	_ =	shalt  }
0x82: {  	_ =	shalt  }
0x83: {  	_ =	shalt  }
0x84: {  	_ =	shalt  }
0x85: {  	_ =	shalt  }
0x86: {  	_ =	shalt  }
0x87: {  	_ =	shalt  }
.Lfunc_end0:
.L_simem_size_0:
called_computation.1_lowered:
.L_overlay_start_0:
0x88: {  	s2 =	sld [smem:$0x3FD9]  }
0x89: {  	s3 =	sld [smem:$0x3FFE];
	_ =	sdelay $0x1  }
0x8a: {  	s1 =	srdreg.scid  }
0x8b: {  	s0 =	sand.u32 $0x1, s1  }
0x8c: {  	s17 =	sshll.u32 s0, $0xA;
	s2 =	sadd.s32 s3, s2  }
0x8d: {  	s2 =	sadd.s32 s2, s17  }
0x8e: {  	[smem:$0x3FC2] =	sst s2  }
0x8f: {  	_ = 	snop  }
0x90: {  	s2 =	sld [smem:$0x3FC9];
	(tm) =	ssettm $0x1  }
0x91: {  	s18 =	sld [smem:$0x3FFB];
	_ =	sdelay $0x3  }
0x92: {  	_ =	strace s18  }
0x93: {  	s3 =	sld [smem:$0x3FFC];
	_ =	sdelay $0x3  }
0x94: {  	_ =	strace s3  }
0x95: {  	s3 =	sld [smem:$0x3FFD];
	_ =	sdelay $0x3  }
0x96: {  	_ =	strace s3  }
0x97: {  	_ =	strace $0x8FFFFFFF  }
0x98: {  	s19 =	sld [smem:$0x3FDB];
	_ =	sdelay $0x1  }
0x99: {  	s4 =	simm.s32 $_scs_section_size  }
0x9a: {  	s5 =	simm.s32 $_size__tile_overlayer_lowered;
	s6 =	simm.s32 $_tile_overlayer_lowered  }
0x9b: {  	s22 =	simm.s32 $0x1BFF;
	s21 =	sshll.u32 s6, $0x1;
	s3 =	sadd.s32 s4, s19  }
0x9c: {  	s7 =	simm.s32 $0x0;
	s20 =	sshll.u32 s5, $0x1;
	s5 =	sadd.s32 s21, s3  }
0x9d: {  	[timem:s7], [sflag:s22] =	dma.local [hbm:s5], s20  }
0x9e: {  	_ =	swait.ge [sflag:s22], s20  }
0x9f: {  	s4 =	ssub.s32 $0x0, s20;
	[sflag:s22] =	ssyncset.done $0x0  }
0xa0: {  	[sflag:s22] =	ssyncadd.s32 s4;
	_ =	sdelay $0x1  }
0xa1: {  	s23 =	simm.s32 $0x1B8B  }
0xa2: {  	_ =	swait.ge [sflag:s23], $0x1  }
0xa3: {  	[sflag:s23] =	ssyncset.done $0x0  }
0xa4: {  	s25 =	simm.s32 $0x1B8E;
	s24 =	sld [smem:$0x3FFE];
	[sflag:s23] =	ssyncadd.s32 $0xFFFFFFFF  }
0xa5: {  	s26 =	simm.s32 $execute0_lowered;
	[smem:$0x3FD2] =	sst s25  }
0xa6: {  	s5 =	sshll.u32 s26, $0x1;
	_ =	strace $0x80000049;
	[dreg:$0x1] =	wrdreg $0xFFFFFFFF  }
0xa7: {  	s28 =	simm.s32 $_size_execute0_lowered;
	s3 =	sadd.s32 s3, s5;
	[dreg:$0x0] =	wrdreg $0x0  }
0xa8: {  	s5 =	sshll.u32 s28, $0x1;
	[dreg:$0x2] =	wrdreg s3  }
0xa9: {  	[dreg:$0x3] =	wrdreg s5  }
0xaa: {  	[dreg:$0x4] =	wrdreg $0xC0  }
0xab: {  	_ =	task [dreg:s7], $0x5FFFF  }
0xac: {  	[dreg:$0x1] =	wrdreg $0xFFFFFFFF  }
0xad: {  	[dreg:$0x0] =	wrdreg $0x60  }
0xae: {  	[dreg:$0x2] =	wrdreg s2  }
0xaf: {  	[dreg:$0x3] =	wrdreg s24  }
0xb0: {  	[dreg:$0x4] =	wrdreg $0x9  }
0xb1: {  	_ =	task.clear_ibuf [dreg:s7], $0x5FFFF;
	_ =	strace $0x90000049  }
0xb2: {  	s29 =	simm.s32 $0x9;
	_ =	strace $0x8000004B  }
0xb3: {  	_ =	swait.ge [sflag:s29], $0x1  }
0xb4: {  	[sflag:s29] =	ssyncadd.s32 $0xFFFFFFFF  }
0xb5: {  	_ =	strace $0x9000004B  }
0xb6: {  	_ =	sfence  }
0xb7: {  	s30 =	sld [smem:$0x0];
	_ =	sdelay $0x2  }
0xb8: {  	s31 =	sshll.u32 s1, $0xD;
	s1 =	sshrl.u32 s1, $0x2  }
0xb9: {  	s3 =	sand.u32 $0x4000, s31;
	s1 =	sadd.s32 s1, s30  }
0xba: {  	s0 =	sor.u32 s3, s0;
	s1 =	sshll.u32 s1, $0x11  }
0xbb: {  	s0 =	sor.u32 s1, s0  }
0xbc: {  	s0 =	sadd.s32 $0x8F2B, s0  }
0xbd: {  	[sflag:s0] =	ssyncadd.remote.s32 $0x1  }
0xbe: {  	_ =	sfence.sel $0xFFFF  }
0xbf: {  	[dreg:$0x0] =	wrdreg $0xFFFFFFFF;
	(pc) =	sbr.abs _section_cstart, $3  }
0xc0: {  	[dreg:$0x1] =	wrdreg $0xFFFFFFFF  }
0xc1: {  	_ =	task.clear_ibuf [dreg:s7], $0x2FFFF;
	_ =	strace $0x9FFFFFFF  }
0xc2: {  	(tm) =	ssettm $0x7FFFFFFF  }
0xc3: {  	_ =	shalt  }
tec
execute0_lowered:
.L_overlay_start_1:
0x0: {  	(tag) =	ssettag $0x1  }
0x1: {  	s4 =	rddreg [dreg:$0x0]  }
0x2: {  	s5 =	rddreg [dreg:$0x1]  }
0x3: {  	s0 =	rddreg [dreg:$0x2];
	s2 =	simm.s32 $0x0;
	s3 =	srdreg.scid  }
0x4: {  	s1 =	stileid.u32;
	s10 =	simm.s32 $0x0;
	s6 =	sand.u32 $0x1, s3  }
0x5: {  	[smem:$0x7FF] =	sst s2;
	s7 =	sshll.u32 s1, $0xA;
	s8 =	sshll.u32 s6, $0x9  }
0x6: {  	s3 =	sadd.s32 $0x1600, s5;
	s6 =	ssub.s32 $0x2, s6;
	s7 =	sor.u32 s8, s7  }
0x7: {  	_ =	strace $0x8000004A;
	s9 =	sshrl.u32 s6, $0x1;
	s8 =	sshll.u32 s7, $0x4  }
0x8: {  	s7 =	sshrl.u32 s7, $0x3;
	s6 =	ssub.s32 s6, s9;
	s9 =	simm.s32 $0x200  }
0x9: {  	s5 =	sadd.s32 s8, s5;
	s4 =	sadd.s32 s4, s7;
	s6 =	smax.u32 s6, $0x1  }
0xa: {  	s7 =	simm.s32 $0x2;
	s8 =	simm.s32 $0x1;
	s5 =	sadd.s32 $0xF43A00, s5  }
.LBB2_1:
0xb: {  	[tilespmem:s2], [sflag:$0x2] =	stream.linear.gather [hbm4b:s4+s2], $0x200, $0x38;
	[tilespmem:$0x10200] =	vst v63  }
0xc: {  	_ =	swait.ge [sflag:s7], $0x200  }
0xd: {  	[sflag:s7] =	ssyncset.done $0x0  }
0xe: {  	[sflag:s7] =	ssyncadd.s32 $0xFFFFFE00  }
0xf: {  	v0 =	vld [tilespmem:s2+$0x0];
	_ =	sdelay $0x4  }
0x10: {  	v0 =	vshll.u32 v0, $0x4  }
0x11: {  	(v2sf) =	vpush v0, $0x0  }
0x12: {  	(v2sf) =	vpush v0, $0x1  }
0x13: {  	(v2sf) =	vpush v0, $0x2;
	_ =	sdelay $0x1  }
0x14: {  	(v2sf) =	vpush v0, $0x4;
	_ =	sdelay $0x1  }
0x15: {  	(v2sf) =	vpush v0, $0x3  }
0x16: {  	(v2sf) =	vpush v0, $0x5  }
0x17: {  	s12 =	simm.s32 $0x2000;
	s11 =	simm.s32 $0x0;
	s13 =	simm.s32 $0x0;
	(v2sf) =	vpush v0, $0x6  }
.LBB2_2:
0x18: {  	p0 =	sne.s32 s12, $0x3E000  }
0x19: {  	s23 =	sadd.s32 $0x280, s11;
	s17 =	sadd.s32 $0x780, s11;
	s14 =	smov.u32 s12  }
0x1a: {  	s12 =	sadd.s32 $0x2000, s12;
	s20 =	sadd.s32 $0x580, s11;
	s15 =	sadd.s32 $0x800, s11;
	(v2sf) =	vpush v0, $0x7  }
0x1b: {  	s22 =	sadd.s32 $0x480, s11;
	s19 =	sadd.s32 $0x600, s11;
	s16 =	sadd.s32 $0x880, s11  }
0x1c: {  	s24 =	sadd.s32 $0x200, s11;
	s25 =	sadd.s32 $0x400, s11;
	(v2sf) =	vpush v0, $0x8  }
0x1d: {  	s26 =	sadd.s32 $0x500, s11;
	s13 =	sadd.s32 $0x10, s13  }
0x1e: {  	s28 =	sadd.s32 $0x300, s11;
	s18 =	sadd.s32 $0x700, s11;
	s21 =	spop (v2sf);
	(v2sf) =	vpush v0, $0x9  }
0x1f: {  	s29 =	sand.u32 $0x1FFFFFF0, s21;
	s21 =	sadd.s32 $0x680, s11;
	s30 =	spop (v2sf)  }
0x20: {  	s29 =	sadd.s32 s3, s29;
	s30 =	sand.u32 $0x1FFFFFF0, s30;
	s31 =	spop (v2sf);
	(v2sf) =	vpush v0, $0xA  }
0x21: {  	[tilespmem:s24], [sflag:$0x1] =	stream.linear.gather [hbm4b:s29+s2], $0x80, $0x38;
	[tilespmem:$0x10200] =	vst v63  }
0x22: {  	s24 =	sadd.s32 s3, s30;
	s29 =	sadd.s32 $0x380, s11;
	s30 =	spop (v2sf);
	(v2sf) =	vpush v0, $0xB  }
0x23: {  	[tilespmem:s23], [sflag:$0x1] =	stream.linear.gather [hbm4b:s24+s2], $0x80, $0x38;
	[tilespmem:$0x10200] =	vst v63  }
0x24: {  	s23 =	sand.u32 $0x1FFFFFF0, s31;
	s24 =	sand.u32 $0x1FFFFFF0, s30;
	s30 =	spop (v2sf);
	(v2sf) =	vpush v0, $0xC  }
0x25: {  	s23 =	sadd.s32 s3, s23;
	s30 =	sand.u32 $0x1FFFFFF0, s30;
	s31 =	spop (v2sf)  }
0x26: {  	[tilespmem:s28], [sflag:$0x1] =	stream.linear.gather [hbm4b:s23+s2], $0x80, $0x38;
	(v2sf) =	vpush v0, $0xD;
	[tilespmem:$0x10200] =	vst v63  }
0x27: {  	s23 =	sadd.s32 s3, s30;
	s28 =	sand.u32 $0x1FFFFFF0, s31;
	s30 =	spop (v2sf)  }
0x28: {  	[tilespmem:s29], [sflag:$0x1] =	stream.linear.gather [hbm4b:s23+s2], $0x80, $0x38;
	(v2sf) =	vpush v0, $0xE;
	[tilespmem:$0x10200] =	vst v63  }
0x29: {  	s23 =	sadd.s32 s3, s24;
	s24 =	sand.u32 $0x1FFFFFF0, s30;
	s29 =	spop (v2sf)  }
0x2a: {  	[tilespmem:s25], [sflag:$0x1] =	stream.linear.gather [hbm4b:s23+s2], $0x80, $0x38;
	(v2sf) =	vpush v0, $0xF;
	[tilespmem:$0x10200] =	vst v63  }
0x2b: {  	s23 =	sadd.s32 s3, s28;
	s25 =	sand.u32 $0x1FFFFFF0, s29;
	s28 =	spop (v2sf)  }
0x2c: {  	[tilespmem:s22], [sflag:$0x1] =	stream.linear.gather [hbm4b:s23+s2], $0x80, $0x38;
	[tilespmem:$0x10200] =	vst v63  }
0x2d: {  	s22 =	sadd.s32 s3, s24;
	s23 =	sand.u32 $0x1FFFFFF0, s28;
	s24 =	spop (v2sf)  }
0x2e: {  	[tilespmem:s26], [sflag:$0x1] =	stream.linear.gather [hbm4b:s22+s2], $0x80, $0x38;
	[tilespmem:$0x10200] =	vst v63  }
0x2f: {  	s22 =	sadd.s32 s3, s25;
	s24 =	sand.u32 $0x1FFFFFF0, s24;
	s25 =	spop (v2sf)  }
0x30: {  	[tilespmem:s20], [sflag:$0x1] =	stream.linear.gather [hbm4b:s22+s2], $0x80, $0x38;
	[tilespmem:$0x10200] =	vst v63  }
0x31: {  	s20 =	sadd.s32 s3, s23;
	s22 =	sand.u32 $0x1FFFFFF0, s25;
	s23 =	spop (v2sf)  }
0x32: {  	[tilespmem:s19], [sflag:$0x1] =	stream.linear.gather [hbm4b:s20+s2], $0x80, $0x38;
	[tilespmem:$0x10200] =	vst v63  }
0x33: {  	s19 =	sadd.s32 s3, s24;
	s20 =	sand.u32 $0x1FFFFFF0, s23;
	s23 =	spop (v2sf)  }
0x34: {  	[tilespmem:s21], [sflag:$0x1] =	stream.linear.gather [hbm4b:s19+s2], $0x80, $0x38;
	[tilespmem:$0x10200] =	vst v63  }
0x35: {  	s19 =	sadd.s32 s3, s22;
	s21 =	sand.u32 $0x1FFFFFF0, s23;
	s22 =	spop (v2sf)  }
0x36: {  	[tilespmem:s18], [sflag:$0x1] =	stream.linear.gather [hbm4b:s19+s2], $0x80, $0x38;
	[tilespmem:$0x10200] =	vst v63  }
0x37: {  	s18 =	sadd.s32 s3, s20;
	s19 =	sand.u32 $0x1FFFFFF0, s22;
	s20 =	spop (v2sf)  }
0x38: {  	[tilespmem:s17], [sflag:$0x1] =	stream.linear.gather [hbm4b:s18+s2], $0x80, $0x38;
	[tilespmem:$0x10200] =	vst v63  }
0x39: {  	s17 =	sadd.s32 s3, s21;
	s18 =	sand.u32 $0x1FFFFFF0, s20;
	s20 =	spop (v2sf)  }
0x3a: {  	[tilespmem:s15], [sflag:$0x1] =	stream.linear.gather [hbm4b:s17+s2], $0x80, $0x38;
	[tilespmem:$0x10200] =	vst v63  }
0x3b: {  	s15 =	sadd.s32 s3, s19;
	s17 =	sand.u32 $0x1FFFFFF0, s20  }
0x3c: {  	[tilespmem:s16], [sflag:$0x1] =	stream.linear.gather [hbm4b:s15+s2], $0x80, $0x38;
	[tilespmem:$0x10200] =	vst v63  }
0x3d: {  	s15 =	sadd.s32 $0x900, s11;
	s16 =	sadd.s32 s3, s18  }
0x3e: {  	[tilespmem:s15], [sflag:$0x1] =	stream.linear.gather [hbm4b:s16+s2], $0x80, $0x38;
	[tilespmem:$0x10200] =	vst v63  }
0x3f: {  	s11 =	sadd.s32 $0x980, s11;
	s15 =	sadd.s32 s3, s17  }
0x40: {  	[tilespmem:s11], [sflag:$0x1] =	stream.linear.gather [hbm4b:s15+s2], $0x80, $0x38;
	[tilespmem:$0x10200] =	vst v63  }
0x41: {  	v0 =	vld [tilespmem:s13+$0x0];
	_ =	sdelay $0x4  }
0x42: {  	v0 =	vshll.u32 v0, $0x4  }
0x43: {  	(v2sf) =	vpush v0, $0x0  }
0x44: {  	(v2sf) =	vpush v0, $0x1  }
0x45: {  	(v2sf) =	vpush v0, $0x2;
	_ =	sdelay $0x1  }
0x46: {  	(v2sf) =	vpush v0, $0x4  }
.Ltmp0:
0x47: {  	(pc) =	sbr.rel @p0 .LBB2_2-.Ltmp0, $3  }
0x48: {  	(v2sf) =	vpush v0, $0x3  }
0x49: {  	(v2sf) =	vpush v0, $0x5;
	_ =	sdelay $0x1  }
0x4a: {  	s11 =	sshra.s32 s14, $0x2;
	(v2sf) =	vpush v0, $0x6  }
0x4b: {  	_ =	sdelay $0x1  }
0x4c: {  	s15 =	sadd.s32 $0x280, s11;
	s14 =	sadd.s32 $0x780, s11  }
0x4d: {  	s16 =	sadd.s32 $0x580, s11;
	s12 =	sadd.s32 $0x800, s11;
	(v2sf) =	vpush v0, $0x7;
	s17 =	sadd.s32 $0x480, s11  }
0x4e: {  	s18 =	sadd.s32 $0x600, s11;
	s13 =	sadd.s32 $0x880, s11;
	s19 =	sadd.s32 $0x200, s11  }
0x4f: {  	s20 =	sadd.s32 $0x400, s11;
	s21 =	sadd.s32 $0x500, s11;
	(v2sf) =	vpush v0, $0x8;
	s22 =	spop (v2sf)  }
0x50: {  	s23 =	sadd.s32 $0x300, s11;
	s22 =	sand.u32 $0x1FFFFFF0, s22;
	s24 =	spop (v2sf)  }
0x51: {  	(v2sf) =	vpush v0, $0x9;
	s22 =	sadd.s32 s3, s22;
	s24 =	sand.u32 $0x1FFFFFF0, s24;
	s25 =	spop (v2sf)  }
0x52: {  	[tilespmem:s19], [sflag:$0x1] =	stream.linear.gather [hbm4b:s22+s2], $0x80, $0x38;
	[tilespmem:$0x10200] =	vst v63  }
0x53: {  	s26 =	sadd.s32 $0x380, s11;
	(v2sf) =	vpush v0, $0xA;
	s30 =	sadd.s32 s3, s24;
	s31 =	spop (v2sf)  }
0x54: {  	[tilespmem:s15], [sflag:$0x1] =	stream.linear.gather [hbm4b:s30+s2], $0x80, $0x38;
	[tilespmem:$0x10200] =	vst v63  }
0x55: {  	s19 =	sadd.s32 $0x700, s11;
	s28 =	sand.u32 $0x1FFFFFF0, s25;
	(v2sf) =	vpush v0, $0xB;
	s29 =	spop (v2sf)  }
0x56: {  	s22 =	sadd.s32 s3, s28;
	s15 =	sadd.s32 $0x680, s11;
	s25 =	sand.u32 $0x1FFFFFF0, s29  }
0x57: {  	(v2sf) =	vpush v0, $0xC;
	[tilespmem:s23], [sflag:$0x1] =	stream.linear.gather [hbm4b:s22+s2], $0x80, $0x38;
	[tilespmem:$0x10200] =	vst v63  }
0x58: {  	s30 =	sand.u32 $0x1FFFFFF0, s31;
	s31 =	spop (v2sf);
	s28 =	sadd.s32 s3, s25  }
0x59: {  	(v2sf) =	vpush v0, $0xD;
	[tilespmem:s26], [sflag:$0x1] =	stream.linear.gather [hbm4b:s28+s2], $0x80, $0x38;
	[tilespmem:$0x10200] =	vst v63  }
0x5a: {  	s22 =	sadd.s32 s3, s30;
	s23 =	sand.u32 $0x1FFFFFF0, s31;
	s29 =	spop (v2sf)  }
0x5b: {  	(v2sf) =	vpush v0, $0xE;
	[tilespmem:s20], [sflag:$0x1] =	stream.linear.gather [hbm4b:s22+s2], $0x80, $0x38;
	[tilespmem:$0x10200] =	vst v63  }
0x5c: {  	s23 =	sadd.s32 s3, s23;
	s30 =	sand.u32 $0x1FFFFFF0, s29;
	s31 =	spop (v2sf)  }
0x5d: {  	(v2sf) =	vpush v0, $0xF;
	[tilespmem:s17], [sflag:$0x1] =	stream.linear.gather [hbm4b:s23+s2], $0x80, $0x38;
	[tilespmem:$0x10200] =	vst v63  }
0x5e: {  	s24 =	sand.u32 $0x1FFFFFF0, s31;
	s25 =	spop (v2sf);
	s20 =	sadd.s32 s3, s30  }
0x5f: {  	[tilespmem:s21], [sflag:$0x1] =	stream.linear.gather [hbm4b:s20+s2], $0x80, $0x38;
	[tilespmem:$0x10200] =	vst v63  }
0x60: {  	s26 =	sand.u32 $0x1FFFFFF0, s25;
	s17 =	sadd.s32 s3, s24;
	s28 =	spop (v2sf)  }
0x61: {  	[tilespmem:s16], [sflag:$0x1] =	stream.linear.gather [hbm4b:s17+s2], $0x80, $0x38;
	[tilespmem:$0x10200] =	vst v63  }
0x62: {  	s20 =	sadd.s32 s3, s26;
	s29 =	sand.u32 $0x1FFFFFF0, s28;
	s30 =	spop (v2sf)  }
0x63: {  	[tilespmem:s18], [sflag:$0x1] =	stream.linear.gather [hbm4b:s20+s2], $0x80, $0x38;
	[tilespmem:$0x10200] =	vst v63  }
0x64: {  	s17 =	sand.u32 $0x1FFFFFF0, s30;
	s16 =	sadd.s32 s3, s29;
	s31 =	spop (v2sf)  }
0x65: {  	[tilespmem:s15], [sflag:$0x1] =	stream.linear.gather [hbm4b:s16+s2], $0x80, $0x38;
	[tilespmem:$0x10200] =	vst v63  }
0x66: {  	s17 =	sadd.s32 s3, s17;
	s20 =	sand.u32 $0x1FFFFFF0, s31;
	s21 =	spop (v2sf)  }
0x67: {  	[tilespmem:s19], [sflag:$0x1] =	stream.linear.gather [hbm4b:s17+s2], $0x80, $0x38;
	[tilespmem:$0x10200] =	vst v63  }
0x68: {  	s15 =	sadd.s32 s3, s20;
	s16 =	sand.u32 $0x1FFFFFF0, s21;
	s22 =	spop (v2sf)  }
0x69: {  	[tilespmem:s14], [sflag:$0x1] =	stream.linear.gather [hbm4b:s15+s2], $0x80, $0x38;
	[tilespmem:$0x10200] =	vst v63  }
0x6a: {  	s23 =	sand.u32 $0x1FFFFFF0, s22;
	s16 =	sadd.s32 s3, s16;
	s24 =	spop (v2sf)  }
0x6b: {  	[tilespmem:s12], [sflag:$0x1] =	stream.linear.gather [hbm4b:s16+s2], $0x80, $0x38;
	[tilespmem:$0x10200] =	vst v63  }
0x6c: {  	s25 =	sand.u32 $0x1FFFFFF0, s24;
	s26 =	spop (v2sf);
	s14 =	sadd.s32 s3, s23  }
0x6d: {  	[tilespmem:s13], [sflag:$0x1] =	stream.linear.gather [hbm4b:s14+s2], $0x80, $0x38;
	[tilespmem:$0x10200] =	vst v63  }
0x6e: {  	s29 =	sadd.s32 $0x900, s11;
	s28 =	sand.u32 $0x1FFFFFF0, s26;
	s12 =	sadd.s32 s3, s25  }
0x6f: {  	[tilespmem:s29], [sflag:$0x1] =	stream.linear.gather [hbm4b:s12+s2], $0x80, $0x38;
	[tilespmem:$0x10200] =	vst v63  }
0x70: {  	s30 =	sadd.s32 $0x980, s11;
	s31 =	sadd.s32 s3, s28  }
0x71: {  	[tilespmem:s30], [sflag:$0x1] =	stream.linear.gather [hbm4b:s31+s2], $0x80, $0x38;
	[tilespmem:$0x10200] =	vst v63  }
0x72: {  	s10 =	sadd.s32 $0x1, s10;
	_ =	swait.ge [sflag:s8], $0x10000  }
0x73: {  	p0 =	sne.s32 s10, s6;
	[sflag:s8] =	ssyncset.done $0x0  }
.Ltmp1:
0x74: {  	[sflag:s8] =	ssyncadd.s32 $0xFFFF0000;
	(pc) =	sbr.rel @p0 .LBB2_1-.Ltmp1, $4  }
0x75: {  	[hbm4b:s5+s2] =	stream.linear.scatter [tilespmem:s9], [sflag:$0x2], $0x10000, $0x38;
	[tilespmem:$0x10200] =	vst v63  }
0x76: {  	_ =	swait.ge [sflag:s7], $0x10000  }
0x77: {  	[sflag:s7] =	ssyncset.done $0x0  }
0x78: {  	[sflag:s7] =	ssyncadd.s32 $0xFFFF0000  }
0x79: {  	_ =	sfence.sel $0x180000  }
0x7a: {  	[bflag:$0x0] =	sbarrier.arrive $0xFFFF  }
0x7b: {  	p0 =	sne.s32 s1, $0x0;
	_ =	strace $0x9000004A  }
0x7c: {  	s0 =	sadd.s32 @!p0 $0x100000, s0;
	[bflag:$0x2] =	sbarrier.arrive $0xFFFF  }
0x7d: {  	[sflag:s0] =	ssyncadd.tile.s32 @!p0 $0x1;
	_ =	shalt  }
.Lfunc_end2:
_tile_overlayer_lowered:
.L_overlay_start_2:
0x7e: {  	(tag) =	ssettag $0x2  }
0x7f: {  	s0 =	rddreg [dreg:$0x0];
	s2 =	stileid.u32  }
0x80: {  	s1 =	rddreg [dreg:$0x1];
	p0 =	sne.s32 s2, $0x0  }
0x81: {  	s3 =	rddreg [dreg:$0x2];
	[bflag:$0x3] =	sbarrier.arrive $0xFFFF;
	s2 =	simm.s32 @!p0 $0x1C02  }
0x82: {  	[timem:s3], [sflag:s2] =	dma.local @!p0 [hbm:s0], s1  }
0x83: {  	s0 =	simm.s32 @!p0 $0x2  }
0x84: {  	_ =	swait.ge @!p0 [sflag:s0], s1  }
0x85: {  	s1 =	ssub.s32 @!p0 $0x0, s1;
	[sflag:s0] =	ssyncset.done @!p0 $0x0  }
0x86: {  	[sflag:s0] =	ssyncadd.s32 @!p0 s1  }
0x87: {  	[bflag:$0x3] =	sbarrier.arrive $0xFFFF  }
0x88: {  	_ =	shalt  }

</sc_bundles>
